<compile_context>
chip_gen: v7x
topology: tpu7x:2x2x1
jax: 0.10.2.dev20260603
libtpu: 0.0.44.dev20260713+nightly
codegen_flags: <defaults>
</compile_context>

<pallas_src>
import functools

import jax
import jax.numpy as jnp
from jax import lax
from jax.experimental import pallas as pl
from jax.experimental.pallas import tpu as pltpu
from jax.experimental.pallas import tpu_sc as plsc

G = 128
S = 64
NC, NS, L = 2, 16, 16
NW = NC * NS
CR = 64
SAMP = CR * S
IDXB = 128
NG = SAMP // IDXB


def _rsqrt(x):
    i = lax.bitcast_convert_type(x, jnp.int32)
    i = jnp.int32(0x5F3759DF) - lax.shift_right_arithmetic(i, 1)
    y = lax.bitcast_convert_type(i, jnp.float32)
    for _ in range(3):
        y = y * (1.5 - 0.5 * x * y * y)
    return y


def _recip(x):
    r = 1.0 / x
    r = r * (2.0 - x * r)
    return r


def _sigmoid(x):
    return 1.0 / (1.0 + jnp.exp(-x))


def _floor_i32(x):
    i = lax.convert_element_type(x, jnp.int32)
    back = lax.convert_element_type(i, jnp.float32)
    return i - jnp.where(back > x, 1, 0).astype(jnp.int32)


@functools.lru_cache(maxsize=None)
def _build_convert():
    UB = (G * G) // NW
    M = 32
    BATCH = M * 4 * G
    NB = UB // M
    assert NB % 2 == 0
    mesh = plsc.VectorSubcoreMesh(core_axis_name="c", subcore_axis_name="s")

    @functools.partial(
        pl.kernel,
        mesh=mesh,
        out_type=jax.ShapeDtypeStruct((G * G * G * 4,), jnp.float32),
        compiler_params=pltpu.CompilerParams(
            needs_layout_passes=False, use_tc_tiling_on_sc=False),
        scratch_types=[
            pltpu.VMEM((2 * BATCH,), jnp.float32),
            pltpu.VMEM((2 * BATCH,), jnp.float32),
            pltpu.SemaphoreType.DMA,
            pltpu.SemaphoreType.DMA,
            pltpu.SemaphoreType.DMA,
            pltpu.SemaphoreType.DMA,
        ],
    )
    def convert(src, tbl, stg, obuf, si0, si1, so0, so1):
        wid = lax.axis_index("s") * NC + lax.axis_index("c")
        u0 = wid * UB
        lanes = jnp.arange(L, dtype=jnp.int32)
        pat = jnp.bitwise_and(lanes, 3) * G + lax.shift_right_logical(lanes, 2)

        def eb(b):
            return (u0 + b * M) * 4 * G

        def copy_in(b, br, sem):
            return pltpu.make_async_copy(
                src.at[pl.ds(eb(b), BATCH)], stg.at[pl.ds(br, BATCH)], sem)

        def copy_out(b, br, sem):
            return pltpu.make_async_copy(
                obuf.at[pl.ds(br, BATCH)], tbl.at[pl.ds(eb(b), BATCH)], sem)

        def permute(br):
            def blk(m, _):
                base = pat + (br + m * 512)

                def grp(kk, idx):
                    obuf[pl.ds(br + m * 512 + kk * L, L)] = (
                        plsc.load_gather(stg, [idx]))
                    return idx + 4

                lax.fori_loop(0, 512 // L, grp, base, unroll=8)
                return 0

            lax.fori_loop(0, M, blk, 0)

        copy_in(0, 0, si0).start()

        def pipe(kk, _):
            b0 = 2 * kk
            b1 = b0 + 1
            copy_in(b1, BATCH, si1).start()
            copy_in(0, 0, si0).wait()

            @pl.when(kk > 0)
            def _():
                copy_out(b0 - 2, 0, so0).wait()

            permute(0)
            copy_out(b0, 0, so0).start()

            @pl.when(b1 + 1 < NB)
            def _():
                copy_in(b1 + 1, 0, si0).start()

            copy_in(0, BATCH, si1).wait()

            @pl.when(kk > 0)
            def _():
                copy_out(b1 - 2, BATCH, so1).wait()

            permute(BATCH)
            copy_out(b1, BATCH, so1).start()
            return 0

        lax.fori_loop(0, NB // 2, pipe, 0)
        copy_out(NB - 2, 0, so0).wait()
        copy_out(NB - 1, BATCH, so1).wait()

    return convert


@functools.lru_cache(maxsize=None)
def _build(B):
    assert B % (NW * CR) == 0
    RW = B // NW
    NCHUNK = RW // CR
    assert NCHUNK % 2 == 0
    mesh = plsc.VectorSubcoreMesh(core_axis_name="c", subcore_axis_name="s")

    @functools.partial(
        pl.kernel,
        mesh=mesh,
        out_type=jax.ShapeDtypeStruct((3, B), jnp.float32),
        compiler_params=pltpu.CompilerParams(
            needs_layout_passes=False, use_tc_tiling_on_sc=False),
        scratch_types=[
            pltpu.VMEM((RW,), jnp.float32),
            pltpu.VMEM((RW,), jnp.float32),
            pltpu.VMEM((RW,), jnp.float32),
            pltpu.VMEM((RW,), jnp.float32),
            pltpu.VMEM((RW,), jnp.float32),
            pltpu.VMEM((RW,), jnp.float32),
            pltpu.VMEM((RW,), jnp.float32),
            pltpu.VMEM((2 * SAMP,), jnp.int32),
            pltpu.VMEM((2 * SAMP,), jnp.int32),
            pltpu.VMEM((2 * SAMP, 8), jnp.float32),
            pltpu.VMEM((2, 3, CR), jnp.float32),
            pltpu.SemaphoreType.DMA,
            pltpu.SemaphoreType.DMA,
            pltpu.SemaphoreType.DMA,
            pltpu.SemaphoreType.DMA,
            pltpu.SemaphoreType.DMA,
        ],
    )
    def render(oxr, oyr, ozr, dxr, dyr, dzr, tab, out,
               oxv, oyv, ozv, dxv, dyv, dzv, dlv, idxv, parv, valsv,
               outv, sem0, sem1, semi, semo0, semo1):
        wid = lax.axis_index("s") * NC + lax.axis_index("c")
        base = wid * RW
        ins = ((oxr, oxv), (oyr, oyv), (ozr, ozv),
               (dxr, dxv), (dyr, dyv), (dzr, dzv))
        for r, v in ins:
            pltpu.make_async_copy(r.at[pl.ds(base, RW)], v, semi).start()
        for r, v in ins:
            pltpu.make_async_copy(r.at[pl.ds(base, RW)], v, semi).wait()

        lanes = jnp.arange(L, dtype=jnp.int32)

        def pass1(c, br):
            cbase = c * CR

            def p1(rg, _):
                sl = pl.ds(cbase + rg * L, L)
                ox, oy, oz = oxv[sl], oyv[sl], ozv[sl]
                dx, dy, dz = dxv[sl], dyv[sl], dzv[sl]
                rn = _rsqrt(dx * dx + dy * dy + dz * dz)
                dx, dy, dz = dx * rn, dy * rn, dz * rn
                tmin = jnp.zeros(L, jnp.float32)
                tmax = jnp.full(L, 1e9, jnp.float32)
                for o, d in ((ox, dx), (oy, dy), (oz, dz)):
                    iv = _recip(d + 1e-9)
                    t1 = -o * iv
                    t2 = t1 + iv
                    tmin = jnp.maximum(tmin, jnp.minimum(t1, t2))
                    tmax = jnp.minimum(tmax, jnp.maximum(t1, t2))
                tmin = jnp.maximum(tmin, 0.0)
                tmax = jnp.maximum(tmax, tmin)
                delta = (tmax - tmin) * (1.0 / S)
                dlv[sl] = delta
                t0 = tmin + 0.5 * delta
                gx0 = (ox + t0 * dx) * G
                gy0 = (oy + t0 * dy) * G
                gz0 = (oz + t0 * dz) * G
                sx = delta * dx * G
                sy = delta * dy * G
                sz = delta * dz * G

                def step(s, carry):
                    gx, gy, gz = carry
                    ix = lax.convert_element_type(jnp.minimum(gx, G - 1.0), jnp.int32)
                    iy = lax.convert_element_type(jnp.minimum(gy, G - 1.0), jnp.int32)
                    iz = lax.convert_element_type(jnp.minimum(gz, G - 1.0), jnp.int32)
                    flat = (ix * G + iy) * G + iz
                    ssl = pl.ds(br + s * CR + rg * L, L)
                    idxv[ssl] = lax.shift_right_logical(flat, 1)
                    parv[ssl] = lax.shift_left(jnp.bitwise_and(flat, 1), 2)
                    return (gx + sx, gy + sy, gz + sz)

                lax.fori_loop(0, S, step, (gx0, gy0, gz0), unroll=4)
                return 0

            lax.fori_loop(0, CR // L, p1, 0)

        def fire(br, sem):
            def f(j, _):
                sl = pl.ds(br + j * IDXB, IDXB)
                pltpu.make_async_copy(
                    tab.at[idxv.at[sl]], valsv.at[sl], sem).start()
                return 0

            lax.fori_loop(0, NG, f, 0)

        def drain(br, sem):
            def f(j, _):
                sl = pl.ds(br + j * IDXB, IDXB)
                pltpu.make_async_copy(
                    tab.at[idxv.at[sl]], valsv.at[sl], sem).wait()
                return 0

            lax.fori_loop(0, NG, f, 0)

        def out_copy(c, p, semo):
            return pltpu.make_async_copy(
                outv.at[p], out.at[:, pl.ds(base + c * CR, CR)], semo)

        def pass3(c, br, p, semo):
            cbase = c * CR

            @pl.when(c >= 2)
            def _():
                out_copy(c - 2, p, semo).wait()

            def p3(rg, _):
                delta = dlv[pl.ds(cbase + rg * L, L)]
                rowb = br + rg * L + lanes

                def step(s, carry):
                    T, ra, ga, ba = carry
                    row = s * CR + rowb
                    par = parv[pl.ds(br + s * CR + rg * L, L)]
                    vr = plsc.load_gather(valsv, [row, par])
                    vg = plsc.load_gather(valsv, [row, par + 1])
                    vb = plsc.load_gather(valsv, [row, par + 2])
                    sg = plsc.load_gather(valsv, [row, par + 3])
                    att = jnp.maximum(sg, 0.0) * delta
                    e = jnp.exp(-att)
                    w = T * (1.0 - e)
                    ra = ra + w * _sigmoid(vr)
                    ga = ga + w * _sigmoid(vg)
                    ba = ba + w * _sigmoid(vb)
                    return (T * e, ra, ga, ba)

                zero = jnp.zeros(L, jnp.float32)
                T, ra, ga, ba = lax.fori_loop(
                    0, S, step, (jnp.ones(L, jnp.float32), zero, zero, zero),
                    unroll=4)
                osl = pl.ds(rg * L, L)
                outv[p, 0, osl] = ra + T
                outv[p, 1, osl] = ga + T
                outv[p, 2, osl] = ba + T
                return 0

            lax.fori_loop(0, CR // L, p3, 0)
            out_copy(c, p, semo).start()

        pass1(0, 0)
        fire(0, sem0)

        def pipe(k, _):
            c0 = 2 * k
            c1 = c0 + 1
            pass1(c1, SAMP)
            fire(SAMP, sem1)
            drain(0, sem0)
            pass3(c0, 0, 0, semo0)

            @pl.when(c1 + 1 < NCHUNK)
            def _():
                pass1(c1 + 1, 0)
                fire(0, sem0)

            drain(SAMP, sem1)
            pass3(c1, SAMP, 1, semo1)
            return 0

        lax.fori_loop(0, NCHUNK // 2, pipe, 0)
        out_copy(NCHUNK - 2, 0, semo0).wait()
        out_copy(NCHUNK - 1, 1, semo1).wait()

    return render


def kernel(origins, dirs, viewdirs, data):
    B = origins.shape[0]
    src = jnp.transpose(data, (0, 1, 3, 2)).reshape(-1)
    table = _build_convert()(src).reshape(-1, 8)
    render = _build(B)
    outp = render(origins[:, 0], origins[:, 1], origins[:, 2],
                  dirs[:, 0], dirs[:, 1], dirs[:, 2], table)
    return outp.T

# --- scband reference (transcript-rebuilt; emitter-appended) ---
"""Pipeline reference for scband-volume-renderer-2456721293536 (READ-ONLY COPY).

The authoritative reference and input builder live on the scoring server;
editing this copy changes nothing except your own understanding.
"""

import jax, jax.numpy as jnp
import numpy as np

G = 128            # voxel grid resolution (stand-in for N3Tree leaves)
DATA_DIM = 4       # RGBA data format: 3 color + 1 density (sigma)
N_STEPS = 64       # fixed ray-marching steps inside [0,1]^3
B = 65536          # number of rays (e.g. 256x256 image)
BACKGROUND = 1.0
RGB_PADDING = 0.0
DENSITY_SOFTPLUS = False


def setup_inputs(seed: int = 0) -> dict:
    key = jax.random.key(seed)
    k1, k2, k3 = jax.random.split(key, 3)
    origins = jax.random.uniform(k1, (B, 3), minval=0.05, maxval=0.95, dtype=jnp.float32)
    dirs = jax.random.normal(k2, (B, 3), dtype=jnp.float32)
    viewdirs = dirs / jnp.linalg.norm(dirs, axis=-1, keepdims=True)
    # learned tree data: [G, G, G, 4] (rgb logits + raw sigma)
    data = jax.random.normal(k3, (G, G, G, DATA_DIM), dtype=jnp.float32) * 0.5
    return {"origins": origins, "dirs": dirs, "viewdirs": viewdirs, "data": data}


def reference(origins, dirs, viewdirs, data):
    # normalize ray directions (as in the torch slow path)
    dirs = dirs / jnp.linalg.norm(dirs, axis=-1, keepdims=True)
    invdirs = 1.0 / (dirs + 1e-9)
    # dda_unit: ray / unit-cube aabb intersection (tree coordinates in [0,1]^3)
    t1 = -origins * invdirs
    t2 = t1 + invdirs
    tmin = jnp.maximum(jnp.max(jnp.minimum(t1, t2), axis=-1), 0.0)
    tmax = jnp.minimum(jnp.min(jnp.maximum(t1, t2), axis=-1), 1e9)
    tmax = jnp.maximum(tmax, tmin)
    delta = (tmax - tmin) / N_STEPS                                      # [B]
    ts = tmin[:, None] + (jnp.arange(N_STEPS, dtype=jnp.float32) + 0.5)[None, :] * delta[:, None]  # [B,S]
    pos = origins[:, None, :] + ts[..., None] * dirs[:, None, :]         # [B,S,3]
    # constant-per-voxel query: gather from the dense grid (memory-bound)
    idx = jnp.clip(jnp.floor(pos * G).astype(jnp.int32), 0, G - 1)
    flat = (idx[..., 0] * G + idx[..., 1]) * G + idx[..., 2]             # [B,S]
    vals = jnp.take(data.reshape(-1, DATA_DIM), flat.reshape(-1), axis=0)
    vals = vals.reshape(flat.shape + (DATA_DIM,))                        # [B,S,4]
    sigma = vals[..., 3]
    if DENSITY_SOFTPLUS:
        sigma = jnp.log1p(jnp.exp(sigma - 1.0))
    sigma = jnp.maximum(sigma, 0.0)
    rgb = jax.nn.sigmoid(vals[..., :3]) * (1.0 + 2.0 * RGB_PADDING) - RGB_PADDING
    att = sigma * delta[:, None]                                         # [B,S]
    alpha = 1.0 - jnp.exp(-att)
    # exclusive cumulative transmittance (light_intensity in the torch loop)
    csum = jnp.cumsum(att, axis=1)
    T = jnp.exp(-jnp.concatenate([jnp.zeros((att.shape[0], 1), dtype=att.dtype), csum[:, :-1]], axis=1))
    weight = T * alpha
    out_rgb = jnp.sum(weight[..., None] * rgb, axis=1)                   # [B,3]
    light_remaining = jnp.exp(-csum[:, -1])
    out_rgb = out_rgb + light_remaining[:, None] * BACKGROUND
    return out_rgb

if __name__ == "__main__":
    import jax
    _d = setup_inputs()
    print(jax.jit(kernel)(*tuple(_d.values())))

</pallas_src>

<mosaic_0001>
#map = affine_map<(d0, d1) -> (0)>
module attributes {stable_mosaic.version = 14 : i64} {
  func.func @convert(%arg0: i32, %arg1: i32, %arg2: memref<8388608xf32, #tpu.memory_space<hbm>>, %arg3: memref<8388608xf32, #tpu.memory_space<hbm>>, %arg4: memref<32768xf32, #tpu.memory_space<vmem>>, %arg5: memref<32768xf32, #tpu.memory_space<vmem>>, %arg6: memref<!tpu.dma_semaphore, #tpu.memory_space<semaphore_mem>>, %arg7: memref<!tpu.dma_semaphore, #tpu.memory_space<semaphore_mem>>, %arg8: memref<!tpu.dma_semaphore, #tpu.memory_space<semaphore_mem>>, %arg9: memref<!tpu.dma_semaphore, #tpu.memory_space<semaphore_mem>>) attributes {dimension_semantics = [#tpu.dimension_semantics<core_parallel>, #tpu.dimension_semantics<subcore_parallel>], iteration_bounds = array<i64: 2, 16>, scalar_prefetch = 0 : i64, scratch_operands = 6 : i64, tpu.core_type = #tpu.core_type<sc_vector_subcore>, window_params = [{transform_indices = #map}, {transform_indices = #map}]} {
    %mul3A = arith.constant 2 : i32
    %mul3A_0 = arith.muli %arg1, %mul3A : i32
    %add3A = arith.addi %mul3A_0, %arg0 : i32
    %mul3A_1 = arith.constant 512 : i32
    %mul3A_2 = arith.muli %add3A, %mul3A_1 : i32
    %iota3A = tpu.iota {dimensions = array<i32: 0>} : vector<16xi32>
    %and3A = arith.constant 3 : i32
    %and3A_3 = vector.broadcast %and3A : i32 to vector<16xi32>
    %and3A_4 = arith.andi %iota3A, %and3A_3 : vector<16xi32>
    %mul3A_5 = arith.constant 128 : i32
    %mul3A_6 = vector.broadcast %mul3A_5 : i32 to vector<16xi32>
    %mul3A_7 = arith.muli %and3A_4, %mul3A_6 : vector<16xi32>
    %shift_right_logical3A = arith.constant 2 : i32
    %shift_right_logical3A_8 = vector.broadcast %shift_right_logical3A : i32 to vector<16xi32>
    %shift_right_logical3A_9 = arith.shrui %iota3A, %shift_right_logical3A_8 : vector<16xi32>
    %add3A_10 = arith.addi %mul3A_7, %shift_right_logical3A_9 : vector<16xi32>
    %add3A_11 = arith.constant 0 : i32
    %add3A_12 = arith.addi %mul3A_2, %add3A_11 : i32
    %mul3A_13 = arith.constant 4 : i32
    %mul3A_14 = arith.muli %add3A_12, %mul3A_13 : i32
    %mul3A_15 = arith.constant 128 : i32
    %mul3A_16 = arith.muli %mul3A_14, %mul3A_15 : i32
    %dma_start3A = arith.constant 0 : i32
    %dma_start3A_17 = tpu.memref_slice %arg4[%dma_start3A] : memref<32768xf32, #tpu.memory_space<vmem>> -> memref<16384xf32, #tpu.memory_space<vmem>>
    %dma_start3A_18 = tpu.memref_slice %arg2[%mul3A_16] : memref<8388608xf32, #tpu.memory_space<hbm>> -> memref<16384xf32, #tpu.memory_space<hbm>>
    %dma_start3A_19 = arith.constant 0 : i32
    %dma_start3A_20 = tpu.memref_slice %arg4[%dma_start3A_19] : memref<32768xf32, #tpu.memory_space<vmem>> -> memref<16384xf32, #tpu.memory_space<vmem>>
    %dma_start3A_21 = tpu.memref_slice %arg2[%mul3A_16] : memref<8388608xf32, #tpu.memory_space<hbm>> -> memref<16384xf32, #tpu.memory_space<hbm>>
    tpu.enqueue_dma source(%dma_start3A_21 : memref<16384xf32, #tpu.memory_space<hbm>>) target(%dma_start3A_20 : memref<16384xf32, #tpu.memory_space<vmem>>) target_semaphore(%arg6 : memref<!tpu.dma_semaphore, #tpu.memory_space<semaphore_mem>>)
    %scan3A = arith.constant 0 : i32
    %scan3A_22 = arith.constant 0 : i32
    %scan3A_23 = arith.constant 8 : i32
    %scan3A_24 = arith.addi %scan3A_22, %scan3A_23 : i32
    %scan3A_25 = arith.constant 1 : i32
    %scan3A_26 = scf.for %scan3A_51 = %scan3A_22 to %scan3A_24 step %scan3A_25 iter_args(%scan3A_52 = %scan3A) -> (i32)  : i32 {
      %mul3A_53 = arith.constant 2 : i32
      %mul3A_54 = arith.muli %mul3A_53, %scan3A_51 : i32
      %add3A_55 = arith.constant 1 : i32
      %add3A_56 = arith.addi %mul3A_54, %add3A_55 : i32
      %mul3A_57 = arith.constant 32 : i32
      %mul3A_58 = arith.muli %add3A_56, %mul3A_57 : i32
      %add3A_59 = arith.addi %mul3A_2, %mul3A_58 : i32
      %mul3A_60 = arith.constant 4 : i32
      %mul3A_61 = arith.muli %add3A_59, %mul3A_60 : i32
      %mul3A_62 = arith.constant 128 : i32
      %mul3A_63 = arith.muli %mul3A_61, %mul3A_62 : i32
      %dma_start3A_64 = arith.constant 16384 : i32
      %dma_start3A_65 = tpu.memref_slice %arg4[%dma_start3A_64] : memref<32768xf32, #tpu.memory_space<vmem>> -> memref<16384xf32, #tpu.memory_space<vmem>>
      %dma_start3A_66 = tpu.memref_slice %arg2[%mul3A_63] : memref<8388608xf32, #tpu.memory_space<hbm>> -> memref<16384xf32, #tpu.memory_space<hbm>>
      %dma_start3A_67 = arith.constant 16384 : i32
      %dma_start3A_68 = tpu.memref_slice %arg4[%dma_start3A_67] : memref<32768xf32, #tpu.memory_space<vmem>> -> memref<16384xf32, #tpu.memory_space<vmem>>
      %dma_start3A_69 = tpu.memref_slice %arg2[%mul3A_63] : memref<8388608xf32, #tpu.memory_space<hbm>> -> memref<16384xf32, #tpu.memory_space<hbm>>
      tpu.enqueue_dma source(%dma_start3A_69 : memref<16384xf32, #tpu.memory_space<hbm>>) target(%dma_start3A_68 : memref<16384xf32, #tpu.memory_space<vmem>>) target_semaphore(%arg7 : memref<!tpu.dma_semaphore, #tpu.memory_space<semaphore_mem>>)
      %add3A_70 = arith.constant 0 : i32
      %add3A_71 = arith.addi %mul3A_2, %add3A_70 : i32
      %mul3A_72 = arith.constant 4 : i32
      %mul3A_73 = arith.muli %add3A_71, %mul3A_72 : i32
      %mul3A_74 = arith.constant 128 : i32
      %mul3A_75 = arith.muli %mul3A_73, %mul3A_74 : i32
      %dma_wait3A_76 = arith.constant 0 : i32
      %dma_wait3A_77 = tpu.memref_slice %arg4[%dma_wait3A_76] : memref<32768xf32, #tpu.memory_space<vmem>> -> memref<16384xf32, #tpu.memory_space<vmem>>
      %dma_wait3A_78 = tpu.memref_slice %arg2[%mul3A_75] : memref<8388608xf32, #tpu.memory_space<hbm>> -> memref<16384xf32, #tpu.memory_space<hbm>>
      %dma_wait3A_79 = arith.constant 0 : i32
      %dma_wait3A_80 = tpu.memref_slice %arg4[%dma_wait3A_79] : memref<32768xf32, #tpu.memory_space<vmem>> -> memref<16384xf32, #tpu.memory_space<vmem>>
      %dma_wait3A_81 = tpu.memref_slice %arg2[%mul3A_75] : memref<8388608xf32, #tpu.memory_space<hbm>> -> memref<16384xf32, #tpu.memory_space<hbm>>
      tpu.wait_dma2 semaphore(%arg6 : memref<!tpu.dma_semaphore, #tpu.memory_space<semaphore_mem>>) src(%dma_wait3A_81 : memref<16384xf32, #tpu.memory_space<hbm>>) dst(%dma_wait3A_80 : memref<16384xf32, #tpu.memory_space<vmem>>)
      %gt3A = arith.constant 0 : i32
      %gt3A_82 = arith.cmpi sgt, %scan3A_51, %gt3A : i32
      %convert_element_type3A = arith.extui %gt3A_82 : i1 to i32
      %cond3A = arith.constant 0 : i32
      %cond3A_83 = arith.cmpi ne, %convert_element_type3A, %cond3A : i32
      scf.if %cond3A_83 {
        %sub3A = arith.constant 2 : i32
        %sub3A_148 = arith.subi %mul3A_54, %sub3A : i32
        %mul3A_149 = arith.constant 32 : i32
        %mul3A_150 = arith.muli %sub3A_148, %mul3A_149 : i32
        %add3A_151 = arith.addi %mul3A_2, %mul3A_150 : i32
        %mul3A_152 = arith.constant 4 : i32
        %mul3A_153 = arith.muli %add3A_151, %mul3A_152 : i32
        %mul3A_154 = arith.constant 128 : i32
        %mul3A_155 = arith.muli %mul3A_153, %mul3A_154 : i32
        %dma_wait3A_156 = arith.constant 0 : i32
        %dma_wait3A_157 = tpu.memref_slice %arg5[%dma_wait3A_156] : memref<32768xf32, #tpu.memory_space<vmem>> -> memref<16384xf32, #tpu.memory_space<vmem>>
        %dma_wait3A_158 = tpu.memref_slice %arg3[%mul3A_155] : memref<8388608xf32, #tpu.memory_space<hbm>> -> memref<16384xf32, #tpu.memory_space<hbm>>
        %dma_wait3A_159 = tpu.memref_slice %arg3[%mul3A_155] : memref<8388608xf32, #tpu.memory_space<hbm>> -> memref<16384xf32, #tpu.memory_space<hbm>>
        %dma_wait3A_160 = arith.constant 0 : i32
        %dma_wait3A_161 = tpu.memref_slice %arg5[%dma_wait3A_160] : memref<32768xf32, #tpu.memory_space<vmem>> -> memref<16384xf32, #tpu.memory_space<vmem>>
        tpu.wait_dma2 semaphore(%arg8 : memref<!tpu.dma_semaphore, #tpu.memory_space<semaphore_mem>>) src(%dma_wait3A_161 : memref<16384xf32, #tpu.memory_space<vmem>>) dst(%dma_wait3A_159 : memref<16384xf32, #tpu.memory_space<hbm>>)
      } else {
      }
      %scan3A_84 = arith.constant 0 : i32
      %scan3A_85 = arith.constant 0 : i32
      %scan3A_86 = arith.constant 32 : i32
      %scan3A_87 = arith.addi %scan3A_85, %scan3A_86 : i32
      %scan3A_88 = arith.constant 1 : i32
      %scan3A_89 = scf.for %scan3A_148 = %scan3A_85 to %scan3A_87 step %scan3A_88 iter_args(%scan3A_149 = %scan3A_84) -> (i32)  : i32 {
        %mul3A_150 = arith.constant 512 : i32
        %mul3A_151 = arith.muli %scan3A_148, %mul3A_150 : i32
        %add3A_152 = arith.constant 0 : i32
        %add3A_153 = arith.addi %add3A_152, %mul3A_151 : i32
        %add3A_154 = vector.broadcast %add3A_153 : i32 to vector<16xi32>
        %add3A_155 = arith.addi %add3A_10, %add3A_154 : vector<16xi32>
        %scan3A_156 = arith.constant 0 : i32
        %scan3A_157 = arith.constant 32 : i32
        %scan3A_158 = arith.addi %scan3A_156, %scan3A_157 : i32
        %scan3A_159 = arith.constant 8 : i32
        %scan3A_160 = scf.for %scan3A_163 = %scan3A_156 to %scan3A_158 step %scan3A_159 iter_args(%scan3A_164 = %add3A_155) -> (vector<16xi32>)  : i32 {
          %gather3A = tpu.vector_load_idx %arg4[%scan3A_164] : memref<32768xf32, #tpu.memory_space<vmem>>[vector<16xi32>], vector<16xf32>,
          %mul3A_165 = arith.constant 512 : i32
          %mul3A_166 = arith.muli %scan3A_148, %mul3A_165 : i32
          %add3A_167 = arith.constant 0 : i32
          %add3A_168 = arith.addi %add3A_167, %mul3A_166 : i32
          %mul3A_169 = arith.constant 16 : i32
          %mul3A_170 = arith.muli %scan3A_163, %mul3A_169 : i32
          %add3A_171 = arith.addi %add3A_168, %mul3A_170 : i32
          %swap3A = arith.index_cast %add3A_171 : i32 to index
          %swap3A_172 = tpu.vector_load %arg5[%swap3A] {strides = array<i32>} : memref<32768xf32, #tpu.memory_space<vmem>>, vector<16xf32>,
          tpu.vector_store %arg5[%swap3A], %gather3A {strides = array<i32>} : memref<32768xf32, #tpu.memory_space<vmem>>, vector<16xf32>,
          %add3A_173 = arith.constant 4 : i32
          %add3A_174 = vector.broadcast %add3A_173 : i32 to vector<16xi32>
          %add3A_175 = arith.addi %scan3A_164, %add3A_174 : vector<16xi32>
          %scan3A_176 = arith.constant 1 : i32
          %scan3A_177 = arith.addi %scan3A_163, %scan3A_176 : i32
          %gather3A_178 = tpu.vector_load_idx %arg4[%add3A_175] : memref<32768xf32, #tpu.memory_space<vmem>>[vector<16xi32>], vector<16xf32>,
          %mul3A_179 = arith.constant 512 : i32
          %mul3A_180 = arith.muli %scan3A_148, %mul3A_179 : i32
          %add3A_181 = arith.constant 0 : i32
          %add3A_182 = arith.addi %add3A_181, %mul3A_180 : i32
          %mul3A_183 = arith.constant 16 : i32
          %mul3A_184 = arith.muli %scan3A_177, %mul3A_183 : i32
          %add3A_185 = arith.addi %add3A_182, %mul3A_184 : i32
          %swap3A_186 = arith.index_cast %add3A_185 : i32 to index
          %swap3A_187 = tpu.vector_load %arg5[%swap3A_186] {strides = array<i32>} : memref<32768xf32, #tpu.memory_space<vmem>>, vector<16xf32>,
          tpu.vector_store %arg5[%swap3A_186], %gather3A_178 {strides = array<i32>} : memref<32768xf32, #tpu.memory_space<vmem>>, vector<16xf32>,
          %add3A_188 = arith.constant 4 : i32
          %add3A_189 = vector.broadcast %add3A_188 : i32 to vector<16xi32>
          %add3A_190 = arith.addi %add3A_175, %add3A_189 : vector<16xi32>
          %scan3A_191 = arith.constant 2 : i32
          %scan3A_192 = arith.addi %scan3A_163, %scan3A_191 : i32
          %gather3A_193 = tpu.vector_load_idx %arg4[%add3A_190] : memref<32768xf32, #tpu.memory_space<vmem>>[vector<16xi32>], vector<16xf32>,
          %mul3A_194 = arith.constant 512 : i32
          %mul3A_195 = arith.muli %scan3A_148, %mul3A_194 : i32
          %add3A_196 = arith.constant 0 : i32
          %add3A_197 = arith.addi %add3A_196, %mul3A_195 : i32
          %mul3A_198 = arith.constant 16 : i32
          %mul3A_199 = arith.muli %scan3A_192, %mul3A_198 : i32
          %add3A_200 = arith.addi %add3A_197, %mul3A_199 : i32
          %swap3A_201 = arith.index_cast %add3A_200 : i32 to index
          %swap3A_202 = tpu.vector_load %arg5[%swap3A_201] {strides = array<i32>} : memref<32768xf32, #tpu.memory_space<vmem>>, vector<16xf32>,
          tpu.vector_store %arg5[%swap3A_201], %gather3A_193 {strides = array<i32>} : memref<32768xf32, #tpu.memory_space<vmem>>, vector<16xf32>,
          %add3A_203 = arith.constant 4 : i32
          %add3A_204 = vector.broadcast %add3A_203 : i32 to vector<16xi32>
          %add3A_205 = arith.addi %add3A_190, %add3A_204 : vector<16xi32>
          %scan3A_206 = arith.constant 3 : i32
          %scan3A_207 = arith.addi %scan3A_163, %scan3A_206 : i32
          %gather3A_208 = tpu.vector_load_idx %arg4[%add3A_205] : memref<32768xf32, #tpu.memory_space<vmem>>[vector<16xi32>], vector<16xf32>,
          %mul3A_209 = arith.constant 512 : i32
          %mul3A_210 = arith.muli %scan3A_148, %mul3A_209 : i32
          %add3A_211 = arith.constant 0 : i32
          %add3A_212 = arith.addi %add3A_211, %mul3A_210 : i32
          %mul3A_213 = arith.constant 16 : i32
          %mul3A_214 = arith.muli %scan3A_207, %mul3A_213 : i32
          %add3A_215 = arith.addi %add3A_212, %mul3A_214 : i32
          %swap3A_216 = arith.index_cast %add3A_215 : i32 to index
          %swap3A_217 = tpu.vector_load %arg5[%swap3A_216] {strides = array<i32>} : memref<32768xf32, #tpu.memory_space<vmem>>, vector<16xf32>,
          tpu.vector_store %arg5[%swap3A_216], %gather3A_208 {strides = array<i32>} : memref<32768xf32, #tpu.memory_space<vmem>>, vector<16xf32>,
          %add3A_218 = arith.constant 4 : i32
          %add3A_219 = vector.broadcast %add3A_218 : i32 to vector<16xi32>
          %add3A_220 = arith.addi %add3A_205, %add3A_219 : vector<16xi32>
          %scan3A_221 = arith.constant 4 : i32
          %scan3A_222 = arith.addi %scan3A_163, %scan3A_221 : i32
          %gather3A_223 = tpu.vector_load_idx %arg4[%add3A_220] : memref<32768xf32, #tpu.memory_space<vmem>>[vector<16xi32>], vector<16xf32>,
          %mul3A_224 = arith.constant 512 : i32
          %mul3A_225 = arith.muli %scan3A_148, %mul3A_224 : i32
          %add3A_226 = arith.constant 0 : i32
          %add3A_227 = arith.addi %add3A_226, %mul3A_225 : i32
          %mul3A_228 = arith.constant 16 : i32
          %mul3A_229 = arith.muli %scan3A_222, %mul3A_228 : i32
          %add3A_230 = arith.addi %add3A_227, %mul3A_229 : i32
          %swap3A_231 = arith.index_cast %add3A_230 : i32 to index
          %swap3A_232 = tpu.vector_load %arg5[%swap3A_231] {strides = array<i32>} : memref<32768xf32, #tpu.memory_space<vmem>>, vector<16xf32>,
          tpu.vector_store %arg5[%swap3A_231], %gather3A_223 {strides = array<i32>} : memref<32768xf32, #tpu.memory_space<vmem>>, vector<16xf32>,
          %add3A_233 = arith.constant 4 : i32
          %add3A_234 = vector.broadcast %add3A_233 : i32 to vector<16xi32>
          %add3A_235 = arith.addi %add3A_220, %add3A_234 : vector<16xi32>
          %scan3A_236 = arith.constant 5 : i32
          %scan3A_237 = arith.addi %scan3A_163, %scan3A_236 : i32
          %gather3A_238 = tpu.vector_load_idx %arg4[%add3A_235] : memref<32768xf32, #tpu.memory_space<vmem>>[vector<16xi32>], vector<16xf32>,
          %mul3A_239 = arith.constant 512 : i32
          %mul3A_240 = arith.muli %scan3A_148, %mul3A_239 : i32
          %add3A_241 = arith.constant 0 : i32
          %add3A_242 = arith.addi %add3A_241, %mul3A_240 : i32
          %mul3A_243 = arith.constant 16 : i32
          %mul3A_244 = arith.muli %scan3A_237, %mul3A_243 : i32
          %add3A_245 = arith.addi %add3A_242, %mul3A_244 : i32
          %swap3A_246 = arith.index_cast %add3A_245 : i32 to index
          %swap3A_247 = tpu.vector_load %arg5[%swap3A_246] {strides = array<i32>} : memref<32768xf32, #tpu.memory_space<vmem>>, vector<16xf32>,
          tpu.vector_store %arg5[%swap3A_246], %gather3A_238 {strides = array<i32>} : memref<32768xf32, #tpu.memory_space<vmem>>, vector<16xf32>,
          %add3A_248 = arith.constant 4 : i32
          %add3A_249 = vector.broadcast %add3A_248 : i32 to vector<16xi32>
          %add3A_250 = arith.addi %add3A_235, %add3A_249 : vector<16xi32>
          %scan3A_251 = arith.constant 6 : i32
          %scan3A_252 = arith.addi %scan3A_163, %scan3A_251 : i32
          %gather3A_253 = tpu.vector_load_idx %arg4[%add3A_250] : memref<32768xf32, #tpu.memory_space<vmem>>[vector<16xi32>], vector<16xf32>,
          %mul3A_254 = arith.constant 512 : i32
          %mul3A_255 = arith.muli %scan3A_148, %mul3A_254 : i32
          %add3A_256 = arith.constant 0 : i32
          %add3A_257 = arith.addi %add3A_256, %mul3A_255 : i32
          %mul3A_258 = arith.constant 16 : i32
          %mul3A_259 = arith.muli %scan3A_252, %mul3A_258 : i32
          %add3A_260 = arith.addi %add3A_257, %mul3A_259 : i32
          %swap3A_261 = arith.index_cast %add3A_260 : i32 to index
          %swap3A_262 = tpu.vector_load %arg5[%swap3A_261] {strides = array<i32>} : memref<32768xf32, #tpu.memory_space<vmem>>, vector<16xf32>,
          tpu.vector_store %arg5[%swap3A_261], %gather3A_253 {strides = array<i32>} : memref<32768xf32, #tpu.memory_space<vmem>>, vector<16xf32>,
          %add3A_263 = arith.constant 4 : i32
          %add3A_264 = vector.broadcast %add3A_263 : i32 to vector<16xi32>
          %add3A_265 = arith.addi %add3A_250, %add3A_264 : vector<16xi32>
          %scan3A_266 = arith.constant 7 : i32
          %scan3A_267 = arith.addi %scan3A_163, %scan3A_266 : i32
          %gather3A_268 = tpu.vector_load_idx %arg4[%add3A_265] : memref<32768xf32, #tpu.memory_space<vmem>>[vector<16xi32>], vector<16xf32>,
          %mul3A_269 = arith.constant 512 : i32
          %mul3A_270 = arith.muli %scan3A_148, %mul3A_269 : i32
          %add3A_271 = arith.constant 0 : i32
          %add3A_272 = arith.addi %add3A_271, %mul3A_270 : i32
          %mul3A_273 = arith.constant 16 : i32
          %mul3A_274 = arith.muli %scan3A_267, %mul3A_273 : i32
          %add3A_275 = arith.addi %add3A_272, %mul3A_274 : i32
          %swap3A_276 = arith.index_cast %add3A_275 : i32 to index
          %swap3A_277 = tpu.vector_load %arg5[%swap3A_276] {strides = array<i32>} : memref<32768xf32, #tpu.memory_space<vmem>>, vector<16xf32>,
          tpu.vector_store %arg5[%swap3A_276], %gather3A_268 {strides = array<i32>} : memref<32768xf32, #tpu.memory_space<vmem>>, vector<16xf32>,
          %add3A_278 = arith.constant 4 : i32
          %add3A_279 = vector.broadcast %add3A_278 : i32 to vector<16xi32>
          %add3A_280 = arith.addi %add3A_265, %add3A_279 : vector<16xi32>
          scf.yield %add3A_280 : vector<16xi32>
        }
        %scan3A_161 = arith.constant 32 : i32
        %scan3A_162 = arith.constant 0 : i32
        scf.yield %scan3A_162 : i32
      }
      %scan3A_90 = arith.constant 32 : i32
      %mul3A_91 = arith.constant 32 : i32
      %mul3A_92 = arith.muli %mul3A_54, %mul3A_91 : i32
      %add3A_93 = arith.addi %mul3A_2, %mul3A_92 : i32
      %mul3A_94 = arith.constant 4 : i32
      %mul3A_95 = arith.muli %add3A_93, %mul3A_94 : i32
      %mul3A_96 = arith.constant 128 : i32
      %mul3A_97 = arith.muli %mul3A_95, %mul3A_96 : i32
      %dma_start3A_98 = arith.constant 0 : i32
      %dma_start3A_99 = tpu.memref_slice %arg5[%dma_start3A_98] : memref<32768xf32, #tpu.memory_space<vmem>> -> memref<16384xf32, #tpu.memory_space<vmem>>
      %dma_start3A_100 = tpu.memref_slice %arg3[%mul3A_97] : memref<8388608xf32, #tpu.memory_space<hbm>> -> memref<16384xf32, #tpu.memory_space<hbm>>
      %dma_start3A_101 = tpu.memref_slice %arg3[%mul3A_97] : memref<8388608xf32, #tpu.memory_space<hbm>> -> memref<16384xf32, #tpu.memory_space<hbm>>
      %dma_start3A_102 = arith.constant 0 : i32
      %dma_start3A_103 = tpu.memref_slice %arg5[%dma_start3A_102] : memref<32768xf32, #tpu.memory_space<vmem>> -> memref<16384xf32, #tpu.memory_space<vmem>>
      tpu.enqueue_dma source(%dma_start3A_103 : memref<16384xf32, #tpu.memory_space<vmem>>) target(%dma_start3A_101 : memref<16384xf32, #tpu.memory_space<hbm>>) target_semaphore(%arg8 : memref<!tpu.dma_semaphore, #tpu.memory_space<semaphore_mem>>)
      %add3A_104 = arith.constant 1 : i32
      %add3A_105 = arith.addi %add3A_56, %add3A_104 : i32
      %lt3A = arith.constant 16 : i32
      %lt3A_106 = arith.cmpi slt, %add3A_105, %lt3A : i32
      %convert_element_type3A_107 = arith.extui %lt3A_106 : i1 to i32
      %cond3A_108 = arith.constant 0 : i32
      %cond3A_109 = arith.cmpi ne, %convert_element_type3A_107, %cond3A_108 : i32
      scf.if %cond3A_109 {
        %add3A_148 = arith.constant 1 : i32
        %add3A_149 = arith.addi %add3A_56, %add3A_148 : i32
        %mul3A_150 = arith.constant 32 : i32
        %mul3A_151 = arith.muli %add3A_149, %mul3A_150 : i32
        %add3A_152 = arith.addi %mul3A_2, %mul3A_151 : i32
        %mul3A_153 = arith.constant 4 : i32
        %mul3A_154 = arith.muli %add3A_152, %mul3A_153 : i32
        %mul3A_155 = arith.constant 128 : i32
        %mul3A_156 = arith.muli %mul3A_154, %mul3A_155 : i32
        %dma_start3A_157 = arith.constant 0 : i32
        %dma_start3A_158 = tpu.memref_slice %arg4[%dma_start3A_157] : memref<32768xf32, #tpu.memory_space<vmem>> -> memref<16384xf32, #tpu.memory_space<vmem>>
        %dma_start3A_159 = tpu.memref_slice %arg2[%mul3A_156] : memref<8388608xf32, #tpu.memory_space<hbm>> -> memref<16384xf32, #tpu.memory_space<hbm>>
        %dma_start3A_160 = arith.constant 0 : i32
        %dma_start3A_161 = tpu.memref_slice %arg4[%dma_start3A_160] : memref<32768xf32, #tpu.memory_space<vmem>> -> memref<16384xf32, #tpu.memory_space<vmem>>
        %dma_start3A_162 = tpu.memref_slice %arg2[%mul3A_156] : memref<8388608xf32, #tpu.memory_space<hbm>> -> memref<16384xf32, #tpu.memory_space<hbm>>
        tpu.enqueue_dma source(%dma_start3A_162 : memref<16384xf32, #tpu.memory_space<hbm>>) target(%dma_start3A_161 : memref<16384xf32, #tpu.memory_space<vmem>>) target_semaphore(%arg6 : memref<!tpu.dma_semaphore, #tpu.memory_space<semaphore_mem>>)
      } else {
      }
      %add3A_110 = arith.constant 0 : i32
      %add3A_111 = arith.addi %mul3A_2, %add3A_110 : i32
      %mul3A_112 = arith.constant 4 : i32
      %mul3A_113 = arith.muli %add3A_111, %mul3A_112 : i32
      %mul3A_114 = arith.constant 128 : i32
      %mul3A_115 = arith.muli %mul3A_113, %mul3A_114 : i32
      %dma_wait3A_116 = arith.constant 16384 : i32
      %dma_wait3A_117 = tpu.memref_slice %arg4[%dma_wait3A_116] : memref<32768xf32, #tpu.memory_space<vmem>> -> memref<16384xf32, #tpu.memory_space<vmem>>
      %dma_wait3A_118 = tpu.memref_slice %arg2[%mul3A_115] : memref<8388608xf32, #tpu.memory_space<hbm>> -> memref<16384xf32, #tpu.memory_space<hbm>>
      %dma_wait3A_119 = arith.constant 16384 : i32
      %dma_wait3A_120 = tpu.memref_slice %arg4[%dma_wait3A_119] : memref<32768xf32, #tpu.memory_space<vmem>> -> memref<16384xf32, #tpu.memory_space<vmem>>
      %dma_wait3A_121 = tpu.memref_slice %arg2[%mul3A_115] : memref<8388608xf32, #tpu.memory_space<hbm>> -> memref<16384xf32, #tpu.memory_space<hbm>>
      tpu.wait_dma2 semaphore(%arg7 : memref<!tpu.dma_semaphore, #tpu.memory_space<semaphore_mem>>) src(%dma_wait3A_121 : memref<16384xf32, #tpu.memory_space<hbm>>) dst(%dma_wait3A_120 : memref<16384xf32, #tpu.memory_space<vmem>>)
      %gt3A_122 = arith.constant 0 : i32
      %gt3A_123 = arith.cmpi sgt, %scan3A_51, %gt3A_122 : i32
      %convert_element_type3A_124 = arith.extui %gt3A_123 : i1 to i32
      %cond3A_125 = arith.constant 0 : i32
      %cond3A_126 = arith.cmpi ne, %convert_element_type3A_124, %cond3A_125 : i32
      scf.if %cond3A_126 {
        %sub3A = arith.constant 2 : i32
        %sub3A_148 = arith.subi %add3A_56, %sub3A : i32
        %mul3A_149 = arith.constant 32 : i32
        %mul3A_150 = arith.muli %sub3A_148, %mul3A_149 : i32
        %add3A_151 = arith.addi %mul3A_2, %mul3A_150 : i32
        %mul3A_152 = arith.constant 4 : i32
        %mul3A_153 = arith.muli %add3A_151, %mul3A_152 : i32
        %mul3A_154 = arith.constant 128 : i32
        %mul3A_155 = arith.muli %mul3A_153, %mul3A_154 : i32
        %dma_wait3A_156 = arith.constant 16384 : i32
        %dma_wait3A_157 = tpu.memref_slice %arg5[%dma_wait3A_156] : memref<32768xf32, #tpu.memory_space<vmem>> -> memref<16384xf32, #tpu.memory_space<vmem>>
        %dma_wait3A_158 = tpu.memref_slice %arg3[%mul3A_155] : memref<8388608xf32, #tpu.memory_space<hbm>> -> memref<16384xf32, #tpu.memory_space<hbm>>
        %dma_wait3A_159 = tpu.memref_slice %arg3[%mul3A_155] : memref<8388608xf32, #tpu.memory_space<hbm>> -> memref<16384xf32, #tpu.memory_space<hbm>>
        %dma_wait3A_160 = arith.constant 16384 : i32
        %dma_wait3A_161 = tpu.memref_slice %arg5[%dma_wait3A_160] : memref<32768xf32, #tpu.memory_space<vmem>> -> memref<16384xf32, #tpu.memory_space<vmem>>
        tpu.wait_dma2 semaphore(%arg9 : memref<!tpu.dma_semaphore, #tpu.memory_space<semaphore_mem>>) src(%dma_wait3A_161 : memref<16384xf32, #tpu.memory_space<vmem>>) dst(%dma_wait3A_159 : memref<16384xf32, #tpu.memory_space<hbm>>)
      } else {
      }
      %scan3A_127 = arith.constant 0 : i32
      %scan3A_128 = arith.constant 0 : i32
      %scan3A_129 = arith.constant 32 : i32
      %scan3A_130 = arith.addi %scan3A_128, %scan3A_129 : i32
      %scan3A_131 = arith.constant 1 : i32
      %scan3A_132 = scf.for %scan3A_148 = %scan3A_128 to %scan3A_130 step %scan3A_131 iter_args(%scan3A_149 = %scan3A_127) -> (i32)  : i32 {
        %mul3A_150 = arith.constant 512 : i32
        %mul3A_151 = arith.muli %scan3A_148, %mul3A_150 : i32
        %add3A_152 = arith.constant 16384 : i32
        %add3A_153 = arith.addi %add3A_152, %mul3A_151 : i32
        %add3A_154 = vector.broadcast %add3A_153 : i32 to vector<16xi32>
        %add3A_155 = arith.addi %add3A_10, %add3A_154 : vector<16xi32>
        %scan3A_156 = arith.constant 0 : i32
        %scan3A_157 = arith.constant 32 : i32
        %scan3A_158 = arith.addi %scan3A_156, %scan3A_157 : i32
        %scan3A_159 = arith.constant 8 : i32
        %scan3A_160 = scf.for %scan3A_163 = %scan3A_156 to %scan3A_158 step %scan3A_159 iter_args(%scan3A_164 = %add3A_155) -> (vector<16xi32>)  : i32 {
          %gather3A = tpu.vector_load_idx %arg4[%scan3A_164] : memref<32768xf32, #tpu.memory_space<vmem>>[vector<16xi32>], vector<16xf32>,
          %mul3A_165 = arith.constant 512 : i32
          %mul3A_166 = arith.muli %scan3A_148, %mul3A_165 : i32
          %add3A_167 = arith.constant 16384 : i32
          %add3A_168 = arith.addi %add3A_167, %mul3A_166 : i32
          %mul3A_169 = arith.constant 16 : i32
          %mul3A_170 = arith.muli %scan3A_163, %mul3A_169 : i32
          %add3A_171 = arith.addi %add3A_168, %mul3A_170 : i32
          %swap3A = arith.index_cast %add3A_171 : i32 to index
          %swap3A_172 = tpu.vector_load %arg5[%swap3A] {strides = array<i32>} : memref<32768xf32, #tpu.memory_space<vmem>>, vector<16xf32>,
          tpu.vector_store %arg5[%swap3A], %gather3A {strides = array<i32>} : memref<32768xf32, #tpu.memory_space<vmem>>, vector<16xf32>,
          %add3A_173 = arith.constant 4 : i32
          %add3A_174 = vector.broadcast %add3A_173 : i32 to vector<16xi32>
          %add3A_175 = arith.addi %scan3A_164, %add3A_174 : vector<16xi32>
          %scan3A_176 = arith.constant 1 : i32
          %scan3A_177 = arith.addi %scan3A_163, %scan3A_176 : i32
          %gather3A_178 = tpu.vector_load_idx %arg4[%add3A_175] : memref<32768xf32, #tpu.memory_space<vmem>>[vector<16xi32>], vector<16xf32>,
          %mul3A_179 = arith.constant 512 : i32
          %mul3A_180 = arith.muli %scan3A_148, %mul3A_179 : i32
          %add3A_181 = arith.constant 16384 : i32
          %add3A_182 = arith.addi %add3A_181, %mul3A_180 : i32
          %mul3A_183 = arith.constant 16 : i32
          %mul3A_184 = arith.muli %scan3A_177, %mul3A_183 : i32
          %add3A_185 = arith.addi %add3A_182, %mul3A_184 : i32
          %swap3A_186 = arith.index_cast %add3A_185 : i32 to index
          %swap3A_187 = tpu.vector_load %arg5[%swap3A_186] {strides = array<i32>} : memref<32768xf32, #tpu.memory_space<vmem>>, vector<16xf32>,
          tpu.vector_store %arg5[%swap3A_186], %gather3A_178 {strides = array<i32>} : memref<32768xf32, #tpu.memory_space<vmem>>, vector<16xf32>,
          %add3A_188 = arith.constant 4 : i32
          %add3A_189 = vector.broadcast %add3A_188 : i32 to vector<16xi32>
          %add3A_190 = arith.addi %add3A_175, %add3A_189 : vector<16xi32>
          %scan3A_191 = arith.constant 2 : i32
          %scan3A_192 = arith.addi %scan3A_163, %scan3A_191 : i32
          %gather3A_193 = tpu.vector_load_idx %arg4[%add3A_190] : memref<32768xf32, #tpu.memory_space<vmem>>[vector<16xi32>], vector<16xf32>,
          %mul3A_194 = arith.constant 512 : i32
          %mul3A_195 = arith.muli %scan3A_148, %mul3A_194 : i32
          %add3A_196 = arith.constant 16384 : i32
          %add3A_197 = arith.addi %add3A_196, %mul3A_195 : i32
          %mul3A_198 = arith.constant 16 : i32
          %mul3A_199 = arith.muli %scan3A_192, %mul3A_198 : i32
          %add3A_200 = arith.addi %add3A_197, %mul3A_199 : i32
          %swap3A_201 = arith.index_cast %add3A_200 : i32 to index
          %swap3A_202 = tpu.vector_load %arg5[%swap3A_201] {strides = array<i32>} : memref<32768xf32, #tpu.memory_space<vmem>>, vector<16xf32>,
          tpu.vector_store %arg5[%swap3A_201], %gather3A_193 {strides = array<i32>} : memref<32768xf32, #tpu.memory_space<vmem>>, vector<16xf32>,
          %add3A_203 = arith.constant 4 : i32
          %add3A_204 = vector.broadcast %add3A_203 : i32 to vector<16xi32>
          %add3A_205 = arith.addi %add3A_190, %add3A_204 : vector<16xi32>
          %scan3A_206 = arith.constant 3 : i32
          %scan3A_207 = arith.addi %scan3A_163, %scan3A_206 : i32
          %gather3A_208 = tpu.vector_load_idx %arg4[%add3A_205] : memref<32768xf32, #tpu.memory_space<vmem>>[vector<16xi32>], vector<16xf32>,
          %mul3A_209 = arith.constant 512 : i32
          %mul3A_210 = arith.muli %scan3A_148, %mul3A_209 : i32
          %add3A_211 = arith.constant 16384 : i32
          %add3A_212 = arith.addi %add3A_211, %mul3A_210 : i32
          %mul3A_213 = arith.constant 16 : i32
          %mul3A_214 = arith.muli %scan3A_207, %mul3A_213 : i32
          %add3A_215 = arith.addi %add3A_212, %mul3A_214 : i32
          %swap3A_216 = arith.index_cast %add3A_215 : i32 to index
          %swap3A_217 = tpu.vector_load %arg5[%swap3A_216] {strides = array<i32>} : memref<32768xf32, #tpu.memory_space<vmem>>, vector<16xf32>,
          tpu.vector_store %arg5[%swap3A_216], %gather3A_208 {strides = array<i32>} : memref<32768xf32, #tpu.memory_space<vmem>>, vector<16xf32>,
          %add3A_218 = arith.constant 4 : i32
          %add3A_219 = vector.broadcast %add3A_218 : i32 to vector<16xi32>
          %add3A_220 = arith.addi %add3A_205, %add3A_219 : vector<16xi32>
          %scan3A_221 = arith.constant 4 : i32
          %scan3A_222 = arith.addi %scan3A_163, %scan3A_221 : i32
          %gather3A_223 = tpu.vector_load_idx %arg4[%add3A_220] : memref<32768xf32, #tpu.memory_space<vmem>>[vector<16xi32>], vector<16xf32>,
          %mul3A_224 = arith.constant 512 : i32
          %mul3A_225 = arith.muli %scan3A_148, %mul3A_224 : i32
          %add3A_226 = arith.constant 16384 : i32
          %add3A_227 = arith.addi %add3A_226, %mul3A_225 : i32
          %mul3A_228 = arith.constant 16 : i32
          %mul3A_229 = arith.muli %scan3A_222, %mul3A_228 : i32
          %add3A_230 = arith.addi %add3A_227, %mul3A_229 : i32
          %swap3A_231 = arith.index_cast %add3A_230 : i32 to index
          %swap3A_232 = tpu.vector_load %arg5[%swap3A_231] {strides = array<i32>} : memref<32768xf32, #tpu.memory_space<vmem>>, vector<16xf32>,
          tpu.vector_store %arg5[%swap3A_231], %gather3A_223 {strides = array<i32>} : memref<32768xf32, #tpu.memory_space<vmem>>, vector<16xf32>,
          %add3A_233 = arith.constant 4 : i32
          %add3A_234 = vector.broadcast %add3A_233 : i32 to vector<16xi32>
          %add3A_235 = arith.addi %add3A_220, %add3A_234 : vector<16xi32>
          %scan3A_236 = arith.constant 5 : i32
          %scan3A_237 = arith.addi %scan3A_163, %scan3A_236 : i32
          %gather3A_238 = tpu.vector_load_idx %arg4[%add3A_235] : memref<32768xf32, #tpu.memory_space<vmem>>[vector<16xi32>], vector<16xf32>,
          %mul3A_239 = arith.constant 512 : i32
          %mul3A_240 = arith.muli %scan3A_148, %mul3A_239 : i32
          %add3A_241 = arith.constant 16384 : i32
          %add3A_242 = arith.addi %add3A_241, %mul3A_240 : i32
          %mul3A_243 = arith.constant 16 : i32
          %mul3A_244 = arith.muli %scan3A_237, %mul3A_243 : i32
          %add3A_245 = arith.addi %add3A_242, %mul3A_244 : i32
          %swap3A_246 = arith.index_cast %add3A_245 : i32 to index
          %swap3A_247 = tpu.vector_load %arg5[%swap3A_246] {strides = array<i32>} : memref<32768xf32, #tpu.memory_space<vmem>>, vector<16xf32>,
          tpu.vector_store %arg5[%swap3A_246], %gather3A_238 {strides = array<i32>} : memref<32768xf32, #tpu.memory_space<vmem>>, vector<16xf32>,
          %add3A_248 = arith.constant 4 : i32
          %add3A_249 = vector.broadcast %add3A_248 : i32 to vector<16xi32>
          %add3A_250 = arith.addi %add3A_235, %add3A_249 : vector<16xi32>
          %scan3A_251 = arith.constant 6 : i32
          %scan3A_252 = arith.addi %scan3A_163, %scan3A_251 : i32
          %gather3A_253 = tpu.vector_load_idx %arg4[%add3A_250] : memref<32768xf32, #tpu.memory_space<vmem>>[vector<16xi32>], vector<16xf32>,
          %mul3A_254 = arith.constant 512 : i32
          %mul3A_255 = arith.muli %scan3A_148, %mul3A_254 : i32
          %add3A_256 = arith.constant 16384 : i32
          %add3A_257 = arith.addi %add3A_256, %mul3A_255 : i32
          %mul3A_258 = arith.constant 16 : i32
          %mul3A_259 = arith.muli %scan3A_252, %mul3A_258 : i32
          %add3A_260 = arith.addi %add3A_257, %mul3A_259 : i32
          %swap3A_261 = arith.index_cast %add3A_260 : i32 to index
          %swap3A_262 = tpu.vector_load %arg5[%swap3A_261] {strides = array<i32>} : memref<32768xf32, #tpu.memory_space<vmem>>, vector<16xf32>,
          tpu.vector_store %arg5[%swap3A_261], %gather3A_253 {strides = array<i32>} : memref<32768xf32, #tpu.memory_space<vmem>>, vector<16xf32>,
          %add3A_263 = arith.constant 4 : i32
          %add3A_264 = vector.broadcast %add3A_263 : i32 to vector<16xi32>
          %add3A_265 = arith.addi %add3A_250, %add3A_264 : vector<16xi32>
          %scan3A_266 = arith.constant 7 : i32
          %scan3A_267 = arith.addi %scan3A_163, %scan3A_266 : i32
          %gather3A_268 = tpu.vector_load_idx %arg4[%add3A_265] : memref<32768xf32, #tpu.memory_space<vmem>>[vector<16xi32>], vector<16xf32>,
          %mul3A_269 = arith.constant 512 : i32
          %mul3A_270 = arith.muli %scan3A_148, %mul3A_269 : i32
          %add3A_271 = arith.constant 16384 : i32
          %add3A_272 = arith.addi %add3A_271, %mul3A_270 : i32
          %mul3A_273 = arith.constant 16 : i32
          %mul3A_274 = arith.muli %scan3A_267, %mul3A_273 : i32
          %add3A_275 = arith.addi %add3A_272, %mul3A_274 : i32
          %swap3A_276 = arith.index_cast %add3A_275 : i32 to index
          %swap3A_277 = tpu.vector_load %arg5[%swap3A_276] {strides = array<i32>} : memref<32768xf32, #tpu.memory_space<vmem>>, vector<16xf32>,
          tpu.vector_store %arg5[%swap3A_276], %gather3A_268 {strides = array<i32>} : memref<32768xf32, #tpu.memory_space<vmem>>, vector<16xf32>,
          %add3A_278 = arith.constant 4 : i32
          %add3A_279 = vector.broadcast %add3A_278 : i32 to vector<16xi32>
          %add3A_280 = arith.addi %add3A_265, %add3A_279 : vector<16xi32>
          scf.yield %add3A_280 : vector<16xi32>
        }
        %scan3A_161 = arith.constant 32 : i32
        %scan3A_162 = arith.constant 0 : i32
        scf.yield %scan3A_162 : i32
      }
      %scan3A_133 = arith.constant 32 : i32
      %mul3A_134 = arith.constant 32 : i32
      %mul3A_135 = arith.muli %add3A_56, %mul3A_134 : i32
      %add3A_136 = arith.addi %mul3A_2, %mul3A_135 : i32
      %mul3A_137 = arith.constant 4 : i32
      %mul3A_138 = arith.muli %add3A_136, %mul3A_137 : i32
      %mul3A_139 = arith.constant 128 : i32
      %mul3A_140 = arith.muli %mul3A_138, %mul3A_139 : i32
      %dma_start3A_141 = arith.constant 16384 : i32
      %dma_start3A_142 = tpu.memref_slice %arg5[%dma_start3A_141] : memref<32768xf32, #tpu.memory_space<vmem>> -> memref<16384xf32, #tpu.memory_space<vmem>>
      %dma_start3A_143 = tpu.memref_slice %arg3[%mul3A_140] : memref<8388608xf32, #tpu.memory_space<hbm>> -> memref<16384xf32, #tpu.memory_space<hbm>>
      %dma_start3A_144 = tpu.memref_slice %arg3[%mul3A_140] : memref<8388608xf32, #tpu.memory_space<hbm>> -> memref<16384xf32, #tpu.memory_space<hbm>>
      %dma_start3A_145 = arith.constant 16384 : i32
      %dma_start3A_146 = tpu.memref_slice %arg5[%dma_start3A_145] : memref<32768xf32, #tpu.memory_space<vmem>> -> memref<16384xf32, #tpu.memory_space<vmem>>
      tpu.enqueue_dma source(%dma_start3A_146 : memref<16384xf32, #tpu.memory_space<vmem>>) target(%dma_start3A_144 : memref<16384xf32, #tpu.memory_space<hbm>>) target_semaphore(%arg9 : memref<!tpu.dma_semaphore, #tpu.memory_space<semaphore_mem>>)
      %scan3A_147 = arith.constant 0 : i32
      scf.yield %scan3A_147 : i32
    }
    %scan3A_27 = arith.constant 8 : i32
    %add3A_28 = arith.constant 448 : i32
    %add3A_29 = arith.addi %mul3A_2, %add3A_28 : i32
    %mul3A_30 = arith.constant 4 : i32
    %mul3A_31 = arith.muli %add3A_29, %mul3A_30 : i32
    %mul3A_32 = arith.constant 128 : i32
    %mul3A_33 = arith.muli %mul3A_31, %mul3A_32 : i32
    %dma_wait3A = arith.constant 0 : i32
    %dma_wait3A_34 = tpu.memref_slice %arg5[%dma_wait3A] : memref<32768xf32, #tpu.memory_space<vmem>> -> memref<16384xf32, #tpu.memory_space<vmem>>
    %dma_wait3A_35 = tpu.memref_slice %arg3[%mul3A_33] : memref<8388608xf32, #tpu.memory_space<hbm>> -> memref<16384xf32, #tpu.memory_space<hbm>>
    %dma_wait3A_36 = tpu.memref_slice %arg3[%mul3A_33] : memref<8388608xf32, #tpu.memory_space<hbm>> -> memref<16384xf32, #tpu.memory_space<hbm>>
    %dma_wait3A_37 = arith.constant 0 : i32
    %dma_wait3A_38 = tpu.memref_slice %arg5[%dma_wait3A_37] : memref<32768xf32, #tpu.memory_space<vmem>> -> memref<16384xf32, #tpu.memory_space<vmem>>
    tpu.wait_dma2 semaphore(%arg8 : memref<!tpu.dma_semaphore, #tpu.memory_space<semaphore_mem>>) src(%dma_wait3A_38 : memref<16384xf32, #tpu.memory_space<vmem>>) dst(%dma_wait3A_36 : memref<16384xf32, #tpu.memory_space<hbm>>)
    %add3A_39 = arith.constant 480 : i32
    %add3A_40 = arith.addi %mul3A_2, %add3A_39 : i32
    %mul3A_41 = arith.constant 4 : i32
    %mul3A_42 = arith.muli %add3A_40, %mul3A_41 : i32
    %mul3A_43 = arith.constant 128 : i32
    %mul3A_44 = arith.muli %mul3A_42, %mul3A_43 : i32
    %dma_wait3A_45 = arith.constant 16384 : i32
    %dma_wait3A_46 = tpu.memref_slice %arg5[%dma_wait3A_45] : memref<32768xf32, #tpu.memory_space<vmem>> -> memref<16384xf32, #tpu.memory_space<vmem>>
    %dma_wait3A_47 = tpu.memref_slice %arg3[%mul3A_44] : memref<8388608xf32, #tpu.memory_space<hbm>> -> memref<16384xf32, #tpu.memory_space<hbm>>
    %dma_wait3A_48 = tpu.memref_slice %arg3[%mul3A_44] : memref<8388608xf32, #tpu.memory_space<hbm>> -> memref<16384xf32, #tpu.memory_space<hbm>>
    %dma_wait3A_49 = arith.constant 16384 : i32
    %dma_wait3A_50 = tpu.memref_slice %arg5[%dma_wait3A_49] : memref<32768xf32, #tpu.memory_space<vmem>> -> memref<16384xf32, #tpu.memory_space<vmem>>
    tpu.wait_dma2 semaphore(%arg9 : memref<!tpu.dma_semaphore, #tpu.memory_space<semaphore_mem>>) src(%dma_wait3A_50 : memref<16384xf32, #tpu.memory_space<vmem>>) dst(%dma_wait3A_48 : memref<16384xf32, #tpu.memory_space<hbm>>)
    return
  }
}

#map = affine_map<(d0, d1) -> (0)>
#map1 = affine_map<(d0, d1) -> (0, 0)>
module attributes {stable_mosaic.version = 14 : i64} {
  func.func @render(%arg0: i32, %arg1: i32, %arg2: memref<65536xf32, #tpu.memory_space<hbm>>, %arg3: memref<65536xf32, #tpu.memory_space<hbm>>, %arg4: memref<65536xf32, #tpu.memory_space<hbm>>, %arg5: memref<65536xf32, #tpu.memory_space<hbm>>, %arg6: memref<65536xf32, #tpu.memory_space<hbm>>, %arg7: memref<65536xf32, #tpu.memory_space<hbm>>, %arg8: memref<1048576x8xf32, #tpu.memory_space<hbm>>, %arg9: memref<3x65536xf32, #tpu.memory_space<hbm>>, %arg10: memref<2048xf32, #tpu.memory_space<vmem>>, %arg11: memref<2048xf32, #tpu.memory_space<vmem>>, %arg12: memref<2048xf32, #tpu.memory_space<vmem>>, %arg13: memref<2048xf32, #tpu.memory_space<vmem>>, %arg14: memref<2048xf32, #tpu.memory_space<vmem>>, %arg15: memref<2048xf32, #tpu.memory_space<vmem>>, %arg16: memref<2048xf32, #tpu.memory_space<vmem>>, %arg17: memref<8192xi32, #tpu.memory_space<vmem>>, %arg18: memref<8192xi32, #tpu.memory_space<vmem>>, %arg19: memref<8192x8xf32, #tpu.memory_space<vmem>>, %arg20: memref<2x3x64xf32, #tpu.memory_space<vmem>>, %arg21: memref<!tpu.dma_semaphore, #tpu.memory_space<semaphore_mem>>, %arg22: memref<!tpu.dma_semaphore, #tpu.memory_space<semaphore_mem>>, %arg23: memref<!tpu.dma_semaphore, #tpu.memory_space<semaphore_mem>>, %arg24: memref<!tpu.dma_semaphore, #tpu.memory_space<semaphore_mem>>, %arg25: memref<!tpu.dma_semaphore, #tpu.memory_space<semaphore_mem>>) attributes {dimension_semantics = [#tpu.dimension_semantics<core_parallel>, #tpu.dimension_semantics<subcore_parallel>], iteration_bounds = array<i64: 2, 16>, scalar_prefetch = 0 : i64, scratch_operands = 16 : i64, tpu.core_type = #tpu.core_type<sc_vector_subcore>, window_params = [{transform_indices = #map}, {transform_indices = #map}, {transform_indices = #map}, {transform_indices = #map}, {transform_indices = #map}, {transform_indices = #map}, {transform_indices = #map1}, {transform_indices = #map1}]} {
    %mul3A = arith.constant 2 : i32
    %mul3A_0 = arith.muli %arg1, %mul3A : i32
    %add3A = arith.addi %mul3A_0, %arg0 : i32
    %mul3A_1 = arith.constant 2048 : i32
    %mul3A_2 = arith.muli %add3A, %mul3A_1 : i32
    %dma_start3A = tpu.memref_slice %arg2[%mul3A_2] : memref<65536xf32, #tpu.memory_space<hbm>> -> memref<2048xf32, #tpu.memory_space<hbm>>
    %dma_start3A_3 = tpu.memref_slice %arg2[%mul3A_2] : memref<65536xf32, #tpu.memory_space<hbm>> -> memref<2048xf32, #tpu.memory_space<hbm>>
    tpu.enqueue_dma source(%dma_start3A_3 : memref<2048xf32, #tpu.memory_space<hbm>>) target(%arg10 : memref<2048xf32, #tpu.memory_space<vmem>>) target_semaphore(%arg23 : memref<!tpu.dma_semaphore, #tpu.memory_space<semaphore_mem>>)
    %dma_start3A_4 = tpu.memref_slice %arg3[%mul3A_2] : memref<65536xf32, #tpu.memory_space<hbm>> -> memref<2048xf32, #tpu.memory_space<hbm>>
    %dma_start3A_5 = tpu.memref_slice %arg3[%mul3A_2] : memref<65536xf32, #tpu.memory_space<hbm>> -> memref<2048xf32, #tpu.memory_space<hbm>>
    tpu.enqueue_dma source(%dma_start3A_5 : memref<2048xf32, #tpu.memory_space<hbm>>) target(%arg11 : memref<2048xf32, #tpu.memory_space<vmem>>) target_semaphore(%arg23 : memref<!tpu.dma_semaphore, #tpu.memory_space<semaphore_mem>>)
    %dma_start3A_6 = tpu.memref_slice %arg4[%mul3A_2] : memref<65536xf32, #tpu.memory_space<hbm>> -> memref<2048xf32, #tpu.memory_space<hbm>>
    %dma_start3A_7 = tpu.memref_slice %arg4[%mul3A_2] : memref<65536xf32, #tpu.memory_space<hbm>> -> memref<2048xf32, #tpu.memory_space<hbm>>
    tpu.enqueue_dma source(%dma_start3A_7 : memref<2048xf32, #tpu.memory_space<hbm>>) target(%arg12 : memref<2048xf32, #tpu.memory_space<vmem>>) target_semaphore(%arg23 : memref<!tpu.dma_semaphore, #tpu.memory_space<semaphore_mem>>)
    %dma_start3A_8 = tpu.memref_slice %arg5[%mul3A_2] : memref<65536xf32, #tpu.memory_space<hbm>> -> memref<2048xf32, #tpu.memory_space<hbm>>
    %dma_start3A_9 = tpu.memref_slice %arg5[%mul3A_2] : memref<65536xf32, #tpu.memory_space<hbm>> -> memref<2048xf32, #tpu.memory_space<hbm>>
    tpu.enqueue_dma source(%dma_start3A_9 : memref<2048xf32, #tpu.memory_space<hbm>>) target(%arg13 : memref<2048xf32, #tpu.memory_space<vmem>>) target_semaphore(%arg23 : memref<!tpu.dma_semaphore, #tpu.memory_space<semaphore_mem>>)
    %dma_start3A_10 = tpu.memref_slice %arg6[%mul3A_2] : memref<65536xf32, #tpu.memory_space<hbm>> -> memref<2048xf32, #tpu.memory_space<hbm>>
    %dma_start3A_11 = tpu.memref_slice %arg6[%mul3A_2] : memref<65536xf32, #tpu.memory_space<hbm>> -> memref<2048xf32, #tpu.memory_space<hbm>>
    tpu.enqueue_dma source(%dma_start3A_11 : memref<2048xf32, #tpu.memory_space<hbm>>) target(%arg14 : memref<2048xf32, #tpu.memory_space<vmem>>) target_semaphore(%arg23 : memref<!tpu.dma_semaphore, #tpu.memory_space<semaphore_mem>>)
    %dma_start3A_12 = tpu.memref_slice %arg7[%mul3A_2] : memref<65536xf32, #tpu.memory_space<hbm>> -> memref<2048xf32, #tpu.memory_space<hbm>>
    %dma_start3A_13 = tpu.memref_slice %arg7[%mul3A_2] : memref<65536xf32, #tpu.memory_space<hbm>> -> memref<2048xf32, #tpu.memory_space<hbm>>
    tpu.enqueue_dma source(%dma_start3A_13 : memref<2048xf32, #tpu.memory_space<hbm>>) target(%arg15 : memref<2048xf32, #tpu.memory_space<vmem>>) target_semaphore(%arg23 : memref<!tpu.dma_semaphore, #tpu.memory_space<semaphore_mem>>)
    %dma_wait3A = tpu.memref_slice %arg2[%mul3A_2] : memref<65536xf32, #tpu.memory_space<hbm>> -> memref<2048xf32, #tpu.memory_space<hbm>>
    %dma_wait3A_14 = tpu.memref_slice %arg2[%mul3A_2] : memref<65536xf32, #tpu.memory_space<hbm>> -> memref<2048xf32, #tpu.memory_space<hbm>>
    tpu.wait_dma2 semaphore(%arg23 : memref<!tpu.dma_semaphore, #tpu.memory_space<semaphore_mem>>) src(%dma_wait3A_14 : memref<2048xf32, #tpu.memory_space<hbm>>) dst(%arg10 : memref<2048xf32, #tpu.memory_space<vmem>>)
    %dma_wait3A_15 = tpu.memref_slice %arg3[%mul3A_2] : memref<65536xf32, #tpu.memory_space<hbm>> -> memref<2048xf32, #tpu.memory_space<hbm>>
    %dma_wait3A_16 = tpu.memref_slice %arg3[%mul3A_2] : memref<65536xf32, #tpu.memory_space<hbm>> -> memref<2048xf32, #tpu.memory_space<hbm>>
    tpu.wait_dma2 semaphore(%arg23 : memref<!tpu.dma_semaphore, #tpu.memory_space<semaphore_mem>>) src(%dma_wait3A_16 : memref<2048xf32, #tpu.memory_space<hbm>>) dst(%arg11 : memref<2048xf32, #tpu.memory_space<vmem>>)
    %dma_wait3A_17 = tpu.memref_slice %arg4[%mul3A_2] : memref<65536xf32, #tpu.memory_space<hbm>> -> memref<2048xf32, #tpu.memory_space<hbm>>
    %dma_wait3A_18 = tpu.memref_slice %arg4[%mul3A_2] : memref<65536xf32, #tpu.memory_space<hbm>> -> memref<2048xf32, #tpu.memory_space<hbm>>
    tpu.wait_dma2 semaphore(%arg23 : memref<!tpu.dma_semaphore, #tpu.memory_space<semaphore_mem>>) src(%dma_wait3A_18 : memref<2048xf32, #tpu.memory_space<hbm>>) dst(%arg12 : memref<2048xf32, #tpu.memory_space<vmem>>)
    %dma_wait3A_19 = tpu.memref_slice %arg5[%mul3A_2] : memref<65536xf32, #tpu.memory_space<hbm>> -> memref<2048xf32, #tpu.memory_space<hbm>>
    %dma_wait3A_20 = tpu.memref_slice %arg5[%mul3A_2] : memref<65536xf32, #tpu.memory_space<hbm>> -> memref<2048xf32, #tpu.memory_space<hbm>>
    tpu.wait_dma2 semaphore(%arg23 : memref<!tpu.dma_semaphore, #tpu.memory_space<semaphore_mem>>) src(%dma_wait3A_20 : memref<2048xf32, #tpu.memory_space<hbm>>) dst(%arg13 : memref<2048xf32, #tpu.memory_space<vmem>>)
    %dma_wait3A_21 = tpu.memref_slice %arg6[%mul3A_2] : memref<65536xf32, #tpu.memory_space<hbm>> -> memref<2048xf32, #tpu.memory_space<hbm>>
    %dma_wait3A_22 = tpu.memref_slice %arg6[%mul3A_2] : memref<65536xf32, #tpu.memory_space<hbm>> -> memref<2048xf32, #tpu.memory_space<hbm>>
    tpu.wait_dma2 semaphore(%arg23 : memref<!tpu.dma_semaphore, #tpu.memory_space<semaphore_mem>>) src(%dma_wait3A_22 : memref<2048xf32, #tpu.memory_space<hbm>>) dst(%arg14 : memref<2048xf32, #tpu.memory_space<vmem>>)
    %dma_wait3A_23 = tpu.memref_slice %arg7[%mul3A_2] : memref<65536xf32, #tpu.memory_space<hbm>> -> memref<2048xf32, #tpu.memory_space<hbm>>
    %dma_wait3A_24 = tpu.memref_slice %arg7[%mul3A_2] : memref<65536xf32, #tpu.memory_space<hbm>> -> memref<2048xf32, #tpu.memory_space<hbm>>
    tpu.wait_dma2 semaphore(%arg23 : memref<!tpu.dma_semaphore, #tpu.memory_space<semaphore_mem>>) src(%dma_wait3A_24 : memref<2048xf32, #tpu.memory_space<hbm>>) dst(%arg15 : memref<2048xf32, #tpu.memory_space<vmem>>)
    %iota3A = tpu.iota {dimensions = array<i32: 0>} : vector<16xi32>
    %scan3A = arith.constant 0 : i32
    %scan3A_25 = arith.constant 0 : i32
    %scan3A_26 = arith.constant 4 : i32
    %scan3A_27 = arith.addi %scan3A_25, %scan3A_26 : i32
    %scan3A_28 = arith.constant 1 : i32
    %scan3A_29 = scf.for %scan3A_75 = %scan3A_25 to %scan3A_27 step %scan3A_28 iter_args(%scan3A_76 = %scan3A) -> (i32)  : i32 {
      %mul3A_77 = arith.constant 16 : i32
      %mul3A_78 = arith.muli %scan3A_75, %mul3A_77 : i32
      %add3A_79 = arith.constant 0 : i32
      %add3A_80 = arith.addi %add3A_79, %mul3A_78 : i32
      %get3A = arith.index_cast %add3A_80 : i32 to index
      %get3A_81 = tpu.vector_load %arg10[%get3A] {strides = array<i32>} : memref<2048xf32, #tpu.memory_space<vmem>>, vector<16xf32>,
      %get3A_82 = arith.index_cast %add3A_80 : i32 to index
      %get3A_83 = tpu.vector_load %arg11[%get3A_82] {strides = array<i32>} : memref<2048xf32, #tpu.memory_space<vmem>>, vector<16xf32>,
      %get3A_84 = arith.index_cast %add3A_80 : i32 to index
      %get3A_85 = tpu.vector_load %arg12[%get3A_84] {strides = array<i32>} : memref<2048xf32, #tpu.memory_space<vmem>>, vector<16xf32>,
      %get3A_86 = arith.index_cast %add3A_80 : i32 to index
      %get3A_87 = tpu.vector_load %arg13[%get3A_86] {strides = array<i32>} : memref<2048xf32, #tpu.memory_space<vmem>>, vector<16xf32>,
      %get3A_88 = arith.index_cast %add3A_80 : i32 to index
      %get3A_89 = tpu.vector_load %arg14[%get3A_88] {strides = array<i32>} : memref<2048xf32, #tpu.memory_space<vmem>>, vector<16xf32>,
      %get3A_90 = arith.index_cast %add3A_80 : i32 to index
      %get3A_91 = tpu.vector_load %arg15[%get3A_90] {strides = array<i32>} : memref<2048xf32, #tpu.memory_space<vmem>>, vector<16xf32>,
      %mul3A_92 = arith.mulf %get3A_87, %get3A_87 : vector<16xf32>
      %mul3A_93 = arith.mulf %get3A_89, %get3A_89 : vector<16xf32>
      %add3A_94 = arith.addf %mul3A_92, %mul3A_93 : vector<16xf32>
      %mul3A_95 = arith.mulf %get3A_91, %get3A_91 : vector<16xf32>
      %add3A_96 = arith.addf %add3A_94, %mul3A_95 : vector<16xf32>
      %bitcast_convert_type3A = tpu.bitcast %add3A_96 : vector<16xf32> -> vector<16xi32>
      %shift_right_arithmetic3A = arith.constant 1 : i32
      %shift_right_arithmetic3A_97 = vector.broadcast %shift_right_arithmetic3A : i32 to vector<16xi32>
      %shift_right_arithmetic3A_98 = arith.shrsi %bitcast_convert_type3A, %shift_right_arithmetic3A_97 : vector<16xi32>
      %sub3A = arith.constant 1597463007 : i32
      %sub3A_99 = vector.broadcast %sub3A : i32 to vector<16xi32>
      %sub3A_100 = arith.subi %sub3A_99, %shift_right_arithmetic3A_98 : vector<16xi32>
      %bitcast_convert_type3A_101 = tpu.bitcast %sub3A_100 : vector<16xi32> -> vector<16xf32>
      %mul3A_102 = arith.constant 5.000000e-01 : f32
      %mul3A_103 = vector.broadcast %mul3A_102 : f32 to vector<16xf32>
      %mul3A_104 = arith.mulf %mul3A_103, %add3A_96 : vector<16xf32>
      %mul3A_105 = arith.mulf %mul3A_104, %bitcast_convert_type3A_101 : vector<16xf32>
      %mul3A_106 = arith.mulf %mul3A_105, %bitcast_convert_type3A_101 : vector<16xf32>
      %sub3A_107 = arith.constant 1.500000e+00 : f32
      %sub3A_108 = vector.broadcast %sub3A_107 : f32 to vector<16xf32>
      %sub3A_109 = arith.subf %sub3A_108, %mul3A_106 : vector<16xf32>
      %mul3A_110 = arith.mulf %bitcast_convert_type3A_101, %sub3A_109 : vector<16xf32>
      %mul3A_111 = arith.constant 5.000000e-01 : f32
      %mul3A_112 = vector.broadcast %mul3A_111 : f32 to vector<16xf32>
      %mul3A_113 = arith.mulf %mul3A_112, %add3A_96 : vector<16xf32>
      %mul3A_114 = arith.mulf %mul3A_113, %mul3A_110 : vector<16xf32>
      %mul3A_115 = arith.mulf %mul3A_114, %mul3A_110 : vector<16xf32>
      %sub3A_116 = arith.constant 1.500000e+00 : f32
      %sub3A_117 = vector.broadcast %sub3A_116 : f32 to vector<16xf32>
      %sub3A_118 = arith.subf %sub3A_117, %mul3A_115 : vector<16xf32>
      %mul3A_119 = arith.mulf %mul3A_110, %sub3A_118 : vector<16xf32>
      %mul3A_120 = arith.constant 5.000000e-01 : f32
      %mul3A_121 = vector.broadcast %mul3A_120 : f32 to vector<16xf32>
      %mul3A_122 = arith.mulf %mul3A_121, %add3A_96 : vector<16xf32>
      %mul3A_123 = arith.mulf %mul3A_122, %mul3A_119 : vector<16xf32>
      %mul3A_124 = arith.mulf %mul3A_123, %mul3A_119 : vector<16xf32>
      %sub3A_125 = arith.constant 1.500000e+00 : f32
      %sub3A_126 = vector.broadcast %sub3A_125 : f32 to vector<16xf32>
      %sub3A_127 = arith.subf %sub3A_126, %mul3A_124 : vector<16xf32>
      %mul3A_128 = arith.mulf %mul3A_119, %sub3A_127 : vector<16xf32>
      %mul3A_129 = arith.mulf %get3A_87, %mul3A_128 : vector<16xf32>
      %mul3A_130 = arith.mulf %get3A_89, %mul3A_128 : vector<16xf32>
      %mul3A_131 = arith.mulf %get3A_91, %mul3A_128 : vector<16xf32>
      %broadcast_in_dim3A = arith.constant 0.000000e+00 : f32
      %broadcast_in_dim3A_132 = vector.broadcast %broadcast_in_dim3A : f32 to vector<16xf32>
      %broadcast_in_dim3A_133 = arith.constant 1.000000e+09 : f32
      %broadcast_in_dim3A_134 = vector.broadcast %broadcast_in_dim3A_133 : f32 to vector<16xf32>
      %add3A_135 = arith.constant 9.99999971E-10 : f32
      %add3A_136 = vector.broadcast %add3A_135 : f32 to vector<16xf32>
      %add3A_137 = arith.addf %mul3A_129, %add3A_136 : vector<16xf32>
      %div3A = arith.constant 1.000000e+00 : f32
      %div3A_138 = vector.broadcast %div3A : f32 to vector<16xf32>
      %div3A_139 = arith.divf %div3A_138, %add3A_137 : vector<16xf32>
      %mul3A_140 = arith.mulf %add3A_137, %div3A_139 : vector<16xf32>
      %sub3A_141 = arith.constant 2.000000e+00 : f32
      %sub3A_142 = vector.broadcast %sub3A_141 : f32 to vector<16xf32>
      %sub3A_143 = arith.subf %sub3A_142, %mul3A_140 : vector<16xf32>
      %mul3A_144 = arith.mulf %div3A_139, %sub3A_143 : vector<16xf32>
      %neg3A = arith.constant 0.000000e+00 : f32
      %neg3A_145 = vector.broadcast %neg3A : f32 to vector<16xf32>
      %neg3A_146 = arith.subf %neg3A_145, %get3A_81 : vector<16xf32>
      %mul3A_147 = arith.mulf %neg3A_146, %mul3A_144 : vector<16xf32>
      %add3A_148 = arith.addf %mul3A_147, %mul3A_144 : vector<16xf32>
      %min3A = arith.minimumf %mul3A_147, %add3A_148 : vector<16xf32>
      %max3A = arith.maximumf %broadcast_in_dim3A_132, %min3A : vector<16xf32>
      %max3A_149 = arith.maximumf %mul3A_147, %add3A_148 : vector<16xf32>
      %min3A_150 = arith.minimumf %broadcast_in_dim3A_134, %max3A_149 : vector<16xf32>
      %add3A_151 = arith.constant 9.99999971E-10 : f32
      %add3A_152 = vector.broadcast %add3A_151 : f32 to vector<16xf32>
      %add3A_153 = arith.addf %mul3A_130, %add3A_152 : vector<16xf32>
      %div3A_154 = arith.constant 1.000000e+00 : f32
      %div3A_155 = vector.broadcast %div3A_154 : f32 to vector<16xf32>
      %div3A_156 = arith.divf %div3A_155, %add3A_153 : vector<16xf32>
      %mul3A_157 = arith.mulf %add3A_153, %div3A_156 : vector<16xf32>
      %sub3A_158 = arith.constant 2.000000e+00 : f32
      %sub3A_159 = vector.broadcast %sub3A_158 : f32 to vector<16xf32>
      %sub3A_160 = arith.subf %sub3A_159, %mul3A_157 : vector<16xf32>
      %mul3A_161 = arith.mulf %div3A_156, %sub3A_160 : vector<16xf32>
      %neg3A_162 = arith.constant 0.000000e+00 : f32
      %neg3A_163 = vector.broadcast %neg3A_162 : f32 to vector<16xf32>
      %neg3A_164 = arith.subf %neg3A_163, %get3A_83 : vector<16xf32>
      %mul3A_165 = arith.mulf %neg3A_164, %mul3A_161 : vector<16xf32>
      %add3A_166 = arith.addf %mul3A_165, %mul3A_161 : vector<16xf32>
      %min3A_167 = arith.minimumf %mul3A_165, %add3A_166 : vector<16xf32>
      %max3A_168 = arith.maximumf %max3A, %min3A_167 : vector<16xf32>
      %max3A_169 = arith.maximumf %mul3A_165, %add3A_166 : vector<16xf32>
      %min3A_170 = arith.minimumf %min3A_150, %max3A_169 : vector<16xf32>
      %add3A_171 = arith.constant 9.99999971E-10 : f32
      %add3A_172 = vector.broadcast %add3A_171 : f32 to vector<16xf32>
      %add3A_173 = arith.addf %mul3A_131, %add3A_172 : vector<16xf32>
      %div3A_174 = arith.constant 1.000000e+00 : f32
      %div3A_175 = vector.broadcast %div3A_174 : f32 to vector<16xf32>
      %div3A_176 = arith.divf %div3A_175, %add3A_173 : vector<16xf32>
      %mul3A_177 = arith.mulf %add3A_173, %div3A_176 : vector<16xf32>
      %sub3A_178 = arith.constant 2.000000e+00 : f32
      %sub3A_179 = vector.broadcast %sub3A_178 : f32 to vector<16xf32>
      %sub3A_180 = arith.subf %sub3A_179, %mul3A_177 : vector<16xf32>
      %mul3A_181 = arith.mulf %div3A_176, %sub3A_180 : vector<16xf32>
      %neg3A_182 = arith.constant 0.000000e+00 : f32
      %neg3A_183 = vector.broadcast %neg3A_182 : f32 to vector<16xf32>
      %neg3A_184 = arith.subf %neg3A_183, %get3A_85 : vector<16xf32>
      %mul3A_185 = arith.mulf %neg3A_184, %mul3A_181 : vector<16xf32>
      %add3A_186 = arith.addf %mul3A_185, %mul3A_181 : vector<16xf32>
      %min3A_187 = arith.minimumf %mul3A_185, %add3A_186 : vector<16xf32>
      %max3A_188 = arith.maximumf %max3A_168, %min3A_187 : vector<16xf32>
      %max3A_189 = arith.maximumf %mul3A_185, %add3A_186 : vector<16xf32>
      %min3A_190 = arith.minimumf %min3A_170, %max3A_189 : vector<16xf32>
      %max3A_191 = arith.constant 0.000000e+00 : f32
      %max3A_192 = vector.broadcast %max3A_191 : f32 to vector<16xf32>
      %max3A_193 = arith.maximumf %max3A_188, %max3A_192 : vector<16xf32>
      %max3A_194 = arith.maximumf %min3A_190, %max3A_193 : vector<16xf32>
      %sub3A_195 = arith.subf %max3A_194, %max3A_193 : vector<16xf32>
      %mul3A_196 = arith.constant 1.562500e-02 : f32
      %mul3A_197 = vector.broadcast %mul3A_196 : f32 to vector<16xf32>
      %mul3A_198 = arith.mulf %sub3A_195, %mul3A_197 : vector<16xf32>
      %swap3A = arith.index_cast %add3A_80 : i32 to index
      %swap3A_199 = tpu.vector_load %arg16[%swap3A] {strides = array<i32>} : memref<2048xf32, #tpu.memory_space<vmem>>, vector<16xf32>,
      tpu.vector_store %arg16[%swap3A], %mul3A_198 {strides = array<i32>} : memref<2048xf32, #tpu.memory_space<vmem>>, vector<16xf32>,
      %mul3A_200 = arith.constant 5.000000e-01 : f32
      %mul3A_201 = vector.broadcast %mul3A_200 : f32 to vector<16xf32>
      %mul3A_202 = arith.mulf %mul3A_201, %mul3A_198 : vector<16xf32>
      %add3A_203 = arith.addf %max3A_193, %mul3A_202 : vector<16xf32>
      %mul3A_204 = arith.mulf %add3A_203, %mul3A_129 : vector<16xf32>
      %add3A_205 = arith.addf %get3A_81, %mul3A_204 : vector<16xf32>
      %mul3A_206 = arith.constant 1.280000e+02 : f32
      %mul3A_207 = vector.broadcast %mul3A_206 : f32 to vector<16xf32>
      %mul3A_208 = arith.mulf %add3A_205, %mul3A_207 : vector<16xf32>
      %mul3A_209 = arith.mulf %add3A_203, %mul3A_130 : vector<16xf32>
      %add3A_210 = arith.addf %get3A_83, %mul3A_209 : vector<16xf32>
      %mul3A_211 = arith.constant 1.280000e+02 : f32
      %mul3A_212 = vector.broadcast %mul3A_211 : f32 to vector<16xf32>
      %mul3A_213 = arith.mulf %add3A_210, %mul3A_212 : vector<16xf32>
      %mul3A_214 = arith.mulf %add3A_203, %mul3A_131 : vector<16xf32>
      %add3A_215 = arith.addf %get3A_85, %mul3A_214 : vector<16xf32>
      %mul3A_216 = arith.constant 1.280000e+02 : f32
      %mul3A_217 = vector.broadcast %mul3A_216 : f32 to vector<16xf32>
      %mul3A_218 = arith.mulf %add3A_215, %mul3A_217 : vector<16xf32>
      %mul3A_219 = arith.mulf %mul3A_198, %mul3A_129 : vector<16xf32>
      %mul3A_220 = arith.constant 1.280000e+02 : f32
      %mul3A_221 = vector.broadcast %mul3A_220 : f32 to vector<16xf32>
      %mul3A_222 = arith.mulf %mul3A_219, %mul3A_221 : vector<16xf32>
      %mul3A_223 = arith.mulf %mul3A_198, %mul3A_130 : vector<16xf32>
      %mul3A_224 = arith.constant 1.280000e+02 : f32
      %mul3A_225 = vector.broadcast %mul3A_224 : f32 to vector<16xf32>
      %mul3A_226 = arith.mulf %mul3A_223, %mul3A_225 : vector<16xf32>
      %mul3A_227 = arith.mulf %mul3A_198, %mul3A_131 : vector<16xf32>
      %mul3A_228 = arith.constant 1.280000e+02 : f32
      %mul3A_229 = vector.broadcast %mul3A_228 : f32 to vector<16xf32>
      %mul3A_230 = arith.mulf %mul3A_227, %mul3A_229 : vector<16xf32>
      %scan3A_231 = arith.constant 0 : i32
      %scan3A_232 = arith.constant 64 : i32
      %scan3A_233 = arith.addi %scan3A_231, %scan3A_232 : i32
      %scan3A_234 = arith.constant 4 : i32
      %scan3A_235:3 = scf.for %scan3A_238 = %scan3A_231 to %scan3A_233 step %scan3A_234 iter_args(%scan3A_239 = %mul3A_208, %scan3A_240 = %mul3A_213, %scan3A_241 = %mul3A_218) -> (vector<16xf32>, vector<16xf32>, vector<16xf32>)  : i32 {
        %min3A_242 = arith.constant 1.270000e+02 : f32
        %min3A_243 = vector.broadcast %min3A_242 : f32 to vector<16xf32>
        %min3A_244 = arith.minimumf %scan3A_239, %min3A_243 : vector<16xf32>
        %convert_element_type3A = arith.fptosi %min3A_244 : vector<16xf32> to vector<16xi32>
        %min3A_245 = arith.constant 1.270000e+02 : f32
        %min3A_246 = vector.broadcast %min3A_245 : f32 to vector<16xf32>
        %min3A_247 = arith.minimumf %scan3A_240, %min3A_246 : vector<16xf32>
        %convert_element_type3A_248 = arith.fptosi %min3A_247 : vector<16xf32> to vector<16xi32>
        %min3A_249 = arith.constant 1.270000e+02 : f32
        %min3A_250 = vector.broadcast %min3A_249 : f32 to vector<16xf32>
        %min3A_251 = arith.minimumf %scan3A_241, %min3A_250 : vector<16xf32>
        %convert_element_type3A_252 = arith.fptosi %min3A_251 : vector<16xf32> to vector<16xi32>
        %mul3A_253 = arith.constant 128 : i32
        %mul3A_254 = vector.broadcast %mul3A_253 : i32 to vector<16xi32>
        %mul3A_255 = arith.muli %convert_element_type3A, %mul3A_254 : vector<16xi32>
        %add3A_256 = arith.addi %mul3A_255, %convert_element_type3A_248 : vector<16xi32>
        %mul3A_257 = arith.constant 128 : i32
        %mul3A_258 = vector.broadcast %mul3A_257 : i32 to vector<16xi32>
        %mul3A_259 = arith.muli %add3A_256, %mul3A_258 : vector<16xi32>
        %add3A_260 = arith.addi %mul3A_259, %convert_element_type3A_252 : vector<16xi32>
        %mul3A_261 = arith.constant 64 : i32
        %mul3A_262 = arith.muli %scan3A_238, %mul3A_261 : i32
        %add3A_263 = arith.constant 0 : i32
        %add3A_264 = arith.addi %add3A_263, %mul3A_262 : i32
        %mul3A_265 = arith.constant 16 : i32
        %mul3A_266 = arith.muli %scan3A_75, %mul3A_265 : i32
        %add3A_267 = arith.addi %add3A_264, %mul3A_266 : i32
        %shift_right_logical3A = arith.constant 1 : i32
        %shift_right_logical3A_268 = vector.broadcast %shift_right_logical3A : i32 to vector<16xi32>
        %shift_right_logical3A_269 = arith.shrui %add3A_260, %shift_right_logical3A_268 : vector<16xi32>
        %swap3A_270 = arith.index_cast %add3A_267 : i32 to index
        %swap3A_271 = tpu.vector_load %arg17[%swap3A_270] {strides = array<i32>} : memref<8192xi32, #tpu.memory_space<vmem>>, vector<16xi32>,
        tpu.vector_store %arg17[%swap3A_270], %shift_right_logical3A_269 {strides = array<i32>} : memref<8192xi32, #tpu.memory_space<vmem>>, vector<16xi32>,
        %and3A = arith.constant 1 : i32
        %and3A_272 = vector.broadcast %and3A : i32 to vector<16xi32>
        %and3A_273 = arith.andi %add3A_260, %and3A_272 : vector<16xi32>
        %shift_left3A = arith.constant 2 : i32
        %shift_left3A_274 = vector.broadcast %shift_left3A : i32 to vector<16xi32>
        %shift_left3A_275 = arith.shli %and3A_273, %shift_left3A_274 : vector<16xi32>
        %swap3A_276 = arith.index_cast %add3A_267 : i32 to index
        %swap3A_277 = tpu.vector_load %arg18[%swap3A_276] {strides = array<i32>} : memref<8192xi32, #tpu.memory_space<vmem>>, vector<16xi32>,
        tpu.vector_store %arg18[%swap3A_276], %shift_left3A_275 {strides = array<i32>} : memref<8192xi32, #tpu.memory_space<vmem>>, vector<16xi32>,
        %add3A_278 = arith.addf %scan3A_239, %mul3A_222 : vector<16xf32>
        %add3A_279 = arith.addf %scan3A_240, %mul3A_226 : vector<16xf32>
        %add3A_280 = arith.addf %scan3A_241, %mul3A_230 : vector<16xf32>
        %scan3A_281 = arith.constant 1 : i32
        %scan3A_282 = arith.addi %scan3A_238, %scan3A_281 : i32
        %min3A_283 = arith.constant 1.270000e+02 : f32
        %min3A_284 = vector.broadcast %min3A_283 : f32 to vector<16xf32>
        %min3A_285 = arith.minimumf %add3A_278, %min3A_284 : vector<16xf32>
        %convert_element_type3A_286 = arith.fptosi %min3A_285 : vector<16xf32> to vector<16xi32>
        %min3A_287 = arith.constant 1.270000e+02 : f32
        %min3A_288 = vector.broadcast %min3A_287 : f32 to vector<16xf32>
        %min3A_289 = arith.minimumf %add3A_279, %min3A_288 : vector<16xf32>
        %convert_element_type3A_290 = arith.fptosi %min3A_289 : vector<16xf32> to vector<16xi32>
        %min3A_291 = arith.constant 1.270000e+02 : f32
        %min3A_292 = vector.broadcast %min3A_291 : f32 to vector<16xf32>
        %min3A_293 = arith.minimumf %add3A_280, %min3A_292 : vector<16xf32>
        %convert_element_type3A_294 = arith.fptosi %min3A_293 : vector<16xf32> to vector<16xi32>
        %mul3A_295 = arith.constant 128 : i32
        %mul3A_296 = vector.broadcast %mul3A_295 : i32 to vector<16xi32>
        %mul3A_297 = arith.muli %convert_element_type3A_286, %mul3A_296 : vector<16xi32>
        %add3A_298 = arith.addi %mul3A_297, %convert_element_type3A_290 : vector<16xi32>
        %mul3A_299 = arith.constant 128 : i32
        %mul3A_300 = vector.broadcast %mul3A_299 : i32 to vector<16xi32>
        %mul3A_301 = arith.muli %add3A_298, %mul3A_300 : vector<16xi32>
        %add3A_302 = arith.addi %mul3A_301, %convert_element_type3A_294 : vector<16xi32>
        %mul3A_303 = arith.constant 64 : i32
        %mul3A_304 = arith.muli %scan3A_282, %mul3A_303 : i32
        %add3A_305 = arith.constant 0 : i32
        %add3A_306 = arith.addi %add3A_305, %mul3A_304 : i32
        %mul3A_307 = arith.constant 16 : i32
        %mul3A_308 = arith.muli %scan3A_75, %mul3A_307 : i32
        %add3A_309 = arith.addi %add3A_306, %mul3A_308 : i32
        %shift_right_logical3A_310 = arith.constant 1 : i32
        %shift_right_logical3A_311 = vector.broadcast %shift_right_logical3A_310 : i32 to vector<16xi32>
        %shift_right_logical3A_312 = arith.shrui %add3A_302, %shift_right_logical3A_311 : vector<16xi32>
        %swap3A_313 = arith.index_cast %add3A_309 : i32 to index
        %swap3A_314 = tpu.vector_load %arg17[%swap3A_313] {strides = array<i32>} : memref<8192xi32, #tpu.memory_space<vmem>>, vector<16xi32>,
        tpu.vector_store %arg17[%swap3A_313], %shift_right_logical3A_312 {strides = array<i32>} : memref<8192xi32, #tpu.memory_space<vmem>>, vector<16xi32>,
        %and3A_315 = arith.constant 1 : i32
        %and3A_316 = vector.broadcast %and3A_315 : i32 to vector<16xi32>
        %and3A_317 = arith.andi %add3A_302, %and3A_316 : vector<16xi32>
        %shift_left3A_318 = arith.constant 2 : i32
        %shift_left3A_319 = vector.broadcast %shift_left3A_318 : i32 to vector<16xi32>
        %shift_left3A_320 = arith.shli %and3A_317, %shift_left3A_319 : vector<16xi32>
        %swap3A_321 = arith.index_cast %add3A_309 : i32 to index
        %swap3A_322 = tpu.vector_load %arg18[%swap3A_321] {strides = array<i32>} : memref<8192xi32, #tpu.memory_space<vmem>>, vector<16xi32>,
        tpu.vector_store %arg18[%swap3A_321], %shift_left3A_320 {strides = array<i32>} : memref<8192xi32, #tpu.memory_space<vmem>>, vector<16xi32>,
        %add3A_323 = arith.addf %add3A_278, %mul3A_222 : vector<16xf32>
        %add3A_324 = arith.addf %add3A_279, %mul3A_226 : vector<16xf32>
        %add3A_325 = arith.addf %add3A_280, %mul3A_230 : vector<16xf32>
        %scan3A_326 = arith.constant 2 : i32
        %scan3A_327 = arith.addi %scan3A_238, %scan3A_326 : i32
        %min3A_328 = arith.constant 1.270000e+02 : f32
        %min3A_329 = vector.broadcast %min3A_328 : f32 to vector<16xf32>
        %min3A_330 = arith.minimumf %add3A_323, %min3A_329 : vector<16xf32>
        %convert_element_type3A_331 = arith.fptosi %min3A_330 : vector<16xf32> to vector<16xi32>
        %min3A_332 = arith.constant 1.270000e+02 : f32
        %min3A_333 = vector.broadcast %min3A_332 : f32 to vector<16xf32>
        %min3A_334 = arith.minimumf %add3A_324, %min3A_333 : vector<16xf32>
        %convert_element_type3A_335 = arith.fptosi %min3A_334 : vector<16xf32> to vector<16xi32>
        %min3A_336 = arith.constant 1.270000e+02 : f32
        %min3A_337 = vector.broadcast %min3A_336 : f32 to vector<16xf32>
        %min3A_338 = arith.minimumf %add3A_325, %min3A_337 : vector<16xf32>
        %convert_element_type3A_339 = arith.fptosi %min3A_338 : vector<16xf32> to vector<16xi32>
        %mul3A_340 = arith.constant 128 : i32
        %mul3A_341 = vector.broadcast %mul3A_340 : i32 to vector<16xi32>
        %mul3A_342 = arith.muli %convert_element_type3A_331, %mul3A_341 : vector<16xi32>
        %add3A_343 = arith.addi %mul3A_342, %convert_element_type3A_335 : vector<16xi32>
        %mul3A_344 = arith.constant 128 : i32
        %mul3A_345 = vector.broadcast %mul3A_344 : i32 to vector<16xi32>
        %mul3A_346 = arith.muli %add3A_343, %mul3A_345 : vector<16xi32>
        %add3A_347 = arith.addi %mul3A_346, %convert_element_type3A_339 : vector<16xi32>
        %mul3A_348 = arith.constant 64 : i32
        %mul3A_349 = arith.muli %scan3A_327, %mul3A_348 : i32
        %add3A_350 = arith.constant 0 : i32
        %add3A_351 = arith.addi %add3A_350, %mul3A_349 : i32
        %mul3A_352 = arith.constant 16 : i32
        %mul3A_353 = arith.muli %scan3A_75, %mul3A_352 : i32
        %add3A_354 = arith.addi %add3A_351, %mul3A_353 : i32
        %shift_right_logical3A_355 = arith.constant 1 : i32
        %shift_right_logical3A_356 = vector.broadcast %shift_right_logical3A_355 : i32 to vector<16xi32>
        %shift_right_logical3A_357 = arith.shrui %add3A_347, %shift_right_logical3A_356 : vector<16xi32>
        %swap3A_358 = arith.index_cast %add3A_354 : i32 to index
        %swap3A_359 = tpu.vector_load %arg17[%swap3A_358] {strides = array<i32>} : memref<8192xi32, #tpu.memory_space<vmem>>, vector<16xi32>,
        tpu.vector_store %arg17[%swap3A_358], %shift_right_logical3A_357 {strides = array<i32>} : memref<8192xi32, #tpu.memory_space<vmem>>, vector<16xi32>,
        %and3A_360 = arith.constant 1 : i32
        %and3A_361 = vector.broadcast %and3A_360 : i32 to vector<16xi32>
        %and3A_362 = arith.andi %add3A_347, %and3A_361 : vector<16xi32>
        %shift_left3A_363 = arith.constant 2 : i32
        %shift_left3A_364 = vector.broadcast %shift_left3A_363 : i32 to vector<16xi32>
        %shift_left3A_365 = arith.shli %and3A_362, %shift_left3A_364 : vector<16xi32>
        %swap3A_366 = arith.index_cast %add3A_354 : i32 to index
        %swap3A_367 = tpu.vector_load %arg18[%swap3A_366] {strides = array<i32>} : memref<8192xi32, #tpu.memory_space<vmem>>, vector<16xi32>,
        tpu.vector_store %arg18[%swap3A_366], %shift_left3A_365 {strides = array<i32>} : memref<8192xi32, #tpu.memory_space<vmem>>, vector<16xi32>,
        %add3A_368 = arith.addf %add3A_323, %mul3A_222 : vector<16xf32>
        %add3A_369 = arith.addf %add3A_324, %mul3A_226 : vector<16xf32>
        %add3A_370 = arith.addf %add3A_325, %mul3A_230 : vector<16xf32>
        %scan3A_371 = arith.constant 3 : i32
        %scan3A_372 = arith.addi %scan3A_238, %scan3A_371 : i32
        %min3A_373 = arith.constant 1.270000e+02 : f32
        %min3A_374 = vector.broadcast %min3A_373 : f32 to vector<16xf32>
        %min3A_375 = arith.minimumf %add3A_368, %min3A_374 : vector<16xf32>
        %convert_element_type3A_376 = arith.fptosi %min3A_375 : vector<16xf32> to vector<16xi32>
        %min3A_377 = arith.constant 1.270000e+02 : f32
        %min3A_378 = vector.broadcast %min3A_377 : f32 to vector<16xf32>
        %min3A_379 = arith.minimumf %add3A_369, %min3A_378 : vector<16xf32>
        %convert_element_type3A_380 = arith.fptosi %min3A_379 : vector<16xf32> to vector<16xi32>
        %min3A_381 = arith.constant 1.270000e+02 : f32
        %min3A_382 = vector.broadcast %min3A_381 : f32 to vector<16xf32>
        %min3A_383 = arith.minimumf %add3A_370, %min3A_382 : vector<16xf32>
        %convert_element_type3A_384 = arith.fptosi %min3A_383 : vector<16xf32> to vector<16xi32>
        %mul3A_385 = arith.constant 128 : i32
        %mul3A_386 = vector.broadcast %mul3A_385 : i32 to vector<16xi32>
        %mul3A_387 = arith.muli %convert_element_type3A_376, %mul3A_386 : vector<16xi32>
        %add3A_388 = arith.addi %mul3A_387, %convert_element_type3A_380 : vector<16xi32>
        %mul3A_389 = arith.constant 128 : i32
        %mul3A_390 = vector.broadcast %mul3A_389 : i32 to vector<16xi32>
        %mul3A_391 = arith.muli %add3A_388, %mul3A_390 : vector<16xi32>
        %add3A_392 = arith.addi %mul3A_391, %convert_element_type3A_384 : vector<16xi32>
        %mul3A_393 = arith.constant 64 : i32
        %mul3A_394 = arith.muli %scan3A_372, %mul3A_393 : i32
        %add3A_395 = arith.constant 0 : i32
        %add3A_396 = arith.addi %add3A_395, %mul3A_394 : i32
        %mul3A_397 = arith.constant 16 : i32
        %mul3A_398 = arith.muli %scan3A_75, %mul3A_397 : i32
        %add3A_399 = arith.addi %add3A_396, %mul3A_398 : i32
        %shift_right_logical3A_400 = arith.constant 1 : i32
        %shift_right_logical3A_401 = vector.broadcast %shift_right_logical3A_400 : i32 to vector<16xi32>
        %shift_right_logical3A_402 = arith.shrui %add3A_392, %shift_right_logical3A_401 : vector<16xi32>
        %swap3A_403 = arith.index_cast %add3A_399 : i32 to index
        %swap3A_404 = tpu.vector_load %arg17[%swap3A_403] {strides = array<i32>} : memref<8192xi32, #tpu.memory_space<vmem>>, vector<16xi32>,
        tpu.vector_store %arg17[%swap3A_403], %shift_right_logical3A_402 {strides = array<i32>} : memref<8192xi32, #tpu.memory_space<vmem>>, vector<16xi32>,
        %and3A_405 = arith.constant 1 : i32
        %and3A_406 = vector.broadcast %and3A_405 : i32 to vector<16xi32>
        %and3A_407 = arith.andi %add3A_392, %and3A_406 : vector<16xi32>
        %shift_left3A_408 = arith.constant 2 : i32
        %shift_left3A_409 = vector.broadcast %shift_left3A_408 : i32 to vector<16xi32>
        %shift_left3A_410 = arith.shli %and3A_407, %shift_left3A_409 : vector<16xi32>
        %swap3A_411 = arith.index_cast %add3A_399 : i32 to index
        %swap3A_412 = tpu.vector_load %arg18[%swap3A_411] {strides = array<i32>} : memref<8192xi32, #tpu.memory_space<vmem>>, vector<16xi32>,
        tpu.vector_store %arg18[%swap3A_411], %shift_left3A_410 {strides = array<i32>} : memref<8192xi32, #tpu.memory_space<vmem>>, vector<16xi32>,
        %add3A_413 = arith.addf %add3A_368, %mul3A_222 : vector<16xf32>
        %add3A_414 = arith.addf %add3A_369, %mul3A_226 : vector<16xf32>
        %add3A_415 = arith.addf %add3A_370, %mul3A_230 : vector<16xf32>
        scf.yield %add3A_413, %add3A_414, %add3A_415 : vector<16xf32>, vector<16xf32>, vector<16xf32>
      }
      %scan3A_236 = arith.constant 64 : i32
      %scan3A_237 = arith.constant 0 : i32
      scf.yield %scan3A_237 : i32
    }
    %scan3A_30 = arith.constant 4 : i32
    %scan3A_31 = arith.constant 0 : i32
    %scan3A_32 = arith.constant 0 : i32
    %scan3A_33 = arith.constant 32 : i32
    %scan3A_34 = arith.addi %scan3A_32, %scan3A_33 : i32
    %scan3A_35 = arith.constant 1 : i32
    %scan3A_36 = scf.for %scan3A_75 = %scan3A_32 to %scan3A_34 step %scan3A_35 iter_args(%scan3A_76 = %scan3A_31) -> (i32)  : i32 {
      %mul3A_77 = arith.constant 128 : i32
      %mul3A_78 = arith.muli %scan3A_75, %mul3A_77 : i32
      %add3A_79 = arith.constant 0 : i32
      %add3A_80 = arith.addi %add3A_79, %mul3A_78 : i32
      %dma_start3A_81 = arith.constant 0 : i32
      %dma_start3A_82 = tpu.memref_slice %arg19[%add3A_80, %dma_start3A_81] : memref<8192x8xf32, #tpu.memory_space<vmem>> -> memref<128x8xf32, #tpu.memory_space<vmem>>
      %dma_start3A_83 = tpu.memref_slice %arg17[%add3A_80] : memref<8192xi32, #tpu.memory_space<vmem>> -> memref<128xi32, #tpu.memory_space<vmem>>
      %dma_start3A_84 = arith.constant 0 : i32
      %dma_start3A_85 = arith.constant 0 : i32
      %dma_start3A_86 = tpu.memref_slice %arg8[%dma_start3A_84, %dma_start3A_85] : memref<1048576x8xf32, #tpu.memory_space<hbm>> -> memref<1048576x8xf32, #tpu.memory_space<hbm>>
      tpu.enqueue_indirect_dma source(%dma_start3A_86 : memref<1048576x8xf32, #tpu.memory_space<hbm>>) target(%dma_start3A_82 : memref<128x8xf32, #tpu.memory_space<vmem>>) offsets(%dma_start3A_83 : memref<128xi32, #tpu.memory_space<vmem>>) semaphore(%arg21 : memref<!tpu.dma_semaphore, #tpu.memory_space<semaphore_mem>>)
      %scan3A_87 = arith.constant 0 : i32
      scf.yield %scan3A_87 : i32
    }
    %scan3A_37 = arith.constant 32 : i32
    %scan3A_38 = arith.constant 0 : i32
    %scan3A_39 = arith.constant 0 : i32
    %scan3A_40 = arith.constant 16 : i32
    %scan3A_41 = arith.addi %scan3A_39, %scan3A_40 : i32
    %scan3A_42 = arith.constant 1 : i32
    %scan3A_43 = scf.for %scan3A_75 = %scan3A_39 to %scan3A_41 step %scan3A_42 iter_args(%scan3A_76 = %scan3A_38) -> (i32)  : i32 {
      %mul3A_77 = arith.constant 2 : i32
      %mul3A_78 = arith.muli %mul3A_77, %scan3A_75 : i32
      %add3A_79 = arith.constant 1 : i32
      %add3A_80 = arith.addi %mul3A_78, %add3A_79 : i32
      %mul3A_81 = arith.constant 64 : i32
      %mul3A_82 = arith.muli %add3A_80, %mul3A_81 : i32
      %scan3A_83 = arith.constant 0 : i32
      %scan3A_84 = arith.constant 0 : i32
      %scan3A_85 = arith.constant 4 : i32
      %scan3A_86 = arith.addi %scan3A_84, %scan3A_85 : i32
      %scan3A_87 = arith.constant 1 : i32
      %scan3A_88 = scf.for %scan3A_175 = %scan3A_84 to %scan3A_86 step %scan3A_87 iter_args(%scan3A_176 = %scan3A_83) -> (i32)  : i32 {
        %mul3A_177 = arith.constant 16 : i32
        %mul3A_178 = arith.muli %scan3A_175, %mul3A_177 : i32
        %add3A_179 = arith.addi %mul3A_82, %mul3A_178 : i32
        %get3A = arith.index_cast %add3A_179 : i32 to index
        %get3A_180 = tpu.vector_load %arg10[%get3A] {strides = array<i32>} : memref<2048xf32, #tpu.memory_space<vmem>>, vector<16xf32>,
        %get3A_181 = arith.index_cast %add3A_179 : i32 to index
        %get3A_182 = tpu.vector_load %arg11[%get3A_181] {strides = array<i32>} : memref<2048xf32, #tpu.memory_space<vmem>>, vector<16xf32>,
        %get3A_183 = arith.index_cast %add3A_179 : i32 to index
        %get3A_184 = tpu.vector_load %arg12[%get3A_183] {strides = array<i32>} : memref<2048xf32, #tpu.memory_space<vmem>>, vector<16xf32>,
        %get3A_185 = arith.index_cast %add3A_179 : i32 to index
        %get3A_186 = tpu.vector_load %arg13[%get3A_185] {strides = array<i32>} : memref<2048xf32, #tpu.memory_space<vmem>>, vector<16xf32>,
        %get3A_187 = arith.index_cast %add3A_179 : i32 to index
        %get3A_188 = tpu.vector_load %arg14[%get3A_187] {strides = array<i32>} : memref<2048xf32, #tpu.memory_space<vmem>>, vector<16xf32>,
        %get3A_189 = arith.index_cast %add3A_179 : i32 to index
        %get3A_190 = tpu.vector_load %arg15[%get3A_189] {strides = array<i32>} : memref<2048xf32, #tpu.memory_space<vmem>>, vector<16xf32>,
        %mul3A_191 = arith.mulf %get3A_186, %get3A_186 : vector<16xf32>
        %mul3A_192 = arith.mulf %get3A_188, %get3A_188 : vector<16xf32>
        %add3A_193 = arith.addf %mul3A_191, %mul3A_192 : vector<16xf32>
        %mul3A_194 = arith.mulf %get3A_190, %get3A_190 : vector<16xf32>
        %add3A_195 = arith.addf %add3A_193, %mul3A_194 : vector<16xf32>
        %bitcast_convert_type3A = tpu.bitcast %add3A_195 : vector<16xf32> -> vector<16xi32>
        %shift_right_arithmetic3A = arith.constant 1 : i32
        %shift_right_arithmetic3A_196 = vector.broadcast %shift_right_arithmetic3A : i32 to vector<16xi32>
        %shift_right_arithmetic3A_197 = arith.shrsi %bitcast_convert_type3A, %shift_right_arithmetic3A_196 : vector<16xi32>
        %sub3A = arith.constant 1597463007 : i32
        %sub3A_198 = vector.broadcast %sub3A : i32 to vector<16xi32>
        %sub3A_199 = arith.subi %sub3A_198, %shift_right_arithmetic3A_197 : vector<16xi32>
        %bitcast_convert_type3A_200 = tpu.bitcast %sub3A_199 : vector<16xi32> -> vector<16xf32>
        %mul3A_201 = arith.constant 5.000000e-01 : f32
        %mul3A_202 = vector.broadcast %mul3A_201 : f32 to vector<16xf32>
        %mul3A_203 = arith.mulf %mul3A_202, %add3A_195 : vector<16xf32>
        %mul3A_204 = arith.mulf %mul3A_203, %bitcast_convert_type3A_200 : vector<16xf32>
        %mul3A_205 = arith.mulf %mul3A_204, %bitcast_convert_type3A_200 : vector<16xf32>
        %sub3A_206 = arith.constant 1.500000e+00 : f32
        %sub3A_207 = vector.broadcast %sub3A_206 : f32 to vector<16xf32>
        %sub3A_208 = arith.subf %sub3A_207, %mul3A_205 : vector<16xf32>
        %mul3A_209 = arith.mulf %bitcast_convert_type3A_200, %sub3A_208 : vector<16xf32>
        %mul3A_210 = arith.constant 5.000000e-01 : f32
        %mul3A_211 = vector.broadcast %mul3A_210 : f32 to vector<16xf32>
        %mul3A_212 = arith.mulf %mul3A_211, %add3A_195 : vector<16xf32>
        %mul3A_213 = arith.mulf %mul3A_212, %mul3A_209 : vector<16xf32>
        %mul3A_214 = arith.mulf %mul3A_213, %mul3A_209 : vector<16xf32>
        %sub3A_215 = arith.constant 1.500000e+00 : f32
        %sub3A_216 = vector.broadcast %sub3A_215 : f32 to vector<16xf32>
        %sub3A_217 = arith.subf %sub3A_216, %mul3A_214 : vector<16xf32>
        %mul3A_218 = arith.mulf %mul3A_209, %sub3A_217 : vector<16xf32>
        %mul3A_219 = arith.constant 5.000000e-01 : f32
        %mul3A_220 = vector.broadcast %mul3A_219 : f32 to vector<16xf32>
        %mul3A_221 = arith.mulf %mul3A_220, %add3A_195 : vector<16xf32>
        %mul3A_222 = arith.mulf %mul3A_221, %mul3A_218 : vector<16xf32>
        %mul3A_223 = arith.mulf %mul3A_222, %mul3A_218 : vector<16xf32>
        %sub3A_224 = arith.constant 1.500000e+00 : f32
        %sub3A_225 = vector.broadcast %sub3A_224 : f32 to vector<16xf32>
        %sub3A_226 = arith.subf %sub3A_225, %mul3A_223 : vector<16xf32>
        %mul3A_227 = arith.mulf %mul3A_218, %sub3A_226 : vector<16xf32>
        %mul3A_228 = arith.mulf %get3A_186, %mul3A_227 : vector<16xf32>
        %mul3A_229 = arith.mulf %get3A_188, %mul3A_227 : vector<16xf32>
        %mul3A_230 = arith.mulf %get3A_190, %mul3A_227 : vector<16xf32>
        %broadcast_in_dim3A = arith.constant 0.000000e+00 : f32
        %broadcast_in_dim3A_231 = vector.broadcast %broadcast_in_dim3A : f32 to vector<16xf32>
        %broadcast_in_dim3A_232 = arith.constant 1.000000e+09 : f32
        %broadcast_in_dim3A_233 = vector.broadcast %broadcast_in_dim3A_232 : f32 to vector<16xf32>
        %add3A_234 = arith.constant 9.99999971E-10 : f32
        %add3A_235 = vector.broadcast %add3A_234 : f32 to vector<16xf32>
        %add3A_236 = arith.addf %mul3A_228, %add3A_235 : vector<16xf32>
        %div3A = arith.constant 1.000000e+00 : f32
        %div3A_237 = vector.broadcast %div3A : f32 to vector<16xf32>
        %div3A_238 = arith.divf %div3A_237, %add3A_236 : vector<16xf32>
        %mul3A_239 = arith.mulf %add3A_236, %div3A_238 : vector<16xf32>
        %sub3A_240 = arith.constant 2.000000e+00 : f32
        %sub3A_241 = vector.broadcast %sub3A_240 : f32 to vector<16xf32>
        %sub3A_242 = arith.subf %sub3A_241, %mul3A_239 : vector<16xf32>
        %mul3A_243 = arith.mulf %div3A_238, %sub3A_242 : vector<16xf32>
        %neg3A = arith.constant 0.000000e+00 : f32
        %neg3A_244 = vector.broadcast %neg3A : f32 to vector<16xf32>
        %neg3A_245 = arith.subf %neg3A_244, %get3A_180 : vector<16xf32>
        %mul3A_246 = arith.mulf %neg3A_245, %mul3A_243 : vector<16xf32>
        %add3A_247 = arith.addf %mul3A_246, %mul3A_243 : vector<16xf32>
        %min3A = arith.minimumf %mul3A_246, %add3A_247 : vector<16xf32>
        %max3A = arith.maximumf %broadcast_in_dim3A_231, %min3A : vector<16xf32>
        %max3A_248 = arith.maximumf %mul3A_246, %add3A_247 : vector<16xf32>
        %min3A_249 = arith.minimumf %broadcast_in_dim3A_233, %max3A_248 : vector<16xf32>
        %add3A_250 = arith.constant 9.99999971E-10 : f32
        %add3A_251 = vector.broadcast %add3A_250 : f32 to vector<16xf32>
        %add3A_252 = arith.addf %mul3A_229, %add3A_251 : vector<16xf32>
        %div3A_253 = arith.constant 1.000000e+00 : f32
        %div3A_254 = vector.broadcast %div3A_253 : f32 to vector<16xf32>
        %div3A_255 = arith.divf %div3A_254, %add3A_252 : vector<16xf32>
        %mul3A_256 = arith.mulf %add3A_252, %div3A_255 : vector<16xf32>
        %sub3A_257 = arith.constant 2.000000e+00 : f32
        %sub3A_258 = vector.broadcast %sub3A_257 : f32 to vector<16xf32>
        %sub3A_259 = arith.subf %sub3A_258, %mul3A_256 : vector<16xf32>
        %mul3A_260 = arith.mulf %div3A_255, %sub3A_259 : vector<16xf32>
        %neg3A_261 = arith.constant 0.000000e+00 : f32
        %neg3A_262 = vector.broadcast %neg3A_261 : f32 to vector<16xf32>
        %neg3A_263 = arith.subf %neg3A_262, %get3A_182 : vector<16xf32>
        %mul3A_264 = arith.mulf %neg3A_263, %mul3A_260 : vector<16xf32>
        %add3A_265 = arith.addf %mul3A_264, %mul3A_260 : vector<16xf32>
        %min3A_266 = arith.minimumf %mul3A_264, %add3A_265 : vector<16xf32>
        %max3A_267 = arith.maximumf %max3A, %min3A_266 : vector<16xf32>
        %max3A_268 = arith.maximumf %mul3A_264, %add3A_265 : vector<16xf32>
        %min3A_269 = arith.minimumf %min3A_249, %max3A_268 : vector<16xf32>
        %add3A_270 = arith.constant 9.99999971E-10 : f32
        %add3A_271 = vector.broadcast %add3A_270 : f32 to vector<16xf32>
        %add3A_272 = arith.addf %mul3A_230, %add3A_271 : vector<16xf32>
        %div3A_273 = arith.constant 1.000000e+00 : f32
        %div3A_274 = vector.broadcast %div3A_273 : f32 to vector<16xf32>
        %div3A_275 = arith.divf %div3A_274, %add3A_272 : vector<16xf32>
        %mul3A_276 = arith.mulf %add3A_272, %div3A_275 : vector<16xf32>
        %sub3A_277 = arith.constant 2.000000e+00 : f32
        %sub3A_278 = vector.broadcast %sub3A_277 : f32 to vector<16xf32>
        %sub3A_279 = arith.subf %sub3A_278, %mul3A_276 : vector<16xf32>
        %mul3A_280 = arith.mulf %div3A_275, %sub3A_279 : vector<16xf32>
        %neg3A_281 = arith.constant 0.000000e+00 : f32
        %neg3A_282 = vector.broadcast %neg3A_281 : f32 to vector<16xf32>
        %neg3A_283 = arith.subf %neg3A_282, %get3A_184 : vector<16xf32>
        %mul3A_284 = arith.mulf %neg3A_283, %mul3A_280 : vector<16xf32>
        %add3A_285 = arith.addf %mul3A_284, %mul3A_280 : vector<16xf32>
        %min3A_286 = arith.minimumf %mul3A_284, %add3A_285 : vector<16xf32>
        %max3A_287 = arith.maximumf %max3A_267, %min3A_286 : vector<16xf32>
        %max3A_288 = arith.maximumf %mul3A_284, %add3A_285 : vector<16xf32>
        %min3A_289 = arith.minimumf %min3A_269, %max3A_288 : vector<16xf32>
        %max3A_290 = arith.constant 0.000000e+00 : f32
        %max3A_291 = vector.broadcast %max3A_290 : f32 to vector<16xf32>
        %max3A_292 = arith.maximumf %max3A_287, %max3A_291 : vector<16xf32>
        %max3A_293 = arith.maximumf %min3A_289, %max3A_292 : vector<16xf32>
        %sub3A_294 = arith.subf %max3A_293, %max3A_292 : vector<16xf32>
        %mul3A_295 = arith.constant 1.562500e-02 : f32
        %mul3A_296 = vector.broadcast %mul3A_295 : f32 to vector<16xf32>
        %mul3A_297 = arith.mulf %sub3A_294, %mul3A_296 : vector<16xf32>
        %swap3A = arith.index_cast %add3A_179 : i32 to index
        %swap3A_298 = tpu.vector_load %arg16[%swap3A] {strides = array<i32>} : memref<2048xf32, #tpu.memory_space<vmem>>, vector<16xf32>,
        tpu.vector_store %arg16[%swap3A], %mul3A_297 {strides = array<i32>} : memref<2048xf32, #tpu.memory_space<vmem>>, vector<16xf32>,
        %mul3A_299 = arith.constant 5.000000e-01 : f32
        %mul3A_300 = vector.broadcast %mul3A_299 : f32 to vector<16xf32>
        %mul3A_301 = arith.mulf %mul3A_300, %mul3A_297 : vector<16xf32>
        %add3A_302 = arith.addf %max3A_292, %mul3A_301 : vector<16xf32>
        %mul3A_303 = arith.mulf %add3A_302, %mul3A_228 : vector<16xf32>
        %add3A_304 = arith.addf %get3A_180, %mul3A_303 : vector<16xf32>
        %mul3A_305 = arith.constant 1.280000e+02 : f32
        %mul3A_306 = vector.broadcast %mul3A_305 : f32 to vector<16xf32>
        %mul3A_307 = arith.mulf %add3A_304, %mul3A_306 : vector<16xf32>
        %mul3A_308 = arith.mulf %add3A_302, %mul3A_229 : vector<16xf32>
        %add3A_309 = arith.addf %get3A_182, %mul3A_308 : vector<16xf32>
        %mul3A_310 = arith.constant 1.280000e+02 : f32
        %mul3A_311 = vector.broadcast %mul3A_310 : f32 to vector<16xf32>
        %mul3A_312 = arith.mulf %add3A_309, %mul3A_311 : vector<16xf32>
        %mul3A_313 = arith.mulf %add3A_302, %mul3A_230 : vector<16xf32>
        %add3A_314 = arith.addf %get3A_184, %mul3A_313 : vector<16xf32>
        %mul3A_315 = arith.constant 1.280000e+02 : f32
        %mul3A_316 = vector.broadcast %mul3A_315 : f32 to vector<16xf32>
        %mul3A_317 = arith.mulf %add3A_314, %mul3A_316 : vector<16xf32>
        %mul3A_318 = arith.mulf %mul3A_297, %mul3A_228 : vector<16xf32>
        %mul3A_319 = arith.constant 1.280000e+02 : f32
        %mul3A_320 = vector.broadcast %mul3A_319 : f32 to vector<16xf32>
        %mul3A_321 = arith.mulf %mul3A_318, %mul3A_320 : vector<16xf32>
        %mul3A_322 = arith.mulf %mul3A_297, %mul3A_229 : vector<16xf32>
        %mul3A_323 = arith.constant 1.280000e+02 : f32
        %mul3A_324 = vector.broadcast %mul3A_323 : f32 to vector<16xf32>
        %mul3A_325 = arith.mulf %mul3A_322, %mul3A_324 : vector<16xf32>
        %mul3A_326 = arith.mulf %mul3A_297, %mul3A_230 : vector<16xf32>
        %mul3A_327 = arith.constant 1.280000e+02 : f32
        %mul3A_328 = vector.broadcast %mul3A_327 : f32 to vector<16xf32>
        %mul3A_329 = arith.mulf %mul3A_326, %mul3A_328 : vector<16xf32>
        %scan3A_330 = arith.constant 0 : i32
        %scan3A_331 = arith.constant 64 : i32
        %scan3A_332 = arith.addi %scan3A_330, %scan3A_331 : i32
        %scan3A_333 = arith.constant 4 : i32
        %scan3A_334:3 = scf.for %scan3A_337 = %scan3A_330 to %scan3A_332 step %scan3A_333 iter_args(%scan3A_338 = %mul3A_307, %scan3A_339 = %mul3A_312, %scan3A_340 = %mul3A_317) -> (vector<16xf32>, vector<16xf32>, vector<16xf32>)  : i32 {
          %min3A_341 = arith.constant 1.270000e+02 : f32
          %min3A_342 = vector.broadcast %min3A_341 : f32 to vector<16xf32>
          %min3A_343 = arith.minimumf %scan3A_338, %min3A_342 : vector<16xf32>
          %convert_element_type3A_344 = arith.fptosi %min3A_343 : vector<16xf32> to vector<16xi32>
          %min3A_345 = arith.constant 1.270000e+02 : f32
          %min3A_346 = vector.broadcast %min3A_345 : f32 to vector<16xf32>
          %min3A_347 = arith.minimumf %scan3A_339, %min3A_346 : vector<16xf32>
          %convert_element_type3A_348 = arith.fptosi %min3A_347 : vector<16xf32> to vector<16xi32>
          %min3A_349 = arith.constant 1.270000e+02 : f32
          %min3A_350 = vector.broadcast %min3A_349 : f32 to vector<16xf32>
          %min3A_351 = arith.minimumf %scan3A_340, %min3A_350 : vector<16xf32>
          %convert_element_type3A_352 = arith.fptosi %min3A_351 : vector<16xf32> to vector<16xi32>
          %mul3A_353 = arith.constant 128 : i32
          %mul3A_354 = vector.broadcast %mul3A_353 : i32 to vector<16xi32>
          %mul3A_355 = arith.muli %convert_element_type3A_344, %mul3A_354 : vector<16xi32>
          %add3A_356 = arith.addi %mul3A_355, %convert_element_type3A_348 : vector<16xi32>
          %mul3A_357 = arith.constant 128 : i32
          %mul3A_358 = vector.broadcast %mul3A_357 : i32 to vector<16xi32>
          %mul3A_359 = arith.muli %add3A_356, %mul3A_358 : vector<16xi32>
          %add3A_360 = arith.addi %mul3A_359, %convert_element_type3A_352 : vector<16xi32>
          %mul3A_361 = arith.constant 64 : i32
          %mul3A_362 = arith.muli %scan3A_337, %mul3A_361 : i32
          %add3A_363 = arith.constant 4096 : i32
          %add3A_364 = arith.addi %add3A_363, %mul3A_362 : i32
          %mul3A_365 = arith.constant 16 : i32
          %mul3A_366 = arith.muli %scan3A_175, %mul3A_365 : i32
          %add3A_367 = arith.addi %add3A_364, %mul3A_366 : i32
          %shift_right_logical3A = arith.constant 1 : i32
          %shift_right_logical3A_368 = vector.broadcast %shift_right_logical3A : i32 to vector<16xi32>
          %shift_right_logical3A_369 = arith.shrui %add3A_360, %shift_right_logical3A_368 : vector<16xi32>
          %swap3A_370 = arith.index_cast %add3A_367 : i32 to index
          %swap3A_371 = tpu.vector_load %arg17[%swap3A_370] {strides = array<i32>} : memref<8192xi32, #tpu.memory_space<vmem>>, vector<16xi32>,
          tpu.vector_store %arg17[%swap3A_370], %shift_right_logical3A_369 {strides = array<i32>} : memref<8192xi32, #tpu.memory_space<vmem>>, vector<16xi32>,
          %and3A = arith.constant 1 : i32
          %and3A_372 = vector.broadcast %and3A : i32 to vector<16xi32>
          %and3A_373 = arith.andi %add3A_360, %and3A_372 : vector<16xi32>
          %shift_left3A = arith.constant 2 : i32
          %shift_left3A_374 = vector.broadcast %shift_left3A : i32 to vector<16xi32>
          %shift_left3A_375 = arith.shli %and3A_373, %shift_left3A_374 : vector<16xi32>
          %swap3A_376 = arith.index_cast %add3A_367 : i32 to index
          %swap3A_377 = tpu.vector_load %arg18[%swap3A_376] {strides = array<i32>} : memref<8192xi32, #tpu.memory_space<vmem>>, vector<16xi32>,
          tpu.vector_store %arg18[%swap3A_376], %shift_left3A_375 {strides = array<i32>} : memref<8192xi32, #tpu.memory_space<vmem>>, vector<16xi32>,
          %add3A_378 = arith.addf %scan3A_338, %mul3A_321 : vector<16xf32>
          %add3A_379 = arith.addf %scan3A_339, %mul3A_325 : vector<16xf32>
          %add3A_380 = arith.addf %scan3A_340, %mul3A_329 : vector<16xf32>
          %scan3A_381 = arith.constant 1 : i32
          %scan3A_382 = arith.addi %scan3A_337, %scan3A_381 : i32
          %min3A_383 = arith.constant 1.270000e+02 : f32
          %min3A_384 = vector.broadcast %min3A_383 : f32 to vector<16xf32>
          %min3A_385 = arith.minimumf %add3A_378, %min3A_384 : vector<16xf32>
          %convert_element_type3A_386 = arith.fptosi %min3A_385 : vector<16xf32> to vector<16xi32>
          %min3A_387 = arith.constant 1.270000e+02 : f32
          %min3A_388 = vector.broadcast %min3A_387 : f32 to vector<16xf32>
          %min3A_389 = arith.minimumf %add3A_379, %min3A_388 : vector<16xf32>
          %convert_element_type3A_390 = arith.fptosi %min3A_389 : vector<16xf32> to vector<16xi32>
          %min3A_391 = arith.constant 1.270000e+02 : f32
          %min3A_392 = vector.broadcast %min3A_391 : f32 to vector<16xf32>
          %min3A_393 = arith.minimumf %add3A_380, %min3A_392 : vector<16xf32>
          %convert_element_type3A_394 = arith.fptosi %min3A_393 : vector<16xf32> to vector<16xi32>
          %mul3A_395 = arith.constant 128 : i32
          %mul3A_396 = vector.broadcast %mul3A_395 : i32 to vector<16xi32>
          %mul3A_397 = arith.muli %convert_element_type3A_386, %mul3A_396 : vector<16xi32>
          %add3A_398 = arith.addi %mul3A_397, %convert_element_type3A_390 : vector<16xi32>
          %mul3A_399 = arith.constant 128 : i32
          %mul3A_400 = vector.broadcast %mul3A_399 : i32 to vector<16xi32>
          %mul3A_401 = arith.muli %add3A_398, %mul3A_400 : vector<16xi32>
          %add3A_402 = arith.addi %mul3A_401, %convert_element_type3A_394 : vector<16xi32>
          %mul3A_403 = arith.constant 64 : i32
          %mul3A_404 = arith.muli %scan3A_382, %mul3A_403 : i32
          %add3A_405 = arith.constant 4096 : i32
          %add3A_406 = arith.addi %add3A_405, %mul3A_404 : i32
          %mul3A_407 = arith.constant 16 : i32
          %mul3A_408 = arith.muli %scan3A_175, %mul3A_407 : i32
          %add3A_409 = arith.addi %add3A_406, %mul3A_408 : i32
          %shift_right_logical3A_410 = arith.constant 1 : i32
          %shift_right_logical3A_411 = vector.broadcast %shift_right_logical3A_410 : i32 to vector<16xi32>
          %shift_right_logical3A_412 = arith.shrui %add3A_402, %shift_right_logical3A_411 : vector<16xi32>
          %swap3A_413 = arith.index_cast %add3A_409 : i32 to index
          %swap3A_414 = tpu.vector_load %arg17[%swap3A_413] {strides = array<i32>} : memref<8192xi32, #tpu.memory_space<vmem>>, vector<16xi32>,
          tpu.vector_store %arg17[%swap3A_413], %shift_right_logical3A_412 {strides = array<i32>} : memref<8192xi32, #tpu.memory_space<vmem>>, vector<16xi32>,
          %and3A_415 = arith.constant 1 : i32
          %and3A_416 = vector.broadcast %and3A_415 : i32 to vector<16xi32>
          %and3A_417 = arith.andi %add3A_402, %and3A_416 : vector<16xi32>
          %shift_left3A_418 = arith.constant 2 : i32
          %shift_left3A_419 = vector.broadcast %shift_left3A_418 : i32 to vector<16xi32>
          %shift_left3A_420 = arith.shli %and3A_417, %shift_left3A_419 : vector<16xi32>
          %swap3A_421 = arith.index_cast %add3A_409 : i32 to index
          %swap3A_422 = tpu.vector_load %arg18[%swap3A_421] {strides = array<i32>} : memref<8192xi32, #tpu.memory_space<vmem>>, vector<16xi32>,
          tpu.vector_store %arg18[%swap3A_421], %shift_left3A_420 {strides = array<i32>} : memref<8192xi32, #tpu.memory_space<vmem>>, vector<16xi32>,
          %add3A_423 = arith.addf %add3A_378, %mul3A_321 : vector<16xf32>
          %add3A_424 = arith.addf %add3A_379, %mul3A_325 : vector<16xf32>
          %add3A_425 = arith.addf %add3A_380, %mul3A_329 : vector<16xf32>
          %scan3A_426 = arith.constant 2 : i32
          %scan3A_427 = arith.addi %scan3A_337, %scan3A_426 : i32
          %min3A_428 = arith.constant 1.270000e+02 : f32
          %min3A_429 = vector.broadcast %min3A_428 : f32 to vector<16xf32>
          %min3A_430 = arith.minimumf %add3A_423, %min3A_429 : vector<16xf32>
          %convert_element_type3A_431 = arith.fptosi %min3A_430 : vector<16xf32> to vector<16xi32>
          %min3A_432 = arith.constant 1.270000e+02 : f32
          %min3A_433 = vector.broadcast %min3A_432 : f32 to vector<16xf32>
          %min3A_434 = arith.minimumf %add3A_424, %min3A_433 : vector<16xf32>
          %convert_element_type3A_435 = arith.fptosi %min3A_434 : vector<16xf32> to vector<16xi32>
          %min3A_436 = arith.constant 1.270000e+02 : f32
          %min3A_437 = vector.broadcast %min3A_436 : f32 to vector<16xf32>
          %min3A_438 = arith.minimumf %add3A_425, %min3A_437 : vector<16xf32>
          %convert_element_type3A_439 = arith.fptosi %min3A_438 : vector<16xf32> to vector<16xi32>
          %mul3A_440 = arith.constant 128 : i32
          %mul3A_441 = vector.broadcast %mul3A_440 : i32 to vector<16xi32>
          %mul3A_442 = arith.muli %convert_element_type3A_431, %mul3A_441 : vector<16xi32>
          %add3A_443 = arith.addi %mul3A_442, %convert_element_type3A_435 : vector<16xi32>
          %mul3A_444 = arith.constant 128 : i32
          %mul3A_445 = vector.broadcast %mul3A_444 : i32 to vector<16xi32>
          %mul3A_446 = arith.muli %add3A_443, %mul3A_445 : vector<16xi32>
          %add3A_447 = arith.addi %mul3A_446, %convert_element_type3A_439 : vector<16xi32>
          %mul3A_448 = arith.constant 64 : i32
          %mul3A_449 = arith.muli %scan3A_427, %mul3A_448 : i32
          %add3A_450 = arith.constant 4096 : i32
          %add3A_451 = arith.addi %add3A_450, %mul3A_449 : i32
          %mul3A_452 = arith.constant 16 : i32
          %mul3A_453 = arith.muli %scan3A_175, %mul3A_452 : i32
          %add3A_454 = arith.addi %add3A_451, %mul3A_453 : i32
          %shift_right_logical3A_455 = arith.constant 1 : i32
          %shift_right_logical3A_456 = vector.broadcast %shift_right_logical3A_455 : i32 to vector<16xi32>
          %shift_right_logical3A_457 = arith.shrui %add3A_447, %shift_right_logical3A_456 : vector<16xi32>
          %swap3A_458 = arith.index_cast %add3A_454 : i32 to index
          %swap3A_459 = tpu.vector_load %arg17[%swap3A_458] {strides = array<i32>} : memref<8192xi32, #tpu.memory_space<vmem>>, vector<16xi32>,
          tpu.vector_store %arg17[%swap3A_458], %shift_right_logical3A_457 {strides = array<i32>} : memref<8192xi32, #tpu.memory_space<vmem>>, vector<16xi32>,
          %and3A_460 = arith.constant 1 : i32
          %and3A_461 = vector.broadcast %and3A_460 : i32 to vector<16xi32>
          %and3A_462 = arith.andi %add3A_447, %and3A_461 : vector<16xi32>
          %shift_left3A_463 = arith.constant 2 : i32
          %shift_left3A_464 = vector.broadcast %shift_left3A_463 : i32 to vector<16xi32>
          %shift_left3A_465 = arith.shli %and3A_462, %shift_left3A_464 : vector<16xi32>
          %swap3A_466 = arith.index_cast %add3A_454 : i32 to index
          %swap3A_467 = tpu.vector_load %arg18[%swap3A_466] {strides = array<i32>} : memref<8192xi32, #tpu.memory_space<vmem>>, vector<16xi32>,
          tpu.vector_store %arg18[%swap3A_466], %shift_left3A_465 {strides = array<i32>} : memref<8192xi32, #tpu.memory_space<vmem>>, vector<16xi32>,
          %add3A_468 = arith.addf %add3A_423, %mul3A_321 : vector<16xf32>
          %add3A_469 = arith.addf %add3A_424, %mul3A_325 : vector<16xf32>
          %add3A_470 = arith.addf %add3A_425, %mul3A_329 : vector<16xf32>
          %scan3A_471 = arith.constant 3 : i32
          %scan3A_472 = arith.addi %scan3A_337, %scan3A_471 : i32
          %min3A_473 = arith.constant 1.270000e+02 : f32
          %min3A_474 = vector.broadcast %min3A_473 : f32 to vector<16xf32>
          %min3A_475 = arith.minimumf %add3A_468, %min3A_474 : vector<16xf32>
          %convert_element_type3A_476 = arith.fptosi %min3A_475 : vector<16xf32> to vector<16xi32>
          %min3A_477 = arith.constant 1.270000e+02 : f32
          %min3A_478 = vector.broadcast %min3A_477 : f32 to vector<16xf32>
          %min3A_479 = arith.minimumf %add3A_469, %min3A_478 : vector<16xf32>
          %convert_element_type3A_480 = arith.fptosi %min3A_479 : vector<16xf32> to vector<16xi32>
          %min3A_481 = arith.constant 1.270000e+02 : f32
          %min3A_482 = vector.broadcast %min3A_481 : f32 to vector<16xf32>
          %min3A_483 = arith.minimumf %add3A_470, %min3A_482 : vector<16xf32>
          %convert_element_type3A_484 = arith.fptosi %min3A_483 : vector<16xf32> to vector<16xi32>
          %mul3A_485 = arith.constant 128 : i32
          %mul3A_486 = vector.broadcast %mul3A_485 : i32 to vector<16xi32>
          %mul3A_487 = arith.muli %convert_element_type3A_476, %mul3A_486 : vector<16xi32>
          %add3A_488 = arith.addi %mul3A_487, %convert_element_type3A_480 : vector<16xi32>
          %mul3A_489 = arith.constant 128 : i32
          %mul3A_490 = vector.broadcast %mul3A_489 : i32 to vector<16xi32>
          %mul3A_491 = arith.muli %add3A_488, %mul3A_490 : vector<16xi32>
          %add3A_492 = arith.addi %mul3A_491, %convert_element_type3A_484 : vector<16xi32>
          %mul3A_493 = arith.constant 64 : i32
          %mul3A_494 = arith.muli %scan3A_472, %mul3A_493 : i32
          %add3A_495 = arith.constant 4096 : i32
          %add3A_496 = arith.addi %add3A_495, %mul3A_494 : i32
          %mul3A_497 = arith.constant 16 : i32
          %mul3A_498 = arith.muli %scan3A_175, %mul3A_497 : i32
          %add3A_499 = arith.addi %add3A_496, %mul3A_498 : i32
          %shift_right_logical3A_500 = arith.constant 1 : i32
          %shift_right_logical3A_501 = vector.broadcast %shift_right_logical3A_500 : i32 to vector<16xi32>
          %shift_right_logical3A_502 = arith.shrui %add3A_492, %shift_right_logical3A_501 : vector<16xi32>
          %swap3A_503 = arith.index_cast %add3A_499 : i32 to index
          %swap3A_504 = tpu.vector_load %arg17[%swap3A_503] {strides = array<i32>} : memref<8192xi32, #tpu.memory_space<vmem>>, vector<16xi32>,
          tpu.vector_store %arg17[%swap3A_503], %shift_right_logical3A_502 {strides = array<i32>} : memref<8192xi32, #tpu.memory_space<vmem>>, vector<16xi32>,
          %and3A_505 = arith.constant 1 : i32
          %and3A_506 = vector.broadcast %and3A_505 : i32 to vector<16xi32>
          %and3A_507 = arith.andi %add3A_492, %and3A_506 : vector<16xi32>
          %shift_left3A_508 = arith.constant 2 : i32
          %shift_left3A_509 = vector.broadcast %shift_left3A_508 : i32 to vector<16xi32>
          %shift_left3A_510 = arith.shli %and3A_507, %shift_left3A_509 : vector<16xi32>
          %swap3A_511 = arith.index_cast %add3A_499 : i32 to index
          %swap3A_512 = tpu.vector_load %arg18[%swap3A_511] {strides = array<i32>} : memref<8192xi32, #tpu.memory_space<vmem>>, vector<16xi32>,
          tpu.vector_store %arg18[%swap3A_511], %shift_left3A_510 {strides = array<i32>} : memref<8192xi32, #tpu.memory_space<vmem>>, vector<16xi32>,
          %add3A_513 = arith.addf %add3A_468, %mul3A_321 : vector<16xf32>
          %add3A_514 = arith.addf %add3A_469, %mul3A_325 : vector<16xf32>
          %add3A_515 = arith.addf %add3A_470, %mul3A_329 : vector<16xf32>
          scf.yield %add3A_513, %add3A_514, %add3A_515 : vector<16xf32>, vector<16xf32>, vector<16xf32>
        }
        %scan3A_335 = arith.constant 64 : i32
        %scan3A_336 = arith.constant 0 : i32
        scf.yield %scan3A_336 : i32
      }
      %scan3A_89 = arith.constant 4 : i32
      %scan3A_90 = arith.constant 0 : i32
      %scan3A_91 = arith.constant 0 : i32
      %scan3A_92 = arith.constant 32 : i32
      %scan3A_93 = arith.addi %scan3A_91, %scan3A_92 : i32
      %scan3A_94 = arith.constant 1 : i32
      %scan3A_95 = scf.for %scan3A_175 = %scan3A_91 to %scan3A_93 step %scan3A_94 iter_args(%scan3A_176 = %scan3A_90) -> (i32)  : i32 {
        %mul3A_177 = arith.constant 128 : i32
        %mul3A_178 = arith.muli %scan3A_175, %mul3A_177 : i32
        %add3A_179 = arith.constant 4096 : i32
        %add3A_180 = arith.addi %add3A_179, %mul3A_178 : i32
        %dma_start3A_181 = arith.constant 0 : i32
        %dma_start3A_182 = tpu.memref_slice %arg19[%add3A_180, %dma_start3A_181] : memref<8192x8xf32, #tpu.memory_space<vmem>> -> memref<128x8xf32, #tpu.memory_space<vmem>>
        %dma_start3A_183 = tpu.memref_slice %arg17[%add3A_180] : memref<8192xi32, #tpu.memory_space<vmem>> -> memref<128xi32, #tpu.memory_space<vmem>>
        %dma_start3A_184 = arith.constant 0 : i32
        %dma_start3A_185 = arith.constant 0 : i32
        %dma_start3A_186 = tpu.memref_slice %arg8[%dma_start3A_184, %dma_start3A_185] : memref<1048576x8xf32, #tpu.memory_space<hbm>> -> memref<1048576x8xf32, #tpu.memory_space<hbm>>
        tpu.enqueue_indirect_dma source(%dma_start3A_186 : memref<1048576x8xf32, #tpu.memory_space<hbm>>) target(%dma_start3A_182 : memref<128x8xf32, #tpu.memory_space<vmem>>) offsets(%dma_start3A_183 : memref<128xi32, #tpu.memory_space<vmem>>) semaphore(%arg22 : memref<!tpu.dma_semaphore, #tpu.memory_space<semaphore_mem>>)
        %scan3A_187 = arith.constant 0 : i32
        scf.yield %scan3A_187 : i32
      }
      %scan3A_96 = arith.constant 32 : i32
      %scan3A_97 = arith.constant 0 : i32
      %scan3A_98 = arith.constant 0 : i32
      %scan3A_99 = arith.constant 32 : i32
      %scan3A_100 = arith.addi %scan3A_98, %scan3A_99 : i32
      %scan3A_101 = arith.constant 1 : i32
      %scan3A_102 = scf.for %scan3A_175 = %scan3A_98 to %scan3A_100 step %scan3A_101 iter_args(%scan3A_176 = %scan3A_97) -> (i32)  : i32 {
        %mul3A_177 = arith.constant 128 : i32
        %mul3A_178 = arith.muli %scan3A_175, %mul3A_177 : i32
        %add3A_179 = arith.constant 0 : i32
        %add3A_180 = arith.addi %add3A_179, %mul3A_178 : i32
        %dma_wait3A_181 = arith.constant 0 : i32
        %dma_wait3A_182 = tpu.memref_slice %arg19[%add3A_180, %dma_wait3A_181] : memref<8192x8xf32, #tpu.memory_space<vmem>> -> memref<128x8xf32, #tpu.memory_space<vmem>>
        %dma_wait3A_183 = tpu.memref_slice %arg17[%add3A_180] : memref<8192xi32, #tpu.memory_space<vmem>> -> memref<128xi32, #tpu.memory_space<vmem>>
        %dma_wait3A_184 = arith.constant 0 : i32
        %dma_wait3A_185 = arith.constant 0 : i32
        %dma_wait3A_186 = tpu.memref_slice %arg8[%dma_wait3A_184, %dma_wait3A_185] : memref<1048576x8xf32, #tpu.memory_space<hbm>> -> memref<1048576x8xf32, #tpu.memory_space<hbm>>
        tpu.wait_indirect_dma semaphore(%arg21 : memref<!tpu.dma_semaphore, #tpu.memory_space<semaphore_mem>>) src(%dma_wait3A_186 : memref<1048576x8xf32, #tpu.memory_space<hbm>>) dst(%dma_wait3A_182 : memref<128x8xf32, #tpu.memory_space<vmem>>)
        %scan3A_187 = arith.constant 0 : i32
        scf.yield %scan3A_187 : i32
      }
      %scan3A_103 = arith.constant 32 : i32
      %mul3A_104 = arith.constant 64 : i32
      %mul3A_105 = arith.muli %mul3A_78, %mul3A_104 : i32
      %ge3A = arith.constant 2 : i32
      %ge3A_106 = arith.cmpi sge, %mul3A_78, %ge3A : i32
      %convert_element_type3A = arith.extui %ge3A_106 : i1 to i32
      %cond3A = arith.constant 0 : i32
      %cond3A_107 = arith.cmpi ne, %convert_element_type3A, %cond3A : i32
      scf.if %cond3A_107 {
        %sub3A = arith.constant 2 : i32
        %sub3A_175 = arith.subi %mul3A_78, %sub3A : i32
        %mul3A_176 = arith.constant 64 : i32
        %mul3A_177 = arith.muli %sub3A_175, %mul3A_176 : i32
        %add3A_178 = arith.addi %mul3A_2, %mul3A_177 : i32
        %dma_wait3A_179 = arith.constant 0 : i32
        %dma_wait3A_180 = arith.constant 0 : i32
        %dma_wait3A_181 = arith.constant 0 : i32
        %dma_wait3A_182 = tpu.memref_slice %arg20[%dma_wait3A_179, %dma_wait3A_180, %dma_wait3A_181] : memref<2x3x64xf32, #tpu.memory_space<vmem>> -> memref<1x3x64xf32, #tpu.memory_space<vmem>>
        %dma_wait3A_183 = tpu.memref_squeeze %dma_wait3A_182 : memref<1x3x64xf32, #tpu.memory_space<vmem>> -> memref<3x64xf32, #tpu.memory_space<vmem>>
        %dma_wait3A_184 = arith.constant 0 : i32
        %dma_wait3A_185 = tpu.memref_slice %arg9[%dma_wait3A_184, %add3A_178] : memref<3x65536xf32, #tpu.memory_space<hbm>> -> memref<3x64xf32, #tpu.memory_space<hbm>>
        %dma_wait3A_186 = arith.constant 0 : i32
        %dma_wait3A_187 = tpu.memref_slice %arg9[%dma_wait3A_186, %add3A_178] : memref<3x65536xf32, #tpu.memory_space<hbm>> -> memref<3x64xf32, #tpu.memory_space<hbm>>
        %dma_wait3A_188 = arith.constant 0 : i32
        %dma_wait3A_189 = arith.constant 0 : i32
        %dma_wait3A_190 = tpu.memref_slice %arg20[%dma_wait3A_179, %dma_wait3A_188, %dma_wait3A_189] : memref<2x3x64xf32, #tpu.memory_space<vmem>> -> memref<1x3x64xf32, #tpu.memory_space<vmem>>
        %dma_wait3A_191 = tpu.memref_squeeze %dma_wait3A_190 : memref<1x3x64xf32, #tpu.memory_space<vmem>> -> memref<3x64xf32, #tpu.memory_space<vmem>>
        tpu.wait_dma2 semaphore(%arg24 : memref<!tpu.dma_semaphore, #tpu.memory_space<semaphore_mem>>) src(%dma_wait3A_191 : memref<3x64xf32, #tpu.memory_space<vmem>>) dst(%dma_wait3A_187 : memref<3x64xf32, #tpu.memory_space<hbm>>)
      } else {
      }
      %scan3A_108 = arith.constant 0 : i32
      %scan3A_109 = arith.constant 0 : i32
      %scan3A_110 = arith.constant 4 : i32
      %scan3A_111 = arith.addi %scan3A_109, %scan3A_110 : i32
      %scan3A_112 = arith.constant 1 : i32
      %scan3A_113 = scf.for %scan3A_175 = %scan3A_109 to %scan3A_111 step %scan3A_112 iter_args(%scan3A_176 = %scan3A_108) -> (i32)  : i32 {
        %mul3A_177 = arith.constant 16 : i32
        %mul3A_178 = arith.muli %scan3A_175, %mul3A_177 : i32
        %add3A_179 = arith.addi %mul3A_105, %mul3A_178 : i32
        %get3A = arith.index_cast %add3A_179 : i32 to index
        %get3A_180 = tpu.vector_load %arg16[%get3A] {strides = array<i32>} : memref<2048xf32, #tpu.memory_space<vmem>>, vector<16xf32>,
        %mul3A_181 = arith.constant 16 : i32
        %mul3A_182 = arith.muli %scan3A_175, %mul3A_181 : i32
        %add3A_183 = arith.constant 0 : i32
        %add3A_184 = arith.addi %add3A_183, %mul3A_182 : i32
        %add3A_185 = vector.broadcast %add3A_184 : i32 to vector<16xi32>
        %add3A_186 = arith.addi %add3A_185, %iota3A : vector<16xi32>
        %broadcast_in_dim3A = arith.constant 0.000000e+00 : f32
        %broadcast_in_dim3A_187 = vector.broadcast %broadcast_in_dim3A : f32 to vector<16xf32>
        %broadcast_in_dim3A_188 = arith.constant 1.000000e+00 : f32
        %broadcast_in_dim3A_189 = vector.broadcast %broadcast_in_dim3A_188 : f32 to vector<16xf32>
        %scan3A_190 = arith.constant 0 : i32
        %scan3A_191 = arith.constant 64 : i32
        %scan3A_192 = arith.addi %scan3A_190, %scan3A_191 : i32
        %scan3A_193 = arith.constant 4 : i32
        %scan3A_194:4 = scf.for %scan3A_219 = %scan3A_190 to %scan3A_192 step %scan3A_193 iter_args(%scan3A_220 = %broadcast_in_dim3A_189, %scan3A_221 = %broadcast_in_dim3A_187, %scan3A_222 = %broadcast_in_dim3A_187, %scan3A_223 = %broadcast_in_dim3A_187) -> (vector<16xf32>, vector<16xf32>, vector<16xf32>, vector<16xf32>)  : i32 {
          %mul3A_224 = arith.constant 64 : i32
          %mul3A_225 = arith.muli %scan3A_219, %mul3A_224 : i32
          %add3A_226 = vector.broadcast %mul3A_225 : i32 to vector<16xi32>
          %add3A_227 = arith.addi %add3A_226, %add3A_186 : vector<16xi32>
          %mul3A_228 = arith.constant 64 : i32
          %mul3A_229 = arith.muli %scan3A_219, %mul3A_228 : i32
          %add3A_230 = arith.constant 0 : i32
          %add3A_231 = arith.addi %add3A_230, %mul3A_229 : i32
          %mul3A_232 = arith.constant 16 : i32
          %mul3A_233 = arith.muli %scan3A_175, %mul3A_232 : i32
          %add3A_234 = arith.addi %add3A_231, %mul3A_233 : i32
          %get3A_235 = arith.index_cast %add3A_234 : i32 to index
          %get3A_236 = tpu.vector_load %arg18[%get3A_235] {strides = array<i32>} : memref<8192xi32, #tpu.memory_space<vmem>>, vector<16xi32>,
          %gather3A = tpu.vector_load_idx %arg19[%add3A_227, %get3A_236] : memref<8192x8xf32, #tpu.memory_space<vmem>>[vector<16xi32>, vector<16xi32>], vector<16xf32>,
          %add3A_237 = arith.constant 1 : i32
          %add3A_238 = vector.broadcast %add3A_237 : i32 to vector<16xi32>
          %add3A_239 = arith.addi %get3A_236, %add3A_238 : vector<16xi32>
          %gather3A_240 = tpu.vector_load_idx %arg19[%add3A_227, %add3A_239] : memref<8192x8xf32, #tpu.memory_space<vmem>>[vector<16xi32>, vector<16xi32>], vector<16xf32>,
          %add3A_241 = arith.constant 2 : i32
          %add3A_242 = vector.broadcast %add3A_241 : i32 to vector<16xi32>
          %add3A_243 = arith.addi %get3A_236, %add3A_242 : vector<16xi32>
          %gather3A_244 = tpu.vector_load_idx %arg19[%add3A_227, %add3A_243] : memref<8192x8xf32, #tpu.memory_space<vmem>>[vector<16xi32>, vector<16xi32>], vector<16xf32>,
          %add3A_245 = arith.constant 3 : i32
          %add3A_246 = vector.broadcast %add3A_245 : i32 to vector<16xi32>
          %add3A_247 = arith.addi %get3A_236, %add3A_246 : vector<16xi32>
          %gather3A_248 = tpu.vector_load_idx %arg19[%add3A_227, %add3A_247] : memref<8192x8xf32, #tpu.memory_space<vmem>>[vector<16xi32>, vector<16xi32>], vector<16xf32>,
          %max3A = arith.constant 0.000000e+00 : f32
          %max3A_249 = vector.broadcast %max3A : f32 to vector<16xf32>
          %max3A_250 = arith.maximumf %gather3A_248, %max3A_249 : vector<16xf32>
          %mul3A_251 = arith.mulf %max3A_250, %get3A_180 : vector<16xf32>
          %neg3A = arith.constant 0.000000e+00 : f32
          %neg3A_252 = vector.broadcast %neg3A : f32 to vector<16xf32>
          %neg3A_253 = arith.subf %neg3A_252, %mul3A_251 : vector<16xf32>
          %exp3A = math.exp %neg3A_253 : vector<16xf32>
          %sub3A = arith.constant 1.000000e+00 : f32
          %sub3A_254 = vector.broadcast %sub3A : f32 to vector<16xf32>
          %sub3A_255 = arith.subf %sub3A_254, %exp3A : vector<16xf32>
          %mul3A_256 = arith.mulf %scan3A_220, %sub3A_255 : vector<16xf32>
          %neg3A_257 = arith.constant 0.000000e+00 : f32
          %neg3A_258 = vector.broadcast %neg3A_257 : f32 to vector<16xf32>
          %neg3A_259 = arith.subf %neg3A_258, %gather3A : vector<16xf32>
          %exp3A_260 = math.exp %neg3A_259 : vector<16xf32>
          %add3A_261 = arith.constant 1.000000e+00 : f32
          %add3A_262 = vector.broadcast %add3A_261 : f32 to vector<16xf32>
          %add3A_263 = arith.addf %add3A_262, %exp3A_260 : vector<16xf32>
          %div3A = arith.constant 1.000000e+00 : f32
          %div3A_264 = vector.broadcast %div3A : f32 to vector<16xf32>
          %div3A_265 = arith.divf %div3A_264, %add3A_263 : vector<16xf32>
          %mul3A_266 = arith.mulf %mul3A_256, %div3A_265 : vector<16xf32>
          %add3A_267 = arith.addf %scan3A_221, %mul3A_266 : vector<16xf32>
          %neg3A_268 = arith.constant 0.000000e+00 : f32
          %neg3A_269 = vector.broadcast %neg3A_268 : f32 to vector<16xf32>
          %neg3A_270 = arith.subf %neg3A_269, %gather3A_240 : vector<16xf32>
          %exp3A_271 = math.exp %neg3A_270 : vector<16xf32>
          %add3A_272 = arith.constant 1.000000e+00 : f32
          %add3A_273 = vector.broadcast %add3A_272 : f32 to vector<16xf32>
          %add3A_274 = arith.addf %add3A_273, %exp3A_271 : vector<16xf32>
          %div3A_275 = arith.constant 1.000000e+00 : f32
          %div3A_276 = vector.broadcast %div3A_275 : f32 to vector<16xf32>
          %div3A_277 = arith.divf %div3A_276, %add3A_274 : vector<16xf32>
          %mul3A_278 = arith.mulf %mul3A_256, %div3A_277 : vector<16xf32>
          %add3A_279 = arith.addf %scan3A_222, %mul3A_278 : vector<16xf32>
          %neg3A_280 = arith.constant 0.000000e+00 : f32
          %neg3A_281 = vector.broadcast %neg3A_280 : f32 to vector<16xf32>
          %neg3A_282 = arith.subf %neg3A_281, %gather3A_244 : vector<16xf32>
          %exp3A_283 = math.exp %neg3A_282 : vector<16xf32>
          %add3A_284 = arith.constant 1.000000e+00 : f32
          %add3A_285 = vector.broadcast %add3A_284 : f32 to vector<16xf32>
          %add3A_286 = arith.addf %add3A_285, %exp3A_283 : vector<16xf32>
          %div3A_287 = arith.constant 1.000000e+00 : f32
          %div3A_288 = vector.broadcast %div3A_287 : f32 to vector<16xf32>
          %div3A_289 = arith.divf %div3A_288, %add3A_286 : vector<16xf32>
          %mul3A_290 = arith.mulf %mul3A_256, %div3A_289 : vector<16xf32>
          %add3A_291 = arith.addf %scan3A_223, %mul3A_290 : vector<16xf32>
          %mul3A_292 = arith.mulf %scan3A_220, %exp3A : vector<16xf32>
          %scan3A_293 = arith.constant 1 : i32
          %scan3A_294 = arith.addi %scan3A_219, %scan3A_293 : i32
          %mul3A_295 = arith.constant 64 : i32
          %mul3A_296 = arith.muli %scan3A_294, %mul3A_295 : i32
          %add3A_297 = vector.broadcast %mul3A_296 : i32 to vector<16xi32>
          %add3A_298 = arith.addi %add3A_297, %add3A_186 : vector<16xi32>
          %mul3A_299 = arith.constant 64 : i32
          %mul3A_300 = arith.muli %scan3A_294, %mul3A_299 : i32
          %add3A_301 = arith.constant 0 : i32
          %add3A_302 = arith.addi %add3A_301, %mul3A_300 : i32
          %mul3A_303 = arith.constant 16 : i32
          %mul3A_304 = arith.muli %scan3A_175, %mul3A_303 : i32
          %add3A_305 = arith.addi %add3A_302, %mul3A_304 : i32
          %get3A_306 = arith.index_cast %add3A_305 : i32 to index
          %get3A_307 = tpu.vector_load %arg18[%get3A_306] {strides = array<i32>} : memref<8192xi32, #tpu.memory_space<vmem>>, vector<16xi32>,
          %gather3A_308 = tpu.vector_load_idx %arg19[%add3A_298, %get3A_307] : memref<8192x8xf32, #tpu.memory_space<vmem>>[vector<16xi32>, vector<16xi32>], vector<16xf32>,
          %add3A_309 = arith.constant 1 : i32
          %add3A_310 = vector.broadcast %add3A_309 : i32 to vector<16xi32>
          %add3A_311 = arith.addi %get3A_307, %add3A_310 : vector<16xi32>
          %gather3A_312 = tpu.vector_load_idx %arg19[%add3A_298, %add3A_311] : memref<8192x8xf32, #tpu.memory_space<vmem>>[vector<16xi32>, vector<16xi32>], vector<16xf32>,
          %add3A_313 = arith.constant 2 : i32
          %add3A_314 = vector.broadcast %add3A_313 : i32 to vector<16xi32>
          %add3A_315 = arith.addi %get3A_307, %add3A_314 : vector<16xi32>
          %gather3A_316 = tpu.vector_load_idx %arg19[%add3A_298, %add3A_315] : memref<8192x8xf32, #tpu.memory_space<vmem>>[vector<16xi32>, vector<16xi32>], vector<16xf32>,
          %add3A_317 = arith.constant 3 : i32
          %add3A_318 = vector.broadcast %add3A_317 : i32 to vector<16xi32>
          %add3A_319 = arith.addi %get3A_307, %add3A_318 : vector<16xi32>
          %gather3A_320 = tpu.vector_load_idx %arg19[%add3A_298, %add3A_319] : memref<8192x8xf32, #tpu.memory_space<vmem>>[vector<16xi32>, vector<16xi32>], vector<16xf32>,
          %max3A_321 = arith.constant 0.000000e+00 : f32
          %max3A_322 = vector.broadcast %max3A_321 : f32 to vector<16xf32>
          %max3A_323 = arith.maximumf %gather3A_320, %max3A_322 : vector<16xf32>
          %mul3A_324 = arith.mulf %max3A_323, %get3A_180 : vector<16xf32>
          %neg3A_325 = arith.constant 0.000000e+00 : f32
          %neg3A_326 = vector.broadcast %neg3A_325 : f32 to vector<16xf32>
          %neg3A_327 = arith.subf %neg3A_326, %mul3A_324 : vector<16xf32>
          %exp3A_328 = math.exp %neg3A_327 : vector<16xf32>
          %sub3A_329 = arith.constant 1.000000e+00 : f32
          %sub3A_330 = vector.broadcast %sub3A_329 : f32 to vector<16xf32>
          %sub3A_331 = arith.subf %sub3A_330, %exp3A_328 : vector<16xf32>
          %mul3A_332 = arith.mulf %mul3A_292, %sub3A_331 : vector<16xf32>
          %neg3A_333 = arith.constant 0.000000e+00 : f32
          %neg3A_334 = vector.broadcast %neg3A_333 : f32 to vector<16xf32>
          %neg3A_335 = arith.subf %neg3A_334, %gather3A_308 : vector<16xf32>
          %exp3A_336 = math.exp %neg3A_335 : vector<16xf32>
          %add3A_337 = arith.constant 1.000000e+00 : f32
          %add3A_338 = vector.broadcast %add3A_337 : f32 to vector<16xf32>
          %add3A_339 = arith.addf %add3A_338, %exp3A_336 : vector<16xf32>
          %div3A_340 = arith.constant 1.000000e+00 : f32
          %div3A_341 = vector.broadcast %div3A_340 : f32 to vector<16xf32>
          %div3A_342 = arith.divf %div3A_341, %add3A_339 : vector<16xf32>
          %mul3A_343 = arith.mulf %mul3A_332, %div3A_342 : vector<16xf32>
          %add3A_344 = arith.addf %add3A_267, %mul3A_343 : vector<16xf32>
          %neg3A_345 = arith.constant 0.000000e+00 : f32
          %neg3A_346 = vector.broadcast %neg3A_345 : f32 to vector<16xf32>
          %neg3A_347 = arith.subf %neg3A_346, %gather3A_312 : vector<16xf32>
          %exp3A_348 = math.exp %neg3A_347 : vector<16xf32>
          %add3A_349 = arith.constant 1.000000e+00 : f32
          %add3A_350 = vector.broadcast %add3A_349 : f32 to vector<16xf32>
          %add3A_351 = arith.addf %add3A_350, %exp3A_348 : vector<16xf32>
          %div3A_352 = arith.constant 1.000000e+00 : f32
          %div3A_353 = vector.broadcast %div3A_352 : f32 to vector<16xf32>
          %div3A_354 = arith.divf %div3A_353, %add3A_351 : vector<16xf32>
          %mul3A_355 = arith.mulf %mul3A_332, %div3A_354 : vector<16xf32>
          %add3A_356 = arith.addf %add3A_279, %mul3A_355 : vector<16xf32>
          %neg3A_357 = arith.constant 0.000000e+00 : f32
          %neg3A_358 = vector.broadcast %neg3A_357 : f32 to vector<16xf32>
          %neg3A_359 = arith.subf %neg3A_358, %gather3A_316 : vector<16xf32>
          %exp3A_360 = math.exp %neg3A_359 : vector<16xf32>
          %add3A_361 = arith.constant 1.000000e+00 : f32
          %add3A_362 = vector.broadcast %add3A_361 : f32 to vector<16xf32>
          %add3A_363 = arith.addf %add3A_362, %exp3A_360 : vector<16xf32>
          %div3A_364 = arith.constant 1.000000e+00 : f32
          %div3A_365 = vector.broadcast %div3A_364 : f32 to vector<16xf32>
          %div3A_366 = arith.divf %div3A_365, %add3A_363 : vector<16xf32>
          %mul3A_367 = arith.mulf %mul3A_332, %div3A_366 : vector<16xf32>
          %add3A_368 = arith.addf %add3A_291, %mul3A_367 : vector<16xf32>
          %mul3A_369 = arith.mulf %mul3A_292, %exp3A_328 : vector<16xf32>
          %scan3A_370 = arith.constant 2 : i32
          %scan3A_371 = arith.addi %scan3A_219, %scan3A_370 : i32
          %mul3A_372 = arith.constant 64 : i32
          %mul3A_373 = arith.muli %scan3A_371, %mul3A_372 : i32
          %add3A_374 = vector.broadcast %mul3A_373 : i32 to vector<16xi32>
          %add3A_375 = arith.addi %add3A_374, %add3A_186 : vector<16xi32>
          %mul3A_376 = arith.constant 64 : i32
          %mul3A_377 = arith.muli %scan3A_371, %mul3A_376 : i32
          %add3A_378 = arith.constant 0 : i32
          %add3A_379 = arith.addi %add3A_378, %mul3A_377 : i32
          %mul3A_380 = arith.constant 16 : i32
          %mul3A_381 = arith.muli %scan3A_175, %mul3A_380 : i32
          %add3A_382 = arith.addi %add3A_379, %mul3A_381 : i32
          %get3A_383 = arith.index_cast %add3A_382 : i32 to index
          %get3A_384 = tpu.vector_load %arg18[%get3A_383] {strides = array<i32>} : memref<8192xi32, #tpu.memory_space<vmem>>, vector<16xi32>,
          %gather3A_385 = tpu.vector_load_idx %arg19[%add3A_375, %get3A_384] : memref<8192x8xf32, #tpu.memory_space<vmem>>[vector<16xi32>, vector<16xi32>], vector<16xf32>,
          %add3A_386 = arith.constant 1 : i32
          %add3A_387 = vector.broadcast %add3A_386 : i32 to vector<16xi32>
          %add3A_388 = arith.addi %get3A_384, %add3A_387 : vector<16xi32>
          %gather3A_389 = tpu.vector_load_idx %arg19[%add3A_375, %add3A_388] : memref<8192x8xf32, #tpu.memory_space<vmem>>[vector<16xi32>, vector<16xi32>], vector<16xf32>,
          %add3A_390 = arith.constant 2 : i32
          %add3A_391 = vector.broadcast %add3A_390 : i32 to vector<16xi32>
          %add3A_392 = arith.addi %get3A_384, %add3A_391 : vector<16xi32>
          %gather3A_393 = tpu.vector_load_idx %arg19[%add3A_375, %add3A_392] : memref<8192x8xf32, #tpu.memory_space<vmem>>[vector<16xi32>, vector<16xi32>], vector<16xf32>,
          %add3A_394 = arith.constant 3 : i32
          %add3A_395 = vector.broadcast %add3A_394 : i32 to vector<16xi32>
          %add3A_396 = arith.addi %get3A_384, %add3A_395 : vector<16xi32>
          %gather3A_397 = tpu.vector_load_idx %arg19[%add3A_375, %add3A_396] : memref<8192x8xf32, #tpu.memory_space<vmem>>[vector<16xi32>, vector<16xi32>], vector<16xf32>,
          %max3A_398 = arith.constant 0.000000e+00 : f32
          %max3A_399 = vector.broadcast %max3A_398 : f32 to vector<16xf32>
          %max3A_400 = arith.maximumf %gather3A_397, %max3A_399 : vector<16xf32>
          %mul3A_401 = arith.mulf %max3A_400, %get3A_180 : vector<16xf32>
          %neg3A_402 = arith.constant 0.000000e+00 : f32
          %neg3A_403 = vector.broadcast %neg3A_402 : f32 to vector<16xf32>
          %neg3A_404 = arith.subf %neg3A_403, %mul3A_401 : vector<16xf32>
          %exp3A_405 = math.exp %neg3A_404 : vector<16xf32>
          %sub3A_406 = arith.constant 1.000000e+00 : f32
          %sub3A_407 = vector.broadcast %sub3A_406 : f32 to vector<16xf32>
          %sub3A_408 = arith.subf %sub3A_407, %exp3A_405 : vector<16xf32>
          %mul3A_409 = arith.mulf %mul3A_369, %sub3A_408 : vector<16xf32>
          %neg3A_410 = arith.constant 0.000000e+00 : f32
          %neg3A_411 = vector.broadcast %neg3A_410 : f32 to vector<16xf32>
          %neg3A_412 = arith.subf %neg3A_411, %gather3A_385 : vector<16xf32>
          %exp3A_413 = math.exp %neg3A_412 : vector<16xf32>
          %add3A_414 = arith.constant 1.000000e+00 : f32
          %add3A_415 = vector.broadcast %add3A_414 : f32 to vector<16xf32>
          %add3A_416 = arith.addf %add3A_415, %exp3A_413 : vector<16xf32>
          %div3A_417 = arith.constant 1.000000e+00 : f32
          %div3A_418 = vector.broadcast %div3A_417 : f32 to vector<16xf32>
          %div3A_419 = arith.divf %div3A_418, %add3A_416 : vector<16xf32>
          %mul3A_420 = arith.mulf %mul3A_409, %div3A_419 : vector<16xf32>
          %add3A_421 = arith.addf %add3A_344, %mul3A_420 : vector<16xf32>
          %neg3A_422 = arith.constant 0.000000e+00 : f32
          %neg3A_423 = vector.broadcast %neg3A_422 : f32 to vector<16xf32>
          %neg3A_424 = arith.subf %neg3A_423, %gather3A_389 : vector<16xf32>
          %exp3A_425 = math.exp %neg3A_424 : vector<16xf32>
          %add3A_426 = arith.constant 1.000000e+00 : f32
          %add3A_427 = vector.broadcast %add3A_426 : f32 to vector<16xf32>
          %add3A_428 = arith.addf %add3A_427, %exp3A_425 : vector<16xf32>
          %div3A_429 = arith.constant 1.000000e+00 : f32
          %div3A_430 = vector.broadcast %div3A_429 : f32 to vector<16xf32>
          %div3A_431 = arith.divf %div3A_430, %add3A_428 : vector<16xf32>
          %mul3A_432 = arith.mulf %mul3A_409, %div3A_431 : vector<16xf32>
          %add3A_433 = arith.addf %add3A_356, %mul3A_432 : vector<16xf32>
          %neg3A_434 = arith.constant 0.000000e+00 : f32
          %neg3A_435 = vector.broadcast %neg3A_434 : f32 to vector<16xf32>
          %neg3A_436 = arith.subf %neg3A_435, %gather3A_393 : vector<16xf32>
          %exp3A_437 = math.exp %neg3A_436 : vector<16xf32>
          %add3A_438 = arith.constant 1.000000e+00 : f32
          %add3A_439 = vector.broadcast %add3A_438 : f32 to vector<16xf32>
          %add3A_440 = arith.addf %add3A_439, %exp3A_437 : vector<16xf32>
          %div3A_441 = arith.constant 1.000000e+00 : f32
          %div3A_442 = vector.broadcast %div3A_441 : f32 to vector<16xf32>
          %div3A_443 = arith.divf %div3A_442, %add3A_440 : vector<16xf32>
          %mul3A_444 = arith.mulf %mul3A_409, %div3A_443 : vector<16xf32>
          %add3A_445 = arith.addf %add3A_368, %mul3A_444 : vector<16xf32>
          %mul3A_446 = arith.mulf %mul3A_369, %exp3A_405 : vector<16xf32>
          %scan3A_447 = arith.constant 3 : i32
          %scan3A_448 = arith.addi %scan3A_219, %scan3A_447 : i32
          %mul3A_449 = arith.constant 64 : i32
          %mul3A_450 = arith.muli %scan3A_448, %mul3A_449 : i32
          %add3A_451 = vector.broadcast %mul3A_450 : i32 to vector<16xi32>
          %add3A_452 = arith.addi %add3A_451, %add3A_186 : vector<16xi32>
          %mul3A_453 = arith.constant 64 : i32
          %mul3A_454 = arith.muli %scan3A_448, %mul3A_453 : i32
          %add3A_455 = arith.constant 0 : i32
          %add3A_456 = arith.addi %add3A_455, %mul3A_454 : i32
          %mul3A_457 = arith.constant 16 : i32
          %mul3A_458 = arith.muli %scan3A_175, %mul3A_457 : i32
          %add3A_459 = arith.addi %add3A_456, %mul3A_458 : i32
          %get3A_460 = arith.index_cast %add3A_459 : i32 to index
          %get3A_461 = tpu.vector_load %arg18[%get3A_460] {strides = array<i32>} : memref<8192xi32, #tpu.memory_space<vmem>>, vector<16xi32>,
          %gather3A_462 = tpu.vector_load_idx %arg19[%add3A_452, %get3A_461] : memref<8192x8xf32, #tpu.memory_space<vmem>>[vector<16xi32>, vector<16xi32>], vector<16xf32>,
          %add3A_463 = arith.constant 1 : i32
          %add3A_464 = vector.broadcast %add3A_463 : i32 to vector<16xi32>
          %add3A_465 = arith.addi %get3A_461, %add3A_464 : vector<16xi32>
          %gather3A_466 = tpu.vector_load_idx %arg19[%add3A_452, %add3A_465] : memref<8192x8xf32, #tpu.memory_space<vmem>>[vector<16xi32>, vector<16xi32>], vector<16xf32>,
          %add3A_467 = arith.constant 2 : i32
          %add3A_468 = vector.broadcast %add3A_467 : i32 to vector<16xi32>
          %add3A_469 = arith.addi %get3A_461, %add3A_468 : vector<16xi32>
          %gather3A_470 = tpu.vector_load_idx %arg19[%add3A_452, %add3A_469] : memref<8192x8xf32, #tpu.memory_space<vmem>>[vector<16xi32>, vector<16xi32>], vector<16xf32>,
          %add3A_471 = arith.constant 3 : i32
          %add3A_472 = vector.broadcast %add3A_471 : i32 to vector<16xi32>
          %add3A_473 = arith.addi %get3A_461, %add3A_472 : vector<16xi32>
          %gather3A_474 = tpu.vector_load_idx %arg19[%add3A_452, %add3A_473] : memref<8192x8xf32, #tpu.memory_space<vmem>>[vector<16xi32>, vector<16xi32>], vector<16xf32>,
          %max3A_475 = arith.constant 0.000000e+00 : f32
          %max3A_476 = vector.broadcast %max3A_475 : f32 to vector<16xf32>
          %max3A_477 = arith.maximumf %gather3A_474, %max3A_476 : vector<16xf32>
          %mul3A_478 = arith.mulf %max3A_477, %get3A_180 : vector<16xf32>
          %neg3A_479 = arith.constant 0.000000e+00 : f32
          %neg3A_480 = vector.broadcast %neg3A_479 : f32 to vector<16xf32>
          %neg3A_481 = arith.subf %neg3A_480, %mul3A_478 : vector<16xf32>
          %exp3A_482 = math.exp %neg3A_481 : vector<16xf32>
          %sub3A_483 = arith.constant 1.000000e+00 : f32
          %sub3A_484 = vector.broadcast %sub3A_483 : f32 to vector<16xf32>
          %sub3A_485 = arith.subf %sub3A_484, %exp3A_482 : vector<16xf32>
          %mul3A_486 = arith.mulf %mul3A_446, %sub3A_485 : vector<16xf32>
          %neg3A_487 = arith.constant 0.000000e+00 : f32
          %neg3A_488 = vector.broadcast %neg3A_487 : f32 to vector<16xf32>
          %neg3A_489 = arith.subf %neg3A_488, %gather3A_462 : vector<16xf32>
          %exp3A_490 = math.exp %neg3A_489 : vector<16xf32>
          %add3A_491 = arith.constant 1.000000e+00 : f32
          %add3A_492 = vector.broadcast %add3A_491 : f32 to vector<16xf32>
          %add3A_493 = arith.addf %add3A_492, %exp3A_490 : vector<16xf32>
          %div3A_494 = arith.constant 1.000000e+00 : f32
          %div3A_495 = vector.broadcast %div3A_494 : f32 to vector<16xf32>
          %div3A_496 = arith.divf %div3A_495, %add3A_493 : vector<16xf32>
          %mul3A_497 = arith.mulf %mul3A_486, %div3A_496 : vector<16xf32>
          %add3A_498 = arith.addf %add3A_421, %mul3A_497 : vector<16xf32>
          %neg3A_499 = arith.constant 0.000000e+00 : f32
          %neg3A_500 = vector.broadcast %neg3A_499 : f32 to vector<16xf32>
          %neg3A_501 = arith.subf %neg3A_500, %gather3A_466 : vector<16xf32>
          %exp3A_502 = math.exp %neg3A_501 : vector<16xf32>
          %add3A_503 = arith.constant 1.000000e+00 : f32
          %add3A_504 = vector.broadcast %add3A_503 : f32 to vector<16xf32>
          %add3A_505 = arith.addf %add3A_504, %exp3A_502 : vector<16xf32>
          %div3A_506 = arith.constant 1.000000e+00 : f32
          %div3A_507 = vector.broadcast %div3A_506 : f32 to vector<16xf32>
          %div3A_508 = arith.divf %div3A_507, %add3A_505 : vector<16xf32>
          %mul3A_509 = arith.mulf %mul3A_486, %div3A_508 : vector<16xf32>
          %add3A_510 = arith.addf %add3A_433, %mul3A_509 : vector<16xf32>
          %neg3A_511 = arith.constant 0.000000e+00 : f32
          %neg3A_512 = vector.broadcast %neg3A_511 : f32 to vector<16xf32>
          %neg3A_513 = arith.subf %neg3A_512, %gather3A_470 : vector<16xf32>
          %exp3A_514 = math.exp %neg3A_513 : vector<16xf32>
          %add3A_515 = arith.constant 1.000000e+00 : f32
          %add3A_516 = vector.broadcast %add3A_515 : f32 to vector<16xf32>
          %add3A_517 = arith.addf %add3A_516, %exp3A_514 : vector<16xf32>
          %div3A_518 = arith.constant 1.000000e+00 : f32
          %div3A_519 = vector.broadcast %div3A_518 : f32 to vector<16xf32>
          %div3A_520 = arith.divf %div3A_519, %add3A_517 : vector<16xf32>
          %mul3A_521 = arith.mulf %mul3A_486, %div3A_520 : vector<16xf32>
          %add3A_522 = arith.addf %add3A_445, %mul3A_521 : vector<16xf32>
          %mul3A_523 = arith.mulf %mul3A_446, %exp3A_482 : vector<16xf32>
          scf.yield %mul3A_523, %add3A_498, %add3A_510, %add3A_522 : vector<16xf32>, vector<16xf32>, vector<16xf32>, vector<16xf32>
        }
        %scan3A_195 = arith.constant 64 : i32
        %mul3A_196 = arith.constant 16 : i32
        %mul3A_197 = arith.muli %scan3A_175, %mul3A_196 : i32
        %add3A_198 = arith.addf %scan3A_194#1, %scan3A_194#0 : vector<16xf32>
        %swap3A = arith.constant 0 : i32
        %swap3A_199 = arith.constant 0 : i32
        %swap3A_200 = arith.index_cast %swap3A : i32 to index
        %swap3A_201 = arith.index_cast %swap3A_199 : i32 to index
        %swap3A_202 = arith.index_cast %mul3A_197 : i32 to index
        %swap3A_203 = tpu.vector_load %arg20[%swap3A_200, %swap3A_201, %swap3A_202] {strides = array<i32>} : memref<2x3x64xf32, #tpu.memory_space<vmem>>, vector<16xf32>,
        tpu.vector_store %arg20[%swap3A_200, %swap3A_201, %swap3A_202], %add3A_198 {strides = array<i32>} : memref<2x3x64xf32, #tpu.memory_space<vmem>>, vector<16xf32>,
        %add3A_204 = arith.addf %scan3A_194#2, %scan3A_194#0 : vector<16xf32>
        %swap3A_205 = arith.constant 0 : i32
        %swap3A_206 = arith.constant 1 : i32
        %swap3A_207 = arith.index_cast %swap3A_205 : i32 to index
        %swap3A_208 = arith.index_cast %swap3A_206 : i32 to index
        %swap3A_209 = arith.index_cast %mul3A_197 : i32 to index
        %swap3A_210 = tpu.vector_load %arg20[%swap3A_207, %swap3A_208, %swap3A_209] {strides = array<i32>} : memref<2x3x64xf32, #tpu.memory_space<vmem>>, vector<16xf32>,
        tpu.vector_store %arg20[%swap3A_207, %swap3A_208, %swap3A_209], %add3A_204 {strides = array<i32>} : memref<2x3x64xf32, #tpu.memory_space<vmem>>, vector<16xf32>,
        %add3A_211 = arith.addf %scan3A_194#3, %scan3A_194#0 : vector<16xf32>
        %swap3A_212 = arith.constant 0 : i32
        %swap3A_213 = arith.constant 2 : i32
        %swap3A_214 = arith.index_cast %swap3A_212 : i32 to index
        %swap3A_215 = arith.index_cast %swap3A_213 : i32 to index
        %swap3A_216 = arith.index_cast %mul3A_197 : i32 to index
        %swap3A_217 = tpu.vector_load %arg20[%swap3A_214, %swap3A_215, %swap3A_216] {strides = array<i32>} : memref<2x3x64xf32, #tpu.memory_space<vmem>>, vector<16xf32>,
        tpu.vector_store %arg20[%swap3A_214, %swap3A_215, %swap3A_216], %add3A_211 {strides = array<i32>} : memref<2x3x64xf32, #tpu.memory_space<vmem>>, vector<16xf32>,
        %scan3A_218 = arith.constant 0 : i32
        scf.yield %scan3A_218 : i32
      }
      %scan3A_114 = arith.constant 4 : i32
      %mul3A_115 = arith.constant 64 : i32
      %mul3A_116 = arith.muli %mul3A_78, %mul3A_115 : i32
      %add3A_117 = arith.addi %mul3A_2, %mul3A_116 : i32
      %dma_start3A_118 = arith.constant 0 : i32
      %dma_start3A_119 = arith.constant 0 : i32
      %dma_start3A_120 = arith.constant 0 : i32
      %dma_start3A_121 = tpu.memref_slice %arg20[%dma_start3A_118, %dma_start3A_119, %dma_start3A_120] : memref<2x3x64xf32, #tpu.memory_space<vmem>> -> memref<1x3x64xf32, #tpu.memory_space<vmem>>
      %dma_start3A_122 = tpu.memref_squeeze %dma_start3A_121 : memref<1x3x64xf32, #tpu.memory_space<vmem>> -> memref<3x64xf32, #tpu.memory_space<vmem>>
      %dma_start3A_123 = arith.constant 0 : i32
      %dma_start3A_124 = tpu.memref_slice %arg9[%dma_start3A_123, %add3A_117] : memref<3x65536xf32, #tpu.memory_space<hbm>> -> memref<3x64xf32, #tpu.memory_space<hbm>>
      %dma_start3A_125 = arith.constant 0 : i32
      %dma_start3A_126 = tpu.memref_slice %arg9[%dma_start3A_125, %add3A_117] : memref<3x65536xf32, #tpu.memory_space<hbm>> -> memref<3x64xf32, #tpu.memory_space<hbm>>
      %dma_start3A_127 = arith.constant 0 : i32
      %dma_start3A_128 = arith.constant 0 : i32
      %dma_start3A_129 = tpu.memref_slice %arg20[%dma_start3A_118, %dma_start3A_127, %dma_start3A_128] : memref<2x3x64xf32, #tpu.memory_space<vmem>> -> memref<1x3x64xf32, #tpu.memory_space<vmem>>
      %dma_start3A_130 = tpu.memref_squeeze %dma_start3A_129 : memref<1x3x64xf32, #tpu.memory_space<vmem>> -> memref<3x64xf32, #tpu.memory_space<vmem>>
      tpu.enqueue_dma source(%dma_start3A_130 : memref<3x64xf32, #tpu.memory_space<vmem>>) target(%dma_start3A_126 : memref<3x64xf32, #tpu.memory_space<hbm>>) target_semaphore(%arg24 : memref<!tpu.dma_semaphore, #tpu.memory_space<semaphore_mem>>)
      %add3A_131 = arith.constant 1 : i32
      %add3A_132 = arith.addi %add3A_80, %add3A_131 : i32
      %lt3A = arith.constant 32 : i32
      %lt3A_133 = arith.cmpi slt, %add3A_132, %lt3A : i32
      %convert_element_type3A_134 = arith.extui %lt3A_133 : i1 to i32
      %cond3A_135 = arith.constant 0 : i32
      %cond3A_136 = arith.cmpi ne, %convert_element_type3A_134, %cond3A_135 : i32
      scf.if %cond3A_136 {
        %add3A_175 = arith.constant 1 : i32
        %add3A_176 = arith.addi %add3A_80, %add3A_175 : i32
        %mul3A_177 = arith.constant 64 : i32
        %mul3A_178 = arith.muli %add3A_176, %mul3A_177 : i32
        %scan3A_179 = arith.constant 0 : i32
        %scan3A_180 = arith.constant 0 : i32
        %scan3A_181 = arith.constant 4 : i32
        %scan3A_182 = arith.addi %scan3A_180, %scan3A_181 : i32
        %scan3A_183 = arith.constant 1 : i32
        %scan3A_184 = scf.for %scan3A_193 = %scan3A_180 to %scan3A_182 step %scan3A_183 iter_args(%scan3A_194 = %scan3A_179) -> (i32)  : i32 {
          %mul3A_195 = arith.constant 16 : i32
          %mul3A_196 = arith.muli %scan3A_193, %mul3A_195 : i32
          %add3A_197 = arith.addi %mul3A_178, %mul3A_196 : i32
          %get3A = arith.index_cast %add3A_197 : i32 to index
          %get3A_198 = tpu.vector_load %arg10[%get3A] {strides = array<i32>} : memref<2048xf32, #tpu.memory_space<vmem>>, vector<16xf32>,
          %get3A_199 = arith.index_cast %add3A_197 : i32 to index
          %get3A_200 = tpu.vector_load %arg11[%get3A_199] {strides = array<i32>} : memref<2048xf32, #tpu.memory_space<vmem>>, vector<16xf32>,
          %get3A_201 = arith.index_cast %add3A_197 : i32 to index
          %get3A_202 = tpu.vector_load %arg12[%get3A_201] {strides = array<i32>} : memref<2048xf32, #tpu.memory_space<vmem>>, vector<16xf32>,
          %get3A_203 = arith.index_cast %add3A_197 : i32 to index
          %get3A_204 = tpu.vector_load %arg13[%get3A_203] {strides = array<i32>} : memref<2048xf32, #tpu.memory_space<vmem>>, vector<16xf32>,
          %get3A_205 = arith.index_cast %add3A_197 : i32 to index
          %get3A_206 = tpu.vector_load %arg14[%get3A_205] {strides = array<i32>} : memref<2048xf32, #tpu.memory_space<vmem>>, vector<16xf32>,
          %get3A_207 = arith.index_cast %add3A_197 : i32 to index
          %get3A_208 = tpu.vector_load %arg15[%get3A_207] {strides = array<i32>} : memref<2048xf32, #tpu.memory_space<vmem>>, vector<16xf32>,
          %mul3A_209 = arith.mulf %get3A_204, %get3A_204 : vector<16xf32>
          %mul3A_210 = arith.mulf %get3A_206, %get3A_206 : vector<16xf32>
          %add3A_211 = arith.addf %mul3A_209, %mul3A_210 : vector<16xf32>
          %mul3A_212 = arith.mulf %get3A_208, %get3A_208 : vector<16xf32>
          %add3A_213 = arith.addf %add3A_211, %mul3A_212 : vector<16xf32>
          %bitcast_convert_type3A = tpu.bitcast %add3A_213 : vector<16xf32> -> vector<16xi32>
          %shift_right_arithmetic3A = arith.constant 1 : i32
          %shift_right_arithmetic3A_214 = vector.broadcast %shift_right_arithmetic3A : i32 to vector<16xi32>
          %shift_right_arithmetic3A_215 = arith.shrsi %bitcast_convert_type3A, %shift_right_arithmetic3A_214 : vector<16xi32>
          %sub3A = arith.constant 1597463007 : i32
          %sub3A_216 = vector.broadcast %sub3A : i32 to vector<16xi32>
          %sub3A_217 = arith.subi %sub3A_216, %shift_right_arithmetic3A_215 : vector<16xi32>
          %bitcast_convert_type3A_218 = tpu.bitcast %sub3A_217 : vector<16xi32> -> vector<16xf32>
          %mul3A_219 = arith.constant 5.000000e-01 : f32
          %mul3A_220 = vector.broadcast %mul3A_219 : f32 to vector<16xf32>
          %mul3A_221 = arith.mulf %mul3A_220, %add3A_213 : vector<16xf32>
          %mul3A_222 = arith.mulf %mul3A_221, %bitcast_convert_type3A_218 : vector<16xf32>
          %mul3A_223 = arith.mulf %mul3A_222, %bitcast_convert_type3A_218 : vector<16xf32>
          %sub3A_224 = arith.constant 1.500000e+00 : f32
          %sub3A_225 = vector.broadcast %sub3A_224 : f32 to vector<16xf32>
          %sub3A_226 = arith.subf %sub3A_225, %mul3A_223 : vector<16xf32>
          %mul3A_227 = arith.mulf %bitcast_convert_type3A_218, %sub3A_226 : vector<16xf32>
          %mul3A_228 = arith.constant 5.000000e-01 : f32
          %mul3A_229 = vector.broadcast %mul3A_228 : f32 to vector<16xf32>
          %mul3A_230 = arith.mulf %mul3A_229, %add3A_213 : vector<16xf32>
          %mul3A_231 = arith.mulf %mul3A_230, %mul3A_227 : vector<16xf32>
          %mul3A_232 = arith.mulf %mul3A_231, %mul3A_227 : vector<16xf32>
          %sub3A_233 = arith.constant 1.500000e+00 : f32
          %sub3A_234 = vector.broadcast %sub3A_233 : f32 to vector<16xf32>
          %sub3A_235 = arith.subf %sub3A_234, %mul3A_232 : vector<16xf32>
          %mul3A_236 = arith.mulf %mul3A_227, %sub3A_235 : vector<16xf32>
          %mul3A_237 = arith.constant 5.000000e-01 : f32
          %mul3A_238 = vector.broadcast %mul3A_237 : f32 to vector<16xf32>
          %mul3A_239 = arith.mulf %mul3A_238, %add3A_213 : vector<16xf32>
          %mul3A_240 = arith.mulf %mul3A_239, %mul3A_236 : vector<16xf32>
          %mul3A_241 = arith.mulf %mul3A_240, %mul3A_236 : vector<16xf32>
          %sub3A_242 = arith.constant 1.500000e+00 : f32
          %sub3A_243 = vector.broadcast %sub3A_242 : f32 to vector<16xf32>
          %sub3A_244 = arith.subf %sub3A_243, %mul3A_241 : vector<16xf32>
          %mul3A_245 = arith.mulf %mul3A_236, %sub3A_244 : vector<16xf32>
          %mul3A_246 = arith.mulf %get3A_204, %mul3A_245 : vector<16xf32>
          %mul3A_247 = arith.mulf %get3A_206, %mul3A_245 : vector<16xf32>
          %mul3A_248 = arith.mulf %get3A_208, %mul3A_245 : vector<16xf32>
          %broadcast_in_dim3A = arith.constant 0.000000e+00 : f32
          %broadcast_in_dim3A_249 = vector.broadcast %broadcast_in_dim3A : f32 to vector<16xf32>
          %broadcast_in_dim3A_250 = arith.constant 1.000000e+09 : f32
          %broadcast_in_dim3A_251 = vector.broadcast %broadcast_in_dim3A_250 : f32 to vector<16xf32>
          %add3A_252 = arith.constant 9.99999971E-10 : f32
          %add3A_253 = vector.broadcast %add3A_252 : f32 to vector<16xf32>
          %add3A_254 = arith.addf %mul3A_246, %add3A_253 : vector<16xf32>
          %div3A = arith.constant 1.000000e+00 : f32
          %div3A_255 = vector.broadcast %div3A : f32 to vector<16xf32>
          %div3A_256 = arith.divf %div3A_255, %add3A_254 : vector<16xf32>
          %mul3A_257 = arith.mulf %add3A_254, %div3A_256 : vector<16xf32>
          %sub3A_258 = arith.constant 2.000000e+00 : f32
          %sub3A_259 = vector.broadcast %sub3A_258 : f32 to vector<16xf32>
          %sub3A_260 = arith.subf %sub3A_259, %mul3A_257 : vector<16xf32>
          %mul3A_261 = arith.mulf %div3A_256, %sub3A_260 : vector<16xf32>
          %neg3A = arith.constant 0.000000e+00 : f32
          %neg3A_262 = vector.broadcast %neg3A : f32 to vector<16xf32>
          %neg3A_263 = arith.subf %neg3A_262, %get3A_198 : vector<16xf32>
          %mul3A_264 = arith.mulf %neg3A_263, %mul3A_261 : vector<16xf32>
          %add3A_265 = arith.addf %mul3A_264, %mul3A_261 : vector<16xf32>
          %min3A = arith.minimumf %mul3A_264, %add3A_265 : vector<16xf32>
          %max3A = arith.maximumf %broadcast_in_dim3A_249, %min3A : vector<16xf32>
          %max3A_266 = arith.maximumf %mul3A_264, %add3A_265 : vector<16xf32>
          %min3A_267 = arith.minimumf %broadcast_in_dim3A_251, %max3A_266 : vector<16xf32>
          %add3A_268 = arith.constant 9.99999971E-10 : f32
          %add3A_269 = vector.broadcast %add3A_268 : f32 to vector<16xf32>
          %add3A_270 = arith.addf %mul3A_247, %add3A_269 : vector<16xf32>
          %div3A_271 = arith.constant 1.000000e+00 : f32
          %div3A_272 = vector.broadcast %div3A_271 : f32 to vector<16xf32>
          %div3A_273 = arith.divf %div3A_272, %add3A_270 : vector<16xf32>
          %mul3A_274 = arith.mulf %add3A_270, %div3A_273 : vector<16xf32>
          %sub3A_275 = arith.constant 2.000000e+00 : f32
          %sub3A_276 = vector.broadcast %sub3A_275 : f32 to vector<16xf32>
          %sub3A_277 = arith.subf %sub3A_276, %mul3A_274 : vector<16xf32>
          %mul3A_278 = arith.mulf %div3A_273, %sub3A_277 : vector<16xf32>
          %neg3A_279 = arith.constant 0.000000e+00 : f32
          %neg3A_280 = vector.broadcast %neg3A_279 : f32 to vector<16xf32>
          %neg3A_281 = arith.subf %neg3A_280, %get3A_200 : vector<16xf32>
          %mul3A_282 = arith.mulf %neg3A_281, %mul3A_278 : vector<16xf32>
          %add3A_283 = arith.addf %mul3A_282, %mul3A_278 : vector<16xf32>
          %min3A_284 = arith.minimumf %mul3A_282, %add3A_283 : vector<16xf32>
          %max3A_285 = arith.maximumf %max3A, %min3A_284 : vector<16xf32>
          %max3A_286 = arith.maximumf %mul3A_282, %add3A_283 : vector<16xf32>
          %min3A_287 = arith.minimumf %min3A_267, %max3A_286 : vector<16xf32>
          %add3A_288 = arith.constant 9.99999971E-10 : f32
          %add3A_289 = vector.broadcast %add3A_288 : f32 to vector<16xf32>
          %add3A_290 = arith.addf %mul3A_248, %add3A_289 : vector<16xf32>
          %div3A_291 = arith.constant 1.000000e+00 : f32
          %div3A_292 = vector.broadcast %div3A_291 : f32 to vector<16xf32>
          %div3A_293 = arith.divf %div3A_292, %add3A_290 : vector<16xf32>
          %mul3A_294 = arith.mulf %add3A_290, %div3A_293 : vector<16xf32>
          %sub3A_295 = arith.constant 2.000000e+00 : f32
          %sub3A_296 = vector.broadcast %sub3A_295 : f32 to vector<16xf32>
          %sub3A_297 = arith.subf %sub3A_296, %mul3A_294 : vector<16xf32>
          %mul3A_298 = arith.mulf %div3A_293, %sub3A_297 : vector<16xf32>
          %neg3A_299 = arith.constant 0.000000e+00 : f32
          %neg3A_300 = vector.broadcast %neg3A_299 : f32 to vector<16xf32>
          %neg3A_301 = arith.subf %neg3A_300, %get3A_202 : vector<16xf32>
          %mul3A_302 = arith.mulf %neg3A_301, %mul3A_298 : vector<16xf32>
          %add3A_303 = arith.addf %mul3A_302, %mul3A_298 : vector<16xf32>
          %min3A_304 = arith.minimumf %mul3A_302, %add3A_303 : vector<16xf32>
          %max3A_305 = arith.maximumf %max3A_285, %min3A_304 : vector<16xf32>
          %max3A_306 = arith.maximumf %mul3A_302, %add3A_303 : vector<16xf32>
          %min3A_307 = arith.minimumf %min3A_287, %max3A_306 : vector<16xf32>
          %max3A_308 = arith.constant 0.000000e+00 : f32
          %max3A_309 = vector.broadcast %max3A_308 : f32 to vector<16xf32>
          %max3A_310 = arith.maximumf %max3A_305, %max3A_309 : vector<16xf32>
          %max3A_311 = arith.maximumf %min3A_307, %max3A_310 : vector<16xf32>
          %sub3A_312 = arith.subf %max3A_311, %max3A_310 : vector<16xf32>
          %mul3A_313 = arith.constant 1.562500e-02 : f32
          %mul3A_314 = vector.broadcast %mul3A_313 : f32 to vector<16xf32>
          %mul3A_315 = arith.mulf %sub3A_312, %mul3A_314 : vector<16xf32>
          %swap3A = arith.index_cast %add3A_197 : i32 to index
          %swap3A_316 = tpu.vector_load %arg16[%swap3A] {strides = array<i32>} : memref<2048xf32, #tpu.memory_space<vmem>>, vector<16xf32>,
          tpu.vector_store %arg16[%swap3A], %mul3A_315 {strides = array<i32>} : memref<2048xf32, #tpu.memory_space<vmem>>, vector<16xf32>,
          %mul3A_317 = arith.constant 5.000000e-01 : f32
          %mul3A_318 = vector.broadcast %mul3A_317 : f32 to vector<16xf32>
          %mul3A_319 = arith.mulf %mul3A_318, %mul3A_315 : vector<16xf32>
          %add3A_320 = arith.addf %max3A_310, %mul3A_319 : vector<16xf32>
          %mul3A_321 = arith.mulf %add3A_320, %mul3A_246 : vector<16xf32>
          %add3A_322 = arith.addf %get3A_198, %mul3A_321 : vector<16xf32>
          %mul3A_323 = arith.constant 1.280000e+02 : f32
          %mul3A_324 = vector.broadcast %mul3A_323 : f32 to vector<16xf32>
          %mul3A_325 = arith.mulf %add3A_322, %mul3A_324 : vector<16xf32>
          %mul3A_326 = arith.mulf %add3A_320, %mul3A_247 : vector<16xf32>
          %add3A_327 = arith.addf %get3A_200, %mul3A_326 : vector<16xf32>
          %mul3A_328 = arith.constant 1.280000e+02 : f32
          %mul3A_329 = vector.broadcast %mul3A_328 : f32 to vector<16xf32>
          %mul3A_330 = arith.mulf %add3A_327, %mul3A_329 : vector<16xf32>
          %mul3A_331 = arith.mulf %add3A_320, %mul3A_248 : vector<16xf32>
          %add3A_332 = arith.addf %get3A_202, %mul3A_331 : vector<16xf32>
          %mul3A_333 = arith.constant 1.280000e+02 : f32
          %mul3A_334 = vector.broadcast %mul3A_333 : f32 to vector<16xf32>
          %mul3A_335 = arith.mulf %add3A_332, %mul3A_334 : vector<16xf32>
          %mul3A_336 = arith.mulf %mul3A_315, %mul3A_246 : vector<16xf32>
          %mul3A_337 = arith.constant 1.280000e+02 : f32
          %mul3A_338 = vector.broadcast %mul3A_337 : f32 to vector<16xf32>
          %mul3A_339 = arith.mulf %mul3A_336, %mul3A_338 : vector<16xf32>
          %mul3A_340 = arith.mulf %mul3A_315, %mul3A_247 : vector<16xf32>
          %mul3A_341 = arith.constant 1.280000e+02 : f32
          %mul3A_342 = vector.broadcast %mul3A_341 : f32 to vector<16xf32>
          %mul3A_343 = arith.mulf %mul3A_340, %mul3A_342 : vector<16xf32>
          %mul3A_344 = arith.mulf %mul3A_315, %mul3A_248 : vector<16xf32>
          %mul3A_345 = arith.constant 1.280000e+02 : f32
          %mul3A_346 = vector.broadcast %mul3A_345 : f32 to vector<16xf32>
          %mul3A_347 = arith.mulf %mul3A_344, %mul3A_346 : vector<16xf32>
          %scan3A_348 = arith.constant 0 : i32
          %scan3A_349 = arith.constant 64 : i32
          %scan3A_350 = arith.addi %scan3A_348, %scan3A_349 : i32
          %scan3A_351 = arith.constant 4 : i32
          %scan3A_352:3 = scf.for %scan3A_355 = %scan3A_348 to %scan3A_350 step %scan3A_351 iter_args(%scan3A_356 = %mul3A_325, %scan3A_357 = %mul3A_330, %scan3A_358 = %mul3A_335) -> (vector<16xf32>, vector<16xf32>, vector<16xf32>)  : i32 {
            %min3A_359 = arith.constant 1.270000e+02 : f32
            %min3A_360 = vector.broadcast %min3A_359 : f32 to vector<16xf32>
            %min3A_361 = arith.minimumf %scan3A_356, %min3A_360 : vector<16xf32>
            %convert_element_type3A_362 = arith.fptosi %min3A_361 : vector<16xf32> to vector<16xi32>
            %min3A_363 = arith.constant 1.270000e+02 : f32
            %min3A_364 = vector.broadcast %min3A_363 : f32 to vector<16xf32>
            %min3A_365 = arith.minimumf %scan3A_357, %min3A_364 : vector<16xf32>
            %convert_element_type3A_366 = arith.fptosi %min3A_365 : vector<16xf32> to vector<16xi32>
            %min3A_367 = arith.constant 1.270000e+02 : f32
            %min3A_368 = vector.broadcast %min3A_367 : f32 to vector<16xf32>
            %min3A_369 = arith.minimumf %scan3A_358, %min3A_368 : vector<16xf32>
            %convert_element_type3A_370 = arith.fptosi %min3A_369 : vector<16xf32> to vector<16xi32>
            %mul3A_371 = arith.constant 128 : i32
            %mul3A_372 = vector.broadcast %mul3A_371 : i32 to vector<16xi32>
            %mul3A_373 = arith.muli %convert_element_type3A_362, %mul3A_372 : vector<16xi32>
            %add3A_374 = arith.addi %mul3A_373, %convert_element_type3A_366 : vector<16xi32>
            %mul3A_375 = arith.constant 128 : i32
            %mul3A_376 = vector.broadcast %mul3A_375 : i32 to vector<16xi32>
            %mul3A_377 = arith.muli %add3A_374, %mul3A_376 : vector<16xi32>
            %add3A_378 = arith.addi %mul3A_377, %convert_element_type3A_370 : vector<16xi32>
            %mul3A_379 = arith.constant 64 : i32
            %mul3A_380 = arith.muli %scan3A_355, %mul3A_379 : i32
            %add3A_381 = arith.constant 0 : i32
            %add3A_382 = arith.addi %add3A_381, %mul3A_380 : i32
            %mul3A_383 = arith.constant 16 : i32
            %mul3A_384 = arith.muli %scan3A_193, %mul3A_383 : i32
            %add3A_385 = arith.addi %add3A_382, %mul3A_384 : i32
            %shift_right_logical3A = arith.constant 1 : i32
            %shift_right_logical3A_386 = vector.broadcast %shift_right_logical3A : i32 to vector<16xi32>
            %shift_right_logical3A_387 = arith.shrui %add3A_378, %shift_right_logical3A_386 : vector<16xi32>
            %swap3A_388 = arith.index_cast %add3A_385 : i32 to index
            %swap3A_389 = tpu.vector_load %arg17[%swap3A_388] {strides = array<i32>} : memref<8192xi32, #tpu.memory_space<vmem>>, vector<16xi32>,
            tpu.vector_store %arg17[%swap3A_388], %shift_right_logical3A_387 {strides = array<i32>} : memref<8192xi32, #tpu.memory_space<vmem>>, vector<16xi32>,
            %and3A = arith.constant 1 : i32
            %and3A_390 = vector.broadcast %and3A : i32 to vector<16xi32>
            %and3A_391 = arith.andi %add3A_378, %and3A_390 : vector<16xi32>
            %shift_left3A = arith.constant 2 : i32
            %shift_left3A_392 = vector.broadcast %shift_left3A : i32 to vector<16xi32>
            %shift_left3A_393 = arith.shli %and3A_391, %shift_left3A_392 : vector<16xi32>
            %swap3A_394 = arith.index_cast %add3A_385 : i32 to index
            %swap3A_395 = tpu.vector_load %arg18[%swap3A_394] {strides = array<i32>} : memref<8192xi32, #tpu.memory_space<vmem>>, vector<16xi32>,
            tpu.vector_store %arg18[%swap3A_394], %shift_left3A_393 {strides = array<i32>} : memref<8192xi32, #tpu.memory_space<vmem>>, vector<16xi32>,
            %add3A_396 = arith.addf %scan3A_356, %mul3A_339 : vector<16xf32>
            %add3A_397 = arith.addf %scan3A_357, %mul3A_343 : vector<16xf32>
            %add3A_398 = arith.addf %scan3A_358, %mul3A_347 : vector<16xf32>
            %scan3A_399 = arith.constant 1 : i32
            %scan3A_400 = arith.addi %scan3A_355, %scan3A_399 : i32
            %min3A_401 = arith.constant 1.270000e+02 : f32
            %min3A_402 = vector.broadcast %min3A_401 : f32 to vector<16xf32>
            %min3A_403 = arith.minimumf %add3A_396, %min3A_402 : vector<16xf32>
            %convert_element_type3A_404 = arith.fptosi %min3A_403 : vector<16xf32> to vector<16xi32>
            %min3A_405 = arith.constant 1.270000e+02 : f32
            %min3A_406 = vector.broadcast %min3A_405 : f32 to vector<16xf32>
            %min3A_407 = arith.minimumf %add3A_397, %min3A_406 : vector<16xf32>
            %convert_element_type3A_408 = arith.fptosi %min3A_407 : vector<16xf32> to vector<16xi32>
            %min3A_409 = arith.constant 1.270000e+02 : f32
            %min3A_410 = vector.broadcast %min3A_409 : f32 to vector<16xf32>
            %min3A_411 = arith.minimumf %add3A_398, %min3A_410 : vector<16xf32>
            %convert_element_type3A_412 = arith.fptosi %min3A_411 : vector<16xf32> to vector<16xi32>
            %mul3A_413 = arith.constant 128 : i32
            %mul3A_414 = vector.broadcast %mul3A_413 : i32 to vector<16xi32>
            %mul3A_415 = arith.muli %convert_element_type3A_404, %mul3A_414 : vector<16xi32>
            %add3A_416 = arith.addi %mul3A_415, %convert_element_type3A_408 : vector<16xi32>
            %mul3A_417 = arith.constant 128 : i32
            %mul3A_418 = vector.broadcast %mul3A_417 : i32 to vector<16xi32>
            %mul3A_419 = arith.muli %add3A_416, %mul3A_418 : vector<16xi32>
            %add3A_420 = arith.addi %mul3A_419, %convert_element_type3A_412 : vector<16xi32>
            %mul3A_421 = arith.constant 64 : i32
            %mul3A_422 = arith.muli %scan3A_400, %mul3A_421 : i32
            %add3A_423 = arith.constant 0 : i32
            %add3A_424 = arith.addi %add3A_423, %mul3A_422 : i32
            %mul3A_425 = arith.constant 16 : i32
            %mul3A_426 = arith.muli %scan3A_193, %mul3A_425 : i32
            %add3A_427 = arith.addi %add3A_424, %mul3A_426 : i32
            %shift_right_logical3A_428 = arith.constant 1 : i32
            %shift_right_logical3A_429 = vector.broadcast %shift_right_logical3A_428 : i32 to vector<16xi32>
            %shift_right_logical3A_430 = arith.shrui %add3A_420, %shift_right_logical3A_429 : vector<16xi32>
            %swap3A_431 = arith.index_cast %add3A_427 : i32 to index
            %swap3A_432 = tpu.vector_load %arg17[%swap3A_431] {strides = array<i32>} : memref<8192xi32, #tpu.memory_space<vmem>>, vector<16xi32>,
            tpu.vector_store %arg17[%swap3A_431], %shift_right_logical3A_430 {strides = array<i32>} : memref<8192xi32, #tpu.memory_space<vmem>>, vector<16xi32>,
            %and3A_433 = arith.constant 1 : i32
            %and3A_434 = vector.broadcast %and3A_433 : i32 to vector<16xi32>
            %and3A_435 = arith.andi %add3A_420, %and3A_434 : vector<16xi32>
            %shift_left3A_436 = arith.constant 2 : i32
            %shift_left3A_437 = vector.broadcast %shift_left3A_436 : i32 to vector<16xi32>
            %shift_left3A_438 = arith.shli %and3A_435, %shift_left3A_437 : vector<16xi32>
            %swap3A_439 = arith.index_cast %add3A_427 : i32 to index
            %swap3A_440 = tpu.vector_load %arg18[%swap3A_439] {strides = array<i32>} : memref<8192xi32, #tpu.memory_space<vmem>>, vector<16xi32>,
            tpu.vector_store %arg18[%swap3A_439], %shift_left3A_438 {strides = array<i32>} : memref<8192xi32, #tpu.memory_space<vmem>>, vector<16xi32>,
            %add3A_441 = arith.addf %add3A_396, %mul3A_339 : vector<16xf32>
            %add3A_442 = arith.addf %add3A_397, %mul3A_343 : vector<16xf32>
            %add3A_443 = arith.addf %add3A_398, %mul3A_347 : vector<16xf32>
            %scan3A_444 = arith.constant 2 : i32
            %scan3A_445 = arith.addi %scan3A_355, %scan3A_444 : i32
            %min3A_446 = arith.constant 1.270000e+02 : f32
            %min3A_447 = vector.broadcast %min3A_446 : f32 to vector<16xf32>
            %min3A_448 = arith.minimumf %add3A_441, %min3A_447 : vector<16xf32>
            %convert_element_type3A_449 = arith.fptosi %min3A_448 : vector<16xf32> to vector<16xi32>
            %min3A_450 = arith.constant 1.270000e+02 : f32
            %min3A_451 = vector.broadcast %min3A_450 : f32 to vector<16xf32>
            %min3A_452 = arith.minimumf %add3A_442, %min3A_451 : vector<16xf32>
            %convert_element_type3A_453 = arith.fptosi %min3A_452 : vector<16xf32> to vector<16xi32>
            %min3A_454 = arith.constant 1.270000e+02 : f32
            %min3A_455 = vector.broadcast %min3A_454 : f32 to vector<16xf32>
            %min3A_456 = arith.minimumf %add3A_443, %min3A_455 : vector<16xf32>
            %convert_element_type3A_457 = arith.fptosi %min3A_456 : vector<16xf32> to vector<16xi32>
            %mul3A_458 = arith.constant 128 : i32
            %mul3A_459 = vector.broadcast %mul3A_458 : i32 to vector<16xi32>
            %mul3A_460 = arith.muli %convert_element_type3A_449, %mul3A_459 : vector<16xi32>
            %add3A_461 = arith.addi %mul3A_460, %convert_element_type3A_453 : vector<16xi32>
            %mul3A_462 = arith.constant 128 : i32
            %mul3A_463 = vector.broadcast %mul3A_462 : i32 to vector<16xi32>
            %mul3A_464 = arith.muli %add3A_461, %mul3A_463 : vector<16xi32>
            %add3A_465 = arith.addi %mul3A_464, %convert_element_type3A_457 : vector<16xi32>
            %mul3A_466 = arith.constant 64 : i32
            %mul3A_467 = arith.muli %scan3A_445, %mul3A_466 : i32
            %add3A_468 = arith.constant 0 : i32
            %add3A_469 = arith.addi %add3A_468, %mul3A_467 : i32
            %mul3A_470 = arith.constant 16 : i32
            %mul3A_471 = arith.muli %scan3A_193, %mul3A_470 : i32
            %add3A_472 = arith.addi %add3A_469, %mul3A_471 : i32
            %shift_right_logical3A_473 = arith.constant 1 : i32
            %shift_right_logical3A_474 = vector.broadcast %shift_right_logical3A_473 : i32 to vector<16xi32>
            %shift_right_logical3A_475 = arith.shrui %add3A_465, %shift_right_logical3A_474 : vector<16xi32>
            %swap3A_476 = arith.index_cast %add3A_472 : i32 to index
            %swap3A_477 = tpu.vector_load %arg17[%swap3A_476] {strides = array<i32>} : memref<8192xi32, #tpu.memory_space<vmem>>, vector<16xi32>,
            tpu.vector_store %arg17[%swap3A_476], %shift_right_logical3A_475 {strides = array<i32>} : memref<8192xi32, #tpu.memory_space<vmem>>, vector<16xi32>,
            %and3A_478 = arith.constant 1 : i32
            %and3A_479 = vector.broadcast %and3A_478 : i32 to vector<16xi32>
            %and3A_480 = arith.andi %add3A_465, %and3A_479 : vector<16xi32>
            %shift_left3A_481 = arith.constant 2 : i32
            %shift_left3A_482 = vector.broadcast %shift_left3A_481 : i32 to vector<16xi32>
            %shift_left3A_483 = arith.shli %and3A_480, %shift_left3A_482 : vector<16xi32>
            %swap3A_484 = arith.index_cast %add3A_472 : i32 to index
            %swap3A_485 = tpu.vector_load %arg18[%swap3A_484] {strides = array<i32>} : memref<8192xi32, #tpu.memory_space<vmem>>, vector<16xi32>,
            tpu.vector_store %arg18[%swap3A_484], %shift_left3A_483 {strides = array<i32>} : memref<8192xi32, #tpu.memory_space<vmem>>, vector<16xi32>,
            %add3A_486 = arith.addf %add3A_441, %mul3A_339 : vector<16xf32>
            %add3A_487 = arith.addf %add3A_442, %mul3A_343 : vector<16xf32>
            %add3A_488 = arith.addf %add3A_443, %mul3A_347 : vector<16xf32>
            %scan3A_489 = arith.constant 3 : i32
            %scan3A_490 = arith.addi %scan3A_355, %scan3A_489 : i32
            %min3A_491 = arith.constant 1.270000e+02 : f32
            %min3A_492 = vector.broadcast %min3A_491 : f32 to vector<16xf32>
            %min3A_493 = arith.minimumf %add3A_486, %min3A_492 : vector<16xf32>
            %convert_element_type3A_494 = arith.fptosi %min3A_493 : vector<16xf32> to vector<16xi32>
            %min3A_495 = arith.constant 1.270000e+02 : f32
            %min3A_496 = vector.broadcast %min3A_495 : f32 to vector<16xf32>
            %min3A_497 = arith.minimumf %add3A_487, %min3A_496 : vector<16xf32>
            %convert_element_type3A_498 = arith.fptosi %min3A_497 : vector<16xf32> to vector<16xi32>
            %min3A_499 = arith.constant 1.270000e+02 : f32
            %min3A_500 = vector.broadcast %min3A_499 : f32 to vector<16xf32>
            %min3A_501 = arith.minimumf %add3A_488, %min3A_500 : vector<16xf32>
            %convert_element_type3A_502 = arith.fptosi %min3A_501 : vector<16xf32> to vector<16xi32>
            %mul3A_503 = arith.constant 128 : i32
            %mul3A_504 = vector.broadcast %mul3A_503 : i32 to vector<16xi32>
            %mul3A_505 = arith.muli %convert_element_type3A_494, %mul3A_504 : vector<16xi32>
            %add3A_506 = arith.addi %mul3A_505, %convert_element_type3A_498 : vector<16xi32>
            %mul3A_507 = arith.constant 128 : i32
            %mul3A_508 = vector.broadcast %mul3A_507 : i32 to vector<16xi32>
            %mul3A_509 = arith.muli %add3A_506, %mul3A_508 : vector<16xi32>
            %add3A_510 = arith.addi %mul3A_509, %convert_element_type3A_502 : vector<16xi32>
            %mul3A_511 = arith.constant 64 : i32
            %mul3A_512 = arith.muli %scan3A_490, %mul3A_511 : i32
            %add3A_513 = arith.constant 0 : i32
            %add3A_514 = arith.addi %add3A_513, %mul3A_512 : i32
            %mul3A_515 = arith.constant 16 : i32
            %mul3A_516 = arith.muli %scan3A_193, %mul3A_515 : i32
            %add3A_517 = arith.addi %add3A_514, %mul3A_516 : i32
            %shift_right_logical3A_518 = arith.constant 1 : i32
            %shift_right_logical3A_519 = vector.broadcast %shift_right_logical3A_518 : i32 to vector<16xi32>
            %shift_right_logical3A_520 = arith.shrui %add3A_510, %shift_right_logical3A_519 : vector<16xi32>
            %swap3A_521 = arith.index_cast %add3A_517 : i32 to index
            %swap3A_522 = tpu.vector_load %arg17[%swap3A_521] {strides = array<i32>} : memref<8192xi32, #tpu.memory_space<vmem>>, vector<16xi32>,
            tpu.vector_store %arg17[%swap3A_521], %shift_right_logical3A_520 {strides = array<i32>} : memref<8192xi32, #tpu.memory_space<vmem>>, vector<16xi32>,
            %and3A_523 = arith.constant 1 : i32
            %and3A_524 = vector.broadcast %and3A_523 : i32 to vector<16xi32>
            %and3A_525 = arith.andi %add3A_510, %and3A_524 : vector<16xi32>
            %shift_left3A_526 = arith.constant 2 : i32
            %shift_left3A_527 = vector.broadcast %shift_left3A_526 : i32 to vector<16xi32>
            %shift_left3A_528 = arith.shli %and3A_525, %shift_left3A_527 : vector<16xi32>
            %swap3A_529 = arith.index_cast %add3A_517 : i32 to index
            %swap3A_530 = tpu.vector_load %arg18[%swap3A_529] {strides = array<i32>} : memref<8192xi32, #tpu.memory_space<vmem>>, vector<16xi32>,
            tpu.vector_store %arg18[%swap3A_529], %shift_left3A_528 {strides = array<i32>} : memref<8192xi32, #tpu.memory_space<vmem>>, vector<16xi32>,
            %add3A_531 = arith.addf %add3A_486, %mul3A_339 : vector<16xf32>
            %add3A_532 = arith.addf %add3A_487, %mul3A_343 : vector<16xf32>
            %add3A_533 = arith.addf %add3A_488, %mul3A_347 : vector<16xf32>
            scf.yield %add3A_531, %add3A_532, %add3A_533 : vector<16xf32>, vector<16xf32>, vector<16xf32>
          }
          %scan3A_353 = arith.constant 64 : i32
          %scan3A_354 = arith.constant 0 : i32
          scf.yield %scan3A_354 : i32
        }
        %scan3A_185 = arith.constant 4 : i32
        %scan3A_186 = arith.constant 0 : i32
        %scan3A_187 = arith.constant 0 : i32
        %scan3A_188 = arith.constant 32 : i32
        %scan3A_189 = arith.addi %scan3A_187, %scan3A_188 : i32
        %scan3A_190 = arith.constant 1 : i32
        %scan3A_191 = scf.for %scan3A_193 = %scan3A_187 to %scan3A_189 step %scan3A_190 iter_args(%scan3A_194 = %scan3A_186) -> (i32)  : i32 {
          %mul3A_195 = arith.constant 128 : i32
          %mul3A_196 = arith.muli %scan3A_193, %mul3A_195 : i32
          %add3A_197 = arith.constant 0 : i32
          %add3A_198 = arith.addi %add3A_197, %mul3A_196 : i32
          %dma_start3A_199 = arith.constant 0 : i32
          %dma_start3A_200 = tpu.memref_slice %arg19[%add3A_198, %dma_start3A_199] : memref<8192x8xf32, #tpu.memory_space<vmem>> -> memref<128x8xf32, #tpu.memory_space<vmem>>
          %dma_start3A_201 = tpu.memref_slice %arg17[%add3A_198] : memref<8192xi32, #tpu.memory_space<vmem>> -> memref<128xi32, #tpu.memory_space<vmem>>
          %dma_start3A_202 = arith.constant 0 : i32
          %dma_start3A_203 = arith.constant 0 : i32
          %dma_start3A_204 = tpu.memref_slice %arg8[%dma_start3A_202, %dma_start3A_203] : memref<1048576x8xf32, #tpu.memory_space<hbm>> -> memref<1048576x8xf32, #tpu.memory_space<hbm>>
          tpu.enqueue_indirect_dma source(%dma_start3A_204 : memref<1048576x8xf32, #tpu.memory_space<hbm>>) target(%dma_start3A_200 : memref<128x8xf32, #tpu.memory_space<vmem>>) offsets(%dma_start3A_201 : memref<128xi32, #tpu.memory_space<vmem>>) semaphore(%arg21 : memref<!tpu.dma_semaphore, #tpu.memory_space<semaphore_mem>>)
          %scan3A_205 = arith.constant 0 : i32
          scf.yield %scan3A_205 : i32
        }
        %scan3A_192 = arith.constant 32 : i32
      } else {
      }
      %scan3A_137 = arith.constant 0 : i32
      %scan3A_138 = arith.constant 0 : i32
      %scan3A_139 = arith.constant 32 : i32
      %scan3A_140 = arith.addi %scan3A_138, %scan3A_139 : i32
      %scan3A_141 = arith.constant 1 : i32
      %scan3A_142 = scf.for %scan3A_175 = %scan3A_138 to %scan3A_140 step %scan3A_141 iter_args(%scan3A_176 = %scan3A_137) -> (i32)  : i32 {
        %mul3A_177 = arith.constant 128 : i32
        %mul3A_178 = arith.muli %scan3A_175, %mul3A_177 : i32
        %add3A_179 = arith.constant 4096 : i32
        %add3A_180 = arith.addi %add3A_179, %mul3A_178 : i32
        %dma_wait3A_181 = arith.constant 0 : i32
        %dma_wait3A_182 = tpu.memref_slice %arg19[%add3A_180, %dma_wait3A_181] : memref<8192x8xf32, #tpu.memory_space<vmem>> -> memref<128x8xf32, #tpu.memory_space<vmem>>
        %dma_wait3A_183 = tpu.memref_slice %arg17[%add3A_180] : memref<8192xi32, #tpu.memory_space<vmem>> -> memref<128xi32, #tpu.memory_space<vmem>>
        %dma_wait3A_184 = arith.constant 0 : i32
        %dma_wait3A_185 = arith.constant 0 : i32
        %dma_wait3A_186 = tpu.memref_slice %arg8[%dma_wait3A_184, %dma_wait3A_185] : memref<1048576x8xf32, #tpu.memory_space<hbm>> -> memref<1048576x8xf32, #tpu.memory_space<hbm>>
        tpu.wait_indirect_dma semaphore(%arg22 : memref<!tpu.dma_semaphore, #tpu.memory_space<semaphore_mem>>) src(%dma_wait3A_186 : memref<1048576x8xf32, #tpu.memory_space<hbm>>) dst(%dma_wait3A_182 : memref<128x8xf32, #tpu.memory_space<vmem>>)
        %scan3A_187 = arith.constant 0 : i32
        scf.yield %scan3A_187 : i32
      }
      %scan3A_143 = arith.constant 32 : i32
      %mul3A_144 = arith.constant 64 : i32
      %mul3A_145 = arith.muli %add3A_80, %mul3A_144 : i32
      %ge3A_146 = arith.constant 2 : i32
      %ge3A_147 = arith.cmpi sge, %add3A_80, %ge3A_146 : i32
      %convert_element_type3A_148 = arith.extui %ge3A_147 : i1 to i32
      %cond3A_149 = arith.constant 0 : i32
      %cond3A_150 = arith.cmpi ne, %convert_element_type3A_148, %cond3A_149 : i32
      scf.if %cond3A_150 {
        %sub3A = arith.constant 2 : i32
        %sub3A_175 = arith.subi %add3A_80, %sub3A : i32
        %mul3A_176 = arith.constant 64 : i32
        %mul3A_177 = arith.muli %sub3A_175, %mul3A_176 : i32
        %add3A_178 = arith.addi %mul3A_2, %mul3A_177 : i32
        %dma_wait3A_179 = arith.constant 1 : i32
        %dma_wait3A_180 = arith.constant 0 : i32
        %dma_wait3A_181 = arith.constant 0 : i32
        %dma_wait3A_182 = tpu.memref_slice %arg20[%dma_wait3A_179, %dma_wait3A_180, %dma_wait3A_181] : memref<2x3x64xf32, #tpu.memory_space<vmem>> -> memref<1x3x64xf32, #tpu.memory_space<vmem>>
        %dma_wait3A_183 = tpu.memref_squeeze %dma_wait3A_182 : memref<1x3x64xf32, #tpu.memory_space<vmem>> -> memref<3x64xf32, #tpu.memory_space<vmem>>
        %dma_wait3A_184 = arith.constant 0 : i32
        %dma_wait3A_185 = tpu.memref_slice %arg9[%dma_wait3A_184, %add3A_178] : memref<3x65536xf32, #tpu.memory_space<hbm>> -> memref<3x64xf32, #tpu.memory_space<hbm>>
        %dma_wait3A_186 = arith.constant 0 : i32
        %dma_wait3A_187 = tpu.memref_slice %arg9[%dma_wait3A_186, %add3A_178] : memref<3x65536xf32, #tpu.memory_space<hbm>> -> memref<3x64xf32, #tpu.memory_space<hbm>>
        %dma_wait3A_188 = arith.constant 0 : i32
        %dma_wait3A_189 = arith.constant 0 : i32
        %dma_wait3A_190 = tpu.memref_slice %arg20[%dma_wait3A_179, %dma_wait3A_188, %dma_wait3A_189] : memref<2x3x64xf32, #tpu.memory_space<vmem>> -> memref<1x3x64xf32, #tpu.memory_space<vmem>>
        %dma_wait3A_191 = tpu.memref_squeeze %dma_wait3A_190 : memref<1x3x64xf32, #tpu.memory_space<vmem>> -> memref<3x64xf32, #tpu.memory_space<vmem>>
        tpu.wait_dma2 semaphore(%arg25 : memref<!tpu.dma_semaphore, #tpu.memory_space<semaphore_mem>>) src(%dma_wait3A_191 : memref<3x64xf32, #tpu.memory_space<vmem>>) dst(%dma_wait3A_187 : memref<3x64xf32, #tpu.memory_space<hbm>>)
      } else {
      }
      %scan3A_151 = arith.constant 0 : i32
      %scan3A_152 = arith.constant 0 : i32
      %scan3A_153 = arith.constant 4 : i32
      %scan3A_154 = arith.addi %scan3A_152, %scan3A_153 : i32
      %scan3A_155 = arith.constant 1 : i32
      %scan3A_156 = scf.for %scan3A_175 = %scan3A_152 to %scan3A_154 step %scan3A_155 iter_args(%scan3A_176 = %scan3A_151) -> (i32)  : i32 {
        %mul3A_177 = arith.constant 16 : i32
        %mul3A_178 = arith.muli %scan3A_175, %mul3A_177 : i32
        %add3A_179 = arith.addi %mul3A_145, %mul3A_178 : i32
        %get3A = arith.index_cast %add3A_179 : i32 to index
        %get3A_180 = tpu.vector_load %arg16[%get3A] {strides = array<i32>} : memref<2048xf32, #tpu.memory_space<vmem>>, vector<16xf32>,
        %mul3A_181 = arith.constant 16 : i32
        %mul3A_182 = arith.muli %scan3A_175, %mul3A_181 : i32
        %add3A_183 = arith.constant 4096 : i32
        %add3A_184 = arith.addi %add3A_183, %mul3A_182 : i32
        %add3A_185 = vector.broadcast %add3A_184 : i32 to vector<16xi32>
        %add3A_186 = arith.addi %add3A_185, %iota3A : vector<16xi32>
        %broadcast_in_dim3A = arith.constant 0.000000e+00 : f32
        %broadcast_in_dim3A_187 = vector.broadcast %broadcast_in_dim3A : f32 to vector<16xf32>
        %broadcast_in_dim3A_188 = arith.constant 1.000000e+00 : f32
        %broadcast_in_dim3A_189 = vector.broadcast %broadcast_in_dim3A_188 : f32 to vector<16xf32>
        %scan3A_190 = arith.constant 0 : i32
        %scan3A_191 = arith.constant 64 : i32
        %scan3A_192 = arith.addi %scan3A_190, %scan3A_191 : i32
        %scan3A_193 = arith.constant 4 : i32
        %scan3A_194:4 = scf.for %scan3A_219 = %scan3A_190 to %scan3A_192 step %scan3A_193 iter_args(%scan3A_220 = %broadcast_in_dim3A_189, %scan3A_221 = %broadcast_in_dim3A_187, %scan3A_222 = %broadcast_in_dim3A_187, %scan3A_223 = %broadcast_in_dim3A_187) -> (vector<16xf32>, vector<16xf32>, vector<16xf32>, vector<16xf32>)  : i32 {
          %mul3A_224 = arith.constant 64 : i32
          %mul3A_225 = arith.muli %scan3A_219, %mul3A_224 : i32
          %add3A_226 = vector.broadcast %mul3A_225 : i32 to vector<16xi32>
          %add3A_227 = arith.addi %add3A_226, %add3A_186 : vector<16xi32>
          %mul3A_228 = arith.constant 64 : i32
          %mul3A_229 = arith.muli %scan3A_219, %mul3A_228 : i32
          %add3A_230 = arith.constant 4096 : i32
          %add3A_231 = arith.addi %add3A_230, %mul3A_229 : i32
          %mul3A_232 = arith.constant 16 : i32
          %mul3A_233 = arith.muli %scan3A_175, %mul3A_232 : i32
          %add3A_234 = arith.addi %add3A_231, %mul3A_233 : i32
          %get3A_235 = arith.index_cast %add3A_234 : i32 to index
          %get3A_236 = tpu.vector_load %arg18[%get3A_235] {strides = array<i32>} : memref<8192xi32, #tpu.memory_space<vmem>>, vector<16xi32>,
          %gather3A = tpu.vector_load_idx %arg19[%add3A_227, %get3A_236] : memref<8192x8xf32, #tpu.memory_space<vmem>>[vector<16xi32>, vector<16xi32>], vector<16xf32>,
          %add3A_237 = arith.constant 1 : i32
          %add3A_238 = vector.broadcast %add3A_237 : i32 to vector<16xi32>
          %add3A_239 = arith.addi %get3A_236, %add3A_238 : vector<16xi32>
          %gather3A_240 = tpu.vector_load_idx %arg19[%add3A_227, %add3A_239] : memref<8192x8xf32, #tpu.memory_space<vmem>>[vector<16xi32>, vector<16xi32>], vector<16xf32>,
          %add3A_241 = arith.constant 2 : i32
          %add3A_242 = vector.broadcast %add3A_241 : i32 to vector<16xi32>
          %add3A_243 = arith.addi %get3A_236, %add3A_242 : vector<16xi32>
          %gather3A_244 = tpu.vector_load_idx %arg19[%add3A_227, %add3A_243] : memref<8192x8xf32, #tpu.memory_space<vmem>>[vector<16xi32>, vector<16xi32>], vector<16xf32>,
          %add3A_245 = arith.constant 3 : i32
          %add3A_246 = vector.broadcast %add3A_245 : i32 to vector<16xi32>
          %add3A_247 = arith.addi %get3A_236, %add3A_246 : vector<16xi32>
          %gather3A_248 = tpu.vector_load_idx %arg19[%add3A_227, %add3A_247] : memref<8192x8xf32, #tpu.memory_space<vmem>>[vector<16xi32>, vector<16xi32>], vector<16xf32>,
          %max3A = arith.constant 0.000000e+00 : f32
          %max3A_249 = vector.broadcast %max3A : f32 to vector<16xf32>
          %max3A_250 = arith.maximumf %gather3A_248, %max3A_249 : vector<16xf32>
          %mul3A_251 = arith.mulf %max3A_250, %get3A_180 : vector<16xf32>
          %neg3A = arith.constant 0.000000e+00 : f32
          %neg3A_252 = vector.broadcast %neg3A : f32 to vector<16xf32>
          %neg3A_253 = arith.subf %neg3A_252, %mul3A_251 : vector<16xf32>
          %exp3A = math.exp %neg3A_253 : vector<16xf32>
          %sub3A = arith.constant 1.000000e+00 : f32
          %sub3A_254 = vector.broadcast %sub3A : f32 to vector<16xf32>
          %sub3A_255 = arith.subf %sub3A_254, %exp3A : vector<16xf32>
          %mul3A_256 = arith.mulf %scan3A_220, %sub3A_255 : vector<16xf32>
          %neg3A_257 = arith.constant 0.000000e+00 : f32
          %neg3A_258 = vector.broadcast %neg3A_257 : f32 to vector<16xf32>
          %neg3A_259 = arith.subf %neg3A_258, %gather3A : vector<16xf32>
          %exp3A_260 = math.exp %neg3A_259 : vector<16xf32>
          %add3A_261 = arith.constant 1.000000e+00 : f32
          %add3A_262 = vector.broadcast %add3A_261 : f32 to vector<16xf32>
          %add3A_263 = arith.addf %add3A_262, %exp3A_260 : vector<16xf32>
          %div3A = arith.constant 1.000000e+00 : f32
          %div3A_264 = vector.broadcast %div3A : f32 to vector<16xf32>
          %div3A_265 = arith.divf %div3A_264, %add3A_263 : vector<16xf32>
          %mul3A_266 = arith.mulf %mul3A_256, %div3A_265 : vector<16xf32>
          %add3A_267 = arith.addf %scan3A_221, %mul3A_266 : vector<16xf32>
          %neg3A_268 = arith.constant 0.000000e+00 : f32
          %neg3A_269 = vector.broadcast %neg3A_268 : f32 to vector<16xf32>
          %neg3A_270 = arith.subf %neg3A_269, %gather3A_240 : vector<16xf32>
          %exp3A_271 = math.exp %neg3A_270 : vector<16xf32>
          %add3A_272 = arith.constant 1.000000e+00 : f32
          %add3A_273 = vector.broadcast %add3A_272 : f32 to vector<16xf32>
          %add3A_274 = arith.addf %add3A_273, %exp3A_271 : vector<16xf32>
          %div3A_275 = arith.constant 1.000000e+00 : f32
          %div3A_276 = vector.broadcast %div3A_275 : f32 to vector<16xf32>
          %div3A_277 = arith.divf %div3A_276, %add3A_274 : vector<16xf32>
          %mul3A_278 = arith.mulf %mul3A_256, %div3A_277 : vector<16xf32>
          %add3A_279 = arith.addf %scan3A_222, %mul3A_278 : vector<16xf32>
          %neg3A_280 = arith.constant 0.000000e+00 : f32
          %neg3A_281 = vector.broadcast %neg3A_280 : f32 to vector<16xf32>
          %neg3A_282 = arith.subf %neg3A_281, %gather3A_244 : vector<16xf32>
          %exp3A_283 = math.exp %neg3A_282 : vector<16xf32>
          %add3A_284 = arith.constant 1.000000e+00 : f32
          %add3A_285 = vector.broadcast %add3A_284 : f32 to vector<16xf32>
          %add3A_286 = arith.addf %add3A_285, %exp3A_283 : vector<16xf32>
          %div3A_287 = arith.constant 1.000000e+00 : f32
          %div3A_288 = vector.broadcast %div3A_287 : f32 to vector<16xf32>
          %div3A_289 = arith.divf %div3A_288, %add3A_286 : vector<16xf32>
          %mul3A_290 = arith.mulf %mul3A_256, %div3A_289 : vector<16xf32>
          %add3A_291 = arith.addf %scan3A_223, %mul3A_290 : vector<16xf32>
          %mul3A_292 = arith.mulf %scan3A_220, %exp3A : vector<16xf32>
          %scan3A_293 = arith.constant 1 : i32
          %scan3A_294 = arith.addi %scan3A_219, %scan3A_293 : i32
          %mul3A_295 = arith.constant 64 : i32
          %mul3A_296 = arith.muli %scan3A_294, %mul3A_295 : i32
          %add3A_297 = vector.broadcast %mul3A_296 : i32 to vector<16xi32>
          %add3A_298 = arith.addi %add3A_297, %add3A_186 : vector<16xi32>
          %mul3A_299 = arith.constant 64 : i32
          %mul3A_300 = arith.muli %scan3A_294, %mul3A_299 : i32
          %add3A_301 = arith.constant 4096 : i32
          %add3A_302 = arith.addi %add3A_301, %mul3A_300 : i32
          %mul3A_303 = arith.constant 16 : i32
          %mul3A_304 = arith.muli %scan3A_175, %mul3A_303 : i32
          %add3A_305 = arith.addi %add3A_302, %mul3A_304 : i32
          %get3A_306 = arith.index_cast %add3A_305 : i32 to index
          %get3A_307 = tpu.vector_load %arg18[%get3A_306] {strides = array<i32>} : memref<8192xi32, #tpu.memory_space<vmem>>, vector<16xi32>,
          %gather3A_308 = tpu.vector_load_idx %arg19[%add3A_298, %get3A_307] : memref<8192x8xf32, #tpu.memory_space<vmem>>[vector<16xi32>, vector<16xi32>], vector<16xf32>,
          %add3A_309 = arith.constant 1 : i32
          %add3A_310 = vector.broadcast %add3A_309 : i32 to vector<16xi32>
          %add3A_311 = arith.addi %get3A_307, %add3A_310 : vector<16xi32>
          %gather3A_312 = tpu.vector_load_idx %arg19[%add3A_298, %add3A_311] : memref<8192x8xf32, #tpu.memory_space<vmem>>[vector<16xi32>, vector<16xi32>], vector<16xf32>,
          %add3A_313 = arith.constant 2 : i32
          %add3A_314 = vector.broadcast %add3A_313 : i32 to vector<16xi32>
          %add3A_315 = arith.addi %get3A_307, %add3A_314 : vector<16xi32>
          %gather3A_316 = tpu.vector_load_idx %arg19[%add3A_298, %add3A_315] : memref<8192x8xf32, #tpu.memory_space<vmem>>[vector<16xi32>, vector<16xi32>], vector<16xf32>,
          %add3A_317 = arith.constant 3 : i32
          %add3A_318 = vector.broadcast %add3A_317 : i32 to vector<16xi32>
          %add3A_319 = arith.addi %get3A_307, %add3A_318 : vector<16xi32>
          %gather3A_320 = tpu.vector_load_idx %arg19[%add3A_298, %add3A_319] : memref<8192x8xf32, #tpu.memory_space<vmem>>[vector<16xi32>, vector<16xi32>], vector<16xf32>,
          %max3A_321 = arith.constant 0.000000e+00 : f32
          %max3A_322 = vector.broadcast %max3A_321 : f32 to vector<16xf32>
          %max3A_323 = arith.maximumf %gather3A_320, %max3A_322 : vector<16xf32>
          %mul3A_324 = arith.mulf %max3A_323, %get3A_180 : vector<16xf32>
          %neg3A_325 = arith.constant 0.000000e+00 : f32
          %neg3A_326 = vector.broadcast %neg3A_325 : f32 to vector<16xf32>
          %neg3A_327 = arith.subf %neg3A_326, %mul3A_324 : vector<16xf32>
          %exp3A_328 = math.exp %neg3A_327 : vector<16xf32>
          %sub3A_329 = arith.constant 1.000000e+00 : f32
          %sub3A_330 = vector.broadcast %sub3A_329 : f32 to vector<16xf32>
          %sub3A_331 = arith.subf %sub3A_330, %exp3A_328 : vector<16xf32>
          %mul3A_332 = arith.mulf %mul3A_292, %sub3A_331 : vector<16xf32>
          %neg3A_333 = arith.constant 0.000000e+00 : f32
          %neg3A_334 = vector.broadcast %neg3A_333 : f32 to vector<16xf32>
          %neg3A_335 = arith.subf %neg3A_334, %gather3A_308 : vector<16xf32>
          %exp3A_336 = math.exp %neg3A_335 : vector<16xf32>
          %add3A_337 = arith.constant 1.000000e+00 : f32
          %add3A_338 = vector.broadcast %add3A_337 : f32 to vector<16xf32>
          %add3A_339 = arith.addf %add3A_338, %exp3A_336 : vector<16xf32>
          %div3A_340 = arith.constant 1.000000e+00 : f32
          %div3A_341 = vector.broadcast %div3A_340 : f32 to vector<16xf32>
          %div3A_342 = arith.divf %div3A_341, %add3A_339 : vector<16xf32>
          %mul3A_343 = arith.mulf %mul3A_332, %div3A_342 : vector<16xf32>
          %add3A_344 = arith.addf %add3A_267, %mul3A_343 : vector<16xf32>
          %neg3A_345 = arith.constant 0.000000e+00 : f32
          %neg3A_346 = vector.broadcast %neg3A_345 : f32 to vector<16xf32>
          %neg3A_347 = arith.subf %neg3A_346, %gather3A_312 : vector<16xf32>
          %exp3A_348 = math.exp %neg3A_347 : vector<16xf32>
          %add3A_349 = arith.constant 1.000000e+00 : f32
          %add3A_350 = vector.broadcast %add3A_349 : f32 to vector<16xf32>
          %add3A_351 = arith.addf %add3A_350, %exp3A_348 : vector<16xf32>
          %div3A_352 = arith.constant 1.000000e+00 : f32
          %div3A_353 = vector.broadcast %div3A_352 : f32 to vector<16xf32>
          %div3A_354 = arith.divf %div3A_353, %add3A_351 : vector<16xf32>
          %mul3A_355 = arith.mulf %mul3A_332, %div3A_354 : vector<16xf32>
          %add3A_356 = arith.addf %add3A_279, %mul3A_355 : vector<16xf32>
          %neg3A_357 = arith.constant 0.000000e+00 : f32
          %neg3A_358 = vector.broadcast %neg3A_357 : f32 to vector<16xf32>
          %neg3A_359 = arith.subf %neg3A_358, %gather3A_316 : vector<16xf32>
          %exp3A_360 = math.exp %neg3A_359 : vector<16xf32>
          %add3A_361 = arith.constant 1.000000e+00 : f32
          %add3A_362 = vector.broadcast %add3A_361 : f32 to vector<16xf32>
          %add3A_363 = arith.addf %add3A_362, %exp3A_360 : vector<16xf32>
          %div3A_364 = arith.constant 1.000000e+00 : f32
          %div3A_365 = vector.broadcast %div3A_364 : f32 to vector<16xf32>
          %div3A_366 = arith.divf %div3A_365, %add3A_363 : vector<16xf32>
          %mul3A_367 = arith.mulf %mul3A_332, %div3A_366 : vector<16xf32>
          %add3A_368 = arith.addf %add3A_291, %mul3A_367 : vector<16xf32>
          %mul3A_369 = arith.mulf %mul3A_292, %exp3A_328 : vector<16xf32>
          %scan3A_370 = arith.constant 2 : i32
          %scan3A_371 = arith.addi %scan3A_219, %scan3A_370 : i32
          %mul3A_372 = arith.constant 64 : i32
          %mul3A_373 = arith.muli %scan3A_371, %mul3A_372 : i32
          %add3A_374 = vector.broadcast %mul3A_373 : i32 to vector<16xi32>
          %add3A_375 = arith.addi %add3A_374, %add3A_186 : vector<16xi32>
          %mul3A_376 = arith.constant 64 : i32
          %mul3A_377 = arith.muli %scan3A_371, %mul3A_376 : i32
          %add3A_378 = arith.constant 4096 : i32
          %add3A_379 = arith.addi %add3A_378, %mul3A_377 : i32
          %mul3A_380 = arith.constant 16 : i32
          %mul3A_381 = arith.muli %scan3A_175, %mul3A_380 : i32
          %add3A_382 = arith.addi %add3A_379, %mul3A_381 : i32
          %get3A_383 = arith.index_cast %add3A_382 : i32 to index
          %get3A_384 = tpu.vector_load %arg18[%get3A_383] {strides = array<i32>} : memref<8192xi32, #tpu.memory_space<vmem>>, vector<16xi32>,
          %gather3A_385 = tpu.vector_load_idx %arg19[%add3A_375, %get3A_384] : memref<8192x8xf32, #tpu.memory_space<vmem>>[vector<16xi32>, vector<16xi32>], vector<16xf32>,
          %add3A_386 = arith.constant 1 : i32
          %add3A_387 = vector.broadcast %add3A_386 : i32 to vector<16xi32>
          %add3A_388 = arith.addi %get3A_384, %add3A_387 : vector<16xi32>
          %gather3A_389 = tpu.vector_load_idx %arg19[%add3A_375, %add3A_388] : memref<8192x8xf32, #tpu.memory_space<vmem>>[vector<16xi32>, vector<16xi32>], vector<16xf32>,
          %add3A_390 = arith.constant 2 : i32
          %add3A_391 = vector.broadcast %add3A_390 : i32 to vector<16xi32>
          %add3A_392 = arith.addi %get3A_384, %add3A_391 : vector<16xi32>
          %gather3A_393 = tpu.vector_load_idx %arg19[%add3A_375, %add3A_392] : memref<8192x8xf32, #tpu.memory_space<vmem>>[vector<16xi32>, vector<16xi32>], vector<16xf32>,
          %add3A_394 = arith.constant 3 : i32
          %add3A_395 = vector.broadcast %add3A_394 : i32 to vector<16xi32>
          %add3A_396 = arith.addi %get3A_384, %add3A_395 : vector<16xi32>
          %gather3A_397 = tpu.vector_load_idx %arg19[%add3A_375, %add3A_396] : memref<8192x8xf32, #tpu.memory_space<vmem>>[vector<16xi32>, vector<16xi32>], vector<16xf32>,
          %max3A_398 = arith.constant 0.000000e+00 : f32
          %max3A_399 = vector.broadcast %max3A_398 : f32 to vector<16xf32>
          %max3A_400 = arith.maximumf %gather3A_397, %max3A_399 : vector<16xf32>
          %mul3A_401 = arith.mulf %max3A_400, %get3A_180 : vector<16xf32>
          %neg3A_402 = arith.constant 0.000000e+00 : f32
          %neg3A_403 = vector.broadcast %neg3A_402 : f32 to vector<16xf32>
          %neg3A_404 = arith.subf %neg3A_403, %mul3A_401 : vector<16xf32>
          %exp3A_405 = math.exp %neg3A_404 : vector<16xf32>
          %sub3A_406 = arith.constant 1.000000e+00 : f32
          %sub3A_407 = vector.broadcast %sub3A_406 : f32 to vector<16xf32>
          %sub3A_408 = arith.subf %sub3A_407, %exp3A_405 : vector<16xf32>
          %mul3A_409 = arith.mulf %mul3A_369, %sub3A_408 : vector<16xf32>
          %neg3A_410 = arith.constant 0.000000e+00 : f32
          %neg3A_411 = vector.broadcast %neg3A_410 : f32 to vector<16xf32>
          %neg3A_412 = arith.subf %neg3A_411, %gather3A_385 : vector<16xf32>
          %exp3A_413 = math.exp %neg3A_412 : vector<16xf32>
          %add3A_414 = arith.constant 1.000000e+00 : f32
          %add3A_415 = vector.broadcast %add3A_414 : f32 to vector<16xf32>
          %add3A_416 = arith.addf %add3A_415, %exp3A_413 : vector<16xf32>
          %div3A_417 = arith.constant 1.000000e+00 : f32
          %div3A_418 = vector.broadcast %div3A_417 : f32 to vector<16xf32>
          %div3A_419 = arith.divf %div3A_418, %add3A_416 : vector<16xf32>
          %mul3A_420 = arith.mulf %mul3A_409, %div3A_419 : vector<16xf32>
          %add3A_421 = arith.addf %add3A_344, %mul3A_420 : vector<16xf32>
          %neg3A_422 = arith.constant 0.000000e+00 : f32
          %neg3A_423 = vector.broadcast %neg3A_422 : f32 to vector<16xf32>
          %neg3A_424 = arith.subf %neg3A_423, %gather3A_389 : vector<16xf32>
          %exp3A_425 = math.exp %neg3A_424 : vector<16xf32>
          %add3A_426 = arith.constant 1.000000e+00 : f32
          %add3A_427 = vector.broadcast %add3A_426 : f32 to vector<16xf32>
          %add3A_428 = arith.addf %add3A_427, %exp3A_425 : vector<16xf32>
          %div3A_429 = arith.constant 1.000000e+00 : f32
          %div3A_430 = vector.broadcast %div3A_429 : f32 to vector<16xf32>
          %div3A_431 = arith.divf %div3A_430, %add3A_428 : vector<16xf32>
          %mul3A_432 = arith.mulf %mul3A_409, %div3A_431 : vector<16xf32>
          %add3A_433 = arith.addf %add3A_356, %mul3A_432 : vector<16xf32>
          %neg3A_434 = arith.constant 0.000000e+00 : f32
          %neg3A_435 = vector.broadcast %neg3A_434 : f32 to vector<16xf32>
          %neg3A_436 = arith.subf %neg3A_435, %gather3A_393 : vector<16xf32>
          %exp3A_437 = math.exp %neg3A_436 : vector<16xf32>
          %add3A_438 = arith.constant 1.000000e+00 : f32
          %add3A_439 = vector.broadcast %add3A_438 : f32 to vector<16xf32>
          %add3A_440 = arith.addf %add3A_439, %exp3A_437 : vector<16xf32>
          %div3A_441 = arith.constant 1.000000e+00 : f32
          %div3A_442 = vector.broadcast %div3A_441 : f32 to vector<16xf32>
          %div3A_443 = arith.divf %div3A_442, %add3A_440 : vector<16xf32>
          %mul3A_444 = arith.mulf %mul3A_409, %div3A_443 : vector<16xf32>
          %add3A_445 = arith.addf %add3A_368, %mul3A_444 : vector<16xf32>
          %mul3A_446 = arith.mulf %mul3A_369, %exp3A_405 : vector<16xf32>
          %scan3A_447 = arith.constant 3 : i32
          %scan3A_448 = arith.addi %scan3A_219, %scan3A_447 : i32
          %mul3A_449 = arith.constant 64 : i32
          %mul3A_450 = arith.muli %scan3A_448, %mul3A_449 : i32
          %add3A_451 = vector.broadcast %mul3A_450 : i32 to vector<16xi32>
          %add3A_452 = arith.addi %add3A_451, %add3A_186 : vector<16xi32>
          %mul3A_453 = arith.constant 64 : i32
          %mul3A_454 = arith.muli %scan3A_448, %mul3A_453 : i32
          %add3A_455 = arith.constant 4096 : i32
          %add3A_456 = arith.addi %add3A_455, %mul3A_454 : i32
          %mul3A_457 = arith.constant 16 : i32
          %mul3A_458 = arith.muli %scan3A_175, %mul3A_457 : i32
          %add3A_459 = arith.addi %add3A_456, %mul3A_458 : i32
          %get3A_460 = arith.index_cast %add3A_459 : i32 to index
          %get3A_461 = tpu.vector_load %arg18[%get3A_460] {strides = array<i32>} : memref<8192xi32, #tpu.memory_space<vmem>>, vector<16xi32>,
          %gather3A_462 = tpu.vector_load_idx %arg19[%add3A_452, %get3A_461] : memref<8192x8xf32, #tpu.memory_space<vmem>>[vector<16xi32>, vector<16xi32>], vector<16xf32>,
          %add3A_463 = arith.constant 1 : i32
          %add3A_464 = vector.broadcast %add3A_463 : i32 to vector<16xi32>
          %add3A_465 = arith.addi %get3A_461, %add3A_464 : vector<16xi32>
          %gather3A_466 = tpu.vector_load_idx %arg19[%add3A_452, %add3A_465] : memref<8192x8xf32, #tpu.memory_space<vmem>>[vector<16xi32>, vector<16xi32>], vector<16xf32>,
          %add3A_467 = arith.constant 2 : i32
          %add3A_468 = vector.broadcast %add3A_467 : i32 to vector<16xi32>
          %add3A_469 = arith.addi %get3A_461, %add3A_468 : vector<16xi32>
          %gather3A_470 = tpu.vector_load_idx %arg19[%add3A_452, %add3A_469] : memref<8192x8xf32, #tpu.memory_space<vmem>>[vector<16xi32>, vector<16xi32>], vector<16xf32>,
          %add3A_471 = arith.constant 3 : i32
          %add3A_472 = vector.broadcast %add3A_471 : i32 to vector<16xi32>
          %add3A_473 = arith.addi %get3A_461, %add3A_472 : vector<16xi32>
          %gather3A_474 = tpu.vector_load_idx %arg19[%add3A_452, %add3A_473] : memref<8192x8xf32, #tpu.memory_space<vmem>>[vector<16xi32>, vector<16xi32>], vector<16xf32>,
          %max3A_475 = arith.constant 0.000000e+00 : f32
          %max3A_476 = vector.broadcast %max3A_475 : f32 to vector<16xf32>
          %max3A_477 = arith.maximumf %gather3A_474, %max3A_476 : vector<16xf32>
          %mul3A_478 = arith.mulf %max3A_477, %get3A_180 : vector<16xf32>
          %neg3A_479 = arith.constant 0.000000e+00 : f32
          %neg3A_480 = vector.broadcast %neg3A_479 : f32 to vector<16xf32>
          %neg3A_481 = arith.subf %neg3A_480, %mul3A_478 : vector<16xf32>
          %exp3A_482 = math.exp %neg3A_481 : vector<16xf32>
          %sub3A_483 = arith.constant 1.000000e+00 : f32
          %sub3A_484 = vector.broadcast %sub3A_483 : f32 to vector<16xf32>
          %sub3A_485 = arith.subf %sub3A_484, %exp3A_482 : vector<16xf32>
          %mul3A_486 = arith.mulf %mul3A_446, %sub3A_485 : vector<16xf32>
          %neg3A_487 = arith.constant 0.000000e+00 : f32
          %neg3A_488 = vector.broadcast %neg3A_487 : f32 to vector<16xf32>
          %neg3A_489 = arith.subf %neg3A_488, %gather3A_462 : vector<16xf32>
          %exp3A_490 = math.exp %neg3A_489 : vector<16xf32>
          %add3A_491 = arith.constant 1.000000e+00 : f32
          %add3A_492 = vector.broadcast %add3A_491 : f32 to vector<16xf32>
          %add3A_493 = arith.addf %add3A_492, %exp3A_490 : vector<16xf32>
          %div3A_494 = arith.constant 1.000000e+00 : f32
          %div3A_495 = vector.broadcast %div3A_494 : f32 to vector<16xf32>
          %div3A_496 = arith.divf %div3A_495, %add3A_493 : vector<16xf32>
          %mul3A_497 = arith.mulf %mul3A_486, %div3A_496 : vector<16xf32>
          %add3A_498 = arith.addf %add3A_421, %mul3A_497 : vector<16xf32>
          %neg3A_499 = arith.constant 0.000000e+00 : f32
          %neg3A_500 = vector.broadcast %neg3A_499 : f32 to vector<16xf32>
          %neg3A_501 = arith.subf %neg3A_500, %gather3A_466 : vector<16xf32>
          %exp3A_502 = math.exp %neg3A_501 : vector<16xf32>
          %add3A_503 = arith.constant 1.000000e+00 : f32
          %add3A_504 = vector.broadcast %add3A_503 : f32 to vector<16xf32>
          %add3A_505 = arith.addf %add3A_504, %exp3A_502 : vector<16xf32>
          %div3A_506 = arith.constant 1.000000e+00 : f32
          %div3A_507 = vector.broadcast %div3A_506 : f32 to vector<16xf32>
          %div3A_508 = arith.divf %div3A_507, %add3A_505 : vector<16xf32>
          %mul3A_509 = arith.mulf %mul3A_486, %div3A_508 : vector<16xf32>
          %add3A_510 = arith.addf %add3A_433, %mul3A_509 : vector<16xf32>
          %neg3A_511 = arith.constant 0.000000e+00 : f32
          %neg3A_512 = vector.broadcast %neg3A_511 : f32 to vector<16xf32>
          %neg3A_513 = arith.subf %neg3A_512, %gather3A_470 : vector<16xf32>
          %exp3A_514 = math.exp %neg3A_513 : vector<16xf32>
          %add3A_515 = arith.constant 1.000000e+00 : f32
          %add3A_516 = vector.broadcast %add3A_515 : f32 to vector<16xf32>
          %add3A_517 = arith.addf %add3A_516, %exp3A_514 : vector<16xf32>
          %div3A_518 = arith.constant 1.000000e+00 : f32
          %div3A_519 = vector.broadcast %div3A_518 : f32 to vector<16xf32>
          %div3A_520 = arith.divf %div3A_519, %add3A_517 : vector<16xf32>
          %mul3A_521 = arith.mulf %mul3A_486, %div3A_520 : vector<16xf32>
          %add3A_522 = arith.addf %add3A_445, %mul3A_521 : vector<16xf32>
          %mul3A_523 = arith.mulf %mul3A_446, %exp3A_482 : vector<16xf32>
          scf.yield %mul3A_523, %add3A_498, %add3A_510, %add3A_522 : vector<16xf32>, vector<16xf32>, vector<16xf32>, vector<16xf32>
        }
        %scan3A_195 = arith.constant 64 : i32
        %mul3A_196 = arith.constant 16 : i32
        %mul3A_197 = arith.muli %scan3A_175, %mul3A_196 : i32
        %add3A_198 = arith.addf %scan3A_194#1, %scan3A_194#0 : vector<16xf32>
        %swap3A = arith.constant 1 : i32
        %swap3A_199 = arith.constant 0 : i32
        %swap3A_200 = arith.index_cast %swap3A : i32 to index
        %swap3A_201 = arith.index_cast %swap3A_199 : i32 to index
        %swap3A_202 = arith.index_cast %mul3A_197 : i32 to index
        %swap3A_203 = tpu.vector_load %arg20[%swap3A_200, %swap3A_201, %swap3A_202] {strides = array<i32>} : memref<2x3x64xf32, #tpu.memory_space<vmem>>, vector<16xf32>,
        tpu.vector_store %arg20[%swap3A_200, %swap3A_201, %swap3A_202], %add3A_198 {strides = array<i32>} : memref<2x3x64xf32, #tpu.memory_space<vmem>>, vector<16xf32>,
        %add3A_204 = arith.addf %scan3A_194#2, %scan3A_194#0 : vector<16xf32>
        %swap3A_205 = arith.constant 1 : i32
        %swap3A_206 = arith.constant 1 : i32
        %swap3A_207 = arith.index_cast %swap3A_205 : i32 to index
        %swap3A_208 = arith.index_cast %swap3A_206 : i32 to index
        %swap3A_209 = arith.index_cast %mul3A_197 : i32 to index
        %swap3A_210 = tpu.vector_load %arg20[%swap3A_207, %swap3A_208, %swap3A_209] {strides = array<i32>} : memref<2x3x64xf32, #tpu.memory_space<vmem>>, vector<16xf32>,
        tpu.vector_store %arg20[%swap3A_207, %swap3A_208, %swap3A_209], %add3A_204 {strides = array<i32>} : memref<2x3x64xf32, #tpu.memory_space<vmem>>, vector<16xf32>,
        %add3A_211 = arith.addf %scan3A_194#3, %scan3A_194#0 : vector<16xf32>
        %swap3A_212 = arith.constant 1 : i32
        %swap3A_213 = arith.constant 2 : i32
        %swap3A_214 = arith.index_cast %swap3A_212 : i32 to index
        %swap3A_215 = arith.index_cast %swap3A_213 : i32 to index
        %swap3A_216 = arith.index_cast %mul3A_197 : i32 to index
        %swap3A_217 = tpu.vector_load %arg20[%swap3A_214, %swap3A_215, %swap3A_216] {strides = array<i32>} : memref<2x3x64xf32, #tpu.memory_space<vmem>>, vector<16xf32>,
        tpu.vector_store %arg20[%swap3A_214, %swap3A_215, %swap3A_216], %add3A_211 {strides = array<i32>} : memref<2x3x64xf32, #tpu.memory_space<vmem>>, vector<16xf32>,
        %scan3A_218 = arith.constant 0 : i32
        scf.yield %scan3A_218 : i32
      }
      %scan3A_157 = arith.constant 4 : i32
      %mul3A_158 = arith.constant 64 : i32
      %mul3A_159 = arith.muli %add3A_80, %mul3A_158 : i32
      %add3A_160 = arith.addi %mul3A_2, %mul3A_159 : i32
      %dma_start3A_161 = arith.constant 1 : i32
      %dma_start3A_162 = arith.constant 0 : i32
      %dma_start3A_163 = arith.constant 0 : i32
      %dma_start3A_164 = tpu.memref_slice %arg20[%dma_start3A_161, %dma_start3A_162, %dma_start3A_163] : memref<2x3x64xf32, #tpu.memory_space<vmem>> -> memref<1x3x64xf32, #tpu.memory_space<vmem>>
      %dma_start3A_165 = tpu.memref_squeeze %dma_start3A_164 : memref<1x3x64xf32, #tpu.memory_space<vmem>> -> memref<3x64xf32, #tpu.memory_space<vmem>>
      %dma_start3A_166 = arith.constant 0 : i32
      %dma_start3A_167 = tpu.memref_slice %arg9[%dma_start3A_166, %add3A_160] : memref<3x65536xf32, #tpu.memory_space<hbm>> -> memref<3x64xf32, #tpu.memory_space<hbm>>
      %dma_start3A_168 = arith.constant 0 : i32
      %dma_start3A_169 = tpu.memref_slice %arg9[%dma_start3A_168, %add3A_160] : memref<3x65536xf32, #tpu.memory_space<hbm>> -> memref<3x64xf32, #tpu.memory_space<hbm>>
      %dma_start3A_170 = arith.constant 0 : i32
      %dma_start3A_171 = arith.constant 0 : i32
      %dma_start3A_172 = tpu.memref_slice %arg20[%dma_start3A_161, %dma_start3A_170, %dma_start3A_171] : memref<2x3x64xf32, #tpu.memory_space<vmem>> -> memref<1x3x64xf32, #tpu.memory_space<vmem>>
      %dma_start3A_173 = tpu.memref_squeeze %dma_start3A_172 : memref<1x3x64xf32, #tpu.memory_space<vmem>> -> memref<3x64xf32, #tpu.memory_space<vmem>>
      tpu.enqueue_dma source(%dma_start3A_173 : memref<3x64xf32, #tpu.memory_space<vmem>>) target(%dma_start3A_169 : memref<3x64xf32, #tpu.memory_space<hbm>>) target_semaphore(%arg25 : memref<!tpu.dma_semaphore, #tpu.memory_space<semaphore_mem>>)
      %scan3A_174 = arith.constant 0 : i32
      scf.yield %scan3A_174 : i32
    }
    %scan3A_44 = arith.constant 16 : i32
    %add3A_45 = arith.constant 1920 : i32
    %add3A_46 = arith.addi %mul3A_2, %add3A_45 : i32
    %dma_wait3A_47 = arith.constant 0 : i32
    %dma_wait3A_48 = arith.constant 0 : i32
    %dma_wait3A_49 = arith.constant 0 : i32
    %dma_wait3A_50 = tpu.memref_slice %arg20[%dma_wait3A_47, %dma_wait3A_48, %dma_wait3A_49] : memref<2x3x64xf32, #tpu.memory_space<vmem>> -> memref<1x3x64xf32, #tpu.memory_space<vmem>>
    %dma_wait3A_51 = tpu.memref_squeeze %dma_wait3A_50 : memref<1x3x64xf32, #tpu.memory_space<vmem>> -> memref<3x64xf32, #tpu.memory_space<vmem>>
    %dma_wait3A_52 = arith.constant 0 : i32
    %dma_wait3A_53 = tpu.memref_slice %arg9[%dma_wait3A_52, %add3A_46] : memref<3x65536xf32, #tpu.memory_space<hbm>> -> memref<3x64xf32, #tpu.memory_space<hbm>>
    %dma_wait3A_54 = arith.constant 0 : i32
    %dma_wait3A_55 = tpu.memref_slice %arg9[%dma_wait3A_54, %add3A_46] : memref<3x65536xf32, #tpu.memory_space<hbm>> -> memref<3x64xf32, #tpu.memory_space<hbm>>
    %dma_wait3A_56 = arith.constant 0 : i32
    %dma_wait3A_57 = arith.constant 0 : i32
    %dma_wait3A_58 = tpu.memref_slice %arg20[%dma_wait3A_47, %dma_wait3A_56, %dma_wait3A_57] : memref<2x3x64xf32, #tpu.memory_space<vmem>> -> memref<1x3x64xf32, #tpu.memory_space<vmem>>
    %dma_wait3A_59 = tpu.memref_squeeze %dma_wait3A_58 : memref<1x3x64xf32, #tpu.memory_space<vmem>> -> memref<3x64xf32, #tpu.memory_space<vmem>>
    tpu.wait_dma2 semaphore(%arg24 : memref<!tpu.dma_semaphore, #tpu.memory_space<semaphore_mem>>) src(%dma_wait3A_59 : memref<3x64xf32, #tpu.memory_space<vmem>>) dst(%dma_wait3A_55 : memref<3x64xf32, #tpu.memory_space<hbm>>)
    %add3A_60 = arith.constant 1984 : i32
    %add3A_61 = arith.addi %mul3A_2, %add3A_60 : i32
    %dma_wait3A_62 = arith.constant 1 : i32
    %dma_wait3A_63 = arith.constant 0 : i32
    %dma_wait3A_64 = arith.constant 0 : i32
    %dma_wait3A_65 = tpu.memref_slice %arg20[%dma_wait3A_62, %dma_wait3A_63, %dma_wait3A_64] : memref<2x3x64xf32, #tpu.memory_space<vmem>> -> memref<1x3x64xf32, #tpu.memory_space<vmem>>
    %dma_wait3A_66 = tpu.memref_squeeze %dma_wait3A_65 : memref<1x3x64xf32, #tpu.memory_space<vmem>> -> memref<3x64xf32, #tpu.memory_space<vmem>>
    %dma_wait3A_67 = arith.constant 0 : i32
    %dma_wait3A_68 = tpu.memref_slice %arg9[%dma_wait3A_67, %add3A_61] : memref<3x65536xf32, #tpu.memory_space<hbm>> -> memref<3x64xf32, #tpu.memory_space<hbm>>
    %dma_wait3A_69 = arith.constant 0 : i32
    %dma_wait3A_70 = tpu.memref_slice %arg9[%dma_wait3A_69, %add3A_61] : memref<3x65536xf32, #tpu.memory_space<hbm>> -> memref<3x64xf32, #tpu.memory_space<hbm>>
    %dma_wait3A_71 = arith.constant 0 : i32
    %dma_wait3A_72 = arith.constant 0 : i32
    %dma_wait3A_73 = tpu.memref_slice %arg20[%dma_wait3A_62, %dma_wait3A_71, %dma_wait3A_72] : memref<2x3x64xf32, #tpu.memory_space<vmem>> -> memref<1x3x64xf32, #tpu.memory_space<vmem>>
    %dma_wait3A_74 = tpu.memref_squeeze %dma_wait3A_73 : memref<1x3x64xf32, #tpu.memory_space<vmem>> -> memref<3x64xf32, #tpu.memory_space<vmem>>
    tpu.wait_dma2 semaphore(%arg25 : memref<!tpu.dma_semaphore, #tpu.memory_space<semaphore_mem>>) src(%dma_wait3A_74 : memref<3x64xf32, #tpu.memory_space<vmem>>) dst(%dma_wait3A_70 : memref<3x64xf32, #tpu.memory_space<hbm>>)
    return
  }
}

</mosaic_0001>

<sc_bundles>
// kernel: kernel.4.cloned.1.call-start
scs
__scs_entry_jumppad:
0x0: {  	(pc) =	sbr.rel $0x88, $3  }
0x1: {  	(tag) =	ssettag $0x0;
	lr =	simm.s32 $0x1  }
0x2: {  	[smem:$0x3F9E] =	sst lr;
	_ =	strace $0xD0000000  }
0x3: {  	_ = 	snop  }
0x4: {  	_ = 	snop  }
0x5: {  	_ = 	snop  }
0x6: {  	_ = 	snop  }
0x7: {  	_ = 	snop  }
__scs_overlays_trampoline_lowered:
0x8: {  	[smem:$0x3FAD] =	sst s0  }
0x9: {  	[smem:$0x3FAE] =	sst s1  }
0xa: {  	[smem:$0x3FAF] =	sst s2  }
0xb: {  	[smem:$0x3FB0] =	sst s3  }
0xc: {  	[smem:$0x3FB1] =	sst s4  }
0xd: {  	[smem:$0x3FB2] =	sst s5  }
0xe: {  	[smem:$0x3FB3] =	sst s6  }
0xf: {  	[smem:$0x3FB4] =	sst s7  }
0x10: {  	[smem:$0x3FB5] =	sst s8  }
0x11: {  	[smem:$0x3FB6] =	sst s9;
	s0 =	simm.s32 @!p0 $0x0  }
0x12: {  	s1 =	sld [smem:$0x3F9C];
	s0 =	simm.s32 @p0 $0x1  }
0x13: {  	[smem:$0x3FB7] =	sst s0;
	s0 =	simm.s32 @!p1 $0x0  }
0x14: {  	s2 =	sld [smem:$0x3F9B];
	s0 =	simm.s32 @p1 $0x1  }
0x15: {  	[smem:$0x3FB8] =	sst s0;
	s0 =	simm.s32 @!p2 $0x0  }
0x16: {  	s3 =	sld [smem:$0x3FDB];
	s0 =	simm.s32 @p2 $0x1  }
0x17: {  	s4 =	simm.s32 $0x1BF5;
	[smem:$0x3FBA] =	sst s0  }
0x18: {  	s0 =	sld [smem:$0x3F9D];
	_ =	swait.ge [sflag:s4], $0x0  }
0x19: {  	s7 =	sld [smem:$0x3F9E]  }
0x1a: {  	s8 =	sadd.s32 $0xFFFFE003, lr  }
0x1b: {  	s9 =	sadd.s32 $0xFFFFFEF7, lr;
	s5 =	simm.s32 $0xFFFFFFFF;
	p2 =	slt.u32 s8, $0xFFFFF086  }
0x1c: {  	p1 =	slt.u32 s9, $0xF7A;
	s5 =	simm.s32 @!p2 $0x0  }
0x1d: {  	s5 =	simm.s32 @p1 $0x1;
	p0 =	seq.s32 s7, s2  }
0x1e: {  	s7 =	smul.u32 @!p0 $0xF7A, s2;
	p2 =	seq.s32 @!p0 s5, $0x0  }
0x1f: {  	s9 =	smul.u32 $0xF7A, s1;
	s8 =	simm.s32 @!p0 $0x1BF5;
	p2 =	por !p2, p0  }
0x20: {  	[sflag:s8] =	ssyncset.s32 @!p0 $0xFFFFF086;
	s6 =	sadd.s32 @!p0 s3, s7;
	s7 =	simm.s32 @!p0 $0x108  }
0x21: {  	s3 =	sadd.s32 s3, s9;
	s6 =	sadd.s32 @!p0 $0x88, s6;
	s7 =	simm.s32 @p2 $0x1082  }
0x22: {  	[simem:s7], [sflag:s8] =	dma.local @!p0 [hbm:s6], $0xF7A  }
0x23: {  	s9 =	sor.u32 $0xD0000000, s2;
	s6 =	simm.s32 $0x108;
	_ =	swait.ge @!p0 [sflag:s8], $0x0  }
0x24: {  	s3 =	sadd.s32 $0x88, s3;
	s6 =	simm.s32 @!p1 $0x1082;
	[sflag:s4] =	ssyncset.s32 $0xFFFFF086  }
0x25: {  	[simem:s6], [sflag:s4] =	dma.local [hbm:s3], $0xF7A  }
0x26: {  	[smem:$0x3F9E] =	sst s1;
	(tag) =	ssettag s2;
	_ =	strace s9  }
0x27: {  	s1 =	sld [smem:$0x3FAE]  }
0x28: {  	s2 =	sld [smem:$0x3FAF]  }
0x29: {  	s4 =	sld [smem:$0x3FB1]  }
0x2a: {  	p0 =	seq.s32 s5, $0x0;
	s5 =	sld [smem:$0x3FB2]  }
0x2b: {  	s6 =	sld [smem:$0x3FB3]  }
0x2c: {  	s7 =	sld [smem:$0x3FB4]  }
0x2d: {  	s3 =	simm.s32 $0x108;
	s8 =	sld [smem:$0x3FB5]  }
0x2e: {  	s3 =	simm.s32 @!p0 $0x1082;
	s9 =	sld [smem:$0x3FB6]  }
0x2f: {  	lr =	sadd.s32 s0, s3;
	s0 =	sld [smem:$0x3FAD]  }
0x30: {  	s3 =	sld [smem:$0x3FB0]  }
0x31: {  	[smem:$0x3FB9] =	sst s10  }
0x32: {  	s10 =	sld [smem:$0x3FB7];
	_ =	sdelay $0x3  }
0x33: {  	p0 =	seq.s32 s10, $0x1;
	s10 =	sld [smem:$0x3FB9];
	_ =	sdelay $0x3  }
0x34: {  	[smem:$0x3FB9] =	sst s10  }
0x35: {  	s10 =	sld [smem:$0x3FB8];
	_ =	sdelay $0x3  }
0x36: {  	p1 =	seq.s32 s10, $0x1;
	s10 =	sld [smem:$0x3FB9];
	_ =	sdelay $0x3  }
0x37: {  	[smem:$0x3FB9] =	sst s10  }
0x38: {  	s10 =	sld [smem:$0x3FBA]  }
0x39: {  	_ = 	snop;
	(pc) =	sbr.ind lr, $3  }
0x3a: {  	_ = 	snop  }
0x3b: {  	_ = 	snop  }
0x3c: {  	p2 =	seq.s32 s10, $0x1;
	s10 =	sld [smem:$0x3FB9]  }
0x3d: {  	_ =	shalt  }
0x3e: {  	_ =	shalt  }
0x3f: {  	_ =	shalt  }
0x40: {  	_ =	shalt  }
0x41: {  	_ =	shalt  }
0x42: {  	_ =	shalt  }
0x43: {  	_ =	shalt  }
0x44: {  	_ =	shalt  }
0x45: {  	_ =	shalt  }
0x46: {  	_ =	shalt  }
0x47: {  	_ =	shalt  }
0x48: {  	_ =	shalt  }
0x49: {  	_ =	shalt  }
0x4a: {  	_ =	shalt  }
0x4b: {  	_ =	shalt  }
0x4c: {  	_ =	shalt  }
0x4d: {  	_ =	shalt  }
0x4e: {  	_ =	shalt  }
0x4f: {  	_ =	shalt  }
0x50: {  	_ =	shalt  }
0x51: {  	_ =	shalt  }
0x52: {  	_ =	shalt  }
0x53: {  	_ =	shalt  }
0x54: {  	_ =	shalt  }
0x55: {  	_ =	shalt  }
0x56: {  	_ =	shalt  }
0x57: {  	_ =	shalt  }
0x58: {  	_ =	shalt  }
0x59: {  	_ =	shalt  }
0x5a: {  	_ =	shalt  }
0x5b: {  	_ =	shalt  }
0x5c: {  	_ =	shalt  }
0x5d: {  	_ =	shalt  }
0x5e: {  	_ =	shalt  }
0x5f: {  	_ =	shalt  }
0x60: {  	_ =	shalt  }
0x61: {  	_ =	shalt  }
0x62: {  	_ =	shalt  }
0x63: {  	_ =	shalt  }
0x64: {  	_ =	shalt  }
0x65: {  	_ =	shalt  }
0x66: {  	_ =	shalt  }
0x67: {  	_ =	shalt  }
0x68: {  	_ =	shalt  }
0x69: {  	_ =	shalt  }
0x6a: {  	_ =	shalt  }
0x6b: {  	_ =	shalt  }
0x6c: {  	_ =	shalt  }
0x6d: {  	_ =	shalt  }
0x6e: {  	_ =	shalt  }
0x6f: {  	_ =	shalt  }
0x70: {  	_ =	shalt  }
0x71: {  	_ =	shalt  }
0x72: {  	_ =	shalt  }
0x73: {  	_ =	shalt  }
0x74: {  	_ =	shalt  }
0x75: {  	_ =	shalt  }
0x76: {  	_ =	shalt  }
0x77: {  	_ =	shalt  }
0x78: {  	_ =	shalt  }
0x79: {  	_ =	shalt  }
0x7a: {  	_ =	shalt  }
0x7b: {  	_ =	shalt  }
0x7c: {  	_ =	shalt  }
0x7d: {  	_ =	shalt  }
0x7e: {  	_ =	shalt  }
0x7f: {  	_ =	shalt  }
0x80: {  	_ =	shalt  }
0x81: {  	_ =	shalt  }
0x82: {  	_ =	shalt  }
0x83: {  	_ =	shalt  }
0x84: {  	_ =	shalt  }
0x85: {  	_ =	shalt  }
0x86: {  	_ =	shalt  }
0x87: {  	_ =	shalt  }
.Lfunc_end0:
.L_simem_size_0:
called_computation_lowered:
.L_overlay_start_0:
0x88: {  	s2 =	sld [smem:$0x3FD9]  }
0x89: {  	s3 =	sld [smem:$0x3FFE];
	_ =	sdelay $0x1  }
0x8a: {  	s1 =	srdreg.scid  }
0x8b: {  	s0 =	sand.u32 $0x1, s1  }
0x8c: {  	s17 =	sshll.u32 s0, $0xA;
	s2 =	sadd.s32 s3, s2  }
0x8d: {  	s2 =	sadd.s32 s2, s17  }
0x8e: {  	[smem:$0x3FC5] =	sst s2  }
0x8f: {  	_ = 	snop  }
0x90: {  	s2 =	sld [smem:$0x3FC7];
	(tm) =	ssettm $0x1  }
0x91: {  	s18 =	sld [smem:$0x3FFB];
	_ =	sdelay $0x3  }
0x92: {  	_ =	strace s18  }
0x93: {  	s3 =	sld [smem:$0x3FFC];
	_ =	sdelay $0x3  }
0x94: {  	_ =	strace s3  }
0x95: {  	s3 =	sld [smem:$0x3FFD];
	_ =	sdelay $0x3  }
0x96: {  	_ =	strace s3  }
0x97: {  	_ =	strace $0x8FFFFFFF  }
0x98: {  	s19 =	sld [smem:$0x3FDB];
	_ =	sdelay $0x1  }
0x99: {  	s4 =	simm.s32 $_scs_section_size  }
0x9a: {  	s5 =	simm.s32 $_size__tile_overlayer_lowered;
	s6 =	simm.s32 $_tile_overlayer_lowered  }
0x9b: {  	s22 =	simm.s32 $0x1BFF;
	s21 =	sshll.u32 s6, $0x1;
	s3 =	sadd.s32 s4, s19  }
0x9c: {  	s7 =	simm.s32 $0x0;
	s20 =	sshll.u32 s5, $0x1;
	s5 =	sadd.s32 s21, s3  }
0x9d: {  	[timem:s7], [sflag:s22] =	dma.local [hbm:s5], s20  }
0x9e: {  	_ =	swait.ge [sflag:s22], s20  }
0x9f: {  	s4 =	ssub.s32 $0x0, s20;
	[sflag:s22] =	ssyncset.done $0x0  }
0xa0: {  	[sflag:s22] =	ssyncadd.s32 s4;
	_ =	sdelay $0x1  }
0xa1: {  	s23 =	simm.s32 $0x1B8B  }
0xa2: {  	_ =	swait.ge [sflag:s23], $0x1  }
0xa3: {  	[sflag:s23] =	ssyncset.done $0x0  }
0xa4: {  	s25 =	simm.s32 $0x1B8E;
	s24 =	sld [smem:$0x3FFE];
	[sflag:s23] =	ssyncadd.s32 $0xFFFFFFFF  }
0xa5: {  	s26 =	simm.s32 $execute0_lowered;
	[smem:$0x3FD2] =	sst s25  }
0xa6: {  	s5 =	sshll.u32 s26, $0x1;
	_ =	strace $0x80000046;
	[dreg:$0x1] =	wrdreg $0xFFFFFFFF  }
0xa7: {  	s28 =	simm.s32 $_size_execute0_lowered;
	s3 =	sadd.s32 s3, s5;
	[dreg:$0x0] =	wrdreg $0x0  }
0xa8: {  	s5 =	sshll.u32 s28, $0x1;
	[dreg:$0x2] =	wrdreg s3  }
0xa9: {  	[dreg:$0x3] =	wrdreg s5  }
0xaa: {  	[dreg:$0x4] =	wrdreg $0xC0  }
0xab: {  	_ =	task [dreg:s7], $0x5FFFF  }
0xac: {  	[dreg:$0x1] =	wrdreg $0xFFFFFFFF  }
0xad: {  	[dreg:$0x0] =	wrdreg $0x60  }
0xae: {  	[dreg:$0x2] =	wrdreg s2  }
0xaf: {  	[dreg:$0x3] =	wrdreg s24  }
0xb0: {  	[dreg:$0x4] =	wrdreg $0x9  }
0xb1: {  	_ =	task.clear_ibuf [dreg:s7], $0x5FFFF;
	_ =	strace $0x90000046  }
0xb2: {  	s29 =	simm.s32 $0x9;
	_ =	strace $0x80000048  }
0xb3: {  	_ =	swait.ge [sflag:s29], $0x1  }
0xb4: {  	[sflag:s29] =	ssyncadd.s32 $0xFFFFFFFF  }
0xb5: {  	_ =	strace $0x90000048  }
0xb6: {  	_ =	sfence  }
0xb7: {  	s30 =	sld [smem:$0x0];
	_ =	sdelay $0x2  }
0xb8: {  	s31 =	sshll.u32 s1, $0xD;
	s1 =	sshrl.u32 s1, $0x2  }
0xb9: {  	s3 =	sand.u32 $0x4000, s31;
	s1 =	sadd.s32 s1, s30  }
0xba: {  	s0 =	sor.u32 s3, s0;
	s1 =	sshll.u32 s1, $0x11  }
0xbb: {  	s0 =	sor.u32 s1, s0  }
0xbc: {  	s0 =	sadd.s32 $0x8F2B, s0  }
0xbd: {  	[sflag:s0] =	ssyncadd.remote.s32 $0x1  }
0xbe: {  	_ =	sfence.sel $0xFFFF  }
0xbf: {  	[dreg:$0x0] =	wrdreg $0xFFFFFFFF;
	(pc) =	sbr.abs _section_cstart, $3  }
0xc0: {  	[dreg:$0x1] =	wrdreg $0xFFFFFFFF  }
0xc1: {  	_ =	task.clear_ibuf [dreg:s7], $0x2FFFF;
	_ =	strace $0x9FFFFFFF  }
0xc2: {  	(tm) =	ssettm $0x7FFFFFFF  }
0xc3: {  	_ =	shalt  }
tec
execute0_lowered:
.L_overlay_start_1:
0x0: {  	(tag) =	ssettag $0x1  }
0x1: {  	v0 =	vimm.s32 $0x183;
	vm11 =	vcmask $0x300  }
0x2: {  	v1 =	vimm.s32 $0x187;
	vm12 =	vcmask $0x704;
	vm13 =	vcmask $0xB08  }
0x3: {  	vm14 =	vcmask $0xF0C;
	vm10 =	vcmask $0x1310;
	vm9 =	vcmask $0x1714  }
0x4: {  	vm8 =	vcmask $0x1B18;
	vm7 =	vcmask $0x1F1C;
	vm6 =	vcmask $0x2320  }
0x5: {  	vm5 =	vcmask $0x2724;
	vm4 =	vcmask $0x2B28;
	vm3 =	vcmask $0x2F2C  }
0x6: {  	vm1 =	vcmask $0x3330;
	vm2 =	vcmask $0x3734;
	vm0 =	vcmask $0x3B38  }
0x7: {  	v2 =	vimm.s32 $0x18B;
	v3 =	vimm.s32 $0x18F;
	v4 =	vimm.s32 $0x193  }
0x8: {  	v5 =	vimm.s32 $0x197;
	v6 =	vimm.s32 $0x19B;
	v7 =	vimm.s32 $0x19F  }
0x9: {  	v8 =	vimm.s32 $0x1A3;
	v9 =	vimm.s32 $0x1A7;
	v10 =	vimm.s32 $0x1AB  }
0xa: {  	v11 =	vimm.s32 $0x1AF;
	v12 =	vimm.s32 $0x1B3;
	v13 =	vimm.s32 $0x1B7  }
0xb: {  	v14 =	vimm.s32 $0x1BB;
	v15 =	vimm.s32 $0x1BF;
	v16 =	vimm.s32 $0x1C3  }
0xc: {  	v17 =	vimm.s32 $0x1C7;
	v18 =	vimm.s32 $0x1CB;
	v19 =	vimm.s32 $0x1CF  }
0xd: {  	v20 =	vimm.s32 $0x1D3;
	v21 =	vimm.s32 $0x1D7;
	v22 =	vimm.s32 $0x1DB  }
0xe: {  	v23 =	vimm.s32 $0x1DF;
	v24 =	vimm.s32 $0x1E3;
	v25 =	vimm.s32 $0x1E7  }
0xf: {  	v26 =	vimm.s32 $0x1EB;
	v27 =	vimm.s32 $0x1EF;
	v28 =	vimm.s32 $0x1F3  }
0x10: {  	v29 =	vimm.s32 $0x1F7;
	v30 =	vimm.s32 $0x1FB;
	v31 =	vimm.s32 $0x1FF  }
0x11: {  	v0 =	vsel vm11, $0x0, v0;
	v1 =	vsel vm11, $0x4, v1;
	v2 =	vsel vm11, $0x8, v2  }
0x12: {  	v3 =	vsel vm11, $0xC, v3;
	v4 =	vsel vm11, $0x10, v4;
	v5 =	vsel vm11, $0x14, v5  }
0x13: {  	v6 =	vsel vm11, $0x18, v6;
	v7 =	vsel vm11, $0x1C, v7;
	v8 =	vsel vm11, $0x20, v8  }
0x14: {  	v9 =	vsel vm11, $0x24, v9;
	v10 =	vsel vm11, $0x28, v10;
	v11 =	vsel vm11, $0x2C, v11  }
0x15: {  	v12 =	vsel vm11, $0x30, v12;
	v13 =	vsel vm11, $0x34, v13;
	v14 =	vsel vm11, $0x38, v14  }
0x16: {  	v15 =	vsel vm11, $0x3C, v15;
	v16 =	vsel vm11, $0x40, v16;
	v17 =	vsel vm11, $0x44, v17  }
0x17: {  	v18 =	vsel vm11, $0x48, v18;
	v19 =	vsel vm11, $0x4C, v19;
	v20 =	vsel vm11, $0x50, v20  }
0x18: {  	v21 =	vsel vm11, $0x54, v21;
	v22 =	vsel vm11, $0x58, v22;
	v23 =	vsel vm11, $0x5C, v23  }
0x19: {  	v24 =	vsel vm11, $0x60, v24;
	v25 =	vsel vm11, $0x64, v25;
	v26 =	vsel vm11, $0x68, v26  }
0x1a: {  	v27 =	vsel vm11, $0x6C, v27;
	v28 =	vsel vm11, $0x70, v28;
	v29 =	vsel vm11, $0x74, v29  }
0x1b: {  	v30 =	vsel vm11, $0x78, v30;
	v31 =	vsel vm11, $0x7C, v31;
	v0 =	vsel vm12, $0x80, v0  }
0x1c: {  	v1 =	vsel vm12, $0x84, v1;
	v2 =	vsel vm12, $0x88, v2;
	v3 =	vsel vm12, $0x8C, v3  }
0x1d: {  	v4 =	vsel vm12, $0x90, v4;
	v5 =	vsel vm12, $0x94, v5;
	v6 =	vsel vm12, $0x98, v6  }
0x1e: {  	v7 =	vsel vm12, $0x9C, v7;
	v8 =	vsel vm12, $0xA0, v8;
	v9 =	vsel vm12, $0xA4, v9  }
0x1f: {  	v10 =	vsel vm12, $0xA8, v10;
	v11 =	vsel vm12, $0xAC, v11;
	v12 =	vsel vm12, $0xB0, v12  }
0x20: {  	v13 =	vsel vm12, $0xB4, v13;
	v14 =	vsel vm12, $0xB8, v14;
	v15 =	vsel vm12, $0xBC, v15  }
0x21: {  	v16 =	vsel vm12, $0xC0, v16;
	v17 =	vsel vm12, $0xC4, v17;
	v18 =	vsel vm12, $0xC8, v18  }
0x22: {  	v19 =	vsel vm12, $0xCC, v19;
	v20 =	vsel vm12, $0xD0, v20;
	v21 =	vsel vm12, $0xD4, v21  }
0x23: {  	v22 =	vsel vm12, $0xD8, v22;
	v23 =	vsel vm12, $0xDC, v23;
	v24 =	vsel vm12, $0xE0, v24  }
0x24: {  	v25 =	vsel vm12, $0xE4, v25;
	v26 =	vsel vm12, $0xE8, v26;
	v27 =	vsel vm12, $0xEC, v27  }
0x25: {  	v28 =	vsel vm12, $0xF0, v28;
	v29 =	vsel vm12, $0xF4, v29;
	v30 =	vsel vm12, $0xF8, v30  }
0x26: {  	v31 =	vsel vm12, $0xFC, v31;
	v0 =	vsel vm13, $0x100, v0;
	v1 =	vsel vm13, $0x104, v1  }
0x27: {  	v2 =	vsel vm13, $0x108, v2;
	v3 =	vsel vm13, $0x10C, v3;
	v4 =	vsel vm13, $0x110, v4  }
0x28: {  	v5 =	vsel vm13, $0x114, v5;
	v6 =	vsel vm13, $0x118, v6;
	v7 =	vsel vm13, $0x11C, v7  }
0x29: {  	v8 =	vsel vm13, $0x120, v8;
	v9 =	vsel vm13, $0x124, v9;
	v10 =	vsel vm13, $0x128, v10  }
0x2a: {  	v11 =	vsel vm13, $0x12C, v11;
	v12 =	vsel vm13, $0x130, v12;
	v13 =	vsel vm13, $0x134, v13  }
0x2b: {  	v14 =	vsel vm13, $0x138, v14;
	v15 =	vsel vm13, $0x13C, v15;
	v16 =	vsel vm13, $0x140, v16  }
0x2c: {  	v17 =	vsel vm13, $0x144, v17;
	v18 =	vsel vm13, $0x148, v18;
	v19 =	vsel vm13, $0x14C, v19  }
0x2d: {  	v20 =	vsel vm13, $0x150, v20;
	v21 =	vsel vm13, $0x154, v21;
	v22 =	vsel vm13, $0x158, v22  }
0x2e: {  	v23 =	vsel vm13, $0x15C, v23;
	v24 =	vsel vm13, $0x160, v24;
	v25 =	vsel vm13, $0x164, v25  }
0x2f: {  	v26 =	vsel vm13, $0x168, v26;
	v27 =	vsel vm13, $0x16C, v27;
	v28 =	vsel vm13, $0x170, v28  }
0x30: {  	v29 =	vsel vm13, $0x174, v29;
	v30 =	vsel vm13, $0x178, v30;
	v31 =	vsel vm13, $0x17C, v31  }
0x31: {  	v0 =	vsel vm14, $0x180, v0;
	v1 =	vsel vm14, $0x184, v1;
	v2 =	vsel vm14, $0x188, v2  }
0x32: {  	v3 =	vsel vm14, $0x18C, v3;
	v4 =	vsel vm14, $0x190, v4;
	v5 =	vsel vm14, $0x194, v5  }
0x33: {  	v6 =	vsel vm14, $0x198, v6;
	v7 =	vsel vm14, $0x19C, v7;
	v8 =	vsel vm14, $0x1A0, v8  }
0x34: {  	v9 =	vsel vm14, $0x1A4, v9;
	v10 =	vsel vm14, $0x1A8, v10;
	v11 =	vsel vm14, $0x1AC, v11  }
0x35: {  	v12 =	vsel vm14, $0x1B0, v12;
	v13 =	vsel vm14, $0x1B4, v13;
	v14 =	vsel vm14, $0x1B8, v14  }
0x36: {  	v15 =	vsel vm14, $0x1BC, v15;
	v16 =	vsel vm14, $0x1C0, v16;
	v17 =	vsel vm14, $0x1C4, v17  }
0x37: {  	v18 =	vsel vm14, $0x1C8, v18;
	v19 =	vsel vm14, $0x1CC, v19;
	v20 =	vsel vm14, $0x1D0, v20  }
0x38: {  	v21 =	vsel vm14, $0x1D4, v21;
	v22 =	vsel vm14, $0x1D8, v22;
	v23 =	vsel vm14, $0x1DC, v23  }
0x39: {  	v24 =	vsel vm14, $0x1E0, v24;
	v25 =	vsel vm14, $0x1E4, v25;
	v26 =	vsel vm14, $0x1E8, v26  }
0x3a: {  	v27 =	vsel vm14, $0x1EC, v27;
	v28 =	vsel vm14, $0x1F0, v28;
	v29 =	vsel vm14, $0x1F4, v29  }
0x3b: {  	v30 =	vsel vm14, $0x1F8, v30;
	v31 =	vsel vm14, $0x1FC, v31;
	v0 =	vsel vm10, $0x1, v0  }
0x3c: {  	v1 =	vsel vm10, $0x5, v1;
	v2 =	vsel vm10, $0x9, v2;
	v3 =	vsel vm10, $0xD, v3  }
0x3d: {  	v4 =	vsel vm10, $0x11, v4;
	v5 =	vsel vm10, $0x15, v5;
	v6 =	vsel vm10, $0x19, v6  }
0x3e: {  	v7 =	vsel vm10, $0x1D, v7;
	v8 =	vsel vm10, $0x21, v8;
	v9 =	vsel vm10, $0x25, v9  }
0x3f: {  	v10 =	vsel vm10, $0x29, v10;
	v11 =	vsel vm10, $0x2D, v11;
	v12 =	vsel vm10, $0x31, v12  }
0x40: {  	v13 =	vsel vm10, $0x35, v13;
	v14 =	vsel vm10, $0x39, v14;
	v15 =	vsel vm10, $0x3D, v15  }
0x41: {  	v16 =	vsel vm10, $0x41, v16;
	v17 =	vsel vm10, $0x45, v17;
	v18 =	vsel vm10, $0x49, v18  }
0x42: {  	v19 =	vsel vm10, $0x4D, v19;
	v20 =	vsel vm10, $0x51, v20;
	v21 =	vsel vm10, $0x55, v21  }
0x43: {  	v22 =	vsel vm10, $0x59, v22;
	v23 =	vsel vm10, $0x5D, v23;
	v24 =	vsel vm10, $0x61, v24  }
0x44: {  	v25 =	vsel vm10, $0x65, v25;
	v26 =	vsel vm10, $0x69, v26;
	v27 =	vsel vm10, $0x6D, v27  }
0x45: {  	v28 =	vsel vm10, $0x71, v28;
	v29 =	vsel vm10, $0x75, v29;
	v30 =	vsel vm10, $0x79, v30  }
0x46: {  	v31 =	vsel vm10, $0x7D, v31;
	v0 =	vsel vm9, $0x81, v0;
	v1 =	vsel vm9, $0x85, v1  }
0x47: {  	v2 =	vsel vm9, $0x89, v2;
	v3 =	vsel vm9, $0x8D, v3;
	v4 =	vsel vm9, $0x91, v4  }
0x48: {  	v5 =	vsel vm9, $0x95, v5;
	v6 =	vsel vm9, $0x99, v6;
	v7 =	vsel vm9, $0x9D, v7  }
0x49: {  	v8 =	vsel vm9, $0xA1, v8;
	v9 =	vsel vm9, $0xA5, v9;
	v10 =	vsel vm9, $0xA9, v10  }
0x4a: {  	v11 =	vsel vm9, $0xAD, v11;
	v12 =	vsel vm9, $0xB1, v12;
	v13 =	vsel vm9, $0xB5, v13  }
0x4b: {  	v14 =	vsel vm9, $0xB9, v14;
	v15 =	vsel vm9, $0xBD, v15;
	v16 =	vsel vm9, $0xC1, v16  }
0x4c: {  	v17 =	vsel vm9, $0xC5, v17;
	v18 =	vsel vm9, $0xC9, v18;
	v19 =	vsel vm9, $0xCD, v19  }
0x4d: {  	v20 =	vsel vm9, $0xD1, v20;
	v21 =	vsel vm9, $0xD5, v21;
	v22 =	vsel vm9, $0xD9, v22  }
0x4e: {  	v23 =	vsel vm9, $0xDD, v23;
	v24 =	vsel vm9, $0xE1, v24;
	v25 =	vsel vm9, $0xE5, v25  }
0x4f: {  	v26 =	vsel vm9, $0xE9, v26;
	v27 =	vsel vm9, $0xED, v27;
	v28 =	vsel vm9, $0xF1, v28  }
0x50: {  	v29 =	vsel vm9, $0xF5, v29;
	v30 =	vsel vm9, $0xF9, v30;
	v31 =	vsel vm9, $0xFD, v31  }
0x51: {  	v0 =	vsel vm8, $0x101, v0;
	v1 =	vsel vm8, $0x105, v1;
	v2 =	vsel vm8, $0x109, v2  }
0x52: {  	v3 =	vsel vm8, $0x10D, v3;
	v4 =	vsel vm8, $0x111, v4;
	v5 =	vsel vm8, $0x115, v5  }
0x53: {  	v6 =	vsel vm8, $0x119, v6;
	v7 =	vsel vm8, $0x11D, v7;
	v8 =	vsel vm8, $0x121, v8  }
0x54: {  	v9 =	vsel vm8, $0x125, v9;
	v10 =	vsel vm8, $0x129, v10;
	v11 =	vsel vm8, $0x12D, v11  }
0x55: {  	v12 =	vsel vm8, $0x131, v12;
	v13 =	vsel vm8, $0x135, v13;
	v14 =	vsel vm8, $0x139, v14  }
0x56: {  	v15 =	vsel vm8, $0x13D, v15;
	v16 =	vsel vm8, $0x141, v16;
	v17 =	vsel vm8, $0x145, v17  }
0x57: {  	v18 =	vsel vm8, $0x149, v18;
	v19 =	vsel vm8, $0x14D, v19;
	v20 =	vsel vm8, $0x151, v20  }
0x58: {  	v21 =	vsel vm8, $0x155, v21;
	v22 =	vsel vm8, $0x159, v22;
	v23 =	vsel vm8, $0x15D, v23  }
0x59: {  	v24 =	vsel vm8, $0x161, v24;
	v25 =	vsel vm8, $0x165, v25;
	v26 =	vsel vm8, $0x169, v26  }
0x5a: {  	v27 =	vsel vm8, $0x16D, v27;
	v28 =	vsel vm8, $0x171, v28;
	v29 =	vsel vm8, $0x175, v29  }
0x5b: {  	v30 =	vsel vm8, $0x179, v30;
	v31 =	vsel vm8, $0x17D, v31;
	v0 =	vsel vm7, $0x181, v0  }
0x5c: {  	v1 =	vsel vm7, $0x185, v1;
	v2 =	vsel vm7, $0x189, v2;
	v3 =	vsel vm7, $0x18D, v3  }
0x5d: {  	v4 =	vsel vm7, $0x191, v4;
	v5 =	vsel vm7, $0x195, v5;
	v6 =	vsel vm7, $0x199, v6  }
0x5e: {  	v7 =	vsel vm7, $0x19D, v7;
	v8 =	vsel vm7, $0x1A1, v8;
	v9 =	vsel vm7, $0x1A5, v9  }
0x5f: {  	v10 =	vsel vm7, $0x1A9, v10;
	v11 =	vsel vm7, $0x1AD, v11;
	v12 =	vsel vm7, $0x1B1, v12  }
0x60: {  	v13 =	vsel vm7, $0x1B5, v13;
	v14 =	vsel vm7, $0x1B9, v14;
	v15 =	vsel vm7, $0x1BD, v15  }
0x61: {  	v16 =	vsel vm7, $0x1C1, v16;
	v17 =	vsel vm7, $0x1C5, v17;
	v18 =	vsel vm7, $0x1C9, v18  }
0x62: {  	v19 =	vsel vm7, $0x1CD, v19;
	v20 =	vsel vm7, $0x1D1, v20;
	v21 =	vsel vm7, $0x1D5, v21  }
0x63: {  	v22 =	vsel vm7, $0x1D9, v22;
	v23 =	vsel vm7, $0x1DD, v23;
	v24 =	vsel vm7, $0x1E1, v24  }
0x64: {  	v25 =	vsel vm7, $0x1E5, v25;
	v26 =	vsel vm7, $0x1E9, v26;
	v27 =	vsel vm7, $0x1ED, v27  }
0x65: {  	v28 =	vsel vm7, $0x1F1, v28;
	v29 =	vsel vm7, $0x1F5, v29;
	v30 =	vsel vm7, $0x1F9, v30  }
0x66: {  	v31 =	vsel vm7, $0x1FD, v31;
	v0 =	vsel vm6, $0x2, v0;
	v1 =	vsel vm6, $0x6, v1  }
0x67: {  	v2 =	vsel vm6, $0xA, v2;
	v3 =	vsel vm6, $0xE, v3;
	v4 =	vsel vm6, $0x12, v4  }
0x68: {  	v5 =	vsel vm6, $0x16, v5;
	v6 =	vsel vm6, $0x1A, v6;
	v7 =	vsel vm6, $0x1E, v7  }
0x69: {  	v8 =	vsel vm6, $0x22, v8;
	v9 =	vsel vm6, $0x26, v9;
	v10 =	vsel vm6, $0x2A, v10  }
0x6a: {  	v11 =	vsel vm6, $0x2E, v11;
	v12 =	vsel vm6, $0x32, v12;
	v13 =	vsel vm6, $0x36, v13  }
0x6b: {  	v14 =	vsel vm6, $0x3A, v14;
	v15 =	vsel vm6, $0x3E, v15;
	v16 =	vsel vm6, $0x42, v16  }
0x6c: {  	v17 =	vsel vm6, $0x46, v17;
	v18 =	vsel vm6, $0x4A, v18;
	v19 =	vsel vm6, $0x4E, v19  }
0x6d: {  	v20 =	vsel vm6, $0x52, v20;
	v21 =	vsel vm6, $0x56, v21;
	v22 =	vsel vm6, $0x5A, v22  }
0x6e: {  	v23 =	vsel vm6, $0x5E, v23;
	v24 =	vsel vm6, $0x62, v24;
	v25 =	vsel vm6, $0x66, v25  }
0x6f: {  	v26 =	vsel vm6, $0x6A, v26;
	v27 =	vsel vm6, $0x6E, v27;
	v28 =	vsel vm6, $0x72, v28  }
0x70: {  	v29 =	vsel vm6, $0x76, v29;
	v30 =	vsel vm6, $0x7A, v30;
	v31 =	vsel vm6, $0x7E, v31  }
0x71: {  	v0 =	vsel vm5, $0x82, v0;
	v1 =	vsel vm5, $0x86, v1;
	v2 =	vsel vm5, $0x8A, v2  }
0x72: {  	v3 =	vsel vm5, $0x8E, v3;
	v4 =	vsel vm5, $0x92, v4;
	v5 =	vsel vm5, $0x96, v5  }
0x73: {  	v6 =	vsel vm5, $0x9A, v6;
	v7 =	vsel vm5, $0x9E, v7;
	v8 =	vsel vm5, $0xA2, v8  }
0x74: {  	v9 =	vsel vm5, $0xA6, v9;
	v10 =	vsel vm5, $0xAA, v10;
	v11 =	vsel vm5, $0xAE, v11  }
0x75: {  	v12 =	vsel vm5, $0xB2, v12;
	v13 =	vsel vm5, $0xB6, v13;
	v14 =	vsel vm5, $0xBA, v14  }
0x76: {  	v15 =	vsel vm5, $0xBE, v15;
	v16 =	vsel vm5, $0xC2, v16;
	v17 =	vsel vm5, $0xC6, v17  }
0x77: {  	v18 =	vsel vm5, $0xCA, v18;
	v19 =	vsel vm5, $0xCE, v19;
	v20 =	vsel vm5, $0xD2, v20  }
0x78: {  	v21 =	vsel vm5, $0xD6, v21;
	v22 =	vsel vm5, $0xDA, v22;
	v23 =	vsel vm5, $0xDE, v23  }
0x79: {  	v24 =	vsel vm5, $0xE2, v24;
	v25 =	vsel vm5, $0xE6, v25;
	v26 =	vsel vm5, $0xEA, v26  }
0x7a: {  	v27 =	vsel vm5, $0xEE, v27;
	v28 =	vsel vm5, $0xF2, v28;
	v29 =	vsel vm5, $0xF6, v29  }
0x7b: {  	v30 =	vsel vm5, $0xFA, v30;
	v31 =	vsel vm5, $0xFE, v31;
	v0 =	vsel vm4, $0x102, v0  }
0x7c: {  	v1 =	vsel vm4, $0x106, v1;
	v2 =	vsel vm4, $0x10A, v2;
	v3 =	vsel vm4, $0x10E, v3  }
0x7d: {  	v4 =	vsel vm4, $0x112, v4;
	v5 =	vsel vm4, $0x116, v5;
	v6 =	vsel vm4, $0x11A, v6  }
0x7e: {  	v7 =	vsel vm4, $0x11E, v7;
	v8 =	vsel vm4, $0x122, v8;
	v9 =	vsel vm4, $0x126, v9  }
0x7f: {  	v10 =	vsel vm4, $0x12A, v10;
	v11 =	vsel vm4, $0x12E, v11;
	v12 =	vsel vm4, $0x132, v12  }
0x80: {  	v13 =	vsel vm4, $0x136, v13;
	v14 =	vsel vm4, $0x13A, v14;
	v15 =	vsel vm4, $0x13E, v15  }
0x81: {  	v16 =	vsel vm4, $0x142, v16;
	v17 =	vsel vm4, $0x146, v17;
	v18 =	vsel vm4, $0x14A, v18  }
0x82: {  	v19 =	vsel vm4, $0x14E, v19;
	v20 =	vsel vm4, $0x152, v20;
	v21 =	vsel vm4, $0x156, v21  }
0x83: {  	v22 =	vsel vm4, $0x15A, v22;
	v23 =	vsel vm4, $0x15E, v23;
	v24 =	vsel vm4, $0x162, v24  }
0x84: {  	v25 =	vsel vm4, $0x166, v25;
	v26 =	vsel vm4, $0x16A, v26;
	v27 =	vsel vm4, $0x16E, v27  }
0x85: {  	v28 =	vsel vm4, $0x172, v28;
	v29 =	vsel vm4, $0x176, v29;
	v30 =	vsel vm4, $0x17A, v30  }
0x86: {  	v31 =	vsel vm4, $0x17E, v31;
	v0 =	vsel vm3, $0x182, v0;
	v1 =	vsel vm3, $0x186, v1  }
0x87: {  	v2 =	vsel vm3, $0x18A, v2;
	v3 =	vsel vm3, $0x18E, v3;
	v4 =	vsel vm3, $0x192, v4  }
0x88: {  	v5 =	vsel vm3, $0x196, v5;
	v6 =	vsel vm3, $0x19A, v6;
	v7 =	vsel vm3, $0x19E, v7  }
0x89: {  	v8 =	vsel vm3, $0x1A2, v8;
	v9 =	vsel vm3, $0x1A6, v9;
	v10 =	vsel vm3, $0x1AA, v10  }
0x8a: {  	v11 =	vsel vm3, $0x1AE, v11;
	v12 =	vsel vm3, $0x1B2, v12;
	v13 =	vsel vm3, $0x1B6, v13  }
0x8b: {  	v14 =	vsel vm3, $0x1BA, v14;
	v15 =	vsel vm3, $0x1BE, v15;
	v16 =	vsel vm3, $0x1C2, v16  }
0x8c: {  	v17 =	vsel vm3, $0x1C6, v17;
	v18 =	vsel vm3, $0x1CA, v18;
	v19 =	vsel vm3, $0x1CE, v19  }
0x8d: {  	v20 =	vsel vm3, $0x1D2, v20;
	v21 =	vsel vm3, $0x1D6, v21;
	v22 =	vsel vm3, $0x1DA, v22  }
0x8e: {  	v23 =	vsel vm3, $0x1DE, v23;
	v24 =	vsel vm3, $0x1E2, v24;
	v25 =	vsel vm3, $0x1E6, v25  }
0x8f: {  	v26 =	vsel vm3, $0x1EA, v26;
	v27 =	vsel vm3, $0x1EE, v27;
	v28 =	vsel vm3, $0x1F2, v28  }
0x90: {  	v29 =	vsel vm3, $0x1F6, v29;
	v30 =	vsel vm3, $0x1FA, v30;
	v31 =	vsel vm3, $0x1FE, v31  }
0x91: {  	v0 =	vsel vm1, $0x3, v0;
	v1 =	vsel vm1, $0x7, v1;
	v2 =	vsel vm1, $0xB, v2  }
0x92: {  	v3 =	vsel vm1, $0xF, v3;
	v4 =	vsel vm1, $0x13, v4;
	v5 =	vsel vm1, $0x17, v5  }
0x93: {  	v6 =	vsel vm1, $0x1B, v6;
	v7 =	vsel vm1, $0x1F, v7;
	v8 =	vsel vm1, $0x23, v8  }
0x94: {  	v9 =	vsel vm1, $0x27, v9;
	v10 =	vsel vm1, $0x2B, v10;
	v11 =	vsel vm1, $0x2F, v11  }
0x95: {  	v12 =	vsel vm1, $0x33, v12;
	v13 =	vsel vm1, $0x37, v13;
	v14 =	vsel vm1, $0x3B, v14  }
0x96: {  	v15 =	vsel vm1, $0x3F, v15;
	v16 =	vsel vm1, $0x43, v16;
	v17 =	vsel vm1, $0x47, v17  }
0x97: {  	v18 =	vsel vm1, $0x4B, v18;
	v19 =	vsel vm1, $0x4F, v19;
	v20 =	vsel vm1, $0x53, v20  }
0x98: {  	v21 =	vsel vm1, $0x57, v21;
	v22 =	vsel vm1, $0x5B, v22;
	v23 =	vsel vm1, $0x5F, v23  }
0x99: {  	v24 =	vsel vm1, $0x63, v24;
	v25 =	vsel vm1, $0x67, v25;
	v26 =	vsel vm1, $0x6B, v26  }
0x9a: {  	v27 =	vsel vm1, $0x6F, v27;
	v28 =	vsel vm1, $0x73, v28;
	v29 =	vsel vm1, $0x77, v29  }
0x9b: {  	v30 =	vsel vm1, $0x7B, v30;
	v31 =	vsel vm1, $0x7F, v31;
	v0 =	vsel vm2, $0x83, v0  }
0x9c: {  	v1 =	vsel vm2, $0x87, v1;
	v2 =	vsel vm2, $0x8B, v2;
	v3 =	vsel vm2, $0x8F, v3  }
0x9d: {  	v4 =	vsel vm2, $0x93, v4;
	v5 =	vsel vm2, $0x97, v5;
	v6 =	vsel vm2, $0x9B, v6  }
0x9e: {  	v7 =	vsel vm2, $0x9F, v7;
	v8 =	vsel vm2, $0xA3, v8;
	v9 =	vsel vm2, $0xA7, v9  }
0x9f: {  	v10 =	vsel vm2, $0xAB, v10;
	v11 =	vsel vm2, $0xAF, v11;
	v12 =	vsel vm2, $0xB3, v12  }
0xa0: {  	v13 =	vsel vm2, $0xB7, v13;
	v14 =	vsel vm2, $0xBB, v14;
	v15 =	vsel vm2, $0xBF, v15  }
0xa1: {  	v16 =	vsel vm2, $0xC3, v16;
	v17 =	vsel vm2, $0xC7, v17;
	v18 =	vsel vm2, $0xCB, v18  }
0xa2: {  	v19 =	vsel vm2, $0xCF, v19;
	v20 =	vsel vm2, $0xD3, v20;
	v21 =	vsel vm2, $0xD7, v21  }
0xa3: {  	v22 =	vsel vm2, $0xDB, v22;
	v23 =	vsel vm2, $0xDF, v23;
	v24 =	vsel vm2, $0xE3, v24  }
0xa4: {  	v25 =	vsel vm2, $0xE7, v25;
	v26 =	vsel vm2, $0xEB, v26;
	v27 =	vsel vm2, $0xEF, v27  }
0xa5: {  	v28 =	vsel vm2, $0xF3, v28;
	v29 =	vsel vm2, $0xF7, v29;
	v30 =	vsel vm2, $0xFB, v30  }
0xa6: {  	s0 =	rddreg [dreg:$0x0];
	v31 =	vsel vm2, $0xFF, v31;
	v0 =	vsel vm0, $0x103, v0;
	v1 =	vsel vm0, $0x107, v1  }
0xa7: {  	s4 =	rddreg [dreg:$0x1];
	v2 =	vsel vm0, $0x10B, v2;
	v3 =	vsel vm0, $0x10F, v3;
	v4 =	vsel vm0, $0x113, v4  }
0xa8: {  	s1 =	rddreg [dreg:$0x2];
	s2 =	simm.s32 $0x0;
	s5 =	srdreg.scid;
	v5 =	vsel vm0, $0x117, v5;
	v6 =	vsel vm0, $0x11B, v6;
	v7 =	vsel vm0, $0x11F, v7  }
0xa9: {  	s3 =	stileid.u32;
	s10 =	simm.s32 $0x4000;
	s11 =	simm.s32 $0x1;
	v8 =	vsel vm0, $0x123, v8;
	v9 =	vsel vm0, $0x127, v9;
	v10 =	vsel vm0, $0x12B, v10  }
0xaa: {  	s12 =	simm.s32 $0x8000;
	s13 =	simm.s32 $0x2;
	s14 =	simm.s32 $0x4;
	v11 =	vsel vm0, $0x12F, v11;
	v12 =	vsel vm0, $0x133, v12;
	v13 =	vsel vm0, $0x137, v13  }
0xab: {  	s15 =	simm.s32 $0xC000;
	s16 =	simm.s32 $0x3;
	s17 =	simm.s32 $0x0;
	v14 =	vsel vm0, $0x13B, v14;
	v15 =	vsel vm0, $0x13F, v15;
	v16 =	vsel vm0, $0x143, v16  }
0xac: {  	[smem:$0x7FF] =	sst s2;
	s5 =	sand.u32 $0x1, s5;
	s7 =	sshll.u32 s3, $0x10;
	v17 =	vsel vm0, $0x147, v17;
	v18 =	vsel vm0, $0x14B, v18;
	v19 =	vsel vm0, $0x14F, v19  }
0xad: {  	s4 =	sadd.s32 $0x1000, s4;
	s6 =	ssub.s32 $0x2, s5;
	s5 =	sshll.u32 s5, $0xF;
	v20 =	vsel vm0, $0x153, v20;
	v21 =	vsel vm0, $0x157, v21;
	v22 =	vsel vm0, $0x15B, v22  }
0xae: {  	_ =	strace $0x80000047;
	s8 =	sshrl.u32 s6, $0x1;
	s9 =	sor.u32 s5, s7;
	v23 =	vsel vm0, $0x15F, v23;
	v24 =	vsel vm0, $0x163, v24;
	v25 =	vsel vm0, $0x167, v25  }
0xaf: {  	s8 =	ssub.s32 s6, s8;
	s5 =	sadd.s32 s0, s9;
	s6 =	sadd.s32 s4, s9;
	v26 =	vsel vm0, $0x16B, v26;
	v27 =	vsel vm0, $0x16F, v27;
	v28 =	vsel vm0, $0x173, v28  }
0xb0: {  	s9 =	sor.u32 $0x800, s9;
	s7 =	sadd.s32 $0x1000, s5;
	s8 =	smax.u32 s8, $0x1;
	v29 =	vsel vm0, $0x177, v29;
	v30 =	vsel vm0, $0x17B, v30;
	v31 =	vsel vm0, $0x17F, v31  }
.LBB2_1:
0xb1: {  	[tilespmem:s2], [sflag:$0x1] =	stream.linear.gather [hbm4b:s5+s2], $0x4000, $0x38;
	[tilespmem:$0x10000] =	vst v63  }
0xb2: {  	s18 =	simm.s32 $0x0  }
.LBB2_2:
0xb3: {  	s20 =	sshll.u32 s18, $0xC  }
0xb4: {  	s19 =	sor.u32 s9, s20  }
0xb5: {  	s21 =	sadd.s32 s0, s19  }
0xb6: {  	[tilespmem:s10], [sflag:$0x2] =	stream.linear.gather [hbm4b:s21+s2], $0x4000, $0x38;
	[tilespmem:$0x10000] =	vst v63  }
0xb7: {  	s22 =	simm.s32 $0x0;
	_ =	swait.ge [sflag:s11], $0x4000  }
0xb8: {  	p0 =	seq.s32 s18, $0x0;
	v32 =	vor.u32 s22, v0;
	[sflag:s11] =	ssyncset.done $0x0  }
0xb9: {  	s21 =	simm.s32 @!p0 $0x3;
	[sflag:s11] =	ssyncadd.s32 $0xFFFFC000  }
0xba: {  	_ =	swait.ge @!p0 [sflag:s21], $0x4000  }
0xbb: {  	[sflag:s21] =	ssyncset.done @!p0 $0x0  }
0xbc: {  	[sflag:s21] =	ssyncadd.s32 @!p0 $0xFFFFC000  }
0xbd: {  	v32 =	vld.idx.msk [tilespmem:v32+s2+$0x0], $0xffff  }
0xbe: {  	v33 =	vor.u32 s22, v1;
	_ =	sdelay $0x2  }
0xbf: {  	s21 =	simm.s32 $0x8100  }
0xc0: {  	[tilespmem:s21+$0xFFFFFF00] =	vst v32  }
0xc1: {  	v32 =	vld.idx.msk [tilespmem:v33+s2+$0x0], $0xffff  }
0xc2: {  	v62 =	vor.u32 s22, v2;
	_ =	sdelay $0x3  }
0xc3: {  	[tilespmem:s21+$0xFFFFFF10] =	vst v32  }
0xc4: {  	v32 =	vld.idx.msk [tilespmem:v62+s2+$0x0], $0xffff  }
0xc5: {  	v63 =	vor.u32 s22, v3;
	_ =	sdelay $0x3  }
0xc6: {  	[tilespmem:s21+$0xFFFFFF20] =	vst v32  }
0xc7: {  	v32 =	vld.idx.msk [tilespmem:v63+s2+$0x0], $0xffff  }
0xc8: {  	v36 =	vor.u32 s22, v4;
	_ =	sdelay $0x3  }
0xc9: {  	[tilespmem:s21+$0xFFFFFF30] =	vst v32  }
0xca: {  	v32 =	vld.idx.msk [tilespmem:v36+s2+$0x0], $0xffff  }
0xcb: {  	v37 =	vor.u32 s22, v5;
	_ =	sdelay $0x3  }
0xcc: {  	[tilespmem:s21+$0xFFFFFF40] =	vst v32  }
0xcd: {  	v32 =	vld.idx.msk [tilespmem:v37+s2+$0x0], $0xffff  }
0xce: {  	v38 =	vor.u32 s22, v6;
	_ =	sdelay $0x3  }
0xcf: {  	[tilespmem:s21+$0xFFFFFF50] =	vst v32  }
0xd0: {  	v32 =	vld.idx.msk [tilespmem:v38+s2+$0x0], $0xffff  }
0xd1: {  	v39 =	vor.u32 s22, v7;
	_ =	sdelay $0x3  }
0xd2: {  	[tilespmem:s21+$0xFFFFFF60] =	vst v32  }
0xd3: {  	v32 =	vld.idx.msk [tilespmem:v39+s2+$0x0], $0xffff  }
0xd4: {  	v40 =	vor.u32 s22, v8;
	_ =	sdelay $0x3  }
0xd5: {  	[tilespmem:s21+$0xFFFFFF70] =	vst v32  }
0xd6: {  	v32 =	vld.idx.msk [tilespmem:v40+s2+$0x0], $0xffff  }
0xd7: {  	v41 =	vor.u32 s22, v9;
	_ =	sdelay $0x3  }
0xd8: {  	[tilespmem:s21+$0xFFFFFF80] =	vst v32  }
0xd9: {  	v32 =	vld.idx.msk [tilespmem:v41+s2+$0x0], $0xffff  }
0xda: {  	v42 =	vor.u32 s22, v10;
	_ =	sdelay $0x3  }
0xdb: {  	[tilespmem:s21+$0xFFFFFF90] =	vst v32  }
0xdc: {  	v32 =	vld.idx.msk [tilespmem:v42+s2+$0x0], $0xffff  }
0xdd: {  	v43 =	vor.u32 s22, v11;
	_ =	sdelay $0x3  }
0xde: {  	[tilespmem:s21+$0xFFFFFFA0] =	vst v32  }
0xdf: {  	v32 =	vld.idx.msk [tilespmem:v43+s2+$0x0], $0xffff  }
0xe0: {  	v44 =	vor.u32 s22, v12;
	_ =	sdelay $0x3  }
0xe1: {  	[tilespmem:s21+$0xFFFFFFB0] =	vst v32  }
0xe2: {  	v32 =	vld.idx.msk [tilespmem:v44+s2+$0x0], $0xffff  }
0xe3: {  	v45 =	vor.u32 s22, v13;
	_ =	sdelay $0x3  }
0xe4: {  	[tilespmem:s21+$0xFFFFFFC0] =	vst v32  }
0xe5: {  	v32 =	vld.idx.msk [tilespmem:v45+s2+$0x0], $0xffff  }
0xe6: {  	v46 =	vor.u32 s22, v14;
	_ =	sdelay $0x3  }
0xe7: {  	[tilespmem:s21+$0xFFFFFFD0] =	vst v32  }
0xe8: {  	v32 =	vld.idx.msk [tilespmem:v46+s2+$0x0], $0xffff  }
0xe9: {  	v47 =	vor.u32 s22, v15;
	_ =	sdelay $0x3  }
0xea: {  	[tilespmem:s21+$0xFFFFFFE0] =	vst v32  }
0xeb: {  	v32 =	vld.idx.msk [tilespmem:v47+s2+$0x0], $0xffff  }
0xec: {  	v48 =	vor.u32 s22, v16;
	_ =	sdelay $0x3  }
0xed: {  	[tilespmem:s21+$0xFFFFFFF0] =	vst v32  }
0xee: {  	v32 =	vld.idx.msk [tilespmem:v48+s2+$0x0], $0xffff  }
0xef: {  	v49 =	vor.u32 s22, v17;
	_ =	sdelay $0x3  }
0xf0: {  	[tilespmem:s21+$0x0] =	vst v32  }
0xf1: {  	v32 =	vld.idx.msk [tilespmem:v49+s2+$0x0], $0xffff  }
0xf2: {  	v50 =	vor.u32 s22, v18;
	_ =	sdelay $0x3  }
0xf3: {  	[tilespmem:s21+$0x10] =	vst v32  }
0xf4: {  	v32 =	vld.idx.msk [tilespmem:v50+s2+$0x0], $0xffff  }
0xf5: {  	v51 =	vor.u32 s22, v19;
	_ =	sdelay $0x3  }
0xf6: {  	[tilespmem:s21+$0x20] =	vst v32  }
0xf7: {  	v32 =	vld.idx.msk [tilespmem:v51+s2+$0x0], $0xffff  }
0xf8: {  	v52 =	vor.u32 s22, v20;
	_ =	sdelay $0x3  }
0xf9: {  	[tilespmem:s21+$0x30] =	vst v32  }
0xfa: {  	v32 =	vld.idx.msk [tilespmem:v52+s2+$0x0], $0xffff  }
0xfb: {  	v53 =	vor.u32 s22, v21;
	_ =	sdelay $0x3  }
0xfc: {  	[tilespmem:s21+$0x40] =	vst v32  }
0xfd: {  	v32 =	vld.idx.msk [tilespmem:v53+s2+$0x0], $0xffff  }
0xfe: {  	v54 =	vor.u32 s22, v22;
	_ =	sdelay $0x3  }
0xff: {  	[tilespmem:s21+$0x50] =	vst v32  }
0x100: {  	v32 =	vld.idx.msk [tilespmem:v54+s2+$0x0], $0xffff  }
0x101: {  	v55 =	vor.u32 s22, v23;
	_ =	sdelay $0x3  }
0x102: {  	[tilespmem:s21+$0x60] =	vst v32  }
0x103: {  	v32 =	vld.idx.msk [tilespmem:v55+s2+$0x0], $0xffff  }
0x104: {  	v56 =	vor.u32 s22, v24;
	_ =	sdelay $0x3  }
0x105: {  	[tilespmem:s21+$0x70] =	vst v32  }
0x106: {  	v32 =	vld.idx.msk [tilespmem:v56+s2+$0x0], $0xffff  }
0x107: {  	v57 =	vor.u32 s22, v25;
	_ =	sdelay $0x3  }
0x108: {  	[tilespmem:s21+$0x80] =	vst v32  }
0x109: {  	v32 =	vld.idx.msk [tilespmem:v57+s2+$0x0], $0xffff  }
0x10a: {  	v58 =	vor.u32 s22, v26;
	_ =	sdelay $0x3  }
0x10b: {  	[tilespmem:s21+$0x90] =	vst v32  }
0x10c: {  	v32 =	vld.idx.msk [tilespmem:v58+s2+$0x0], $0xffff  }
0x10d: {  	v59 =	vor.u32 s22, v27;
	_ =	sdelay $0x3  }
0x10e: {  	[tilespmem:s21+$0xA0] =	vst v32  }
0x10f: {  	v32 =	vld.idx.msk [tilespmem:v59+s2+$0x0], $0xffff  }
0x110: {  	v60 =	vor.u32 s22, v28;
	_ =	sdelay $0x3  }
0x111: {  	[tilespmem:s21+$0xB0] =	vst v32  }
0x112: {  	v32 =	vld.idx.msk [tilespmem:v60+s2+$0x0], $0xffff  }
0x113: {  	v61 =	vor.u32 s22, v29;
	_ =	sdelay $0x3  }
0x114: {  	[tilespmem:s21+$0xC0] =	vst v32  }
0x115: {  	v32 =	vld.idx.msk [tilespmem:v61+s2+$0x0], $0xffff  }
0x116: {  	v62 =	vor.u32 s22, v30;
	_ =	sdelay $0x3  }
0x117: {  	[tilespmem:s21+$0xD0] =	vst v32  }
0x118: {  	v32 =	vld.idx.msk [tilespmem:v62+s2+$0x0], $0xffff  }
0x119: {  	v63 =	vor.u32 s22, v31;
	_ =	sdelay $0x3  }
0x11a: {  	[tilespmem:s21+$0xE0] =	vst v32  }
0x11b: {  	s22 =	simm.s32 $0x200;
	v32 =	vld.idx.msk [tilespmem:v63+s2+$0x0], $0xffff  }
0x11c: {  	s23 =	simm.s32 $0x400;
	v33 =	vor.u32 s22, v0  }
.LBB2_3:
0x11d: {  	p1 =	sne.s32 s23, $0x3E00;
	_ =	sdelay $0x2  }
0x11e: {  	[tilespmem:s21+$0xF0] =	vst v32  }
0x11f: {  	v32 =	vld.idx.msk [tilespmem:v33+s2+$0x0], $0xffff;
	_ =	sdelay $0x1  }
0x120: {  	v33 =	vor.u32 s22, v1;
	_ =	sdelay $0x2  }
0x121: {  	s21 =	sadd.s32 $0x200, s21  }
0x122: {  	[tilespmem:s21+$0xFFFFFF00] =	vst v32  }
0x123: {  	v32 =	vld.idx.msk [tilespmem:v33+s2+$0x0], $0xffff;
	_ =	sdelay $0x1  }
0x124: {  	v33 =	vor.u32 s22, v2;
	_ =	sdelay $0x3  }
0x125: {  	[tilespmem:s21+$0xFFFFFF10] =	vst v32  }
0x126: {  	v32 =	vld.idx.msk [tilespmem:v33+s2+$0x0], $0xffff;
	_ =	sdelay $0x1  }
0x127: {  	v33 =	vor.u32 s22, v3;
	_ =	sdelay $0x3  }
0x128: {  	[tilespmem:s21+$0xFFFFFF20] =	vst v32  }
0x129: {  	v32 =	vld.idx.msk [tilespmem:v33+s2+$0x0], $0xffff;
	_ =	sdelay $0x1  }
0x12a: {  	v33 =	vor.u32 s22, v4;
	_ =	sdelay $0x3  }
0x12b: {  	[tilespmem:s21+$0xFFFFFF30] =	vst v32  }
0x12c: {  	v32 =	vld.idx.msk [tilespmem:v33+s2+$0x0], $0xffff;
	_ =	sdelay $0x1  }
0x12d: {  	v33 =	vor.u32 s22, v5;
	_ =	sdelay $0x3  }
0x12e: {  	[tilespmem:s21+$0xFFFFFF40] =	vst v32  }
0x12f: {  	v32 =	vld.idx.msk [tilespmem:v33+s2+$0x0], $0xffff;
	_ =	sdelay $0x1  }
0x130: {  	v33 =	vor.u32 s22, v6;
	_ =	sdelay $0x3  }
0x131: {  	[tilespmem:s21+$0xFFFFFF50] =	vst v32  }
0x132: {  	v32 =	vld.idx.msk [tilespmem:v33+s2+$0x0], $0xffff;
	_ =	sdelay $0x1  }
0x133: {  	v33 =	vor.u32 s22, v7;
	_ =	sdelay $0x3  }
0x134: {  	[tilespmem:s21+$0xFFFFFF60] =	vst v32  }
0x135: {  	v32 =	vld.idx.msk [tilespmem:v33+s2+$0x0], $0xffff;
	_ =	sdelay $0x1  }
0x136: {  	v33 =	vor.u32 s22, v8;
	_ =	sdelay $0x3  }
0x137: {  	[tilespmem:s21+$0xFFFFFF70] =	vst v32  }
0x138: {  	v32 =	vld.idx.msk [tilespmem:v33+s2+$0x0], $0xffff;
	_ =	sdelay $0x1  }
0x139: {  	v33 =	vor.u32 s22, v9;
	_ =	sdelay $0x3  }
0x13a: {  	[tilespmem:s21+$0xFFFFFF80] =	vst v32  }
0x13b: {  	v32 =	vld.idx.msk [tilespmem:v33+s2+$0x0], $0xffff;
	_ =	sdelay $0x1  }
0x13c: {  	v33 =	vor.u32 s22, v10;
	_ =	sdelay $0x3  }
0x13d: {  	[tilespmem:s21+$0xFFFFFF90] =	vst v32  }
0x13e: {  	v32 =	vld.idx.msk [tilespmem:v33+s2+$0x0], $0xffff;
	_ =	sdelay $0x1  }
0x13f: {  	v33 =	vor.u32 s22, v11;
	_ =	sdelay $0x3  }
0x140: {  	[tilespmem:s21+$0xFFFFFFA0] =	vst v32  }
0x141: {  	v32 =	vld.idx.msk [tilespmem:v33+s2+$0x0], $0xffff;
	_ =	sdelay $0x1  }
0x142: {  	v33 =	vor.u32 s22, v12;
	_ =	sdelay $0x3  }
0x143: {  	[tilespmem:s21+$0xFFFFFFB0] =	vst v32  }
0x144: {  	v32 =	vld.idx.msk [tilespmem:v33+s2+$0x0], $0xffff;
	_ =	sdelay $0x1  }
0x145: {  	v33 =	vor.u32 s22, v13;
	_ =	sdelay $0x3  }
0x146: {  	[tilespmem:s21+$0xFFFFFFC0] =	vst v32  }
0x147: {  	v32 =	vld.idx.msk [tilespmem:v33+s2+$0x0], $0xffff;
	_ =	sdelay $0x1  }
0x148: {  	v33 =	vor.u32 s22, v14;
	_ =	sdelay $0x3  }
0x149: {  	[tilespmem:s21+$0xFFFFFFD0] =	vst v32  }
0x14a: {  	v32 =	vld.idx.msk [tilespmem:v33+s2+$0x0], $0xffff;
	_ =	sdelay $0x1  }
0x14b: {  	v33 =	vor.u32 s22, v15;
	_ =	sdelay $0x3  }
0x14c: {  	[tilespmem:s21+$0xFFFFFFE0] =	vst v32  }
0x14d: {  	v32 =	vld.idx.msk [tilespmem:v33+s2+$0x0], $0xffff;
	_ =	sdelay $0x1  }
0x14e: {  	v33 =	vor.u32 s22, v16;
	_ =	sdelay $0x3  }
0x14f: {  	[tilespmem:s21+$0xFFFFFFF0] =	vst v32  }
0x150: {  	v32 =	vld.idx.msk [tilespmem:v33+s2+$0x0], $0xffff;
	_ =	sdelay $0x1  }
0x151: {  	v33 =	vor.u32 s22, v17;
	_ =	sdelay $0x3  }
0x152: {  	[tilespmem:s21+$0x0] =	vst v32  }
0x153: {  	v32 =	vld.idx.msk [tilespmem:v33+s2+$0x0], $0xffff;
	_ =	sdelay $0x1  }
0x154: {  	v33 =	vor.u32 s22, v18;
	_ =	sdelay $0x3  }
0x155: {  	[tilespmem:s21+$0x10] =	vst v32  }
0x156: {  	v32 =	vld.idx.msk [tilespmem:v33+s2+$0x0], $0xffff;
	_ =	sdelay $0x1  }
0x157: {  	v33 =	vor.u32 s22, v19;
	_ =	sdelay $0x3  }
0x158: {  	[tilespmem:s21+$0x20] =	vst v32  }
0x159: {  	v32 =	vld.idx.msk [tilespmem:v33+s2+$0x0], $0xffff;
	_ =	sdelay $0x1  }
0x15a: {  	v33 =	vor.u32 s22, v20;
	_ =	sdelay $0x3  }
0x15b: {  	[tilespmem:s21+$0x30] =	vst v32  }
0x15c: {  	v32 =	vld.idx.msk [tilespmem:v33+s2+$0x0], $0xffff;
	_ =	sdelay $0x1  }
0x15d: {  	v33 =	vor.u32 s22, v21;
	_ =	sdelay $0x3  }
0x15e: {  	[tilespmem:s21+$0x40] =	vst v32  }
0x15f: {  	v32 =	vld.idx.msk [tilespmem:v33+s2+$0x0], $0xffff;
	_ =	sdelay $0x1  }
0x160: {  	v33 =	vor.u32 s22, v22;
	_ =	sdelay $0x3  }
0x161: {  	[tilespmem:s21+$0x50] =	vst v32  }
0x162: {  	v32 =	vld.idx.msk [tilespmem:v33+s2+$0x0], $0xffff;
	_ =	sdelay $0x1  }
0x163: {  	v33 =	vor.u32 s22, v23;
	_ =	sdelay $0x3  }
0x164: {  	[tilespmem:s21+$0x60] =	vst v32  }
0x165: {  	v32 =	vld.idx.msk [tilespmem:v33+s2+$0x0], $0xffff;
	_ =	sdelay $0x1  }
0x166: {  	v33 =	vor.u32 s22, v24;
	_ =	sdelay $0x3  }
0x167: {  	[tilespmem:s21+$0x70] =	vst v32  }
0x168: {  	v32 =	vld.idx.msk [tilespmem:v33+s2+$0x0], $0xffff;
	_ =	sdelay $0x1  }
0x169: {  	v33 =	vor.u32 s22, v25;
	_ =	sdelay $0x3  }
0x16a: {  	[tilespmem:s21+$0x80] =	vst v32  }
0x16b: {  	v32 =	vld.idx.msk [tilespmem:v33+s2+$0x0], $0xffff;
	_ =	sdelay $0x1  }
0x16c: {  	v33 =	vor.u32 s22, v26;
	_ =	sdelay $0x3  }
0x16d: {  	[tilespmem:s21+$0x90] =	vst v32  }
0x16e: {  	v32 =	vld.idx.msk [tilespmem:v33+s2+$0x0], $0xffff;
	_ =	sdelay $0x1  }
0x16f: {  	v33 =	vor.u32 s22, v27;
	_ =	sdelay $0x3  }
0x170: {  	[tilespmem:s21+$0xA0] =	vst v32  }
0x171: {  	v32 =	vld.idx.msk [tilespmem:v33+s2+$0x0], $0xffff;
	_ =	sdelay $0x1  }
0x172: {  	v33 =	vor.u32 s22, v28;
	_ =	sdelay $0x3  }
0x173: {  	[tilespmem:s21+$0xB0] =	vst v32  }
0x174: {  	v32 =	vld.idx.msk [tilespmem:v33+s2+$0x0], $0xffff;
	_ =	sdelay $0x1  }
0x175: {  	v33 =	vor.u32 s22, v29;
	_ =	sdelay $0x3  }
0x176: {  	[tilespmem:s21+$0xC0] =	vst v32  }
0x177: {  	v32 =	vld.idx.msk [tilespmem:v33+s2+$0x0], $0xffff;
	_ =	sdelay $0x1  }
0x178: {  	v33 =	vor.u32 s22, v30;
	_ =	sdelay $0x3  }
0x179: {  	[tilespmem:s21+$0xD0] =	vst v32  }
0x17a: {  	v32 =	vld.idx.msk [tilespmem:v33+s2+$0x0], $0xffff;
	_ =	sdelay $0x1  }
0x17b: {  	v33 =	vor.u32 s22, v31;
	s22 =	smov.u32 s23;
	_ =	sdelay $0x2  }
.Ltmp0:
0x17c: {  	(pc) =	sbr.rel @p1 .LBB2_3-.Ltmp0, $3  }
0x17d: {  	[tilespmem:s21+$0xE0] =	vst v32  }
0x17e: {  	v32 =	vld.idx.msk [tilespmem:v33+s2+$0x0], $0xffff;
	_ =	sdelay $0x1  }
0x17f: {  	s23 =	sadd.s32 $0x200, s23;
	v33 =	vor.u32 s22, v0  }
0x180: {  	_ =	sdelay $0x2  }
0x181: {  	[tilespmem:s21+$0xF0] =	vst v32  }
0x182: {  	v32 =	vld.idx.msk [tilespmem:v33+s2+$0x0], $0xffff  }
0x183: {  	v61 =	vor.u32 s22, v1;
	_ =	sdelay $0x2  }
0x184: {  	s30 =	sadd.s32 $0x200, s21  }
0x185: {  	[tilespmem:s30+$0xFFFFFF00] =	vst v32  }
0x186: {  	v32 =	vld.idx.msk [tilespmem:v61+s2+$0x0], $0xffff  }
0x187: {  	v62 =	vor.u32 s22, v2;
	_ =	sdelay $0x3  }
0x188: {  	[tilespmem:s30+$0xFFFFFF10] =	vst v32  }
0x189: {  	v32 =	vld.idx.msk [tilespmem:v62+s2+$0x0], $0xffff  }
0x18a: {  	v63 =	vor.u32 s22, v3;
	_ =	sdelay $0x3  }
0x18b: {  	[tilespmem:s30+$0xFFFFFF20] =	vst v32  }
0x18c: {  	v32 =	vld.idx.msk [tilespmem:v63+s2+$0x0], $0xffff  }
0x18d: {  	v36 =	vor.u32 s22, v4;
	_ =	sdelay $0x3  }
0x18e: {  	[tilespmem:s30+$0xFFFFFF30] =	vst v32  }
0x18f: {  	v32 =	vld.idx.msk [tilespmem:v36+s2+$0x0], $0xffff  }
0x190: {  	v37 =	vor.u32 s22, v5;
	_ =	sdelay $0x3  }
0x191: {  	[tilespmem:s30+$0xFFFFFF40] =	vst v32  }
0x192: {  	v32 =	vld.idx.msk [tilespmem:v37+s2+$0x0], $0xffff  }
0x193: {  	v38 =	vor.u32 s22, v6;
	_ =	sdelay $0x3  }
0x194: {  	[tilespmem:s30+$0xFFFFFF50] =	vst v32  }
0x195: {  	v32 =	vld.idx.msk [tilespmem:v38+s2+$0x0], $0xffff  }
0x196: {  	v39 =	vor.u32 s22, v7;
	_ =	sdelay $0x3  }
0x197: {  	[tilespmem:s30+$0xFFFFFF60] =	vst v32  }
0x198: {  	v32 =	vld.idx.msk [tilespmem:v39+s2+$0x0], $0xffff  }
0x199: {  	v40 =	vor.u32 s22, v8;
	_ =	sdelay $0x3  }
0x19a: {  	[tilespmem:s30+$0xFFFFFF70] =	vst v32  }
0x19b: {  	v32 =	vld.idx.msk [tilespmem:v40+s2+$0x0], $0xffff  }
0x19c: {  	v41 =	vor.u32 s22, v9;
	_ =	sdelay $0x3  }
0x19d: {  	[tilespmem:s30+$0xFFFFFF80] =	vst v32  }
0x19e: {  	v32 =	vld.idx.msk [tilespmem:v41+s2+$0x0], $0xffff  }
0x19f: {  	v42 =	vor.u32 s22, v10;
	_ =	sdelay $0x3  }
0x1a0: {  	[tilespmem:s30+$0xFFFFFF90] =	vst v32  }
0x1a1: {  	v32 =	vld.idx.msk [tilespmem:v42+s2+$0x0], $0xffff  }
0x1a2: {  	v43 =	vor.u32 s22, v11;
	_ =	sdelay $0x3  }
0x1a3: {  	[tilespmem:s30+$0xFFFFFFA0] =	vst v32  }
0x1a4: {  	v32 =	vld.idx.msk [tilespmem:v43+s2+$0x0], $0xffff  }
0x1a5: {  	v44 =	vor.u32 s22, v12;
	_ =	sdelay $0x3  }
0x1a6: {  	[tilespmem:s30+$0xFFFFFFB0] =	vst v32  }
0x1a7: {  	v32 =	vld.idx.msk [tilespmem:v44+s2+$0x0], $0xffff  }
0x1a8: {  	v45 =	vor.u32 s22, v13;
	_ =	sdelay $0x3  }
0x1a9: {  	[tilespmem:s30+$0xFFFFFFC0] =	vst v32  }
0x1aa: {  	v32 =	vld.idx.msk [tilespmem:v45+s2+$0x0], $0xffff  }
0x1ab: {  	v46 =	vor.u32 s22, v14;
	_ =	sdelay $0x3  }
0x1ac: {  	[tilespmem:s30+$0xFFFFFFD0] =	vst v32  }
0x1ad: {  	v32 =	vld.idx.msk [tilespmem:v46+s2+$0x0], $0xffff  }
0x1ae: {  	v47 =	vor.u32 s22, v15;
	_ =	sdelay $0x3  }
0x1af: {  	[tilespmem:s30+$0xFFFFFFE0] =	vst v32  }
0x1b0: {  	v32 =	vld.idx.msk [tilespmem:v47+s2+$0x0], $0xffff  }
0x1b1: {  	v48 =	vor.u32 s22, v16;
	_ =	sdelay $0x3  }
0x1b2: {  	[tilespmem:s30+$0xFFFFFFF0] =	vst v32  }
0x1b3: {  	v32 =	vld.idx.msk [tilespmem:v48+s2+$0x0], $0xffff  }
0x1b4: {  	v49 =	vor.u32 s22, v17;
	_ =	sdelay $0x3  }
0x1b5: {  	[tilespmem:s30+$0x0] =	vst v32  }
0x1b6: {  	v32 =	vld.idx.msk [tilespmem:v49+s2+$0x0], $0xffff  }
0x1b7: {  	v50 =	vor.u32 s22, v18;
	_ =	sdelay $0x3  }
0x1b8: {  	[tilespmem:s30+$0x10] =	vst v32  }
0x1b9: {  	v32 =	vld.idx.msk [tilespmem:v50+s2+$0x0], $0xffff  }
0x1ba: {  	v51 =	vor.u32 s22, v19;
	_ =	sdelay $0x3  }
0x1bb: {  	[tilespmem:s30+$0x20] =	vst v32  }
0x1bc: {  	v32 =	vld.idx.msk [tilespmem:v51+s2+$0x0], $0xffff  }
0x1bd: {  	v52 =	vor.u32 s22, v20;
	_ =	sdelay $0x3  }
0x1be: {  	[tilespmem:s30+$0x30] =	vst v32  }
0x1bf: {  	v32 =	vld.idx.msk [tilespmem:v52+s2+$0x0], $0xffff  }
0x1c0: {  	v53 =	vor.u32 s22, v21;
	_ =	sdelay $0x3  }
0x1c1: {  	[tilespmem:s30+$0x40] =	vst v32  }
0x1c2: {  	v32 =	vld.idx.msk [tilespmem:v53+s2+$0x0], $0xffff  }
0x1c3: {  	v54 =	vor.u32 s22, v22;
	_ =	sdelay $0x3  }
0x1c4: {  	[tilespmem:s30+$0x50] =	vst v32  }
0x1c5: {  	v32 =	vld.idx.msk [tilespmem:v54+s2+$0x0], $0xffff  }
0x1c6: {  	v55 =	vor.u32 s22, v23;
	_ =	sdelay $0x3  }
0x1c7: {  	[tilespmem:s30+$0x60] =	vst v32  }
0x1c8: {  	v32 =	vld.idx.msk [tilespmem:v55+s2+$0x0], $0xffff  }
0x1c9: {  	v56 =	vor.u32 s22, v24;
	_ =	sdelay $0x3  }
0x1ca: {  	[tilespmem:s30+$0x70] =	vst v32  }
0x1cb: {  	v32 =	vld.idx.msk [tilespmem:v56+s2+$0x0], $0xffff  }
0x1cc: {  	v57 =	vor.u32 s22, v25;
	_ =	sdelay $0x3  }
0x1cd: {  	[tilespmem:s30+$0x80] =	vst v32  }
0x1ce: {  	v32 =	vld.idx.msk [tilespmem:v57+s2+$0x0], $0xffff  }
0x1cf: {  	v58 =	vor.u32 s22, v26;
	_ =	sdelay $0x3  }
0x1d0: {  	[tilespmem:s30+$0x90] =	vst v32  }
0x1d1: {  	v32 =	vld.idx.msk [tilespmem:v58+s2+$0x0], $0xffff  }
0x1d2: {  	v59 =	vor.u32 s22, v27;
	_ =	sdelay $0x3  }
0x1d3: {  	[tilespmem:s30+$0xA0] =	vst v32  }
0x1d4: {  	v32 =	vld.idx.msk [tilespmem:v59+s2+$0x0], $0xffff  }
0x1d5: {  	v60 =	vor.u32 s22, v28;
	_ =	sdelay $0x3  }
0x1d6: {  	[tilespmem:s30+$0xB0] =	vst v32  }
0x1d7: {  	v32 =	vld.idx.msk [tilespmem:v60+s2+$0x0], $0xffff  }
0x1d8: {  	v61 =	vor.u32 s22, v29;
	_ =	sdelay $0x3  }
0x1d9: {  	[tilespmem:s30+$0xC0] =	vst v32  }
0x1da: {  	v32 =	vld.idx.msk [tilespmem:v61+s2+$0x0], $0xffff  }
0x1db: {  	v62 =	vor.u32 s22, v30;
	_ =	sdelay $0x3  }
0x1dc: {  	[tilespmem:s30+$0xD0] =	vst v32  }
0x1dd: {  	v32 =	vld.idx.msk [tilespmem:v62+s2+$0x0], $0xffff  }
0x1de: {  	v63 =	vor.u32 s22, v31;
	_ =	sdelay $0x3  }
0x1df: {  	[tilespmem:s30+$0xE0] =	vst v32  }
0x1e0: {  	v32 =	vld.idx.msk [tilespmem:v63+s2+$0x0], $0xffff  }
0x1e1: {  	p1 =	sne.s32 s18, $0x7  }
.Ltmp1:
0x1e2: {  	_ = 	snop;
	(pc) =	sbr.rel @p1 .LBB2_6-.Ltmp1, $3  }
0x1e3: {  	_ =	sdelay $0x1  }
0x1e4: {  	s31 =	sadd.s32 s20, s6;
	[tilespmem:s30+$0xF0] =	vst v32  }
0x1e5: {  	[hbm4b:s31+s2] =	stream.linear.scatter [tilespmem:s12], [sflag:$0x3], $0x4000, $0x38;
	[tilespmem:$0x10000] =	vst v63  }
.Ltmp2:
0x1e6: {  	(pc) =	sbr.rel .LBB2_7-.Ltmp2, $4  }
0x1e7: {  	_ = 	snop  }
0x1e8: {  	_ =	swait.ge [sflag:s13], $0x4000  }
0x1e9: {  	[sflag:s13] =	ssyncset.done $0x0  }
0x1ea: {  	[sflag:s13] =	ssyncadd.s32 $0xFFFFC000  }
.LBB2_6:
.Ltmp3:
0x1eb: {  	s20 =	sadd.s32 s20, s7;
	(pc) =	sbr.rel @p0 .LBB2_8-.Ltmp3, $4  }
0x1ec: {  	[tilespmem:s2], [sflag:$0x1] =	stream.linear.gather [hbm4b:s20+s2], $0x4000, $0x38;
	[tilespmem:$0x10000] =	vst v63  }
0x1ed: {  	_ =	swait.ge [sflag:s13], $0x4000  }
0x1ee: {  	[sflag:s13] =	ssyncset.done $0x0  }
0x1ef: {  	[sflag:s13] =	ssyncadd.s32 $0xFFFFC000  }
.LBB2_7:
0x1f0: {  	_ =	swait.ge [sflag:s14], $0x4000  }
0x1f1: {  	[sflag:s14] =	ssyncset.done $0x0  }
0x1f2: {  	[sflag:s14] =	ssyncadd.s32 $0xFFFFC000  }
.LBB2_8:
0x1f3: {  	s20 =	simm.s32 $0x4000  }
0x1f4: {  	v32 =	vor.u32 s20, v0;
	_ =	sdelay $0x4  }
0x1f5: {  	v32 =	vld.idx.msk [tilespmem:v32+s2+$0x0], $0xffff  }
0x1f6: {  	v33 =	vor.u32 s20, v1;
	_ =	sdelay $0x2  }
0x1f7: {  	s21 =	simm.s32 $0x0  }
0x1f8: {  	[tilespmem:s21+$0xC000] =	vst v32  }
0x1f9: {  	v32 =	vld.idx.msk [tilespmem:v33+s2+$0x0], $0xffff  }
0x1fa: {  	v62 =	vor.u32 s20, v2;
	_ =	sdelay $0x3  }
0x1fb: {  	[tilespmem:s21+$0xC010] =	vst v32  }
0x1fc: {  	v32 =	vld.idx.msk [tilespmem:v62+s2+$0x0], $0xffff  }
0x1fd: {  	v63 =	vor.u32 s20, v3;
	_ =	sdelay $0x3  }
0x1fe: {  	[tilespmem:s21+$0xC020] =	vst v32  }
0x1ff: {  	v32 =	vld.idx.msk [tilespmem:v63+s2+$0x0], $0xffff  }
0x200: {  	v36 =	vor.u32 s20, v4;
	_ =	sdelay $0x3  }
0x201: {  	[tilespmem:s21+$0xC030] =	vst v32  }
0x202: {  	v32 =	vld.idx.msk [tilespmem:v36+s2+$0x0], $0xffff  }
0x203: {  	v37 =	vor.u32 s20, v5;
	_ =	sdelay $0x3  }
0x204: {  	[tilespmem:s21+$0xC040] =	vst v32  }
0x205: {  	v32 =	vld.idx.msk [tilespmem:v37+s2+$0x0], $0xffff  }
0x206: {  	v38 =	vor.u32 s20, v6;
	_ =	sdelay $0x3  }
0x207: {  	[tilespmem:s21+$0xC050] =	vst v32  }
0x208: {  	v32 =	vld.idx.msk [tilespmem:v38+s2+$0x0], $0xffff  }
0x209: {  	v39 =	vor.u32 s20, v7;
	_ =	sdelay $0x3  }
0x20a: {  	[tilespmem:s21+$0xC060] =	vst v32  }
0x20b: {  	v32 =	vld.idx.msk [tilespmem:v39+s2+$0x0], $0xffff  }
0x20c: {  	v40 =	vor.u32 s20, v8;
	_ =	sdelay $0x3  }
0x20d: {  	[tilespmem:s21+$0xC070] =	vst v32  }
0x20e: {  	v32 =	vld.idx.msk [tilespmem:v40+s2+$0x0], $0xffff  }
0x20f: {  	v41 =	vor.u32 s20, v9;
	_ =	sdelay $0x3  }
0x210: {  	[tilespmem:s21+$0xC080] =	vst v32  }
0x211: {  	v32 =	vld.idx.msk [tilespmem:v41+s2+$0x0], $0xffff  }
0x212: {  	v42 =	vor.u32 s20, v10;
	_ =	sdelay $0x3  }
0x213: {  	[tilespmem:s21+$0xC090] =	vst v32  }
0x214: {  	v32 =	vld.idx.msk [tilespmem:v42+s2+$0x0], $0xffff  }
0x215: {  	v43 =	vor.u32 s20, v11;
	_ =	sdelay $0x3  }
0x216: {  	[tilespmem:s21+$0xC0A0] =	vst v32  }
0x217: {  	v32 =	vld.idx.msk [tilespmem:v43+s2+$0x0], $0xffff  }
0x218: {  	v44 =	vor.u32 s20, v12;
	_ =	sdelay $0x3  }
0x219: {  	[tilespmem:s21+$0xC0B0] =	vst v32  }
0x21a: {  	v32 =	vld.idx.msk [tilespmem:v44+s2+$0x0], $0xffff  }
0x21b: {  	v45 =	vor.u32 s20, v13;
	_ =	sdelay $0x3  }
0x21c: {  	[tilespmem:s21+$0xC0C0] =	vst v32  }
0x21d: {  	v32 =	vld.idx.msk [tilespmem:v45+s2+$0x0], $0xffff  }
0x21e: {  	v46 =	vor.u32 s20, v14;
	_ =	sdelay $0x3  }
0x21f: {  	[tilespmem:s21+$0xC0D0] =	vst v32  }
0x220: {  	v32 =	vld.idx.msk [tilespmem:v46+s2+$0x0], $0xffff  }
0x221: {  	v47 =	vor.u32 s20, v15;
	_ =	sdelay $0x3  }
0x222: {  	[tilespmem:s21+$0xC0E0] =	vst v32  }
0x223: {  	v32 =	vld.idx.msk [tilespmem:v47+s2+$0x0], $0xffff  }
0x224: {  	v48 =	vor.u32 s20, v16;
	_ =	sdelay $0x3  }
0x225: {  	[tilespmem:s21+$0xC0F0] =	vst v32  }
0x226: {  	v32 =	vld.idx.msk [tilespmem:v48+s2+$0x0], $0xffff  }
0x227: {  	v49 =	vor.u32 s20, v17;
	_ =	sdelay $0x3  }
0x228: {  	[tilespmem:s21+$0xC100] =	vst v32  }
0x229: {  	v32 =	vld.idx.msk [tilespmem:v49+s2+$0x0], $0xffff  }
0x22a: {  	v50 =	vor.u32 s20, v18;
	_ =	sdelay $0x3  }
0x22b: {  	[tilespmem:s21+$0xC110] =	vst v32  }
0x22c: {  	v32 =	vld.idx.msk [tilespmem:v50+s2+$0x0], $0xffff  }
0x22d: {  	v51 =	vor.u32 s20, v19;
	_ =	sdelay $0x3  }
0x22e: {  	[tilespmem:s21+$0xC120] =	vst v32  }
0x22f: {  	v32 =	vld.idx.msk [tilespmem:v51+s2+$0x0], $0xffff  }
0x230: {  	v52 =	vor.u32 s20, v20;
	_ =	sdelay $0x3  }
0x231: {  	[tilespmem:s21+$0xC130] =	vst v32  }
0x232: {  	v32 =	vld.idx.msk [tilespmem:v52+s2+$0x0], $0xffff  }
0x233: {  	v53 =	vor.u32 s20, v21;
	_ =	sdelay $0x3  }
0x234: {  	[tilespmem:s21+$0xC140] =	vst v32  }
0x235: {  	v32 =	vld.idx.msk [tilespmem:v53+s2+$0x0], $0xffff  }
0x236: {  	v54 =	vor.u32 s20, v22;
	_ =	sdelay $0x3  }
0x237: {  	[tilespmem:s21+$0xC150] =	vst v32  }
0x238: {  	v32 =	vld.idx.msk [tilespmem:v54+s2+$0x0], $0xffff  }
0x239: {  	v55 =	vor.u32 s20, v23;
	_ =	sdelay $0x3  }
0x23a: {  	[tilespmem:s21+$0xC160] =	vst v32  }
0x23b: {  	v32 =	vld.idx.msk [tilespmem:v55+s2+$0x0], $0xffff  }
0x23c: {  	v56 =	vor.u32 s20, v24;
	_ =	sdelay $0x3  }
0x23d: {  	[tilespmem:s21+$0xC170] =	vst v32  }
0x23e: {  	v32 =	vld.idx.msk [tilespmem:v56+s2+$0x0], $0xffff  }
0x23f: {  	v57 =	vor.u32 s20, v25;
	_ =	sdelay $0x3  }
0x240: {  	[tilespmem:s21+$0xC180] =	vst v32  }
0x241: {  	v32 =	vld.idx.msk [tilespmem:v57+s2+$0x0], $0xffff  }
0x242: {  	v58 =	vor.u32 s20, v26;
	_ =	sdelay $0x3  }
0x243: {  	[tilespmem:s21+$0xC190] =	vst v32  }
0x244: {  	v32 =	vld.idx.msk [tilespmem:v58+s2+$0x0], $0xffff  }
0x245: {  	v59 =	vor.u32 s20, v27;
	_ =	sdelay $0x3  }
0x246: {  	[tilespmem:s21+$0xC1A0] =	vst v32  }
0x247: {  	v32 =	vld.idx.msk [tilespmem:v59+s2+$0x0], $0xffff  }
0x248: {  	v60 =	vor.u32 s20, v28;
	_ =	sdelay $0x3  }
0x249: {  	[tilespmem:s21+$0xC1B0] =	vst v32  }
0x24a: {  	v32 =	vld.idx.msk [tilespmem:v60+s2+$0x0], $0xffff  }
0x24b: {  	v61 =	vor.u32 s20, v29;
	_ =	sdelay $0x3  }
0x24c: {  	[tilespmem:s21+$0xC1C0] =	vst v32  }
0x24d: {  	v32 =	vld.idx.msk [tilespmem:v61+s2+$0x0], $0xffff  }
0x24e: {  	v62 =	vor.u32 s20, v30;
	_ =	sdelay $0x3  }
0x24f: {  	[tilespmem:s21+$0xC1D0] =	vst v32  }
0x250: {  	v32 =	vld.idx.msk [tilespmem:v62+s2+$0x0], $0xffff  }
0x251: {  	v63 =	vor.u32 s20, v31;
	_ =	sdelay $0x3  }
0x252: {  	[tilespmem:s21+$0xC1E0] =	vst v32  }
0x253: {  	s20 =	simm.s32 $0x4200;
	v32 =	vld.idx.msk [tilespmem:v63+s2+$0x0], $0xffff  }
0x254: {  	s22 =	simm.s32 $0x800;
	s23 =	simm.s32 $0x1000;
	v33 =	vor.u32 s20, v0  }
.LBB2_9:
0x255: {  	p0 =	sne.s32 s23, $0xF800;
	_ =	sdelay $0x2  }
0x256: {  	[tilespmem:s21+$0xC1F0] =	vst v32  }
0x257: {  	v32 =	vld.idx.msk [tilespmem:v33+s2+$0x0], $0xffff;
	_ =	sdelay $0x1  }
0x258: {  	v33 =	vor.u32 s20, v1;
	_ =	sdelay $0x2  }
0x259: {  	s21 =	sshra.s32 s22, $0x2;
	s22 =	smov.u32 s23  }
0x25a: {  	[tilespmem:s21+$0xC000] =	vst v32  }
0x25b: {  	v32 =	vld.idx.msk [tilespmem:v33+s2+$0x0], $0xffff;
	_ =	sdelay $0x1  }
0x25c: {  	v33 =	vor.u32 s20, v2;
	_ =	sdelay $0x3  }
0x25d: {  	[tilespmem:s21+$0xC010] =	vst v32  }
0x25e: {  	v32 =	vld.idx.msk [tilespmem:v33+s2+$0x0], $0xffff;
	_ =	sdelay $0x1  }
0x25f: {  	v33 =	vor.u32 s20, v3;
	_ =	sdelay $0x3  }
0x260: {  	[tilespmem:s21+$0xC020] =	vst v32  }
0x261: {  	v32 =	vld.idx.msk [tilespmem:v33+s2+$0x0], $0xffff;
	_ =	sdelay $0x1  }
0x262: {  	v33 =	vor.u32 s20, v4;
	_ =	sdelay $0x3  }
0x263: {  	[tilespmem:s21+$0xC030] =	vst v32  }
0x264: {  	v32 =	vld.idx.msk [tilespmem:v33+s2+$0x0], $0xffff;
	_ =	sdelay $0x1  }
0x265: {  	v33 =	vor.u32 s20, v5;
	_ =	sdelay $0x3  }
0x266: {  	[tilespmem:s21+$0xC040] =	vst v32  }
0x267: {  	v32 =	vld.idx.msk [tilespmem:v33+s2+$0x0], $0xffff;
	_ =	sdelay $0x1  }
0x268: {  	v33 =	vor.u32 s20, v6;
	_ =	sdelay $0x3  }
0x269: {  	[tilespmem:s21+$0xC050] =	vst v32  }
0x26a: {  	v32 =	vld.idx.msk [tilespmem:v33+s2+$0x0], $0xffff;
	_ =	sdelay $0x1  }
0x26b: {  	v33 =	vor.u32 s20, v7;
	_ =	sdelay $0x3  }
0x26c: {  	[tilespmem:s21+$0xC060] =	vst v32  }
0x26d: {  	v32 =	vld.idx.msk [tilespmem:v33+s2+$0x0], $0xffff;
	_ =	sdelay $0x1  }
0x26e: {  	v33 =	vor.u32 s20, v8;
	_ =	sdelay $0x3  }
0x26f: {  	[tilespmem:s21+$0xC070] =	vst v32  }
0x270: {  	v32 =	vld.idx.msk [tilespmem:v33+s2+$0x0], $0xffff;
	_ =	sdelay $0x1  }
0x271: {  	v33 =	vor.u32 s20, v9;
	_ =	sdelay $0x3  }
0x272: {  	[tilespmem:s21+$0xC080] =	vst v32  }
0x273: {  	v32 =	vld.idx.msk [tilespmem:v33+s2+$0x0], $0xffff;
	_ =	sdelay $0x1  }
0x274: {  	v33 =	vor.u32 s20, v10;
	_ =	sdelay $0x3  }
0x275: {  	[tilespmem:s21+$0xC090] =	vst v32  }
0x276: {  	v32 =	vld.idx.msk [tilespmem:v33+s2+$0x0], $0xffff;
	_ =	sdelay $0x1  }
0x277: {  	v33 =	vor.u32 s20, v11;
	_ =	sdelay $0x3  }
0x278: {  	[tilespmem:s21+$0xC0A0] =	vst v32  }
0x279: {  	v32 =	vld.idx.msk [tilespmem:v33+s2+$0x0], $0xffff;
	_ =	sdelay $0x1  }
0x27a: {  	v33 =	vor.u32 s20, v12;
	_ =	sdelay $0x3  }
0x27b: {  	[tilespmem:s21+$0xC0B0] =	vst v32  }
0x27c: {  	v32 =	vld.idx.msk [tilespmem:v33+s2+$0x0], $0xffff;
	_ =	sdelay $0x1  }
0x27d: {  	v33 =	vor.u32 s20, v13;
	_ =	sdelay $0x3  }
0x27e: {  	[tilespmem:s21+$0xC0C0] =	vst v32  }
0x27f: {  	v32 =	vld.idx.msk [tilespmem:v33+s2+$0x0], $0xffff;
	_ =	sdelay $0x1  }
0x280: {  	v33 =	vor.u32 s20, v14;
	_ =	sdelay $0x3  }
0x281: {  	[tilespmem:s21+$0xC0D0] =	vst v32  }
0x282: {  	v32 =	vld.idx.msk [tilespmem:v33+s2+$0x0], $0xffff;
	_ =	sdelay $0x1  }
0x283: {  	v33 =	vor.u32 s20, v15;
	_ =	sdelay $0x3  }
0x284: {  	[tilespmem:s21+$0xC0E0] =	vst v32  }
0x285: {  	v32 =	vld.idx.msk [tilespmem:v33+s2+$0x0], $0xffff;
	_ =	sdelay $0x1  }
0x286: {  	v33 =	vor.u32 s20, v16;
	_ =	sdelay $0x3  }
0x287: {  	[tilespmem:s21+$0xC0F0] =	vst v32  }
0x288: {  	v32 =	vld.idx.msk [tilespmem:v33+s2+$0x0], $0xffff;
	_ =	sdelay $0x1  }
0x289: {  	v33 =	vor.u32 s20, v17;
	_ =	sdelay $0x3  }
0x28a: {  	[tilespmem:s21+$0xC100] =	vst v32  }
0x28b: {  	v32 =	vld.idx.msk [tilespmem:v33+s2+$0x0], $0xffff;
	_ =	sdelay $0x1  }
0x28c: {  	v33 =	vor.u32 s20, v18;
	_ =	sdelay $0x3  }
0x28d: {  	[tilespmem:s21+$0xC110] =	vst v32  }
0x28e: {  	v32 =	vld.idx.msk [tilespmem:v33+s2+$0x0], $0xffff;
	_ =	sdelay $0x1  }
0x28f: {  	v33 =	vor.u32 s20, v19;
	_ =	sdelay $0x3  }
0x290: {  	[tilespmem:s21+$0xC120] =	vst v32  }
0x291: {  	v32 =	vld.idx.msk [tilespmem:v33+s2+$0x0], $0xffff;
	_ =	sdelay $0x1  }
0x292: {  	v33 =	vor.u32 s20, v20;
	_ =	sdelay $0x3  }
0x293: {  	[tilespmem:s21+$0xC130] =	vst v32  }
0x294: {  	v32 =	vld.idx.msk [tilespmem:v33+s2+$0x0], $0xffff;
	_ =	sdelay $0x1  }
0x295: {  	v33 =	vor.u32 s20, v21;
	_ =	sdelay $0x3  }
0x296: {  	[tilespmem:s21+$0xC140] =	vst v32  }
0x297: {  	v32 =	vld.idx.msk [tilespmem:v33+s2+$0x0], $0xffff;
	_ =	sdelay $0x1  }
0x298: {  	v33 =	vor.u32 s20, v22;
	_ =	sdelay $0x3  }
0x299: {  	[tilespmem:s21+$0xC150] =	vst v32  }
0x29a: {  	v32 =	vld.idx.msk [tilespmem:v33+s2+$0x0], $0xffff;
	_ =	sdelay $0x1  }
0x29b: {  	v33 =	vor.u32 s20, v23;
	_ =	sdelay $0x3  }
0x29c: {  	[tilespmem:s21+$0xC160] =	vst v32  }
0x29d: {  	v32 =	vld.idx.msk [tilespmem:v33+s2+$0x0], $0xffff;
	_ =	sdelay $0x1  }
0x29e: {  	v33 =	vor.u32 s20, v24;
	_ =	sdelay $0x3  }
0x29f: {  	[tilespmem:s21+$0xC170] =	vst v32  }
0x2a0: {  	v32 =	vld.idx.msk [tilespmem:v33+s2+$0x0], $0xffff;
	_ =	sdelay $0x1  }
0x2a1: {  	v33 =	vor.u32 s20, v25;
	_ =	sdelay $0x3  }
0x2a2: {  	[tilespmem:s21+$0xC180] =	vst v32  }
0x2a3: {  	v32 =	vld.idx.msk [tilespmem:v33+s2+$0x0], $0xffff;
	_ =	sdelay $0x1  }
0x2a4: {  	v33 =	vor.u32 s20, v26;
	_ =	sdelay $0x3  }
0x2a5: {  	[tilespmem:s21+$0xC190] =	vst v32  }
0x2a6: {  	v32 =	vld.idx.msk [tilespmem:v33+s2+$0x0], $0xffff;
	_ =	sdelay $0x1  }
0x2a7: {  	v33 =	vor.u32 s20, v27;
	_ =	sdelay $0x3  }
0x2a8: {  	[tilespmem:s21+$0xC1A0] =	vst v32  }
0x2a9: {  	v32 =	vld.idx.msk [tilespmem:v33+s2+$0x0], $0xffff;
	_ =	sdelay $0x1  }
0x2aa: {  	v33 =	vor.u32 s20, v28;
	_ =	sdelay $0x3  }
0x2ab: {  	[tilespmem:s21+$0xC1B0] =	vst v32  }
0x2ac: {  	v32 =	vld.idx.msk [tilespmem:v33+s2+$0x0], $0xffff;
	_ =	sdelay $0x1  }
0x2ad: {  	v33 =	vor.u32 s20, v29;
	_ =	sdelay $0x3  }
0x2ae: {  	[tilespmem:s21+$0xC1C0] =	vst v32  }
0x2af: {  	v32 =	vld.idx.msk [tilespmem:v33+s2+$0x0], $0xffff;
	_ =	sdelay $0x1  }
0x2b0: {  	v33 =	vor.u32 s20, v30;
	_ =	sdelay $0x3  }
0x2b1: {  	[tilespmem:s21+$0xC1D0] =	vst v32  }
0x2b2: {  	v32 =	vld.idx.msk [tilespmem:v33+s2+$0x0], $0xffff;
	_ =	sdelay $0x1  }
0x2b3: {  	v33 =	vor.u32 s20, v31;
	_ =	sdelay $0x2  }
.Ltmp4:
0x2b4: {  	(pc) =	sbr.rel @p0 .LBB2_9-.Ltmp4, $4  }
0x2b5: {  	[tilespmem:s21+$0xC1E0] =	vst v32  }
0x2b6: {  	v32 =	vld.idx.msk [tilespmem:v33+s2+$0x0], $0xffff  }
0x2b7: {  	s20 =	sadd.s32 $0x200, s20  }
0x2b8: {  	s23 =	sadd.s32 $0x800, s23;
	v33 =	vor.u32 s20, v0  }
0x2b9: {  	_ =	sdelay $0x2  }
0x2ba: {  	[tilespmem:s21+$0xC1F0] =	vst v32  }
0x2bb: {  	v32 =	vld.idx.msk [tilespmem:v33+s2+$0x0], $0xffff  }
0x2bc: {  	v61 =	vor.u32 s20, v1;
	_ =	sdelay $0x2  }
0x2bd: {  	s31 =	sshra.s32 s22, $0x2  }
0x2be: {  	[tilespmem:s31+$0xC000] =	vst v32  }
0x2bf: {  	v32 =	vld.idx.msk [tilespmem:v61+s2+$0x0], $0xffff  }
0x2c0: {  	v62 =	vor.u32 s20, v2;
	_ =	sdelay $0x3  }
0x2c1: {  	[tilespmem:s31+$0xC010] =	vst v32  }
0x2c2: {  	v32 =	vld.idx.msk [tilespmem:v62+s2+$0x0], $0xffff  }
0x2c3: {  	v63 =	vor.u32 s20, v3;
	_ =	sdelay $0x3  }
0x2c4: {  	[tilespmem:s31+$0xC020] =	vst v32  }
0x2c5: {  	v32 =	vld.idx.msk [tilespmem:v63+s2+$0x0], $0xffff  }
0x2c6: {  	v36 =	vor.u32 s20, v4;
	_ =	sdelay $0x3  }
0x2c7: {  	[tilespmem:s31+$0xC030] =	vst v32  }
0x2c8: {  	v32 =	vld.idx.msk [tilespmem:v36+s2+$0x0], $0xffff  }
0x2c9: {  	v37 =	vor.u32 s20, v5;
	_ =	sdelay $0x3  }
0x2ca: {  	[tilespmem:s31+$0xC040] =	vst v32  }
0x2cb: {  	v32 =	vld.idx.msk [tilespmem:v37+s2+$0x0], $0xffff  }
0x2cc: {  	v38 =	vor.u32 s20, v6;
	_ =	sdelay $0x3  }
0x2cd: {  	[tilespmem:s31+$0xC050] =	vst v32  }
0x2ce: {  	v32 =	vld.idx.msk [tilespmem:v38+s2+$0x0], $0xffff  }
0x2cf: {  	v39 =	vor.u32 s20, v7;
	_ =	sdelay $0x3  }
0x2d0: {  	[tilespmem:s31+$0xC060] =	vst v32  }
0x2d1: {  	v32 =	vld.idx.msk [tilespmem:v39+s2+$0x0], $0xffff  }
0x2d2: {  	v40 =	vor.u32 s20, v8;
	_ =	sdelay $0x3  }
0x2d3: {  	[tilespmem:s31+$0xC070] =	vst v32  }
0x2d4: {  	v32 =	vld.idx.msk [tilespmem:v40+s2+$0x0], $0xffff  }
0x2d5: {  	v41 =	vor.u32 s20, v9;
	_ =	sdelay $0x3  }
0x2d6: {  	[tilespmem:s31+$0xC080] =	vst v32  }
0x2d7: {  	v32 =	vld.idx.msk [tilespmem:v41+s2+$0x0], $0xffff  }
0x2d8: {  	v42 =	vor.u32 s20, v10;
	_ =	sdelay $0x3  }
0x2d9: {  	[tilespmem:s31+$0xC090] =	vst v32  }
0x2da: {  	v32 =	vld.idx.msk [tilespmem:v42+s2+$0x0], $0xffff  }
0x2db: {  	v43 =	vor.u32 s20, v11;
	_ =	sdelay $0x3  }
0x2dc: {  	[tilespmem:s31+$0xC0A0] =	vst v32  }
0x2dd: {  	v32 =	vld.idx.msk [tilespmem:v43+s2+$0x0], $0xffff  }
0x2de: {  	v44 =	vor.u32 s20, v12;
	_ =	sdelay $0x3  }
0x2df: {  	[tilespmem:s31+$0xC0B0] =	vst v32  }
0x2e0: {  	v32 =	vld.idx.msk [tilespmem:v44+s2+$0x0], $0xffff  }
0x2e1: {  	v45 =	vor.u32 s20, v13;
	_ =	sdelay $0x3  }
0x2e2: {  	[tilespmem:s31+$0xC0C0] =	vst v32  }
0x2e3: {  	v32 =	vld.idx.msk [tilespmem:v45+s2+$0x0], $0xffff  }
0x2e4: {  	v46 =	vor.u32 s20, v14;
	_ =	sdelay $0x3  }
0x2e5: {  	[tilespmem:s31+$0xC0D0] =	vst v32  }
0x2e6: {  	v32 =	vld.idx.msk [tilespmem:v46+s2+$0x0], $0xffff  }
0x2e7: {  	v47 =	vor.u32 s20, v15;
	_ =	sdelay $0x3  }
0x2e8: {  	[tilespmem:s31+$0xC0E0] =	vst v32  }
0x2e9: {  	v32 =	vld.idx.msk [tilespmem:v47+s2+$0x0], $0xffff  }
0x2ea: {  	v48 =	vor.u32 s20, v16;
	_ =	sdelay $0x3  }
0x2eb: {  	[tilespmem:s31+$0xC0F0] =	vst v32  }
0x2ec: {  	v32 =	vld.idx.msk [tilespmem:v48+s2+$0x0], $0xffff  }
0x2ed: {  	v49 =	vor.u32 s20, v17;
	_ =	sdelay $0x3  }
0x2ee: {  	[tilespmem:s31+$0xC100] =	vst v32  }
0x2ef: {  	v32 =	vld.idx.msk [tilespmem:v49+s2+$0x0], $0xffff  }
0x2f0: {  	v50 =	vor.u32 s20, v18;
	_ =	sdelay $0x3  }
0x2f1: {  	[tilespmem:s31+$0xC110] =	vst v32  }
0x2f2: {  	v32 =	vld.idx.msk [tilespmem:v50+s2+$0x0], $0xffff  }
0x2f3: {  	v51 =	vor.u32 s20, v19;
	_ =	sdelay $0x3  }
0x2f4: {  	[tilespmem:s31+$0xC120] =	vst v32  }
0x2f5: {  	v32 =	vld.idx.msk [tilespmem:v51+s2+$0x0], $0xffff  }
0x2f6: {  	v52 =	vor.u32 s20, v20;
	_ =	sdelay $0x3  }
0x2f7: {  	[tilespmem:s31+$0xC130] =	vst v32  }
0x2f8: {  	v32 =	vld.idx.msk [tilespmem:v52+s2+$0x0], $0xffff  }
0x2f9: {  	v53 =	vor.u32 s20, v21;
	_ =	sdelay $0x3  }
0x2fa: {  	[tilespmem:s31+$0xC140] =	vst v32  }
0x2fb: {  	v32 =	vld.idx.msk [tilespmem:v53+s2+$0x0], $0xffff  }
0x2fc: {  	v54 =	vor.u32 s20, v22;
	_ =	sdelay $0x3  }
0x2fd: {  	[tilespmem:s31+$0xC150] =	vst v32  }
0x2fe: {  	v32 =	vld.idx.msk [tilespmem:v54+s2+$0x0], $0xffff  }
0x2ff: {  	v55 =	vor.u32 s20, v23;
	_ =	sdelay $0x3  }
0x300: {  	[tilespmem:s31+$0xC160] =	vst v32  }
0x301: {  	v32 =	vld.idx.msk [tilespmem:v55+s2+$0x0], $0xffff  }
0x302: {  	v56 =	vor.u32 s20, v24;
	_ =	sdelay $0x3  }
0x303: {  	[tilespmem:s31+$0xC170] =	vst v32  }
0x304: {  	v32 =	vld.idx.msk [tilespmem:v56+s2+$0x0], $0xffff  }
0x305: {  	v57 =	vor.u32 s20, v25;
	_ =	sdelay $0x3  }
0x306: {  	[tilespmem:s31+$0xC180] =	vst v32  }
0x307: {  	v32 =	vld.idx.msk [tilespmem:v57+s2+$0x0], $0xffff  }
0x308: {  	v58 =	vor.u32 s20, v26;
	_ =	sdelay $0x3  }
0x309: {  	[tilespmem:s31+$0xC190] =	vst v32  }
0x30a: {  	v32 =	vld.idx.msk [tilespmem:v58+s2+$0x0], $0xffff  }
0x30b: {  	v59 =	vor.u32 s20, v27;
	_ =	sdelay $0x3  }
0x30c: {  	[tilespmem:s31+$0xC1A0] =	vst v32  }
0x30d: {  	v32 =	vld.idx.msk [tilespmem:v59+s2+$0x0], $0xffff  }
0x30e: {  	v60 =	vor.u32 s20, v28;
	_ =	sdelay $0x3  }
0x30f: {  	[tilespmem:s31+$0xC1B0] =	vst v32  }
0x310: {  	v32 =	vld.idx.msk [tilespmem:v60+s2+$0x0], $0xffff  }
0x311: {  	v61 =	vor.u32 s20, v29;
	_ =	sdelay $0x3  }
0x312: {  	[tilespmem:s31+$0xC1C0] =	vst v32  }
0x313: {  	v32 =	vld.idx.msk [tilespmem:v61+s2+$0x0], $0xffff  }
0x314: {  	v62 =	vor.u32 s20, v30;
	_ =	sdelay $0x3  }
0x315: {  	[tilespmem:s31+$0xC1D0] =	vst v32  }
0x316: {  	v32 =	vld.idx.msk [tilespmem:v62+s2+$0x0], $0xffff  }
0x317: {  	v63 =	vor.u32 s20, v31;
	_ =	sdelay $0x3  }
0x318: {  	[tilespmem:s31+$0xC1E0] =	vst v32  }
0x319: {  	s18 =	sadd.s32 $0x1, s18;
	v32 =	vld.idx.msk [tilespmem:v63+s2+$0x0], $0xffff  }
0x31a: {  	p0 =	sne.s32 s18, $0x8  }
.Ltmp5:
0x31b: {  	_ = 	snop;
	(pc) =	sbr.rel @p0 .LBB2_2-.Ltmp5, $3  }
0x31c: {  	_ =	sdelay $0x1  }
0x31d: {  	s19 =	sadd.s32 s4, s19;
	[tilespmem:s31+$0xC1F0] =	vst v32  }
0x31e: {  	[hbm4b:s19+s2] =	stream.linear.scatter [tilespmem:s15], [sflag:$0x4], $0x4000, $0x38;
	[tilespmem:$0x10000] =	vst v63  }
0x31f: {  	s17 =	sadd.s32 $0x1, s17  }
0x320: {  	_ =	swait.ge [sflag:s16], $0x4000;
	p0 =	sne.s32 s17, s8  }
.Ltmp6:
0x321: {  	[sflag:s16] =	ssyncset.done $0x0;
	(pc) =	sbr.rel @p0 .LBB2_1-.Ltmp6, $4  }
0x322: {  	[sflag:s16] =	ssyncadd.s32 $0xFFFFC000  }
0x323: {  	_ =	swait.ge [sflag:s14], $0x4000  }
0x324: {  	[sflag:s14] =	ssyncset.done $0x0  }
0x325: {  	[sflag:s14] =	ssyncadd.s32 $0xFFFFC000  }
0x326: {  	_ =	sfence.sel $0x180000  }
0x327: {  	[bflag:$0x0] =	sbarrier.arrive $0xFFFF  }
0x328: {  	p0 =	sne.s32 s3, $0x0;
	_ =	strace $0x90000047  }
0x329: {  	s0 =	sadd.s32 @!p0 $0x100000, s1;
	[bflag:$0x2] =	sbarrier.arrive $0xFFFF  }
0x32a: {  	[sflag:s0] =	ssyncadd.tile.s32 @!p0 $0x1;
	_ =	shalt  }
.Lfunc_end2:
_tile_overlayer_lowered:
.L_overlay_start_2:
0x32b: {  	(tag) =	ssettag $0x2  }
0x32c: {  	s0 =	rddreg [dreg:$0x0];
	s2 =	stileid.u32  }
0x32d: {  	s1 =	rddreg [dreg:$0x1];
	p0 =	sne.s32 s2, $0x0  }
0x32e: {  	s3 =	rddreg [dreg:$0x2];
	[bflag:$0x3] =	sbarrier.arrive $0xFFFF;
	s2 =	simm.s32 @!p0 $0x1C05  }
0x32f: {  	[timem:s3], [sflag:s2] =	dma.local @!p0 [hbm:s0], s1  }
0x330: {  	s0 =	simm.s32 @!p0 $0x5  }
0x331: {  	_ =	swait.ge @!p0 [sflag:s0], s1  }
0x332: {  	s1 =	ssub.s32 @!p0 $0x0, s1;
	[sflag:s0] =	ssyncset.done @!p0 $0x0  }
0x333: {  	[sflag:s0] =	ssyncadd.s32 @!p0 s1  }
0x334: {  	[bflag:$0x3] =	sbarrier.arrive $0xFFFF  }
0x335: {  	_ =	shalt  }

// kernel: kernel.7.cloned.1.call-start
scs
__scs_entry_jumppad:
0x0: {  	(pc) =	sbr.rel $0x88, $3  }
0x1: {  	(tag) =	ssettag $0x0;
	lr =	simm.s32 $0x1  }
0x2: {  	[smem:$0x3F9E] =	sst lr;
	_ =	strace $0xD0000000  }
0x3: {  	_ = 	snop  }
0x4: {  	_ = 	snop  }
0x5: {  	_ = 	snop  }
0x6: {  	_ = 	snop  }
0x7: {  	_ = 	snop  }
__scs_overlays_trampoline_lowered:
0x8: {  	[smem:$0x3FAD] =	sst s0  }
0x9: {  	[smem:$0x3FAE] =	sst s1  }
0xa: {  	[smem:$0x3FAF] =	sst s2  }
0xb: {  	[smem:$0x3FB0] =	sst s3  }
0xc: {  	[smem:$0x3FB1] =	sst s4  }
0xd: {  	[smem:$0x3FB2] =	sst s5  }
0xe: {  	[smem:$0x3FB3] =	sst s6  }
0xf: {  	[smem:$0x3FB4] =	sst s7  }
0x10: {  	[smem:$0x3FB5] =	sst s8  }
0x11: {  	[smem:$0x3FB6] =	sst s9;
	s0 =	simm.s32 @!p0 $0x0  }
0x12: {  	s1 =	sld [smem:$0x3F9C];
	s0 =	simm.s32 @p0 $0x1  }
0x13: {  	[smem:$0x3FB7] =	sst s0;
	s0 =	simm.s32 @!p1 $0x0  }
0x14: {  	s2 =	sld [smem:$0x3F9B];
	s0 =	simm.s32 @p1 $0x1  }
0x15: {  	[smem:$0x3FB8] =	sst s0;
	s0 =	simm.s32 @!p2 $0x0  }
0x16: {  	s3 =	sld [smem:$0x3FDB];
	s0 =	simm.s32 @p2 $0x1  }
0x17: {  	s4 =	simm.s32 $0x1BF5;
	[smem:$0x3FBA] =	sst s0  }
0x18: {  	s0 =	sld [smem:$0x3F9D];
	_ =	swait.ge [sflag:s4], $0x0  }
0x19: {  	s7 =	sld [smem:$0x3F9E]  }
0x1a: {  	s8 =	sadd.s32 $0xFFFFE003, lr  }
0x1b: {  	s9 =	sadd.s32 $0xFFFFFEF7, lr;
	s5 =	simm.s32 $0xFFFFFFFF;
	p2 =	slt.u32 s8, $0xFFFFF086  }
0x1c: {  	p1 =	slt.u32 s9, $0xF7A;
	s5 =	simm.s32 @!p2 $0x0  }
0x1d: {  	s5 =	simm.s32 @p1 $0x1;
	p0 =	seq.s32 s7, s2  }
0x1e: {  	s7 =	smul.u32 @!p0 $0xF7A, s2;
	p2 =	seq.s32 @!p0 s5, $0x0  }
0x1f: {  	s9 =	smul.u32 $0xF7A, s1;
	s8 =	simm.s32 @!p0 $0x1BF5;
	p2 =	por !p2, p0  }
0x20: {  	[sflag:s8] =	ssyncset.s32 @!p0 $0xFFFFF086;
	s6 =	sadd.s32 @!p0 s3, s7;
	s7 =	simm.s32 @!p0 $0x108  }
0x21: {  	s3 =	sadd.s32 s3, s9;
	s6 =	sadd.s32 @!p0 $0x88, s6;
	s7 =	simm.s32 @p2 $0x1082  }
0x22: {  	[simem:s7], [sflag:s8] =	dma.local @!p0 [hbm:s6], $0xF7A  }
0x23: {  	s9 =	sor.u32 $0xD0000000, s2;
	s6 =	simm.s32 $0x108;
	_ =	swait.ge @!p0 [sflag:s8], $0x0  }
0x24: {  	s3 =	sadd.s32 $0x88, s3;
	s6 =	simm.s32 @!p1 $0x1082;
	[sflag:s4] =	ssyncset.s32 $0xFFFFF086  }
0x25: {  	[simem:s6], [sflag:s4] =	dma.local [hbm:s3], $0xF7A  }
0x26: {  	[smem:$0x3F9E] =	sst s1;
	(tag) =	ssettag s2;
	_ =	strace s9  }
0x27: {  	s1 =	sld [smem:$0x3FAE]  }
0x28: {  	s2 =	sld [smem:$0x3FAF]  }
0x29: {  	s4 =	sld [smem:$0x3FB1]  }
0x2a: {  	p0 =	seq.s32 s5, $0x0;
	s5 =	sld [smem:$0x3FB2]  }
0x2b: {  	s6 =	sld [smem:$0x3FB3]  }
0x2c: {  	s7 =	sld [smem:$0x3FB4]  }
0x2d: {  	s3 =	simm.s32 $0x108;
	s8 =	sld [smem:$0x3FB5]  }
0x2e: {  	s3 =	simm.s32 @!p0 $0x1082;
	s9 =	sld [smem:$0x3FB6]  }
0x2f: {  	lr =	sadd.s32 s0, s3;
	s0 =	sld [smem:$0x3FAD]  }
0x30: {  	s3 =	sld [smem:$0x3FB0]  }
0x31: {  	[smem:$0x3FB9] =	sst s10  }
0x32: {  	s10 =	sld [smem:$0x3FB7];
	_ =	sdelay $0x3  }
0x33: {  	p0 =	seq.s32 s10, $0x1;
	s10 =	sld [smem:$0x3FB9];
	_ =	sdelay $0x3  }
0x34: {  	[smem:$0x3FB9] =	sst s10  }
0x35: {  	s10 =	sld [smem:$0x3FB8];
	_ =	sdelay $0x3  }
0x36: {  	p1 =	seq.s32 s10, $0x1;
	s10 =	sld [smem:$0x3FB9];
	_ =	sdelay $0x3  }
0x37: {  	[smem:$0x3FB9] =	sst s10  }
0x38: {  	s10 =	sld [smem:$0x3FBA]  }
0x39: {  	_ = 	snop;
	(pc) =	sbr.ind lr, $3  }
0x3a: {  	_ = 	snop  }
0x3b: {  	_ = 	snop  }
0x3c: {  	p2 =	seq.s32 s10, $0x1;
	s10 =	sld [smem:$0x3FB9]  }
0x3d: {  	_ =	shalt  }
0x3e: {  	_ =	shalt  }
0x3f: {  	_ =	shalt  }
0x40: {  	_ =	shalt  }
0x41: {  	_ =	shalt  }
0x42: {  	_ =	shalt  }
0x43: {  	_ =	shalt  }
0x44: {  	_ =	shalt  }
0x45: {  	_ =	shalt  }
0x46: {  	_ =	shalt  }
0x47: {  	_ =	shalt  }
0x48: {  	_ =	shalt  }
0x49: {  	_ =	shalt  }
0x4a: {  	_ =	shalt  }
0x4b: {  	_ =	shalt  }
0x4c: {  	_ =	shalt  }
0x4d: {  	_ =	shalt  }
0x4e: {  	_ =	shalt  }
0x4f: {  	_ =	shalt  }
0x50: {  	_ =	shalt  }
0x51: {  	_ =	shalt  }
0x52: {  	_ =	shalt  }
0x53: {  	_ =	shalt  }
0x54: {  	_ =	shalt  }
0x55: {  	_ =	shalt  }
0x56: {  	_ =	shalt  }
0x57: {  	_ =	shalt  }
0x58: {  	_ =	shalt  }
0x59: {  	_ =	shalt  }
0x5a: {  	_ =	shalt  }
0x5b: {  	_ =	shalt  }
0x5c: {  	_ =	shalt  }
0x5d: {  	_ =	shalt  }
0x5e: {  	_ =	shalt  }
0x5f: {  	_ =	shalt  }
0x60: {  	_ =	shalt  }
0x61: {  	_ =	shalt  }
0x62: {  	_ =	shalt  }
0x63: {  	_ =	shalt  }
0x64: {  	_ =	shalt  }
0x65: {  	_ =	shalt  }
0x66: {  	_ =	shalt  }
0x67: {  	_ =	shalt  }
0x68: {  	_ =	shalt  }
0x69: {  	_ =	shalt  }
0x6a: {  	_ =	shalt  }
0x6b: {  	_ =	shalt  }
0x6c: {  	_ =	shalt  }
0x6d: {  	_ =	shalt  }
0x6e: {  	_ =	shalt  }
0x6f: {  	_ =	shalt  }
0x70: {  	_ =	shalt  }
0x71: {  	_ =	shalt  }
0x72: {  	_ =	shalt  }
0x73: {  	_ =	shalt  }
0x74: {  	_ =	shalt  }
0x75: {  	_ =	shalt  }
0x76: {  	_ =	shalt  }
0x77: {  	_ =	shalt  }
0x78: {  	_ =	shalt  }
0x79: {  	_ =	shalt  }
0x7a: {  	_ =	shalt  }
0x7b: {  	_ =	shalt  }
0x7c: {  	_ =	shalt  }
0x7d: {  	_ =	shalt  }
0x7e: {  	_ =	shalt  }
0x7f: {  	_ =	shalt  }
0x80: {  	_ =	shalt  }
0x81: {  	_ =	shalt  }
0x82: {  	_ =	shalt  }
0x83: {  	_ =	shalt  }
0x84: {  	_ =	shalt  }
0x85: {  	_ =	shalt  }
0x86: {  	_ =	shalt  }
0x87: {  	_ =	shalt  }
.Lfunc_end0:
.L_simem_size_0:
called_computation.1_lowered:
.L_overlay_start_0:
0x88: {  	s2 =	sld [smem:$0x3FD9]  }
0x89: {  	s3 =	sld [smem:$0x3FFE];
	_ =	sdelay $0x1  }
0x8a: {  	s1 =	srdreg.scid  }
0x8b: {  	s0 =	sand.u32 $0x1, s1  }
0x8c: {  	s17 =	sshll.u32 s0, $0xA;
	s2 =	sadd.s32 s3, s2  }
0x8d: {  	s2 =	sadd.s32 s2, s17  }
0x8e: {  	[smem:$0x3FC5] =	sst s2  }
0x8f: {  	_ = 	snop  }
0x90: {  	s2 =	sld [smem:$0x3FD0];
	(tm) =	ssettm $0x1  }
0x91: {  	s18 =	sld [smem:$0x3FFB];
	_ =	sdelay $0x3  }
0x92: {  	_ =	strace s18  }
0x93: {  	s3 =	sld [smem:$0x3FFC];
	_ =	sdelay $0x3  }
0x94: {  	_ =	strace s3  }
0x95: {  	s3 =	sld [smem:$0x3FFD];
	_ =	sdelay $0x3  }
0x96: {  	_ =	strace s3  }
0x97: {  	_ =	strace $0x8FFFFFFF  }
0x98: {  	s19 =	sld [smem:$0x3FDB];
	_ =	sdelay $0x1  }
0x99: {  	s4 =	simm.s32 $_scs_section_size  }
0x9a: {  	s5 =	simm.s32 $_size__tile_overlayer_lowered;
	s6 =	simm.s32 $_tile_overlayer_lowered  }
0x9b: {  	s22 =	simm.s32 $0x1BFF;
	s21 =	sshll.u32 s6, $0x1;
	s3 =	sadd.s32 s4, s19  }
0x9c: {  	s7 =	simm.s32 $0x0;
	s20 =	sshll.u32 s5, $0x1;
	s5 =	sadd.s32 s21, s3  }
0x9d: {  	[timem:s7], [sflag:s22] =	dma.local [hbm:s5], s20  }
0x9e: {  	_ =	swait.ge [sflag:s22], s20  }
0x9f: {  	s4 =	ssub.s32 $0x0, s20;
	[sflag:s22] =	ssyncset.done $0x0  }
0xa0: {  	[sflag:s22] =	ssyncadd.s32 s4;
	_ =	sdelay $0x1  }
0xa1: {  	s23 =	simm.s32 $0x1B8B  }
0xa2: {  	_ =	swait.ge [sflag:s23], $0x1  }
0xa3: {  	[sflag:s23] =	ssyncset.done $0x0  }
0xa4: {  	s25 =	simm.s32 $0x1B8E;
	s24 =	sld [smem:$0x3FFE];
	[sflag:s23] =	ssyncadd.s32 $0xFFFFFFFF  }
0xa5: {  	s26 =	simm.s32 $execute0_lowered;
	[smem:$0x3FD2] =	sst s25  }
0xa6: {  	s5 =	sshll.u32 s26, $0x1;
	_ =	strace $0x80000049;
	[dreg:$0x1] =	wrdreg $0xFFFFFFFF  }
0xa7: {  	s28 =	simm.s32 $_size_execute0_lowered;
	s3 =	sadd.s32 s3, s5;
	[dreg:$0x0] =	wrdreg $0x0  }
0xa8: {  	s5 =	sshll.u32 s28, $0x1;
	[dreg:$0x2] =	wrdreg s3  }
0xa9: {  	[dreg:$0x3] =	wrdreg s5  }
0xaa: {  	[dreg:$0x4] =	wrdreg $0xC0  }
0xab: {  	_ =	task [dreg:s7], $0x5FFFF  }
0xac: {  	[dreg:$0x1] =	wrdreg $0xFFFFFFFF  }
0xad: {  	[dreg:$0x0] =	wrdreg $0x60  }
0xae: {  	[dreg:$0x2] =	wrdreg s24  }
0xaf: {  	[dreg:$0x3] =	wrdreg s2  }
0xb0: {  	[dreg:$0x4] =	wrdreg $0x9  }
0xb1: {  	_ =	task.clear_ibuf [dreg:s7], $0x5FFFF;
	_ =	strace $0x90000049  }
0xb2: {  	s29 =	simm.s32 $0x9;
	_ =	strace $0x8000004B  }
0xb3: {  	_ =	swait.ge [sflag:s29], $0x1  }
0xb4: {  	[sflag:s29] =	ssyncadd.s32 $0xFFFFFFFF  }
0xb5: {  	_ =	strace $0x9000004B  }
0xb6: {  	_ =	sfence  }
0xb7: {  	s30 =	sld [smem:$0x0];
	_ =	sdelay $0x2  }
0xb8: {  	s31 =	sshll.u32 s1, $0xD;
	s1 =	sshrl.u32 s1, $0x2  }
0xb9: {  	s3 =	sand.u32 $0x4000, s31;
	s1 =	sadd.s32 s1, s30  }
0xba: {  	s0 =	sor.u32 s3, s0;
	s1 =	sshll.u32 s1, $0x11  }
0xbb: {  	s0 =	sor.u32 s1, s0  }
0xbc: {  	s0 =	sadd.s32 $0x8F2B, s0  }
0xbd: {  	[sflag:s0] =	ssyncadd.remote.s32 $0x1  }
0xbe: {  	_ =	sfence.sel $0xFFFF  }
0xbf: {  	[dreg:$0x0] =	wrdreg $0xFFFFFFFF;
	(pc) =	sbr.abs _section_cstart, $3  }
0xc0: {  	[dreg:$0x1] =	wrdreg $0xFFFFFFFF  }
0xc1: {  	_ =	task.clear_ibuf [dreg:s7], $0x2FFFF;
	_ =	strace $0x9FFFFFFF  }
0xc2: {  	(tm) =	ssettm $0x7FFFFFFF  }
0xc3: {  	_ =	shalt  }
tec
execute0_lowered:
.L_overlay_start_1:
0x0: {  	(tag) =	ssettag $0x1  }
0x1: {  	s0 =	srdreg.scid;
	s1 =	rddreg [dreg:$0x0]  }
0x2: {  	s3 =	stileid.u32;
	s2 =	rddreg [dreg:$0x1]  }
0x3: {  	s5 =	simm.s32 $0x0;
	s18 =	simm.s32 $0x3;
	s19 =	simm.s32 $0x80  }
0x4: {  	s28 =	simm.s32 $0xE800;
	s29 =	simm.s32 $0x4680;
	s30 =	simm.s32 $0xEC00  }
0x5: {  	s31 =	simm.s32 $0x4700;
	s13 =	simm.s32 $0xF400;
	s14 =	simm.s32 $0x1  }
0x6: {  	s15 =	simm.s32 $0x40;
	s16 =	simm.s32 $0x10000;
	s0 =	sand.u32 $0x1, s0  }
0x7: {  	s17 =	simm.s32 $0x17800;
	s3 =	sshll.u32 s3, $0xC;
	s4 =	sshll.u32 s0, $0xB  }
0x8: {  	s9 =	simm.s32 $0x0;
	s0 =	ssub.s32 $0x2, s0;
	s3 =	sor.u32 s4, s3  }
0x9: {  	[smem:$0x7FF] =	sst s5;
	s8 =	sshrl.u32 s0, $0x1;
	s6 =	sshrl.u32 s3, $0x3  }
0xa: {  	_ =	strace $0x8000004A;
	s0 =	ssub.s32 s0, s8;
	s23 =	sadd.s32 s2, s6  }
0xb: {  	s7 =	sadd.s32 s6, s1;
	s0 =	smax.u32 s0, $0x1;
	[dreg:$0x5] =	wrdreg s23  }
0xc: {  	s5 =	sadd.s32 $0x10B000, s1;
	s21 =	sadd.s32 $0x103000, s7;
	[dreg:$0x9] =	wrdreg s0  }
0xd: {  	s4 =	sadd.s32 $0x1000, s1;
	s22 =	sadd.s32 $0x101000, s7;
	[dreg:$0x3] =	wrdreg s21  }
0xe: {  	s1 =	simm.s32 $0xF000;
	s24 =	sadd.s32 $0x109000, s7;
	[dreg:$0x4] =	wrdreg s22  }
0xf: {  	s6 =	simm.s32 $0x2;
	s25 =	sadd.s32 $0x107000, s7;
	[dreg:$0x6] =	wrdreg s24  }
0x10: {  	s26 =	sadd.s32 $0x105000, s7;
	s0 =	simm.s32 $0x4780;
	[dreg:$0x7] =	wrdreg s25  }
0x11: {  	v0 =	vlaneseq.u32;
	s7 =	simm.s32 $0x178C0;
	[dreg:$0x8] =	wrdreg s26;
	s21 =	simm.s32 $0x7800  }
.LBB2_1:
0x12: {  	[dreg:$0xa] =	wrdreg s9  }
0x13: {  	s2 =	simm.s32 $0x0;
	s8 =	rddreg [dreg:$0x3]  }
0x14: {  	[tilespmem:s2], [sflag:$0x3] =	stream.linear.gather [hbm4b:s8+s2], $0x800, $0x38;
	[tilespmem:$0x17980] =	vst v63  }
0x15: {  	s9 =	rddreg [dreg:$0x4];
	s10 =	simm.s32 $0x800  }
0x16: {  	[tilespmem:s10], [sflag:$0x3] =	stream.linear.gather [hbm4b:s9+s2], $0x800, $0x38;
	[tilespmem:$0x17980] =	vst v63  }
0x17: {  	s11 =	rddreg [dreg:$0x5];
	s12 =	simm.s32 $0x1000  }
0x18: {  	[tilespmem:s12], [sflag:$0x3] =	stream.linear.gather [hbm4b:s11+s2], $0x800, $0x38;
	[tilespmem:$0x17980] =	vst v63  }
0x19: {  	s20 =	rddreg [dreg:$0x6];
	s22 =	simm.s32 $0x1800  }
0x1a: {  	[tilespmem:s22], [sflag:$0x3] =	stream.linear.gather [hbm4b:s20+s2], $0x800, $0x38;
	[tilespmem:$0x17980] =	vst v63  }
0x1b: {  	s23 =	rddreg [dreg:$0x7];
	s24 =	simm.s32 $0x2000  }
0x1c: {  	[tilespmem:s24], [sflag:$0x3] =	stream.linear.gather [hbm4b:s23+s2], $0x800, $0x38;
	[tilespmem:$0x17980] =	vst v63  }
0x1d: {  	s25 =	rddreg [dreg:$0x8];
	s26 =	simm.s32 $0x2800  }
0x1e: {  	[tilespmem:s26], [sflag:$0x3] =	stream.linear.gather [hbm4b:s25+s2], $0x800, $0x38;
	[tilespmem:$0x17980] =	vst v63  }
0x1f: {  	_ =	swait.ge [sflag:s18], $0x800  }
0x20: {  	[sflag:s18] =	ssyncset.done $0x0  }
0x21: {  	[sflag:s18] =	ssyncadd.s32 $0xFFFFF800  }
0x22: {  	_ =	swait.ge [sflag:s18], $0x800  }
0x23: {  	[sflag:s18] =	ssyncset.done $0x0  }
0x24: {  	[sflag:s18] =	ssyncadd.s32 $0xFFFFF800  }
0x25: {  	_ =	swait.ge [sflag:s18], $0x800  }
0x26: {  	[sflag:s18] =	ssyncset.done $0x0  }
0x27: {  	[sflag:s18] =	ssyncadd.s32 $0xFFFFF800  }
0x28: {  	_ =	swait.ge [sflag:s18], $0x800  }
0x29: {  	[sflag:s18] =	ssyncset.done $0x0  }
0x2a: {  	[sflag:s18] =	ssyncadd.s32 $0xFFFFF800  }
0x2b: {  	_ =	swait.ge [sflag:s18], $0x800  }
0x2c: {  	[sflag:s18] =	ssyncset.done $0x0  }
0x2d: {  	[sflag:s18] =	ssyncadd.s32 $0xFFFFF800  }
0x2e: {  	_ =	swait.ge [sflag:s18], $0x800  }
0x2f: {  	s8 =	simm.s32 $0x3880;
	[sflag:s18] =	ssyncset.done $0x0  }
0x30: {  	s9 =	simm.s32 $0x0;
	s2 =	simm.s32 $0x5880;
	[sflag:s18] =	ssyncadd.s32 $0xFFFFF800  }
.LBB2_2:
0x31: {  	s10 =	sshll.u32 s9, $0x4  }
0x32: {  	v1 =	vld [tilespmem:s10+$0x1800]  }
0x33: {  	v2 =	vld [tilespmem:s10+$0x2000];
	_ =	sdelay $0x1  }
0x34: {  	v3 =	vld [tilespmem:s10+$0x2800];
	_ =	sdelay $0x2  }
0x35: {  	v4 =	vmul.f32 v1, v1;
	v5 =	vmul.f32 v2, v2;
	_ =	sdelay $0x1  }
0x36: {  	v4 =	vadd.f32 v5, v4;
	v5 =	vmul.f32 v3, v3;
	_ =	sdelay $0x1  }
0x37: {  	v4 =	vadd.f32 v5, v4;
	_ =	sdelay $0x1  }
0x38: {  	v5 =	vshra.s32 v4, $0x1;
	v4 =	vmul.f32 $5.000000000e-01, v4  }
0x39: {  	v5 =	vsub.s32 $0x5F3759DF, v5  }
0x3a: {  	v6 =	vmul.f32 v5, v4;
	_ =	sdelay $0x1  }
0x3b: {  	v6 =	vmul.f32 v5, v6;
	_ =	sdelay $0x1  }
0x3c: {  	v6 =	vsub.f32 $1.500000000e+00, v6;
	_ =	sdelay $0x1  }
0x3d: {  	v5 =	vmul.f32 v5, v6;
	_ =	sdelay $0x1  }
0x3e: {  	v6 =	vmul.f32 v5, v4;
	_ =	sdelay $0x1  }
0x3f: {  	v6 =	vmul.f32 v6, v5;
	_ =	sdelay $0x1  }
0x40: {  	v6 =	vsub.f32 $1.500000000e+00, v6;
	_ =	sdelay $0x1  }
0x41: {  	v5 =	vmul.f32 v6, v5;
	_ =	sdelay $0x1  }
0x42: {  	v4 =	vmul.f32 v5, v4;
	_ =	sdelay $0x1  }
0x43: {  	v4 =	vmul.f32 v4, v5;
	_ =	sdelay $0x1  }
0x44: {  	v4 =	vsub.f32 $1.500000000e+00, v4;
	_ =	sdelay $0x1  }
0x45: {  	v4 =	vmul.f32 v4, v5;
	_ =	sdelay $0x1  }
0x46: {  	v1 =	vmul.f32 v4, v1  }
0x47: {  	v2 =	vmul.f32 v4, v2  }
0x48: {  	v3 =	vmul.f32 v4, v3;
	v4 =	vadd.f32 $9.999999710e-10, v1  }
0x49: {  	v5 =	vadd.f32 $9.999999710e-10, v2  }
0x4a: {  	v6 =	vadd.f32 $9.999999710e-10, v3;
	(erf) = vrcp.f32 v4  }
0x4b: {  	(erf) = vrcp.f32 v5  }
0x4c: {  	(erf) = vrcp.f32 v6;
	_ =	sdelay $0x6  }
0x4d: {  	v8 =	vld [tilespmem:s10+$0x0];
	v7 =	vpop (erf)  }
0x4e: {  	v10 =	vld [tilespmem:s10+$0x800];
	v9 =	vpop (erf);
	v4 =	vmul.f32 v7, v4  }
0x4f: {  	v11 =	vld [tilespmem:s10+$0x1000];
	v5 =	vmul.f32 v9, v5;
	v12 =	vpop (erf)  }
0x50: {  	v4 =	vsub.f32 $2.000000000e+00, v4;
	v6 =	vmul.f32 v12, v6  }
0x51: {  	v5 =	vsub.f32 $2.000000000e+00, v5  }
0x52: {  	v4 =	vmul.f32 v4, v7;
	v7 =	vsub.f32 $0.0e+00, v8;
	v6 =	vsub.f32 $2.000000000e+00, v6  }
0x53: {  	v5 =	vmul.f32 v5, v9;
	v9 =	vsub.f32 $0.0e+00, v10  }
0x54: {  	v7 =	vmul.f32 v4, v7;
	v6 =	vmul.f32 v6, v12;
	v12 =	vsub.f32 $0.0e+00, v11  }
0x55: {  	v9 =	vmul.f32 v5, v9  }
0x56: {  	v4 =	vadd.f32 v7, v4;
	v12 =	vmul.f32 v6, v12  }
0x57: {  	v5 =	vadd.f32 v9, v5  }
0x58: {  	v13 =	vmax.f32 v7, v4;
	v6 =	vadd.f32 v12, v6  }
0x59: {  	v4 =	vclamp.gez.f32 v7, v4;
	v7 =	vmin.f32 v13, $1.000000000e+09;
	v13 =	vmin.f32 v9, v5  }
0x5a: {  	v5 =	vmax.f32 v9, v5;
	v4 =	vmax.f32 v4, v13;
	v9 =	vmin.f32 v12, v6  }
0x5b: {  	v5 =	vmin.f32 v7, v5;
	v6 =	vmax.f32 v12, v6;
	v4 =	vmax.f32 v4, v9  }
0x5c: {  	v5 =	vmin.f32 v5, v6;
	v4 =	vmax.f32 v4, $0.0e+00  }
0x5d: {  	v5 =	vmax.f32 v5, v4  }
0x5e: {  	v5 =	vsub.f32 v5, v4;
	_ =	sdelay $0x1  }
0x5f: {  	v17 =	vmul.f32 $1.562500000e-02, v5;
	_ =	sdelay $0x1  }
0x60: {  	v5 =	vmul.f32 $5.000000000e-01, v17;
	_ =	sdelay $0x1  }
0x61: {  	v4 =	vadd.f32 v5, v4;
	_ =	sdelay $0x1  }
0x62: {  	v5 =	vmul.f32 v4, v1;
	v6 =	vmul.f32 v4, v3  }
0x63: {  	v4 =	vmul.f32 v4, v2;
	v3 =	vmul.f32 v17, v3  }
0x64: {  	v7 =	vmul.f32 v17, v1;
	v2 =	vmul.f32 v17, v2;
	v6 =	vadd.f32 v6, v11  }
0x65: {  	v5 =	vadd.f32 v5, v8;
	v4 =	vadd.f32 v4, v10;
	v1 =	vmul.f32 $1.280000000e+02, v3  }
0x66: {  	v2 =	vmul.f32 $1.280000000e+02, v2;
	v6 =	vmul.f32 $1.280000000e+02, v6  }
0x67: {  	v5 =	vmul.f32 $1.280000000e+02, v5;
	v4 =	vmul.f32 $1.280000000e+02, v4  }
0x68: {  	v3 =	vmul.f32 $1.280000000e+02, v7;
	v7 =	vadd.f32 v6, v1  }
0x69: {  	v9 =	vmin.f32 v5, $1.270000000e+02;
	v8 =	vadd.f32 v4, v2;
	v4 =	vmin.f32 v4, $1.270000000e+02  }
0x6a: {  	v6 =	vmin.f32 v6, $1.270000000e+02;
	v10 =	vadd.f32 v5, v3;
	v11 =	vtrunc.f32 v4  }
0x6b: {  	v6 =	vtrunc.f32 v6;
	v5 =	vmin.f32 v7, $1.270000000e+02;
	v12 =	vadd.f32 v8, v2  }
0x6c: {  	v13 =	vmin.f32 v10, $1.270000000e+02;
	v10 =	vadd.f32 v10, v3;
	v11 =	vcvt.f32.s32 v11  }
0x6d: {  	v7 =	vadd.f32 v7, v1;
	v4 =	vtrunc.f32 v5;
	v14 =	vtrunc.f32 v13  }
0x6e: {  	v13 =	vmin.f32 v8, $1.270000000e+02;
	v5 =	vcvt.f32.s32 v4;
	v8 =	vmin.f32 v10, $1.270000000e+02  }
0x6f: {  	v15 =	vadd.f32 v12, v2;
	v10 =	vadd.f32 v10, v3;
	v16 =	vtrunc.f32 v8  }
0x70: {  	v18 =	vmin.f32 v12, $1.270000000e+02;
	v8 =	vcvt.f32.s32 v6;
	v6 =	vtrunc.f32 v9  }
0x71: {  	v18 =	vtrunc.f32 v18;
	v16 =	vcvt.f32.s32 v16;
	v9 =	vmin.f32 v10, $1.270000000e+02  }
0x72: {  	v12 =	vmin.f32 v15, $1.270000000e+02;
	v19 =	vcvt.f32.s32 v6;
	v6 =	vadd.f32 v15, v2  }
0x73: {  	v15 =	vtrunc.f32 v13;
	v20 =	vtrunc.f32 v9;
	v9 =	vshll.u32 v16, $0xE  }
0x74: {  	v16 =	vtrunc.f32 v12;
	v12 =	vcvt.f32.s32 v15;
	v15 =	vshll.u32 v19, $0xE  }
0x75: {  	v19 =	vcvt.f32.s32 v20;
	v20 =	vmin.f32 v7, $1.270000000e+02;
	v16 =	vcvt.f32.s32 v16  }
0x76: {  	[tilespmem:s10+$0x3000] =	vst v17;
	v4 =	vshll.u32 v5, $0x2;
	v13 =	vshll.u32 v8, $0x2;
	v17 =	vtrunc.f32 v20  }
0x77: {  	s12 =	simm.s32 $0x0;
	s20 =	smov.u32 s8;
	v19 =	vshll.u32 v19, $0xE;
	v21 =	vshll.u32 v16, $0x7;
	v16 =	vcvt.f32.s32 v14  }
0x78: {  	s22 =	smov.u32 s2;
	s11 =	smov.u32 s8;
	s10 =	smov.u32 s2;
	v14 =	vcvt.f32.s32 v18;
	v18 =	vshll.u32 v11, $0x7;
	v11 =	vadd.s32 v19, v21  }
.LBB2_3:
0x79: {  	s12 =	sadd.s32 $0x4, s12;
	v7 =	vadd.f32 v7, v1;
	v10 =	vadd.f32 v10, v3;
	s20 =	sadd.s32 $0x100, s20;
	s22 =	sadd.s32 $0x100, s22  }
0x7a: {  	v13 =	vand.u32 $0x4, v13;
	v16 =	vshll.u32 v16, $0xE;
	v17 =	vcvt.f32.s32 v17;
	p0 =	slt.u32 s12, $0x3C  }
0x7b: {  	v15 =	vadd.s32 v15, v18;
	v12 =	vshll.u32 v12, $0x7;
	v18 =	vmin.f32 v7, $1.270000000e+02  }
0x7c: {  	v8 =	vadd.s32 v8, v15;
	v12 =	vadd.s32 v16, v12;
	v15 =	vtrunc.f32 v18  }
0x7d: {  	v5 =	vadd.s32 v5, v12;
	v12 =	vshll.u32 v14, $0x7;
	v14 =	vcvt.f32.s32 v15  }
0x7e: {  	v7 =	vadd.f32 v7, v1;
	v9 =	vadd.s32 v9, v12;
	v12 =	vshll.u32 v17, $0x2  }
0x7f: {  	v9 =	vadd.s32 v17, v9;
	v11 =	vadd.s32 v14, v11;
	v14 =	vshll.u32 v14, $0x2  }
0x80: {  	v8 =	vshrl.u32 v8, $0x1;
	v11 =	vshrl.u32 v11, $0x1;
	v14 =	vand.u32 $0x4, v14  }
0x81: {  	v5 =	vshrl.u32 v5, $0x1;
	[tilespmem:s11+$0xFFFFFF80] =	vst v8;
	v8 =	vshrl.u32 v9, $0x1;
	v9 =	vand.u32 $0x4, v12  }
0x82: {  	v4 =	vand.u32 $0x4, v4;
	v12 =	vadd.f32 v7, v1;
	[tilespmem:s10+$0xFFFFFF80] =	vst v13  }
0x83: {  	v15 =	vmin.f32 v7, $1.270000000e+02;
	v7 =	vadd.f32 v6, v2;
	v13 =	vmin.f32 v10, $1.270000000e+02;
	[tilespmem:s11+$0xFFFFFFC0] =	vst v5  }
0x84: {  	v5 =	vmin.f32 v6, $1.270000000e+02;
	v6 =	vadd.f32 v10, v3;
	v10 =	vmin.f32 v12, $1.270000000e+02;
	[tilespmem:s10+$0xFFFFFFC0] =	vst v4  }
0x85: {  	v17 =	vadd.f32 v7, v2;
	v16 =	vtrunc.f32 v5;
	v4 =	vtrunc.f32 v10;
	[tilespmem:s11+$0x0] =	vst v8  }
0x86: {  	v8 =	vmin.f32 v6, $1.270000000e+02;
	v5 =	vcvt.f32.s32 v4;
	v6 =	vadd.f32 v6, v3;
	[tilespmem:s10+$0x0] =	vst v9  }
0x87: {  	v18 =	vtrunc.f32 v8;
	v9 =	vmin.f32 v7, $1.270000000e+02;
	v7 =	vadd.f32 v12, v1;
	[tilespmem:s11+$0x40] =	vst v11;
	s11 =	smov.u32 s20  }
0x88: {  	v4 =	vshll.u32 v5, $0x2;
	v8 =	vmin.f32 v6, $1.270000000e+02;
	v11 =	vadd.f32 v17, v2;
	[tilespmem:s10+$0x40] =	vst v14;
	s10 =	smov.u32 s22  }
0x89: {  	v12 =	vtrunc.f32 v15;
	v10 =	vadd.f32 v6, v3;
	v14 =	vtrunc.f32 v8  }
0x8a: {  	v8 =	vcvt.f32.s32 v12;
	v12 =	vcvt.f32.s32 v14;
	v14 =	vmin.f32 v17, $1.270000000e+02  }
0x8b: {  	v6 =	vtrunc.f32 v13;
	v13 =	vmin.f32 v10, $1.270000000e+02;
	v15 =	vmin.f32 v11, $1.270000000e+02  }
0x8c: {  	v17 =	vcvt.f32.s32 v6;
	v6 =	vadd.f32 v11, v2;
	v19 =	vtrunc.f32 v13  }
0x8d: {  	v11 =	vtrunc.f32 v9;
	v15 =	vtrunc.f32 v15;
	v9 =	vshll.u32 v12, $0xE  }
.Ltmp0:
0x8e: {  	v13 =	vshll.u32 v8, $0x2;
	v12 =	vcvt.f32.s32 v11;
	v11 =	vcvt.f32.s32 v15;
	(pc) =	sbr.rel @p0 .LBB2_3-.Ltmp0, $4  }
0x8f: {  	v14 =	vtrunc.f32 v14;
	v15 =	vshll.u32 v17, $0xE;
	v17 =	vcvt.f32.s32 v19  }
0x90: {  	v20 =	vmin.f32 v7, $1.270000000e+02;
	v19 =	vcvt.f32.s32 v16;
	v11 =	vshll.u32 v11, $0x7  }
0x91: {  	v16 =	vcvt.f32.s32 v18;
	v14 =	vcvt.f32.s32 v14;
	v21 =	vshll.u32 v17, $0xE  }
0x92: {  	v18 =	vshll.u32 v19, $0x7;
	v17 =	vtrunc.f32 v20;
	v11 =	vadd.s32 v21, v11  }
0x93: {  	v1 =	vadd.f32 v7, v1;
	v2 =	vand.u32 $0x4, v13;
	v3 =	vadd.s32 v15, v18  }
0x94: {  	v6 =	vshll.u32 v16, $0xE;
	v60 =	vshll.u32 v12, $0x7;
	v3 =	vadd.s32 v8, v3  }
0x95: {  	v61 =	vcvt.f32.s32 v17;
	v6 =	vadd.s32 v6, v60;
	v3 =	vshrl.u32 v3, $0x1  }
0x96: {  	v62 =	vshll.u32 v14, $0x7;
	v1 =	vmin.f32 v1, $1.270000000e+02;
	v5 =	vadd.s32 v5, v6;
	[tilespmem:s11+$0xFFFFFF80] =	vst v3  }
0x97: {  	s9 =	sadd.s32 $0x1, s9;
	v1 =	vtrunc.f32 v1;
	v3 =	vadd.s32 v9, v62;
	v5 =	vshrl.u32 v5, $0x1;
	[tilespmem:s10+$0xFFFFFF80] =	vst v2  }
0x98: {  	p0 =	sne.s32 s9, $0x4;
	v1 =	vcvt.f32.s32 v1;
	v2 =	vadd.s32 v61, v3;
	v3 =	vand.u32 $0x4, v4;
	[tilespmem:s11+$0xFFFFFFC0] =	vst v5  }
.Ltmp1:
0x99: {  	v63 =	vshll.u32 v61, $0x2;
	v2 =	vshrl.u32 v2, $0x1;
	[tilespmem:s10+$0xFFFFFFC0] =	vst v3;
	(pc) =	sbr.rel @p0 .LBB2_2-.Ltmp1, $4  }
0x9a: {  	v4 =	vand.u32 $0x4, v63;
	v3 =	vadd.s32 v1, v11;
	[tilespmem:s11+$0x0] =	vst v2  }
0x9b: {  	v1 =	vshll.u32 v1, $0x2;
	v2 =	vshrl.u32 v3, $0x1;
	[tilespmem:s10+$0x0] =	vst v4  }
0x9c: {  	v1 =	vand.u32 $0x4, v1;
	[tilespmem:s11+$0x40] =	vst v2  }
0x9d: {  	s8 =	sadd.s32 $0x10, s8;
	s2 =	sadd.s32 $0x10, s2;
	[tilespmem:s10+$0x40] =	vst v1  }
0x9e: {  	s2 =	simm.s32 $0x3800  }
0x9f: {  	[tilespmem:s21], [sflag:$0x1] =	stream.indirect.gather [hbm4b:s4+s19], $0x8, s2, s19, $0xb8;
	[tilespmem:$0x17980] =	vst v63  }
0xa0: {  	s24 =	simm.s32 $0x3880;
	s8 =	simm.s32 $0x7C00  }
0xa1: {  	[tilespmem:s8], [sflag:$0x1] =	stream.indirect.gather [hbm4b:s4+s19], $0x8, s24, s19, $0xb8;
	[tilespmem:$0x17980] =	vst v63  }
0xa2: {  	s25 =	simm.s32 $0x3900;
	s26 =	simm.s32 $0x8000  }
0xa3: {  	[tilespmem:s26], [sflag:$0x1] =	stream.indirect.gather [hbm4b:s4+s19], $0x8, s25, s19, $0xb8;
	[tilespmem:$0x17980] =	vst v63  }
0xa4: {  	s9 =	simm.s32 $0x3980;
	s10 =	simm.s32 $0x8400  }
0xa5: {  	[tilespmem:s10], [sflag:$0x1] =	stream.indirect.gather [hbm4b:s4+s19], $0x8, s9, s19, $0xb8;
	[tilespmem:$0x17980] =	vst v63  }
0xa6: {  	s11 =	simm.s32 $0x3A00;
	s12 =	simm.s32 $0x8800  }
0xa7: {  	[tilespmem:s12], [sflag:$0x1] =	stream.indirect.gather [hbm4b:s4+s19], $0x8, s11, s19, $0xb8;
	[tilespmem:$0x17980] =	vst v63  }
0xa8: {  	s20 =	simm.s32 $0x3A80;
	s22 =	simm.s32 $0x8C00  }
0xa9: {  	[tilespmem:s22], [sflag:$0x1] =	stream.indirect.gather [hbm4b:s4+s19], $0x8, s20, s19, $0xb8;
	[tilespmem:$0x17980] =	vst v63  }
0xaa: {  	s23 =	simm.s32 $0x3B00;
	s24 =	simm.s32 $0x9000  }
0xab: {  	[tilespmem:s24], [sflag:$0x1] =	stream.indirect.gather [hbm4b:s4+s19], $0x8, s23, s19, $0xb8;
	[tilespmem:$0x17980] =	vst v63  }
0xac: {  	s25 =	simm.s32 $0x3B80;
	s26 =	simm.s32 $0x9400  }
0xad: {  	[tilespmem:s26], [sflag:$0x1] =	stream.indirect.gather [hbm4b:s4+s19], $0x8, s25, s19, $0xb8;
	[tilespmem:$0x17980] =	vst v63  }
0xae: {  	s9 =	simm.s32 $0x3C00;
	s10 =	simm.s32 $0x9800  }
0xaf: {  	[tilespmem:s10], [sflag:$0x1] =	stream.indirect.gather [hbm4b:s4+s19], $0x8, s9, s19, $0xb8;
	[tilespmem:$0x17980] =	vst v63  }
0xb0: {  	s11 =	simm.s32 $0x3C80;
	s12 =	simm.s32 $0x9C00  }
0xb1: {  	[tilespmem:s12], [sflag:$0x1] =	stream.indirect.gather [hbm4b:s4+s19], $0x8, s11, s19, $0xb8;
	[tilespmem:$0x17980] =	vst v63  }
0xb2: {  	s20 =	simm.s32 $0x3D00;
	s22 =	simm.s32 $0xA000  }
0xb3: {  	[tilespmem:s22], [sflag:$0x1] =	stream.indirect.gather [hbm4b:s4+s19], $0x8, s20, s19, $0xb8;
	[tilespmem:$0x17980] =	vst v63  }
0xb4: {  	s23 =	simm.s32 $0x3D80;
	s24 =	simm.s32 $0xA400  }
0xb5: {  	[tilespmem:s24], [sflag:$0x1] =	stream.indirect.gather [hbm4b:s4+s19], $0x8, s23, s19, $0xb8;
	[tilespmem:$0x17980] =	vst v63  }
0xb6: {  	s25 =	simm.s32 $0x3E00;
	s26 =	simm.s32 $0xA800  }
0xb7: {  	[tilespmem:s26], [sflag:$0x1] =	stream.indirect.gather [hbm4b:s4+s19], $0x8, s25, s19, $0xb8;
	[tilespmem:$0x17980] =	vst v63  }
0xb8: {  	s9 =	simm.s32 $0x3E80;
	s10 =	simm.s32 $0xAC00  }
0xb9: {  	[tilespmem:s10], [sflag:$0x1] =	stream.indirect.gather [hbm4b:s4+s19], $0x8, s9, s19, $0xb8;
	[tilespmem:$0x17980] =	vst v63  }
0xba: {  	s11 =	simm.s32 $0x3F00;
	s12 =	simm.s32 $0xB000  }
0xbb: {  	[tilespmem:s12], [sflag:$0x1] =	stream.indirect.gather [hbm4b:s4+s19], $0x8, s11, s19, $0xb8;
	[tilespmem:$0x17980] =	vst v63  }
0xbc: {  	s20 =	simm.s32 $0x3F80;
	s22 =	simm.s32 $0xB400  }
0xbd: {  	[tilespmem:s22], [sflag:$0x1] =	stream.indirect.gather [hbm4b:s4+s19], $0x8, s20, s19, $0xb8;
	[tilespmem:$0x17980] =	vst v63  }
0xbe: {  	s23 =	simm.s32 $0x4000;
	s24 =	simm.s32 $0xB800  }
0xbf: {  	[tilespmem:s24], [sflag:$0x1] =	stream.indirect.gather [hbm4b:s4+s19], $0x8, s23, s19, $0xb8;
	[tilespmem:$0x17980] =	vst v63  }
0xc0: {  	s25 =	simm.s32 $0x4080;
	s26 =	simm.s32 $0xBC00  }
0xc1: {  	[tilespmem:s26], [sflag:$0x1] =	stream.indirect.gather [hbm4b:s4+s19], $0x8, s25, s19, $0xb8;
	[tilespmem:$0x17980] =	vst v63  }
0xc2: {  	s9 =	simm.s32 $0x4100;
	s10 =	simm.s32 $0xC000  }
0xc3: {  	[tilespmem:s10], [sflag:$0x1] =	stream.indirect.gather [hbm4b:s4+s19], $0x8, s9, s19, $0xb8;
	[tilespmem:$0x17980] =	vst v63  }
0xc4: {  	s11 =	simm.s32 $0x4180;
	s12 =	simm.s32 $0xC400  }
0xc5: {  	[tilespmem:s12], [sflag:$0x1] =	stream.indirect.gather [hbm4b:s4+s19], $0x8, s11, s19, $0xb8;
	[tilespmem:$0x17980] =	vst v63  }
0xc6: {  	s20 =	simm.s32 $0x4200;
	s22 =	simm.s32 $0xC800  }
0xc7: {  	[tilespmem:s22], [sflag:$0x1] =	stream.indirect.gather [hbm4b:s4+s19], $0x8, s20, s19, $0xb8;
	[tilespmem:$0x17980] =	vst v63  }
0xc8: {  	s23 =	simm.s32 $0x4280;
	s24 =	simm.s32 $0xCC00  }
0xc9: {  	[tilespmem:s24], [sflag:$0x1] =	stream.indirect.gather [hbm4b:s4+s19], $0x8, s23, s19, $0xb8;
	[tilespmem:$0x17980] =	vst v63  }
0xca: {  	s25 =	simm.s32 $0x4300;
	s26 =	simm.s32 $0xD000  }
0xcb: {  	[tilespmem:s26], [sflag:$0x1] =	stream.indirect.gather [hbm4b:s4+s19], $0x8, s25, s19, $0xb8;
	[tilespmem:$0x17980] =	vst v63  }
0xcc: {  	s8 =	simm.s32 $0x4380;
	s9 =	simm.s32 $0xD400  }
0xcd: {  	[tilespmem:s9], [sflag:$0x1] =	stream.indirect.gather [hbm4b:s4+s19], $0x8, s8, s19, $0xb8;
	[tilespmem:$0x17980] =	vst v63  }
0xce: {  	s10 =	simm.s32 $0x4400;
	s11 =	simm.s32 $0xD800  }
0xcf: {  	[tilespmem:s11], [sflag:$0x1] =	stream.indirect.gather [hbm4b:s4+s19], $0x8, s10, s19, $0xb8;
	[tilespmem:$0x17980] =	vst v63  }
0xd0: {  	s12 =	simm.s32 $0x4480;
	s20 =	simm.s32 $0xDC00  }
0xd1: {  	[tilespmem:s20], [sflag:$0x1] =	stream.indirect.gather [hbm4b:s4+s19], $0x8, s12, s19, $0xb8;
	[tilespmem:$0x17980] =	vst v63  }
0xd2: {  	s22 =	simm.s32 $0x4500;
	s23 =	simm.s32 $0xE000  }
0xd3: {  	[tilespmem:s23], [sflag:$0x1] =	stream.indirect.gather [hbm4b:s4+s19], $0x8, s22, s19, $0xb8;
	[tilespmem:$0x17980] =	vst v63  }
0xd4: {  	s24 =	simm.s32 $0x4580;
	s25 =	simm.s32 $0xE400  }
0xd5: {  	[tilespmem:s25], [sflag:$0x1] =	stream.indirect.gather [hbm4b:s4+s19], $0x8, s24, s19, $0xb8;
	[tilespmem:$0x17980] =	vst v63  }
0xd6: {  	s26 =	simm.s32 $0x4600  }
0xd7: {  	[tilespmem:s28], [sflag:$0x1] =	stream.indirect.gather [hbm4b:s4+s19], $0x8, s26, s19, $0xb8;
	[tilespmem:$0x17980] =	vst v63  }
0xd8: {  	_ = 	snop  }
0xd9: {  	[tilespmem:s30], [sflag:$0x1] =	stream.indirect.gather [hbm4b:s4+s19], $0x8, s29, s19, $0xb8;
	[tilespmem:$0x17980] =	vst v63  }
0xda: {  	_ = 	snop  }
0xdb: {  	[tilespmem:s1], [sflag:$0x1] =	stream.indirect.gather [hbm4b:s4+s19], $0x8, s31, s19, $0xb8;
	[tilespmem:$0x17980] =	vst v63  }
0xdc: {  	s8 =	simm.s32 $0x0  }
0xdd: {  	[tilespmem:s13], [sflag:$0x1] =	stream.indirect.gather [hbm4b:s4+s19], $0x8, s0, s19, $0xb8;
	[tilespmem:$0x17980] =	vst v63  }
.LBB2_6:
0xde: {  	s10 =	sshll.u32 s8, $0x7;
	s2 =	simm.s32 $0x48C0  }
0xdf: {  	s25 =	simm.s32 $0x68C0;
	s12 =	simm.s32 $0x0;
	s9 =	sor.u32 $0x40, s10  }
.LBB2_7:
0xe0: {  	s11 =	sshll.u32 s12, $0x4  }
0xe1: {  	s20 =	sor.u32 s9, s11  }
0xe2: {  	v1 =	vld [tilespmem:s20+$0x1800]  }
0xe3: {  	v2 =	vld [tilespmem:s20+$0x2000];
	_ =	sdelay $0x1  }
0xe4: {  	v3 =	vld [tilespmem:s20+$0x2800];
	_ =	sdelay $0x2  }
0xe5: {  	v4 =	vmul.f32 v1, v1;
	v5 =	vmul.f32 v2, v2;
	_ =	sdelay $0x1  }
0xe6: {  	v4 =	vadd.f32 v5, v4;
	v5 =	vmul.f32 v3, v3;
	_ =	sdelay $0x1  }
0xe7: {  	v4 =	vadd.f32 v5, v4;
	_ =	sdelay $0x1  }
0xe8: {  	v5 =	vshra.s32 v4, $0x1;
	v4 =	vmul.f32 $5.000000000e-01, v4  }
0xe9: {  	v5 =	vsub.s32 $0x5F3759DF, v5  }
0xea: {  	v6 =	vmul.f32 v5, v4;
	_ =	sdelay $0x1  }
0xeb: {  	v6 =	vmul.f32 v5, v6;
	_ =	sdelay $0x1  }
0xec: {  	v6 =	vsub.f32 $1.500000000e+00, v6;
	_ =	sdelay $0x1  }
0xed: {  	v5 =	vmul.f32 v5, v6;
	_ =	sdelay $0x1  }
0xee: {  	v6 =	vmul.f32 v5, v4;
	_ =	sdelay $0x1  }
0xef: {  	v6 =	vmul.f32 v6, v5;
	_ =	sdelay $0x1  }
0xf0: {  	v6 =	vsub.f32 $1.500000000e+00, v6;
	_ =	sdelay $0x1  }
0xf1: {  	v5 =	vmul.f32 v6, v5;
	_ =	sdelay $0x1  }
0xf2: {  	v4 =	vmul.f32 v5, v4;
	_ =	sdelay $0x1  }
0xf3: {  	v4 =	vmul.f32 v4, v5;
	_ =	sdelay $0x1  }
0xf4: {  	v4 =	vsub.f32 $1.500000000e+00, v4;
	_ =	sdelay $0x1  }
0xf5: {  	v4 =	vmul.f32 v4, v5;
	_ =	sdelay $0x1  }
0xf6: {  	v1 =	vmul.f32 v4, v1  }
0xf7: {  	v2 =	vmul.f32 v4, v2  }
0xf8: {  	v3 =	vmul.f32 v4, v3;
	v4 =	vadd.f32 $9.999999710e-10, v1  }
0xf9: {  	v5 =	vadd.f32 $9.999999710e-10, v2  }
0xfa: {  	v6 =	vadd.f32 $9.999999710e-10, v3;
	(erf) = vrcp.f32 v4  }
0xfb: {  	(erf) = vrcp.f32 v5  }
0xfc: {  	(erf) = vrcp.f32 v6;
	_ =	sdelay $0x6  }
0xfd: {  	v8 =	vld [tilespmem:s20+$0x0];
	v7 =	vpop (erf)  }
0xfe: {  	v10 =	vld [tilespmem:s20+$0x800];
	v9 =	vpop (erf);
	v4 =	vmul.f32 v7, v4  }
0xff: {  	v11 =	vld [tilespmem:s20+$0x1000];
	v5 =	vmul.f32 v9, v5;
	v12 =	vpop (erf)  }
0x100: {  	v4 =	vsub.f32 $2.000000000e+00, v4;
	v6 =	vmul.f32 v12, v6  }
0x101: {  	v5 =	vsub.f32 $2.000000000e+00, v5  }
0x102: {  	v4 =	vmul.f32 v4, v7;
	v7 =	vsub.f32 $0.0e+00, v8;
	v6 =	vsub.f32 $2.000000000e+00, v6  }
0x103: {  	v5 =	vmul.f32 v5, v9;
	v9 =	vsub.f32 $0.0e+00, v10  }
0x104: {  	v7 =	vmul.f32 v4, v7;
	v6 =	vmul.f32 v6, v12;
	v12 =	vsub.f32 $0.0e+00, v11  }
0x105: {  	v9 =	vmul.f32 v5, v9  }
0x106: {  	v4 =	vadd.f32 v7, v4;
	v12 =	vmul.f32 v6, v12  }
0x107: {  	v5 =	vadd.f32 v9, v5  }
0x108: {  	v13 =	vmax.f32 v7, v4;
	v6 =	vadd.f32 v12, v6  }
0x109: {  	v4 =	vclamp.gez.f32 v7, v4;
	v7 =	vmin.f32 v13, $1.000000000e+09;
	v13 =	vmin.f32 v9, v5  }
0x10a: {  	v5 =	vmax.f32 v9, v5;
	v4 =	vmax.f32 v4, v13;
	v9 =	vmin.f32 v12, v6  }
0x10b: {  	v5 =	vmin.f32 v7, v5;
	v6 =	vmax.f32 v12, v6;
	v4 =	vmax.f32 v4, v9  }
0x10c: {  	v5 =	vmin.f32 v5, v6;
	v4 =	vmax.f32 v4, $0.0e+00  }
0x10d: {  	v5 =	vmax.f32 v5, v4  }
0x10e: {  	v5 =	vsub.f32 v5, v4;
	_ =	sdelay $0x1  }
0x10f: {  	v17 =	vmul.f32 $1.562500000e-02, v5;
	_ =	sdelay $0x1  }
0x110: {  	v5 =	vmul.f32 $5.000000000e-01, v17;
	_ =	sdelay $0x1  }
0x111: {  	v4 =	vadd.f32 v5, v4;
	_ =	sdelay $0x1  }
0x112: {  	v5 =	vmul.f32 v4, v1;
	v6 =	vmul.f32 v4, v3  }
0x113: {  	v4 =	vmul.f32 v4, v2;
	v3 =	vmul.f32 v17, v3  }
0x114: {  	v7 =	vmul.f32 v17, v1;
	v2 =	vmul.f32 v17, v2;
	v6 =	vadd.f32 v6, v11  }
0x115: {  	v5 =	vadd.f32 v5, v8;
	v4 =	vadd.f32 v4, v10;
	v1 =	vmul.f32 $1.280000000e+02, v3  }
0x116: {  	v2 =	vmul.f32 $1.280000000e+02, v2;
	v6 =	vmul.f32 $1.280000000e+02, v6  }
0x117: {  	v5 =	vmul.f32 $1.280000000e+02, v5;
	v4 =	vmul.f32 $1.280000000e+02, v4  }
0x118: {  	v3 =	vmul.f32 $1.280000000e+02, v7;
	v7 =	vadd.f32 v6, v1  }
0x119: {  	v9 =	vmin.f32 v5, $1.270000000e+02;
	v8 =	vadd.f32 v4, v2;
	v4 =	vmin.f32 v4, $1.270000000e+02  }
0x11a: {  	v6 =	vmin.f32 v6, $1.270000000e+02;
	v10 =	vadd.f32 v5, v3;
	v11 =	vtrunc.f32 v4  }
0x11b: {  	v6 =	vtrunc.f32 v6;
	v5 =	vmin.f32 v7, $1.270000000e+02;
	v12 =	vadd.f32 v8, v2  }
0x11c: {  	v13 =	vmin.f32 v10, $1.270000000e+02;
	v10 =	vadd.f32 v10, v3;
	v11 =	vcvt.f32.s32 v11  }
0x11d: {  	v7 =	vadd.f32 v7, v1;
	v4 =	vtrunc.f32 v5;
	v14 =	vtrunc.f32 v13  }
0x11e: {  	v13 =	vmin.f32 v8, $1.270000000e+02;
	v5 =	vcvt.f32.s32 v4;
	v8 =	vmin.f32 v10, $1.270000000e+02  }
0x11f: {  	v15 =	vadd.f32 v12, v2;
	v10 =	vadd.f32 v10, v3;
	v16 =	vtrunc.f32 v8  }
0x120: {  	v18 =	vmin.f32 v12, $1.270000000e+02;
	v8 =	vcvt.f32.s32 v6;
	v6 =	vtrunc.f32 v9  }
0x121: {  	v18 =	vtrunc.f32 v18;
	v16 =	vcvt.f32.s32 v16;
	v9 =	vmin.f32 v10, $1.270000000e+02  }
0x122: {  	v12 =	vmin.f32 v15, $1.270000000e+02;
	v19 =	vcvt.f32.s32 v6;
	v6 =	vadd.f32 v15, v2  }
0x123: {  	v15 =	vtrunc.f32 v13;
	v20 =	vtrunc.f32 v9;
	v9 =	vshll.u32 v16, $0xE  }
0x124: {  	v16 =	vtrunc.f32 v12;
	v12 =	vcvt.f32.s32 v15;
	v15 =	vshll.u32 v19, $0xE  }
0x125: {  	v19 =	vcvt.f32.s32 v20;
	v20 =	vmin.f32 v7, $1.270000000e+02;
	v16 =	vcvt.f32.s32 v16  }
0x126: {  	[tilespmem:s20+$0x3000] =	vst v17;
	v4 =	vshll.u32 v5, $0x2;
	v13 =	vshll.u32 v8, $0x2;
	v17 =	vtrunc.f32 v20  }
0x127: {  	s23 =	simm.s32 $0x0;
	s24 =	smov.u32 s2;
	v19 =	vshll.u32 v19, $0xE;
	v21 =	vshll.u32 v16, $0x7;
	v16 =	vcvt.f32.s32 v14  }
0x128: {  	s22 =	smov.u32 s2;
	s11 =	smov.u32 s25;
	s20 =	smov.u32 s25;
	v14 =	vcvt.f32.s32 v18;
	v18 =	vshll.u32 v11, $0x7;
	v11 =	vadd.s32 v19, v21  }
.LBB2_8:
0x129: {  	s23 =	sadd.s32 $0x4, s23;
	v7 =	vadd.f32 v7, v1;
	v10 =	vadd.f32 v10, v3;
	s24 =	sadd.s32 $0x100, s24;
	s11 =	sadd.s32 $0x100, s11  }
0x12a: {  	v13 =	vand.u32 $0x4, v13;
	v16 =	vshll.u32 v16, $0xE;
	v17 =	vcvt.f32.s32 v17;
	p0 =	slt.u32 s23, $0x3C  }
0x12b: {  	v15 =	vadd.s32 v15, v18;
	v12 =	vshll.u32 v12, $0x7;
	v18 =	vmin.f32 v7, $1.270000000e+02  }
0x12c: {  	v8 =	vadd.s32 v8, v15;
	v12 =	vadd.s32 v16, v12;
	v15 =	vtrunc.f32 v18  }
0x12d: {  	v5 =	vadd.s32 v5, v12;
	v12 =	vshll.u32 v14, $0x7;
	v14 =	vcvt.f32.s32 v15  }
0x12e: {  	v7 =	vadd.f32 v7, v1;
	v9 =	vadd.s32 v9, v12;
	v12 =	vshll.u32 v17, $0x2  }
0x12f: {  	v9 =	vadd.s32 v17, v9;
	v11 =	vadd.s32 v14, v11;
	v14 =	vshll.u32 v14, $0x2  }
0x130: {  	v8 =	vshrl.u32 v8, $0x1;
	v11 =	vshrl.u32 v11, $0x1;
	v14 =	vand.u32 $0x4, v14  }
0x131: {  	v5 =	vshrl.u32 v5, $0x1;
	[tilespmem:s22+$0xFFFFFF40] =	vst v8;
	v8 =	vshrl.u32 v9, $0x1;
	v9 =	vand.u32 $0x4, v12  }
0x132: {  	v4 =	vand.u32 $0x4, v4;
	v12 =	vadd.f32 v7, v1;
	[tilespmem:s20+$0xFFFFFF40] =	vst v13  }
0x133: {  	v15 =	vmin.f32 v7, $1.270000000e+02;
	v7 =	vadd.f32 v6, v2;
	v13 =	vmin.f32 v10, $1.270000000e+02;
	[tilespmem:s22+$0xFFFFFF80] =	vst v5  }
0x134: {  	v5 =	vmin.f32 v6, $1.270000000e+02;
	v6 =	vadd.f32 v10, v3;
	v10 =	vmin.f32 v12, $1.270000000e+02;
	[tilespmem:s20+$0xFFFFFF80] =	vst v4  }
0x135: {  	v17 =	vadd.f32 v7, v2;
	v16 =	vtrunc.f32 v5;
	v4 =	vtrunc.f32 v10;
	[tilespmem:s22+$0xFFFFFFC0] =	vst v8  }
0x136: {  	v8 =	vmin.f32 v6, $1.270000000e+02;
	v5 =	vcvt.f32.s32 v4;
	v6 =	vadd.f32 v6, v3;
	[tilespmem:s20+$0xFFFFFFC0] =	vst v9  }
0x137: {  	v18 =	vtrunc.f32 v8;
	v9 =	vmin.f32 v7, $1.270000000e+02;
	v7 =	vadd.f32 v12, v1;
	[tilespmem:s22+$0x0] =	vst v11;
	s22 =	smov.u32 s24  }
0x138: {  	v4 =	vshll.u32 v5, $0x2;
	v8 =	vmin.f32 v6, $1.270000000e+02;
	v11 =	vadd.f32 v17, v2;
	[tilespmem:s20+$0x0] =	vst v14;
	s20 =	smov.u32 s11  }
0x139: {  	v12 =	vtrunc.f32 v15;
	v10 =	vadd.f32 v6, v3;
	v14 =	vtrunc.f32 v8  }
0x13a: {  	v8 =	vcvt.f32.s32 v12;
	v12 =	vcvt.f32.s32 v14;
	v14 =	vmin.f32 v17, $1.270000000e+02  }
0x13b: {  	v6 =	vtrunc.f32 v13;
	v13 =	vmin.f32 v10, $1.270000000e+02;
	v15 =	vmin.f32 v11, $1.270000000e+02  }
0x13c: {  	v17 =	vcvt.f32.s32 v6;
	v6 =	vadd.f32 v11, v2;
	v19 =	vtrunc.f32 v13  }
0x13d: {  	v11 =	vtrunc.f32 v9;
	v15 =	vtrunc.f32 v15;
	v9 =	vshll.u32 v12, $0xE  }
.Ltmp2:
0x13e: {  	v13 =	vshll.u32 v8, $0x2;
	v12 =	vcvt.f32.s32 v11;
	v11 =	vcvt.f32.s32 v15;
	(pc) =	sbr.rel @p0 .LBB2_8-.Ltmp2, $4  }
0x13f: {  	v14 =	vtrunc.f32 v14;
	v15 =	vshll.u32 v17, $0xE;
	v17 =	vcvt.f32.s32 v19  }
0x140: {  	v20 =	vmin.f32 v7, $1.270000000e+02;
	v19 =	vcvt.f32.s32 v16;
	v11 =	vshll.u32 v11, $0x7  }
0x141: {  	v16 =	vcvt.f32.s32 v18;
	v14 =	vcvt.f32.s32 v14;
	v21 =	vshll.u32 v17, $0xE  }
0x142: {  	v18 =	vshll.u32 v19, $0x7;
	v17 =	vtrunc.f32 v20;
	v11 =	vadd.s32 v21, v11  }
0x143: {  	v1 =	vadd.f32 v7, v1;
	v2 =	vand.u32 $0x4, v13;
	v3 =	vadd.s32 v15, v18  }
0x144: {  	v6 =	vshll.u32 v16, $0xE;
	v60 =	vshll.u32 v12, $0x7;
	v3 =	vadd.s32 v8, v3  }
0x145: {  	v61 =	vcvt.f32.s32 v17;
	v6 =	vadd.s32 v6, v60;
	v3 =	vshrl.u32 v3, $0x1  }
0x146: {  	v62 =	vshll.u32 v14, $0x7;
	v1 =	vmin.f32 v1, $1.270000000e+02;
	v5 =	vadd.s32 v5, v6;
	[tilespmem:s22+$0xFFFFFF40] =	vst v3  }
0x147: {  	s12 =	sadd.s32 $0x1, s12;
	v1 =	vtrunc.f32 v1;
	v3 =	vadd.s32 v9, v62;
	v5 =	vshrl.u32 v5, $0x1;
	[tilespmem:s20+$0xFFFFFF40] =	vst v2  }
0x148: {  	p0 =	sne.s32 s12, $0x4;
	v1 =	vcvt.f32.s32 v1;
	v2 =	vadd.s32 v61, v3;
	v3 =	vand.u32 $0x4, v4;
	[tilespmem:s22+$0xFFFFFF80] =	vst v5  }
.Ltmp3:
0x149: {  	v63 =	vshll.u32 v61, $0x2;
	v2 =	vshrl.u32 v2, $0x1;
	[tilespmem:s20+$0xFFFFFF80] =	vst v3;
	(pc) =	sbr.rel @p0 .LBB2_7-.Ltmp3, $4  }
0x14a: {  	v4 =	vand.u32 $0x4, v63;
	v3 =	vadd.s32 v1, v11;
	[tilespmem:s22+$0xFFFFFFC0] =	vst v2  }
0x14b: {  	v1 =	vshll.u32 v1, $0x2;
	v2 =	vshrl.u32 v3, $0x1;
	[tilespmem:s20+$0xFFFFFFC0] =	vst v4  }
0x14c: {  	v1 =	vand.u32 $0x4, v1;
	[tilespmem:s22+$0x0] =	vst v2  }
0x14d: {  	s2 =	sadd.s32 $0x10, s2;
	s25 =	sadd.s32 $0x10, s25;
	[tilespmem:s20+$0x0] =	vst v1  }
0x14e: {  	s2 =	simm.s32 $0xF800;
	s11 =	simm.s32 $0x4800  }
0x14f: {  	[tilespmem:s2], [sflag:$0x2] =	stream.indirect.gather [hbm4b:s4+s19], $0x8, s11, s19, $0xb8;
	[tilespmem:$0x17980] =	vst v63  }
0x150: {  	s11 =	simm.s32 $0x200  }
.LBB2_11:
0x151: {  	p0 =	sne.s32 s11, $0x3E00  }
.Ltmp4:
0x152: {  	_ = 	snop;
	(pc) =	sbr.rel @p0 .LBB2_11-.Ltmp4, $4  }
0x153: {  	_ = 	snop  }
0x154: {  	s12 =	sshra.s32 s11, $0x2;
	s11 =	sadd.s32 $0x200, s11  }
0x155: {  	s2 =	sadd.s32 $0x400, s2;
	s12 =	sadd.s32 $0x4800, s12  }
0x156: {  	[tilespmem:s2], [sflag:$0x2] =	stream.indirect.gather [hbm4b:s4+s19], $0x8, s12, s19, $0xb8;
	[tilespmem:$0x17980] =	vst v63  }
0x157: {  	_ =	swait.ge [sflag:s14], $0x400  }
0x158: {  	[sflag:s14] =	ssyncset.done $0x0  }
0x159: {  	[sflag:s14] =	ssyncadd.s32 $0xFFFFFC00  }
0x15a: {  	_ =	swait.ge [sflag:s14], $0x400  }
0x15b: {  	[sflag:s14] =	ssyncset.done $0x0  }
0x15c: {  	[sflag:s14] =	ssyncadd.s32 $0xFFFFFC00  }
0x15d: {  	_ =	swait.ge [sflag:s14], $0x400  }
0x15e: {  	[sflag:s14] =	ssyncset.done $0x0  }
0x15f: {  	[sflag:s14] =	ssyncadd.s32 $0xFFFFFC00  }
0x160: {  	_ =	swait.ge [sflag:s14], $0x400  }
0x161: {  	[sflag:s14] =	ssyncset.done $0x0  }
0x162: {  	[sflag:s14] =	ssyncadd.s32 $0xFFFFFC00  }
0x163: {  	_ =	swait.ge [sflag:s14], $0x400  }
0x164: {  	[sflag:s14] =	ssyncset.done $0x0  }
0x165: {  	[sflag:s14] =	ssyncadd.s32 $0xFFFFFC00  }
0x166: {  	_ =	swait.ge [sflag:s14], $0x400  }
0x167: {  	[sflag:s14] =	ssyncset.done $0x0  }
0x168: {  	[sflag:s14] =	ssyncadd.s32 $0xFFFFFC00  }
0x169: {  	_ =	swait.ge [sflag:s14], $0x400  }
0x16a: {  	[sflag:s14] =	ssyncset.done $0x0  }
0x16b: {  	[sflag:s14] =	ssyncadd.s32 $0xFFFFFC00  }
0x16c: {  	_ =	swait.ge [sflag:s14], $0x400  }
0x16d: {  	[sflag:s14] =	ssyncset.done $0x0  }
0x16e: {  	[sflag:s14] =	ssyncadd.s32 $0xFFFFFC00  }
0x16f: {  	_ =	swait.ge [sflag:s14], $0x400  }
0x170: {  	[sflag:s14] =	ssyncset.done $0x0  }
0x171: {  	[sflag:s14] =	ssyncadd.s32 $0xFFFFFC00  }
0x172: {  	_ =	swait.ge [sflag:s14], $0x400  }
0x173: {  	[sflag:s14] =	ssyncset.done $0x0  }
0x174: {  	[sflag:s14] =	ssyncadd.s32 $0xFFFFFC00  }
0x175: {  	_ =	swait.ge [sflag:s14], $0x400  }
0x176: {  	[sflag:s14] =	ssyncset.done $0x0  }
0x177: {  	[sflag:s14] =	ssyncadd.s32 $0xFFFFFC00  }
0x178: {  	_ =	swait.ge [sflag:s14], $0x400  }
0x179: {  	[sflag:s14] =	ssyncset.done $0x0  }
0x17a: {  	[sflag:s14] =	ssyncadd.s32 $0xFFFFFC00  }
0x17b: {  	_ =	swait.ge [sflag:s14], $0x400  }
0x17c: {  	[sflag:s14] =	ssyncset.done $0x0  }
0x17d: {  	[sflag:s14] =	ssyncadd.s32 $0xFFFFFC00  }
0x17e: {  	_ =	swait.ge [sflag:s14], $0x400  }
0x17f: {  	[sflag:s14] =	ssyncset.done $0x0  }
0x180: {  	[sflag:s14] =	ssyncadd.s32 $0xFFFFFC00  }
0x181: {  	_ =	swait.ge [sflag:s14], $0x400  }
0x182: {  	[sflag:s14] =	ssyncset.done $0x0  }
0x183: {  	[sflag:s14] =	ssyncadd.s32 $0xFFFFFC00  }
0x184: {  	_ =	swait.ge [sflag:s14], $0x400  }
0x185: {  	[sflag:s14] =	ssyncset.done $0x0  }
0x186: {  	[sflag:s14] =	ssyncadd.s32 $0xFFFFFC00  }
0x187: {  	_ =	swait.ge [sflag:s14], $0x400  }
0x188: {  	[sflag:s14] =	ssyncset.done $0x0  }
0x189: {  	[sflag:s14] =	ssyncadd.s32 $0xFFFFFC00  }
0x18a: {  	_ =	swait.ge [sflag:s14], $0x400  }
0x18b: {  	[sflag:s14] =	ssyncset.done $0x0  }
0x18c: {  	[sflag:s14] =	ssyncadd.s32 $0xFFFFFC00  }
0x18d: {  	_ =	swait.ge [sflag:s14], $0x400  }
0x18e: {  	[sflag:s14] =	ssyncset.done $0x0  }
0x18f: {  	[sflag:s14] =	ssyncadd.s32 $0xFFFFFC00  }
0x190: {  	_ =	swait.ge [sflag:s14], $0x400  }
0x191: {  	[sflag:s14] =	ssyncset.done $0x0  }
0x192: {  	[sflag:s14] =	ssyncadd.s32 $0xFFFFFC00  }
0x193: {  	_ =	swait.ge [sflag:s14], $0x400  }
0x194: {  	[sflag:s14] =	ssyncset.done $0x0  }
0x195: {  	[sflag:s14] =	ssyncadd.s32 $0xFFFFFC00  }
0x196: {  	_ =	swait.ge [sflag:s14], $0x400  }
0x197: {  	[sflag:s14] =	ssyncset.done $0x0  }
0x198: {  	[sflag:s14] =	ssyncadd.s32 $0xFFFFFC00  }
0x199: {  	_ =	swait.ge [sflag:s14], $0x400  }
0x19a: {  	[sflag:s14] =	ssyncset.done $0x0  }
0x19b: {  	[sflag:s14] =	ssyncadd.s32 $0xFFFFFC00  }
0x19c: {  	_ =	swait.ge [sflag:s14], $0x400  }
0x19d: {  	[sflag:s14] =	ssyncset.done $0x0  }
0x19e: {  	[sflag:s14] =	ssyncadd.s32 $0xFFFFFC00  }
0x19f: {  	_ =	swait.ge [sflag:s14], $0x400  }
0x1a0: {  	[sflag:s14] =	ssyncset.done $0x0  }
0x1a1: {  	[sflag:s14] =	ssyncadd.s32 $0xFFFFFC00  }
0x1a2: {  	_ =	swait.ge [sflag:s14], $0x400  }
0x1a3: {  	[sflag:s14] =	ssyncset.done $0x0  }
0x1a4: {  	[sflag:s14] =	ssyncadd.s32 $0xFFFFFC00  }
0x1a5: {  	_ =	swait.ge [sflag:s14], $0x400  }
0x1a6: {  	[sflag:s14] =	ssyncset.done $0x0  }
0x1a7: {  	[sflag:s14] =	ssyncadd.s32 $0xFFFFFC00  }
0x1a8: {  	_ =	swait.ge [sflag:s14], $0x400  }
0x1a9: {  	[sflag:s14] =	ssyncset.done $0x0  }
0x1aa: {  	[sflag:s14] =	ssyncadd.s32 $0xFFFFFC00  }
0x1ab: {  	_ =	swait.ge [sflag:s14], $0x400  }
0x1ac: {  	[sflag:s14] =	ssyncset.done $0x0  }
0x1ad: {  	[sflag:s14] =	ssyncadd.s32 $0xFFFFFC00  }
0x1ae: {  	_ =	swait.ge [sflag:s14], $0x400  }
0x1af: {  	[sflag:s14] =	ssyncset.done $0x0  }
0x1b0: {  	[sflag:s14] =	ssyncadd.s32 $0xFFFFFC00  }
0x1b1: {  	_ =	swait.ge [sflag:s14], $0x400  }
0x1b2: {  	[sflag:s14] =	ssyncset.done $0x0  }
0x1b3: {  	[sflag:s14] =	ssyncadd.s32 $0xFFFFFC00  }
0x1b4: {  	_ =	swait.ge [sflag:s14], $0x400  }
0x1b5: {  	p0 =	seq.s32 s8, $0x0;
	[sflag:s14] =	ssyncset.done $0x0  }
0x1b6: {  	s2 =	simm.s32 @!p0 $0x4;
	[sflag:s14] =	ssyncadd.s32 $0xFFFFFC00  }
0x1b7: {  	_ =	swait.ge @!p0 [sflag:s2], $0xC0  }
0x1b8: {  	s26 =	sadd.s32 $0x3000, s10;
	s11 =	simm.s32 $0x0;
	[sflag:s2] =	ssyncset.done @!p0 $0x0  }
0x1b9: {  	s12 =	simm.s32 $0x5880;
	v1 =	vmov s26;
	[sflag:s2] =	ssyncadd.s32 @!p0 $0xFFFFFF40;
	s2 =	simm.s32 $0x0  }
.LBB2_13:
0x1ba: {  	v3 =	vld [tilespmem:s12+$0xFFFFFF80];
	s20 =	sshll.u32 s2, $0x4  }
0x1bb: {  	s22 =	simm.s32 $0x80;
	s23 =	simm.s32 $0xC0;
	v6 =	vld [tilespmem:s12+$0x40];
	v2 =	vor.u32 s20, v0  }
0x1bc: {  	v7 =	vld [tilespmem:s12+$0xFFFFFFC0];
	s26 =	simm.s32 $0x40;
	v4 =	vor.u32 s22, v2;
	v5 =	vor.u32 s23, v2  }
0x1bd: {  	v15 =	vld [tilespmem:s12+$0x0];
	v8 =	vor.u32 s11, v2;
	v17 =	vor.u32 s26, v2;
	v5 =	vshll.u32 v5, $0x3  }
0x1be: {  	v4 =	vshll.u32 v4, $0x3;
	v8 =	vshll.u32 v8, $0x3;
	v17 =	vshll.u32 v17, $0x3  }
0x1bf: {  	v9 =	vadd.s32 $0x1, v3;
	v10 =	vadd.s32 $0x2, v3;
	v13 =	vand.u32 $0xFFFFFFF8, v3  }
0x1c0: {  	v14 =	vand.u32 $0x7, v3;
	v16 =	vadd.s32 $0x1, v6;
	v3 =	vadd.s32 $0x3, v3  }
0x1c1: {  	v18 =	vadd.s32 $0x1, v7;
	v20 =	vand.u32 $0xFFFFFFF8, v6;
	v56 =	vadd.s32 $0x3, v7  }
0x1c2: {  	v23 =	vadd.s32 $0x2, v15;
	v24 =	vand.u32 $0x7, v6;
	v28 =	vand.u32 $0xFFFFFFF8, v15  }
0x1c3: {  	v57 =	vand.u32 $0xFFFFFFF8, v7;
	v29 =	vadd.s32 $0x2, v6;
	v19 =	vand.u32 $0xFFFFFFF8, v3  }
0x1c4: {  	v6 =	vadd.s32 $0x3, v6;
	v3 =	vand.u32 $0x7, v3;
	v19 =	vadd.s32 v8, v19  }
0x1c5: {  	v11 =	vand.u32 $0xFFFFFFF8, v9;
	v12 =	vand.u32 $0xFFFFFFF8, v10;
	v3 =	vor.u32 v3, v19  }
0x1c6: {  	v13 =	vadd.s32 v8, v13;
	v9 =	vand.u32 $0x7, v9;
	v21 =	vand.u32 $0xFFFFFFF8, v18  }
0x1c7: {  	v22 =	vand.u32 $0xFFFFFFF8, v16;
	v25 =	vand.u32 $0xFFFFFFF8, v23;
	v23 =	vand.u32 $0x7, v23  }
0x1c8: {  	v10 =	vand.u32 $0x7, v10;
	v18 =	vand.u32 $0x7, v18;
	v25 =	vadd.s32 v4, v25  }
0x1c9: {  	v60 =	vand.u32 $0xFFFFFFF8, v29;
	v29 =	vand.u32 $0x7, v29;
	v23 =	vor.u32 v23, v25  }
0x1ca: {  	v61 =	vand.u32 $0xFFFFFFF8, v6;
	v16 =	vand.u32 $0x7, v16;
	v13 =	vor.u32 v14, v13;
	v27 =	vld.idx.msk [tilespmem:v3+s21+$0x0], $0xffff  }
0x1cb: {  	v20 =	vadd.s32 v5, v20;
	v11 =	vadd.s32 v8, v11;
	v8 =	vadd.s32 v8, v12;
	v3 =	vld.idx.msk [tilespmem:v1+s20+$0x0 ss:$0x1], $0xffff  }
0x1cc: {  	v12 =	vadd.s32 $0x3, v15;
	v21 =	vadd.s32 v17, v21;
	v14 =	vand.u32 $0x7, v7  }
0x1cd: {  	v19 =	vadd.s32 v5, v22;
	v26 =	vand.u32 $0x7, v12;
	v12 =	vand.u32 $0xFFFFFFF8, v12  }
0x1ce: {  	v18 =	vor.u32 v18, v21;
	v9 =	vor.u32 v9, v11;
	v8 =	vor.u32 v10, v8;
	v23 =	vld.idx.msk [tilespmem:v23+s21+$0x0], $0xffff  }
0x1cf: {  	v10 =	vand.u32 $0x7, v56;
	v11 =	vadd.s32 $0x1, v15;
	v13 =	vld.idx.msk [tilespmem:v13+s21+$0x0], $0xffff;
	v58 =	vmax.f32 v27, $0.0e+00  }
0x1d0: {  	v25 =	vadd.s32 v17, v57;
	v22 =	vand.u32 $0xFFFFFFF8, v56;
	v21 =	vmul.f32 v58, v3  }
0x1d1: {  	v12 =	vadd.s32 v4, v12;
	v14 =	vor.u32 v14, v25;
	v27 =	vadd.s32 v5, v60  }
0x1d2: {  	v59 =	vand.u32 $0xFFFFFFF8, v11;
	v27 =	vor.u32 v29, v27;
	v21 =	vsub.f32 $0.0e+00, v21  }
0x1d3: {  	v11 =	vand.u32 $0x7, v11;
	v12 =	vor.u32 v26, v12;
	v18 =	vld.idx.msk [tilespmem:v18+s21+$0x0], $0xffff;
	v23 =	vsub.f32 $0.0e+00, v23  }
0x1d4: {  	v26 =	vadd.s32 v4, v59;
	v9 =	vld.idx.msk [tilespmem:v9+s21+$0x0], $0xffff;
	v13 =	vsub.f32 $0.0e+00, v13;
	v21 =	vmul.f32 $1.442695020e+00, v21  }
0x1d5: {  	v22 =	vadd.s32 v17, v22;
	v11 =	vor.u32 v11, v26;
	v62 =	vmul.f32 $1.442695020e+00, v23  }
0x1d6: {  	v10 =	vor.u32 v10, v22;
	v14 =	vld.idx.msk [tilespmem:v14+s21+$0x0], $0xffff;
	v13 =	vmul.f32 $1.442695020e+00, v13;
	(erf) = vpow2.f32 v21  }
0x1d7: {  	v6 =	vand.u32 $0x7, v6;
	v20 =	vor.u32 v24, v20;
	v63 =	vld.idx.msk [tilespmem:v27+s21+$0x0], $0xffff;
	(erf) = vpow2.f32 v62  }
0x1d8: {  	v8 =	vld.idx.msk [tilespmem:v8+s21+$0x0], $0xffff;
	v18 =	vsub.f32 $0.0e+00, v18;
	(erf) = vpow2.f32 v13;
	v13 =	vor.u32 v16, v19  }
0x1d9: {  	v7 =	vadd.s32 $0x2, v7;
	v12 =	vld.idx.msk [tilespmem:v12+s21+$0x0], $0xffff;
	v5 =	vadd.s32 v5, v61;
	v9 =	vsub.f32 $0.0e+00, v9  }
0x1da: {  	v15 =	vand.u32 $0x7, v15;
	v5 =	vor.u32 v6, v5;
	v6 =	vld.idx.msk [tilespmem:v11+s21+$0x0], $0xffff;
	v11 =	vmul.f32 $1.442695020e+00, v18  }
0x1db: {  	v4 =	vadd.s32 v4, v28;
	v10 =	vld.idx.msk [tilespmem:v10+s21+$0x0], $0xffff;
	v14 =	vsub.f32 $0.0e+00, v14;
	v9 =	vmul.f32 $1.442695020e+00, v9  }
0x1dc: {  	v18 =	vand.u32 $0xFFFFFFF8, v7;
	v19 =	vld.idx.msk [tilespmem:v20+s21+$0x0], $0xffff;
	(erf) = vpow2.f32 v11;
	v16 =	vsub.f32 $0.0e+00, v63  }
0x1dd: {  	v11 =	vadd.s32 v17, v18;
	(erf) = vpow2.f32 v9;
	v9 =	vld.idx.msk [tilespmem:v13+s21+$0x0], $0xffff;
	v13 =	vmul.f32 $1.442695020e+00, v14  }
0x1de: {  	v4 =	vor.u32 v15, v4;
	v16 =	vmul.f32 $1.442695020e+00, v16  }
0x1df: {  	v8 =	vsub.f32 $0.0e+00, v8;
	v7 =	vand.u32 $0x7, v7;
	v6 =	vsub.f32 $0.0e+00, v6  }
0x1e0: {  	v12 =	vmax.f32 v12, $0.0e+00;
	v7 =	vor.u32 v7, v11;
	(erf) = vpow2.f32 v16;
	v11 =	vpop (erf)  }
0x1e1: {  	v10 =	vmax.f32 v10, $0.0e+00;
	v6 =	vmul.f32 $1.442695020e+00, v6;
	(erf) = vpow2.f32 v13;
	v13 =	vpop (erf)  }
0x1e2: {  	v8 =	vmul.f32 $1.442695020e+00, v8;
	v10 =	vmul.f32 v10, v3;
	v14 =	vsub.f32 $0.0e+00, v19;
	v15 =	vpop (erf)  }
0x1e3: {  	v12 =	vmul.f32 v12, v3;
	(erf) = vpow2.f32 v6;
	v15 =	vadd.f32 $1.000000000e+00, v15  }
0x1e4: {  	(erf) = vpow2.f32 v8;
	v8 =	vmul.f32 $1.442695020e+00, v14  }
0x1e5: {  	v5 =	vld.idx.msk [tilespmem:v5+s21+$0x0], $0xffff;
	v9 =	vsub.f32 $0.0e+00, v9;
	(erf) = vrcp.f32 v15  }
0x1e6: {  	v6 =	vld.idx.msk [tilespmem:v7+s21+$0x0], $0xffff;
	v7 =	vsub.f32 $0.0e+00, v10;
	v10 =	vpop (erf);
	(erf) = vpow2.f32 v8;
	v8 =	vsub.f32 $0.0e+00, v12  }
0x1e7: {  	v4 =	vld.idx.msk [tilespmem:v4+s21+$0x0], $0xffff;
	v9 =	vmul.f32 $1.442695020e+00, v9  }
0x1e8: {  	v7 =	vmul.f32 $1.442695020e+00, v7;
	v12 =	vpop (erf)  }
0x1e9: {  	(erf) = vpow2.f32 v9;
	v9 =	vadd.f32 $1.000000000e+00, v12;
	v12 =	vpop (erf)  }
0x1ea: {  	v5 =	vmax.f32 v5, $0.0e+00;
	(erf) = vpow2.f32 v7;
	v7 =	vmul.f32 $1.442695020e+00, v8;
	v8 =	vpop (erf)  }
0x1eb: {  	v6 =	vsub.f32 $0.0e+00, v6;
	(erf) = vrcp.f32 v9;
	v8 =	vadd.f32 $1.000000000e+00, v8  }
0x1ec: {  	v4 =	vsub.f32 $0.0e+00, v4;
	v5 =	vmul.f32 v5, v3;
	(erf) = vpow2.f32 v7  }
0x1ed: {  	v6 =	vmul.f32 $1.442695020e+00, v6;
	v14 =	vpop (erf);
	(erf) = vrcp.f32 v8;
	v8 =	vsub.f32 $1.000000000e+00, v11  }
0x1ee: {  	v10 =	vadd.f32 $1.000000000e+00, v10;
	v7 =	vmul.f32 $1.442695020e+00, v4  }
0x1ef: {  	v5 =	vsub.f32 $0.0e+00, v5;
	v9 =	vimm.f32 $1.000000000e+00;
	v15 =	vpop (erf);
	(erf) = vpow2.f32 v6  }
0x1f0: {  	v16 =	vpop (erf);
	(erf) = vpow2.f32 v7;
	v6 =	vmul.f32 v8, v9;
	v7 =	vadd.f32 $1.000000000e+00, v15  }
0x1f1: {  	v9 =	vmul.f32 v11, v9;
	v11 =	vadd.f32 $1.000000000e+00, v12;
	(erf) = vrcp.f32 v10;
	v8 =	vpop (erf)  }
0x1f2: {  	v5 =	vmul.f32 $1.442695020e+00, v5;
	(erf) = vrcp.f32 v7;
	v10 =	vpop (erf)  }
0x1f3: {  	v7 =	vadd.f32 $1.000000000e+00, v8;
	(erf) = vrcp.f32 v11;
	v11 =	vmul.f32 v6, v16;
	v8 =	vpop (erf)  }
0x1f4: {  	v16 =	vadd.f32 $1.000000000e+00, v14;
	(erf) = vpow2.f32 v5;
	v15 =	vsub.f32 $1.000000000e+00, v8  }
0x1f5: {  	v4 =	vimm.f32 $0.0e+00;
	v14 =	vpop (erf);
	(erf) = vrcp.f32 v7  }
0x1f6: {  	v12 =	vmul.f32 v8, v9;
	v8 =	vadd.f32 $1.000000000e+00, v13;
	v5 =	vpop (erf);
	v7 =	vmul.f32 v15, v9  }
0x1f7: {  	v11 =	vadd.f32 v11, v4;
	v14 =	vmul.f32 v6, v14;
	(erf) = vrcp.f32 v16;
	v13 =	vpop (erf)  }
0x1f8: {  	v9 =	vadd.f32 $1.000000000e+00, v10;
	v10 =	vmul.f32 v5, v12;
	v16 =	vpop (erf);
	v15 =	vmul.f32 v7, v13  }
0x1f9: {  	s24 =	sadd.s32 $0x100, s12;
	s22 =	simm.s32 $0x0;
	s23 =	simm.s32 $0x100;
	v13 =	vadd.f32 $1.000000000e+00, v16;
	v16 =	vsub.f32 $1.000000000e+00, v5;
	v17 =	vpop (erf);
	v5 =	vimm.f32 $0.0e+00  }
.LBB2_14:
0x1fa: {  	v18 =	vld [tilespmem:s24+$0xFFFFFF80];
	s25 =	sadd.s32 $0x80, s23;
	s26 =	sadd.s32 $0xC0, s23;
	s22 =	sadd.s32 $0x4, s22;
	v17 =	vadd.f32 $1.000000000e+00, v17;
	v19 =	vpop (erf);
	(erf) = vrcp.f32 v8  }
0x1fb: {  	v8 =	vor.u32 s25, v2;
	v20 =	vor.u32 s26, v2;
	v21 =	vld [tilespmem:s24+$0x40];
	p1 =	slt.u32 s22, $0x3C;
	v22 =	vpop (erf);
	(erf) = vrcp.f32 v9  }
0x1fc: {  	v4 =	vadd.f32 v14, v4;
	v23 =	vld [tilespmem:s24+$0xFFFFFFC0];
	v9 =	vshll.u32 v20, $0x3;
	(erf) = vrcp.f32 v17;
	v14 =	vpop (erf)  }
0x1fd: {  	v11 =	vadd.f32 v15, v11;
	v12 =	vmul.f32 v16, v12;
	v17 =	vor.u32 s23, v2;
	v20 =	vld [tilespmem:s24+$0x0];
	v15 =	vpop (erf)  }
0x1fe: {  	v16 =	vshll.u32 v8, $0x3;
	v6 =	vmul.f32 v6, v22;
	v22 =	vsub.f32 $1.000000000e+00, v15;
	v24 =	vpop (erf)  }
0x1ff: {  	v19 =	vmul.f32 v7, v19;
	v25 =	vadd.s32 $0x1, v18;
	v26 =	vadd.s32 $0x2, v18  }
0x200: {  	v8 =	vmul.f32 v15, v10;
	v27 =	vand.u32 $0xFFFFFFF8, v25;
	v28 =	vand.u32 $0xFFFFFFF8, v26;
	v15 =	vpop (erf)  }
0x201: {  	s25 =	sadd.s32 $0x40, s23;
	v17 =	vshll.u32 v17, $0x3;
	v29 =	vand.u32 $0xFFFFFFF8, v18;
	v22 =	vmul.f32 v22, v10  }
0x202: {  	v29 =	vadd.s32 v17, v29;
	v27 =	vadd.s32 v17, v27;
	(erf) = vrcp.f32 v13  }
0x203: {  	v25 =	vand.u32 $0x7, v25;
	v30 =	vadd.s32 $0x1, v21;
	v13 =	vand.u32 $0x7, v18;
	v31 =	vpop (erf)  }
0x204: {  	v10 =	vor.u32 s25, v2;
	v33 =	vand.u32 $0xFFFFFFF8, v21;
	v32 =	vadd.s32 $0x1, v23;
	v34 =	vpop (erf)  }
0x205: {  	v18 =	vadd.s32 $0x3, v18;
	v35 =	vand.u32 $0xFFFFFFF8, v32;
	v34 =	vmul.f32 v22, v34;
	v36 =	vpop (erf)  }
0x206: {  	v10 =	vshll.u32 v10, $0x3;
	v38 =	vand.u32 $0xFFFFFFF8, v30;
	v37 =	vand.u32 $0xFFFFFFF8, v18  }
0x207: {  	v38 =	vadd.s32 v9, v38;
	v18 =	vand.u32 $0x7, v18;
	v37 =	vadd.s32 v17, v37  }
0x208: {  	v31 =	vmul.f32 v12, v31;
	v18 =	vor.u32 v18, v37;
	v37 =	vadd.s32 $0x3, v23  }
0x209: {  	v5 =	vadd.f32 v6, v5;
	v17 =	vadd.s32 v17, v28;
	v28 =	vadd.s32 $0x3, v20  }
0x20a: {  	v39 =	vand.u32 $0x7, v21;
	v6 =	vadd.s32 v10, v35;
	v35 =	vadd.s32 $0x2, v20  }
0x20b: {  	v40 =	vand.u32 $0xFFFFFFF8, v35;
	v41 =	vand.u32 $0x7, v28;
	v36 =	vmul.f32 v12, v36;
	v42 =	vpop (erf)  }
0x20c: {  	v35 =	vand.u32 $0x7, v35;
	v40 =	vadd.s32 v16, v40;
	v12 =	vmul.f32 v12, v15  }
0x20d: {  	v28 =	vand.u32 $0xFFFFFFF8, v28;
	v35 =	vor.u32 v35, v40;
	v15 =	vld.idx.msk [tilespmem:v18+s21+$0x0], $0xffff;
	v18 =	vand.u32 $0xFFFFFFF8, v20  }
0x20e: {  	v26 =	vand.u32 $0x7, v26;
	v43 =	vadd.s32 $0x2, v21;
	v40 =	vand.u32 $0xFFFFFFF8, v23  }
0x20f: {  	v32 =	vand.u32 $0x7, v32;
	v14 =	vmul.f32 v22, v14;
	v28 =	vadd.s32 v16, v28  }
0x210: {  	v44 =	vand.u32 $0x7, v23;
	v6 =	vor.u32 v32, v6;
	v28 =	vor.u32 v41, v28  }
0x211: {  	v25 =	vor.u32 v25, v27;
	v13 =	vor.u32 v13, v29;
	v17 =	vor.u32 v26, v17  }
0x212: {  	v21 =	vadd.s32 $0x3, v21;
	v27 =	vadd.s32 $0x1, v20;
	v26 =	vand.u32 $0x7, v37  }
0x213: {  	v4 =	vadd.f32 v19, v4;
	v29 =	vand.u32 $0xFFFFFFF8, v27;
	v15 =	vmax.f32 v15, $0.0e+00  }
0x214: {  	v19 =	vand.u32 $0x7, v27;
	v22 =	vmul.f32 v22, v24;
	v15 =	vmul.f32 v15, v3;
	v27 =	vld.idx.msk [tilespmem:v35+s21+$0x0], $0xffff  }
0x215: {  	v24 =	vadd.s32 v16, v29;
	v29 =	vand.u32 $0xFFFFFFF8, v21;
	v4 =	vadd.f32 v12, v4  }
0x216: {  	v7 =	vmul.f32 v7, v42;
	v12 =	vsub.f32 $0.0e+00, v15;
	v15 =	vand.u32 $0xFFFFFFF8, v43;
	v6 =	vld.idx.msk [tilespmem:v6+s21+$0x0], $0xffff  }
0x217: {  	v32 =	vand.u32 $0x7, v43;
	v23 =	vadd.s32 $0x2, v23;
	v15 =	vadd.s32 v9, v15;
	v13 =	vld.idx.msk [tilespmem:v13+s21+$0x0], $0xffff  }
0x218: {  	v4 =	vadd.f32 v34, v4;
	v12 =	vmul.f32 $1.442695020e+00, v12;
	v15 =	vor.u32 v32, v15;
	v25 =	vld.idx.msk [tilespmem:v25+s21+$0x0], $0xffff  }
0x219: {  	v20 =	vand.u32 $0x7, v20;
	v16 =	vadd.s32 v16, v18;
	v18 =	vand.u32 $0x7, v30  }
0x21a: {  	v30 =	vand.u32 $0xFFFFFFF8, v37;
	v27 =	vsub.f32 $0.0e+00, v27;
	(erf) = vpow2.f32 v12  }
0x21b: {  	v5 =	vadd.f32 v7, v5;
	v32 =	vadd.s32 v9, v33;
	v12 =	vadd.s32 v10, v40  }
0x21c: {  	v19 =	vor.u32 v19, v24;
	v7 =	vmul.f32 $1.442695020e+00, v27;
	v27 =	vor.u32 v39, v32;
	v24 =	vld.idx.msk [tilespmem:v28+s21+$0x0], $0xffff  }
0x21d: {  	v11 =	vadd.f32 v36, v11;
	v9 =	vadd.s32 v9, v29;
	v12 =	vor.u32 v44, v12;
	v15 =	vld.idx.msk [tilespmem:v15+s21+$0x0], $0xffff  }
0x21e: {  	v21 =	vand.u32 $0x7, v21;
	v13 =	vsub.f32 $0.0e+00, v13;
	(erf) = vpow2.f32 v7  }
0x21f: {  	v6 =	vsub.f32 $0.0e+00, v6;
	v25 =	vsub.f32 $0.0e+00, v25;
	v7 =	vadd.s32 v10, v30;
	v17 =	vld.idx.msk [tilespmem:v17+s21+$0x0], $0xffff  }
0x220: {  	v5 =	vadd.f32 v31, v5;
	v9 =	vor.u32 v21, v9;
	v13 =	vmul.f32 $1.442695020e+00, v13  }
0x221: {  	v6 =	vmul.f32 $1.442695020e+00, v6;
	v21 =	vor.u32 v26, v7;
	v7 =	vadd.f32 v22, v11;
	v26 =	vld.idx.msk [tilespmem:v27+s21+$0x0], $0xffff  }
0x222: {  	v5 =	vadd.f32 v14, v5;
	v11 =	vld.idx.msk [tilespmem:v12+s21+$0x0], $0xffff;
	v12 =	vmax.f32 v24, $0.0e+00;
	(erf) = vpow2.f32 v13  }
0x223: {  	v13 =	vor.u32 v18, v38;
	v14 =	vsub.f32 $0.0e+00, v15;
	v12 =	vmul.f32 v12, v3;
	v15 =	vpop (erf)  }
0x224: {  	v16 =	vor.u32 v20, v16;
	v22 =	vmul.f32 $1.442695020e+00, v25;
	v18 =	vsub.f32 $1.000000000e+00, v15;
	v19 =	vld.idx.msk [tilespmem:v19+s21+$0x0], $0xffff  }
0x225: {  	v24 =	vand.u32 $0xFFFFFFF8, v23;
	v23 =	vand.u32 $0x7, v23;
	v12 =	vsub.f32 $0.0e+00, v12  }
0x226: {  	v17 =	vsub.f32 $0.0e+00, v17;
	v14 =	vmul.f32 $1.442695020e+00, v14;
	v9 =	vld.idx.msk [tilespmem:v9+s21+$0x0], $0xffff;
	(erf) = vpow2.f32 v6  }
0x227: {  	v10 =	vadd.s32 v10, v24;
	v6 =	vmul.f32 v18, v8;
	v18 =	vld.idx.msk [tilespmem:v21+s21+$0x0], $0xffff;
	(erf) = vpow2.f32 v22;
	v20 =	vpop (erf)  }
0x228: {  	v11 =	vsub.f32 $0.0e+00, v11;
	v12 =	vmul.f32 $1.442695020e+00, v12;
	v21 =	vsub.f32 $0.0e+00, v26;
	v13 =	vld.idx.msk [tilespmem:v13+s21+$0x0], $0xffff  }
0x229: {  	v10 =	vor.u32 v23, v10;
	v17 =	vmul.f32 $1.442695020e+00, v17;
	(erf) = vpow2.f32 v14  }
0x22a: {  	v15 =	vmul.f32 v15, v8;
	v8 =	vmul.f32 $1.442695020e+00, v11;
	v14 =	vsub.f32 $0.0e+00, v19;
	v11 =	vld.idx.msk [tilespmem:v16+s21+$0x0], $0xffff  }
0x22b: {  	v16 =	vpop (erf)  }
0x22c: {  	v19 =	vmul.f32 $1.442695020e+00, v14;
	v16 =	vadd.f32 $1.000000000e+00, v16;
	(erf) = vpow2.f32 v8  }
0x22d: {  	v9 =	vmax.f32 v9, $0.0e+00;
	v8 =	vmax.f32 v18, $0.0e+00  }
0x22e: {  	v18 =	vmul.f32 v8, v3;
	v13 =	vsub.f32 $0.0e+00, v13;
	v10 =	vld.idx.msk [tilespmem:v10+s21+$0x0], $0xffff;
	(erf) = vpow2.f32 v19  }
0x22f: {  	v9 =	vmul.f32 v9, v3;
	v8 =	vadd.f32 $1.000000000e+00, v20;
	(erf) = vpow2.f32 v17;
	v14 =	vpop (erf)  }
0x230: {  	v19 =	vmul.f32 $1.442695020e+00, v21;
	v17 =	vsub.f32 $0.0e+00, v18;
	(erf) = vrcp.f32 v16;
	v16 =	vpop (erf)  }
0x231: {  	v11 =	vsub.f32 $0.0e+00, v11;
	v13 =	vmul.f32 $1.442695020e+00, v13;
	v16 =	vadd.f32 $1.000000000e+00, v16  }
0x232: {  	v14 =	vadd.f32 $1.000000000e+00, v14;
	v17 =	vmul.f32 $1.442695020e+00, v17;
	(erf) = vpow2.f32 v19;
	v18 =	vpop (erf)  }
0x233: {  	v9 =	vsub.f32 $0.0e+00, v9;
	v11 =	vmul.f32 $1.442695020e+00, v11;
	(erf) = vpow2.f32 v13  }
0x234: {  	v10 =	vsub.f32 $0.0e+00, v10;
	(erf) = vpow2.f32 v17  }
0x235: {  	(erf) = vrcp.f32 v16;
	v13 =	vpop (erf)  }
0x236: {  	v10 =	vmul.f32 $1.442695020e+00, v10;
	v19 =	vadd.f32 $1.000000000e+00, v13  }
0x237: {  	v16 =	vadd.f32 $1.000000000e+00, v18;
	(erf) = vpow2.f32 v12;
	v12 =	vpop (erf)  }
0x238: {  	v17 =	vpop (erf);
	(erf) = vrcp.f32 v19  }
0x239: {  	v13 =	vpop (erf);
	(erf) = vpow2.f32 v10  }
0x23a: {  	v10 =	vadd.f32 $1.000000000e+00, v17;
	(erf) = vpow2.f32 v11  }
0x23b: {  	(erf) = vrcp.f32 v14;
	v11 =	vpop (erf)  }
0x23c: {  	v17 =	vadd.f32 $1.000000000e+00, v12;
	v12 =	vmul.f32 $1.442695020e+00, v9;
	(erf) = vrcp.f32 v10;
	v9 =	vpop (erf)  }
0x23d: {  	v10 =	vadd.f32 $1.000000000e+00, v11;
	v9 =	vadd.f32 $1.000000000e+00, v9;
	v11 =	vpop (erf);
	(erf) = vrcp.f32 v16  }
0x23e: {  	v19 =	vmul.f32 v6, v13;
	v14 =	vpop (erf);
	(erf) = vpow2.f32 v12  }
.Ltmp5:
0x23f: {  	v20 =	vsub.f32 $1.000000000e+00, v11;
	v12 =	vmul.f32 v11, v15;
	(erf) = vrcp.f32 v10;
	(pc) =	sbr.rel @p1 .LBB2_14-.Ltmp5, $4  }
0x240: {  	v14 =	vmul.f32 v6, v14;
	v18 =	vpop (erf)  }
0x241: {  	v11 =	vadd.f32 v19, v7;
	v7 =	vmul.f32 v20, v15;
	v13 =	vpop (erf);
	(erf) = vrcp.f32 v17  }
0x242: {  	v10 =	vmul.f32 v18, v12;
	v16 =	vpop (erf)  }
0x243: {  	s23 =	sadd.s32 $0x100, s23;
	s24 =	sadd.s32 $0x100, s24;
	v15 =	vmul.f32 v7, v13;
	v13 =	vadd.f32 $1.000000000e+00, v16;
	v16 =	vsub.f32 $1.000000000e+00, v18;
	v17 =	vpop (erf)  }
0x244: {  	v2 =	vadd.f32 $1.000000000e+00, v17  }
0x245: {  	(erf) = vrcp.f32 v8  }
0x246: {  	(erf) = vrcp.f32 v9  }
0x247: {  	(erf) = vrcp.f32 v2  }
0x248: {  	v2 =	vpop (erf);
	(erf) = vrcp.f32 v13  }
0x249: {  	v3 =	vpop (erf)  }
0x24a: {  	v50 =	vpop (erf)  }
0x24b: {  	v51 =	vpop (erf)  }
0x24c: {  	v52 =	vpop (erf)  }
0x24d: {  	v53 =	vpop (erf)  }
0x24e: {  	v18 =	vpop (erf)  }
0x24f: {  	v55 =	vsub.f32 $1.000000000e+00, v51;
	v19 =	vpop (erf)  }
0x250: {  	v4 =	vadd.f32 v14, v4;
	v12 =	vmul.f32 v16, v12;
	v3 =	vmul.f32 v6, v3;
	v54 =	vpop (erf)  }
0x251: {  	v11 =	vadd.f32 v15, v11;
	v2 =	vmul.f32 v7, v2;
	v58 =	vmul.f32 v55, v10;
	v56 =	vpop (erf)  }
0x252: {  	v3 =	vadd.f32 v3, v5;
	v59 =	vmul.f32 v12, v54;
	v57 =	vmul.f32 v7, v56  }
0x253: {  	v2 =	vadd.f32 v2, v4;
	v60 =	vmul.f32 v12, v18;
	v12 =	vmul.f32 v12, v53  }
0x254: {  	v61 =	vmul.f32 v58, v52;
	v6 =	vadd.f32 v59, v11;
	v3 =	vadd.f32 v57, v3  }
0x255: {  	v62 =	vmul.f32 v51, v10;
	v63 =	vmul.f32 v58, v19;
	v2 =	vadd.f32 v12, v2  }
0x256: {  	s2 =	sadd.s32 $0x1, s2;
	v5 =	vmul.f32 v58, v50;
	v4 =	vadd.f32 v61, v6;
	v3 =	vadd.f32 v60, v3  }
0x257: {  	p1 =	sne.s32 s2, $0x4;
	v2 =	vadd.f32 v63, v2  }
.Ltmp6:
0x258: {  	v4 =	vadd.f32 v4, v62;
	v3 =	vadd.f32 v5, v3;
	(pc) =	sbr.rel @p1 .LBB2_13-.Ltmp6, $4  }
0x259: {  	v2 =	vadd.f32 v2, v62  }
0x25a: {  	[tilespmem:s20+$0x17800] =	vst v4;
	v3 =	vadd.f32 v3, v62  }
0x25b: {  	[tilespmem:s20+$0x17840] =	vst v2  }
0x25c: {  	s12 =	sadd.s32 $0x10, s12;
	[tilespmem:s20+$0x17880] =	vst v3  }
0x25d: {  	p1 =	seq.s32 s8, $0xF  }
.Ltmp7:
0x25e: {  	_ = 	snop;
	(pc) =	sbr.rel @p1 .LBB2_22-.Ltmp7, $4  }
0x25f: {  	s2 =	sor.u32 s3, s10  }
0x260: {  	s2 =	sshrl.u32 s2, $0x3  }
0x261: {  	s2 =	sadd.s32 s5, s2  }
0x262: {  	[hbm4b:s2+s15] =	stream.strided.scatter [tilespmem:s17], [sflag:$0x4], $0xC0, s16, s15, $0x38;
	[tilespmem:$0x17980] =	vst v63  }
0x263: {  	s12 =	sadd.s32 $0x80, s10  }
0x264: {  	s2 =	simm.s32 $0x0;
	s10 =	simm.s32 $0x3880;
	s11 =	simm.s32 $0x5880;
	v1 =	vmov s12  }
.LBB2_18:
0x265: {  	_ =	sdelay $0x2  }
0x266: {  	s12 =	sshll.u32 s2, $0x4  }
0x267: {  	v2 =	vld.idx.msk [tilespmem:v1+s12+$0x1800 ss:$0x1], $0xffff  }
0x268: {  	v3 =	vld.idx.msk [tilespmem:v1+s12+$0x2000 ss:$0x1], $0xffff;
	_ =	sdelay $0x1  }
0x269: {  	v4 =	vld.idx.msk [tilespmem:v1+s12+$0x2800 ss:$0x1], $0xffff;
	_ =	sdelay $0x2  }
0x26a: {  	v5 =	vmul.f32 v2, v2;
	v6 =	vmul.f32 v3, v3;
	_ =	sdelay $0x1  }
0x26b: {  	v5 =	vadd.f32 v6, v5;
	v6 =	vmul.f32 v4, v4;
	_ =	sdelay $0x1  }
0x26c: {  	v5 =	vadd.f32 v6, v5;
	_ =	sdelay $0x1  }
0x26d: {  	v6 =	vshra.s32 v5, $0x1;
	v5 =	vmul.f32 $5.000000000e-01, v5  }
0x26e: {  	v6 =	vsub.s32 $0x5F3759DF, v6  }
0x26f: {  	v7 =	vmul.f32 v6, v5;
	_ =	sdelay $0x1  }
0x270: {  	v7 =	vmul.f32 v6, v7;
	_ =	sdelay $0x1  }
0x271: {  	v7 =	vsub.f32 $1.500000000e+00, v7;
	_ =	sdelay $0x1  }
0x272: {  	v6 =	vmul.f32 v6, v7;
	_ =	sdelay $0x1  }
0x273: {  	v7 =	vmul.f32 v6, v5;
	_ =	sdelay $0x1  }
0x274: {  	v7 =	vmul.f32 v7, v6;
	_ =	sdelay $0x1  }
0x275: {  	v7 =	vsub.f32 $1.500000000e+00, v7;
	_ =	sdelay $0x1  }
0x276: {  	v6 =	vmul.f32 v7, v6;
	_ =	sdelay $0x1  }
0x277: {  	v5 =	vmul.f32 v6, v5;
	_ =	sdelay $0x1  }
0x278: {  	v5 =	vmul.f32 v5, v6;
	_ =	sdelay $0x1  }
0x279: {  	v5 =	vsub.f32 $1.500000000e+00, v5;
	_ =	sdelay $0x1  }
0x27a: {  	v5 =	vmul.f32 v5, v6;
	_ =	sdelay $0x1  }
0x27b: {  	v2 =	vmul.f32 v5, v2  }
0x27c: {  	v3 =	vmul.f32 v5, v3  }
0x27d: {  	v4 =	vmul.f32 v5, v4;
	v5 =	vadd.f32 $9.999999710e-10, v2  }
0x27e: {  	v6 =	vadd.f32 $9.999999710e-10, v3  }
0x27f: {  	v7 =	vadd.f32 $9.999999710e-10, v4;
	(erf) = vrcp.f32 v5  }
0x280: {  	(erf) = vrcp.f32 v6  }
0x281: {  	(erf) = vrcp.f32 v7;
	_ =	sdelay $0x6  }
0x282: {  	v9 =	vld.idx.msk [tilespmem:v1+s12+$0x0 ss:$0x1], $0xffff;
	v8 =	vpop (erf)  }
0x283: {  	v11 =	vld.idx.msk [tilespmem:v1+s12+$0x800 ss:$0x1], $0xffff;
	v10 =	vpop (erf);
	v5 =	vmul.f32 v8, v5  }
0x284: {  	v12 =	vld.idx.msk [tilespmem:v1+s12+$0x1000 ss:$0x1], $0xffff;
	v6 =	vmul.f32 v10, v6;
	v13 =	vpop (erf)  }
0x285: {  	v5 =	vsub.f32 $2.000000000e+00, v5;
	v7 =	vmul.f32 v13, v7  }
0x286: {  	v6 =	vsub.f32 $2.000000000e+00, v6  }
0x287: {  	v5 =	vmul.f32 v5, v8;
	v8 =	vsub.f32 $0.0e+00, v9;
	v7 =	vsub.f32 $2.000000000e+00, v7  }
0x288: {  	v6 =	vmul.f32 v6, v10;
	v10 =	vsub.f32 $0.0e+00, v11  }
0x289: {  	v8 =	vmul.f32 v5, v8;
	v7 =	vmul.f32 v7, v13;
	v13 =	vsub.f32 $0.0e+00, v12  }
0x28a: {  	v10 =	vmul.f32 v6, v10  }
0x28b: {  	v5 =	vadd.f32 v8, v5;
	v13 =	vmul.f32 v7, v13  }
0x28c: {  	v6 =	vadd.f32 v10, v6  }
0x28d: {  	v14 =	vmax.f32 v8, v5;
	v7 =	vadd.f32 v13, v7  }
0x28e: {  	v5 =	vclamp.gez.f32 v8, v5;
	v8 =	vmin.f32 v14, $1.000000000e+09;
	v14 =	vmin.f32 v10, v6  }
0x28f: {  	v6 =	vmax.f32 v10, v6;
	v5 =	vmax.f32 v5, v14;
	v10 =	vmin.f32 v13, v7  }
0x290: {  	v6 =	vmin.f32 v8, v6;
	v7 =	vmax.f32 v13, v7;
	v5 =	vmax.f32 v5, v10  }
0x291: {  	v6 =	vmin.f32 v6, v7;
	v5 =	vmax.f32 v5, $0.0e+00  }
0x292: {  	v6 =	vmax.f32 v6, v5  }
0x293: {  	v6 =	vsub.f32 v6, v5;
	_ =	sdelay $0x1  }
0x294: {  	v18 =	vmul.f32 $1.562500000e-02, v6;
	_ =	sdelay $0x1  }
0x295: {  	v6 =	vmul.f32 $5.000000000e-01, v18;
	_ =	sdelay $0x1  }
0x296: {  	v5 =	vadd.f32 v6, v5;
	_ =	sdelay $0x1  }
0x297: {  	v6 =	vmul.f32 v5, v2;
	v7 =	vmul.f32 v5, v4  }
0x298: {  	v5 =	vmul.f32 v5, v3;
	v4 =	vmul.f32 v18, v4  }
0x299: {  	v8 =	vmul.f32 v18, v2;
	v3 =	vmul.f32 v18, v3;
	v7 =	vadd.f32 v7, v12  }
0x29a: {  	v6 =	vadd.f32 v6, v9;
	v5 =	vadd.f32 v5, v11;
	v2 =	vmul.f32 $1.280000000e+02, v4  }
0x29b: {  	v3 =	vmul.f32 $1.280000000e+02, v3;
	v7 =	vmul.f32 $1.280000000e+02, v7  }
0x29c: {  	v6 =	vmul.f32 $1.280000000e+02, v6;
	v5 =	vmul.f32 $1.280000000e+02, v5  }
0x29d: {  	v4 =	vmul.f32 $1.280000000e+02, v8;
	v8 =	vadd.f32 v7, v2  }
0x29e: {  	v10 =	vmin.f32 v6, $1.270000000e+02;
	v9 =	vadd.f32 v5, v3;
	v5 =	vmin.f32 v5, $1.270000000e+02  }
0x29f: {  	v7 =	vmin.f32 v7, $1.270000000e+02;
	v11 =	vadd.f32 v6, v4;
	v12 =	vtrunc.f32 v5  }
0x2a0: {  	v7 =	vtrunc.f32 v7;
	v6 =	vmin.f32 v8, $1.270000000e+02;
	v13 =	vadd.f32 v9, v3  }
0x2a1: {  	v14 =	vmin.f32 v11, $1.270000000e+02;
	v11 =	vadd.f32 v11, v4;
	v12 =	vcvt.f32.s32 v12  }
0x2a2: {  	v8 =	vadd.f32 v8, v2;
	v5 =	vtrunc.f32 v6;
	v15 =	vtrunc.f32 v14  }
0x2a3: {  	v14 =	vmin.f32 v9, $1.270000000e+02;
	v6 =	vcvt.f32.s32 v5;
	v9 =	vmin.f32 v11, $1.270000000e+02  }
0x2a4: {  	v16 =	vadd.f32 v13, v3;
	v11 =	vadd.f32 v11, v4;
	v17 =	vtrunc.f32 v9  }
0x2a5: {  	v19 =	vmin.f32 v13, $1.270000000e+02;
	v9 =	vcvt.f32.s32 v7;
	v7 =	vtrunc.f32 v10  }
0x2a6: {  	v63 =	vmin.f32 v8, $1.270000000e+02;
	v19 =	vtrunc.f32 v19;
	v17 =	vcvt.f32.s32 v17  }
0x2a7: {  	v10 =	vmin.f32 v11, $1.270000000e+02;
	v13 =	vmin.f32 v16, $1.270000000e+02;
	v20 =	vcvt.f32.s32 v7  }
0x2a8: {  	v7 =	vadd.f32 v16, v3;
	v16 =	vtrunc.f32 v14;
	v21 =	vtrunc.f32 v10  }
0x2a9: {  	v10 =	vshll.u32 v17, $0xE;
	v17 =	vtrunc.f32 v13;
	v13 =	vcvt.f32.s32 v16  }
0x2aa: {  	v16 =	vshll.u32 v20, $0xE;
	v20 =	vcvt.f32.s32 v21;
	v17 =	vcvt.f32.s32 v17  }
0x2ab: {  	[tilespmem:v1+s12+$0x3000 ss:$0x1] =	vst.idx.msk $0xffff, v18;
	v18 =	vtrunc.f32 v63;
	v5 =	vshll.u32 v6, $0x2;
	v14 =	vshll.u32 v9, $0x2  }
0x2ac: {  	s22 =	simm.s32 $0x0;
	s23 =	smov.u32 s10;
	v20 =	vshll.u32 v20, $0xE;
	v22 =	vshll.u32 v17, $0x7;
	v17 =	vcvt.f32.s32 v15  }
0x2ad: {  	s24 =	smov.u32 s11;
	s20 =	smov.u32 s10;
	s12 =	smov.u32 s11;
	v15 =	vcvt.f32.s32 v19;
	v19 =	vshll.u32 v12, $0x7;
	v12 =	vadd.s32 v20, v22  }
.LBB2_19:
0x2ae: {  	s22 =	sadd.s32 $0x4, s22;
	v8 =	vadd.f32 v8, v2;
	v11 =	vadd.f32 v11, v4;
	s23 =	sadd.s32 $0x100, s23;
	s24 =	sadd.s32 $0x100, s24  }
0x2af: {  	v14 =	vand.u32 $0x4, v14;
	v17 =	vshll.u32 v17, $0xE;
	v18 =	vcvt.f32.s32 v18;
	p1 =	slt.u32 s22, $0x3C  }
0x2b0: {  	v16 =	vadd.s32 v16, v19;
	v13 =	vshll.u32 v13, $0x7;
	v19 =	vmin.f32 v8, $1.270000000e+02  }
0x2b1: {  	v9 =	vadd.s32 v9, v16;
	v13 =	vadd.s32 v17, v13;
	v16 =	vtrunc.f32 v19  }
0x2b2: {  	v6 =	vadd.s32 v6, v13;
	v13 =	vshll.u32 v15, $0x7;
	v15 =	vcvt.f32.s32 v16  }
0x2b3: {  	v8 =	vadd.f32 v8, v2;
	v10 =	vadd.s32 v10, v13;
	v13 =	vshll.u32 v18, $0x2  }
0x2b4: {  	v10 =	vadd.s32 v18, v10;
	v12 =	vadd.s32 v15, v12;
	v15 =	vshll.u32 v15, $0x2  }
0x2b5: {  	v9 =	vshrl.u32 v9, $0x1;
	v12 =	vshrl.u32 v12, $0x1;
	v15 =	vand.u32 $0x4, v15  }
0x2b6: {  	v6 =	vshrl.u32 v6, $0x1;
	[tilespmem:s20+$0xFFFFFF80] =	vst v9;
	v9 =	vshrl.u32 v10, $0x1;
	v10 =	vand.u32 $0x4, v13  }
0x2b7: {  	v5 =	vand.u32 $0x4, v5;
	v13 =	vadd.f32 v8, v2;
	[tilespmem:s12+$0xFFFFFF80] =	vst v14  }
0x2b8: {  	v16 =	vmin.f32 v8, $1.270000000e+02;
	v8 =	vadd.f32 v7, v3;
	v14 =	vmin.f32 v11, $1.270000000e+02;
	[tilespmem:s20+$0xFFFFFFC0] =	vst v6  }
0x2b9: {  	v6 =	vmin.f32 v7, $1.270000000e+02;
	v7 =	vadd.f32 v11, v4;
	v11 =	vmin.f32 v13, $1.270000000e+02;
	[tilespmem:s12+$0xFFFFFFC0] =	vst v5  }
0x2ba: {  	v18 =	vadd.f32 v8, v3;
	v17 =	vtrunc.f32 v6;
	v5 =	vtrunc.f32 v11;
	[tilespmem:s20+$0x0] =	vst v9  }
0x2bb: {  	v9 =	vmin.f32 v7, $1.270000000e+02;
	v6 =	vcvt.f32.s32 v5;
	v7 =	vadd.f32 v7, v4;
	[tilespmem:s12+$0x0] =	vst v10  }
0x2bc: {  	v19 =	vtrunc.f32 v9;
	v10 =	vmin.f32 v8, $1.270000000e+02;
	v8 =	vadd.f32 v13, v2;
	[tilespmem:s20+$0x40] =	vst v12;
	s20 =	smov.u32 s23  }
0x2bd: {  	v5 =	vshll.u32 v6, $0x2;
	v9 =	vmin.f32 v7, $1.270000000e+02;
	v12 =	vadd.f32 v18, v3;
	[tilespmem:s12+$0x40] =	vst v15;
	s12 =	smov.u32 s24  }
0x2be: {  	v13 =	vtrunc.f32 v16;
	v11 =	vadd.f32 v7, v4;
	v15 =	vtrunc.f32 v9  }
0x2bf: {  	v9 =	vcvt.f32.s32 v13;
	v13 =	vcvt.f32.s32 v15;
	v15 =	vmin.f32 v18, $1.270000000e+02  }
0x2c0: {  	v7 =	vtrunc.f32 v14;
	v14 =	vmin.f32 v11, $1.270000000e+02;
	v16 =	vmin.f32 v12, $1.270000000e+02  }
0x2c1: {  	v18 =	vcvt.f32.s32 v7;
	v7 =	vadd.f32 v12, v3;
	v20 =	vtrunc.f32 v14  }
0x2c2: {  	v12 =	vtrunc.f32 v10;
	v16 =	vtrunc.f32 v16;
	v10 =	vshll.u32 v13, $0xE  }
.Ltmp8:
0x2c3: {  	v14 =	vshll.u32 v9, $0x2;
	v13 =	vcvt.f32.s32 v12;
	v12 =	vcvt.f32.s32 v16;
	(pc) =	sbr.rel @p1 .LBB2_19-.Ltmp8, $4  }
0x2c4: {  	v15 =	vtrunc.f32 v15;
	v16 =	vshll.u32 v18, $0xE;
	v18 =	vcvt.f32.s32 v20  }
0x2c5: {  	v21 =	vmin.f32 v8, $1.270000000e+02;
	v20 =	vcvt.f32.s32 v17;
	v12 =	vshll.u32 v12, $0x7  }
0x2c6: {  	v17 =	vcvt.f32.s32 v19;
	v15 =	vcvt.f32.s32 v15;
	v22 =	vshll.u32 v18, $0xE  }
0x2c7: {  	v19 =	vshll.u32 v20, $0x7;
	v18 =	vtrunc.f32 v21;
	v12 =	vadd.s32 v22, v12  }
0x2c8: {  	v2 =	vadd.f32 v8, v2;
	v3 =	vand.u32 $0x4, v14;
	v4 =	vadd.s32 v16, v19  }
0x2c9: {  	v7 =	vshll.u32 v17, $0xE;
	v57 =	vshll.u32 v13, $0x7;
	v4 =	vadd.s32 v9, v4  }
0x2ca: {  	v58 =	vcvt.f32.s32 v18;
	v7 =	vadd.s32 v7, v57;
	v4 =	vshrl.u32 v4, $0x1  }
0x2cb: {  	v59 =	vshll.u32 v15, $0x7;
	v2 =	vmin.f32 v2, $1.270000000e+02;
	v6 =	vadd.s32 v6, v7;
	[tilespmem:s20+$0xFFFFFF80] =	vst v4  }
0x2cc: {  	s2 =	sadd.s32 $0x1, s2;
	v60 =	vadd.s32 v10, v59;
	v2 =	vtrunc.f32 v2;
	v6 =	vshrl.u32 v6, $0x1;
	[tilespmem:s12+$0xFFFFFF80] =	vst v3  }
0x2cd: {  	v61 =	vand.u32 $0x4, v5;
	p1 =	sne.s32 s2, $0x4;
	v2 =	vcvt.f32.s32 v2;
	v3 =	vadd.s32 v58, v60;
	[tilespmem:s20+$0xFFFFFFC0] =	vst v6  }
.Ltmp9:
0x2ce: {  	v62 =	vshll.u32 v58, $0x2;
	v3 =	vshrl.u32 v3, $0x1;
	[tilespmem:s12+$0xFFFFFFC0] =	vst v61;
	(pc) =	sbr.rel @p1 .LBB2_18-.Ltmp9, $4  }
0x2cf: {  	v5 =	vand.u32 $0x4, v62;
	v63 =	vadd.s32 v2, v12;
	[tilespmem:s20+$0x0] =	vst v3  }
0x2d0: {  	v2 =	vshll.u32 v2, $0x2;
	v3 =	vshrl.u32 v63, $0x1;
	[tilespmem:s12+$0x0] =	vst v5  }
0x2d1: {  	v2 =	vand.u32 $0x4, v2;
	[tilespmem:s20+$0x40] =	vst v3  }
0x2d2: {  	s10 =	sadd.s32 $0x10, s10;
	s11 =	sadd.s32 $0x10, s11;
	[tilespmem:s12+$0x40] =	vst v2  }
0x2d3: {  	s2 =	simm.s32 $0x3800  }
0x2d4: {  	[tilespmem:s21], [sflag:$0x1] =	stream.indirect.gather [hbm4b:s4+s19], $0x8, s2, s19, $0xb8;
	[tilespmem:$0x17980] =	vst v63  }
0x2d5: {  	s22 =	simm.s32 $0x3880;
	s10 =	simm.s32 $0x7C00  }
0x2d6: {  	[tilespmem:s10], [sflag:$0x1] =	stream.indirect.gather [hbm4b:s4+s19], $0x8, s22, s19, $0xb8;
	[tilespmem:$0x17980] =	vst v63  }
0x2d7: {  	s23 =	simm.s32 $0x3900;
	s24 =	simm.s32 $0x8000  }
0x2d8: {  	[tilespmem:s24], [sflag:$0x1] =	stream.indirect.gather [hbm4b:s4+s19], $0x8, s23, s19, $0xb8;
	[tilespmem:$0x17980] =	vst v63  }
0x2d9: {  	s25 =	simm.s32 $0x3980;
	s26 =	simm.s32 $0x8400  }
0x2da: {  	[tilespmem:s26], [sflag:$0x1] =	stream.indirect.gather [hbm4b:s4+s19], $0x8, s25, s19, $0xb8;
	[tilespmem:$0x17980] =	vst v63  }
0x2db: {  	s11 =	simm.s32 $0x3A00;
	s12 =	simm.s32 $0x8800  }
0x2dc: {  	[tilespmem:s12], [sflag:$0x1] =	stream.indirect.gather [hbm4b:s4+s19], $0x8, s11, s19, $0xb8;
	[tilespmem:$0x17980] =	vst v63  }
0x2dd: {  	s20 =	simm.s32 $0x3A80;
	s22 =	simm.s32 $0x8C00  }
0x2de: {  	[tilespmem:s22], [sflag:$0x1] =	stream.indirect.gather [hbm4b:s4+s19], $0x8, s20, s19, $0xb8;
	[tilespmem:$0x17980] =	vst v63  }
0x2df: {  	s23 =	simm.s32 $0x3B00;
	s24 =	simm.s32 $0x9000  }
0x2e0: {  	[tilespmem:s24], [sflag:$0x1] =	stream.indirect.gather [hbm4b:s4+s19], $0x8, s23, s19, $0xb8;
	[tilespmem:$0x17980] =	vst v63  }
0x2e1: {  	s25 =	simm.s32 $0x3B80;
	s26 =	simm.s32 $0x9400  }
0x2e2: {  	[tilespmem:s26], [sflag:$0x1] =	stream.indirect.gather [hbm4b:s4+s19], $0x8, s25, s19, $0xb8;
	[tilespmem:$0x17980] =	vst v63  }
0x2e3: {  	s11 =	simm.s32 $0x3C00;
	s12 =	simm.s32 $0x9800  }
0x2e4: {  	[tilespmem:s12], [sflag:$0x1] =	stream.indirect.gather [hbm4b:s4+s19], $0x8, s11, s19, $0xb8;
	[tilespmem:$0x17980] =	vst v63  }
0x2e5: {  	s20 =	simm.s32 $0x3C80;
	s22 =	simm.s32 $0x9C00  }
0x2e6: {  	[tilespmem:s22], [sflag:$0x1] =	stream.indirect.gather [hbm4b:s4+s19], $0x8, s20, s19, $0xb8;
	[tilespmem:$0x17980] =	vst v63  }
0x2e7: {  	s23 =	simm.s32 $0x3D00;
	s24 =	simm.s32 $0xA000  }
0x2e8: {  	[tilespmem:s24], [sflag:$0x1] =	stream.indirect.gather [hbm4b:s4+s19], $0x8, s23, s19, $0xb8;
	[tilespmem:$0x17980] =	vst v63  }
0x2e9: {  	s25 =	simm.s32 $0x3D80;
	s26 =	simm.s32 $0xA400  }
0x2ea: {  	[tilespmem:s26], [sflag:$0x1] =	stream.indirect.gather [hbm4b:s4+s19], $0x8, s25, s19, $0xb8;
	[tilespmem:$0x17980] =	vst v63  }
0x2eb: {  	s11 =	simm.s32 $0x3E00;
	s12 =	simm.s32 $0xA800  }
0x2ec: {  	[tilespmem:s12], [sflag:$0x1] =	stream.indirect.gather [hbm4b:s4+s19], $0x8, s11, s19, $0xb8;
	[tilespmem:$0x17980] =	vst v63  }
0x2ed: {  	s20 =	simm.s32 $0x3E80;
	s22 =	simm.s32 $0xAC00  }
0x2ee: {  	[tilespmem:s22], [sflag:$0x1] =	stream.indirect.gather [hbm4b:s4+s19], $0x8, s20, s19, $0xb8;
	[tilespmem:$0x17980] =	vst v63  }
0x2ef: {  	s23 =	simm.s32 $0x3F00;
	s24 =	simm.s32 $0xB000  }
0x2f0: {  	[tilespmem:s24], [sflag:$0x1] =	stream.indirect.gather [hbm4b:s4+s19], $0x8, s23, s19, $0xb8;
	[tilespmem:$0x17980] =	vst v63  }
0x2f1: {  	s25 =	simm.s32 $0x3F80;
	s26 =	simm.s32 $0xB400  }
0x2f2: {  	[tilespmem:s26], [sflag:$0x1] =	stream.indirect.gather [hbm4b:s4+s19], $0x8, s25, s19, $0xb8;
	[tilespmem:$0x17980] =	vst v63  }
0x2f3: {  	s11 =	simm.s32 $0x4000;
	s12 =	simm.s32 $0xB800  }
0x2f4: {  	[tilespmem:s12], [sflag:$0x1] =	stream.indirect.gather [hbm4b:s4+s19], $0x8, s11, s19, $0xb8;
	[tilespmem:$0x17980] =	vst v63  }
0x2f5: {  	s20 =	simm.s32 $0x4080;
	s22 =	simm.s32 $0xBC00  }
0x2f6: {  	[tilespmem:s22], [sflag:$0x1] =	stream.indirect.gather [hbm4b:s4+s19], $0x8, s20, s19, $0xb8;
	[tilespmem:$0x17980] =	vst v63  }
0x2f7: {  	s23 =	simm.s32 $0x4100;
	s24 =	simm.s32 $0xC000  }
0x2f8: {  	[tilespmem:s24], [sflag:$0x1] =	stream.indirect.gather [hbm4b:s4+s19], $0x8, s23, s19, $0xb8;
	[tilespmem:$0x17980] =	vst v63  }
0x2f9: {  	s25 =	simm.s32 $0x4180;
	s26 =	simm.s32 $0xC400  }
0x2fa: {  	[tilespmem:s26], [sflag:$0x1] =	stream.indirect.gather [hbm4b:s4+s19], $0x8, s25, s19, $0xb8;
	[tilespmem:$0x17980] =	vst v63  }
0x2fb: {  	s11 =	simm.s32 $0x4200;
	s12 =	simm.s32 $0xC800  }
0x2fc: {  	[tilespmem:s12], [sflag:$0x1] =	stream.indirect.gather [hbm4b:s4+s19], $0x8, s11, s19, $0xb8;
	[tilespmem:$0x17980] =	vst v63  }
0x2fd: {  	s20 =	simm.s32 $0x4280;
	s22 =	simm.s32 $0xCC00  }
0x2fe: {  	[tilespmem:s22], [sflag:$0x1] =	stream.indirect.gather [hbm4b:s4+s19], $0x8, s20, s19, $0xb8;
	[tilespmem:$0x17980] =	vst v63  }
0x2ff: {  	s23 =	simm.s32 $0x4300;
	s24 =	simm.s32 $0xD000  }
0x300: {  	[tilespmem:s24], [sflag:$0x1] =	stream.indirect.gather [hbm4b:s4+s19], $0x8, s23, s19, $0xb8;
	[tilespmem:$0x17980] =	vst v63  }
0x301: {  	s25 =	simm.s32 $0x4380;
	s26 =	simm.s32 $0xD400  }
0x302: {  	[tilespmem:s26], [sflag:$0x1] =	stream.indirect.gather [hbm4b:s4+s19], $0x8, s25, s19, $0xb8;
	[tilespmem:$0x17980] =	vst v63  }
0x303: {  	s10 =	simm.s32 $0x4400;
	s11 =	simm.s32 $0xD800  }
0x304: {  	[tilespmem:s11], [sflag:$0x1] =	stream.indirect.gather [hbm4b:s4+s19], $0x8, s10, s19, $0xb8;
	[tilespmem:$0x17980] =	vst v63  }
0x305: {  	s12 =	simm.s32 $0x4480;
	s20 =	simm.s32 $0xDC00  }
0x306: {  	[tilespmem:s20], [sflag:$0x1] =	stream.indirect.gather [hbm4b:s4+s19], $0x8, s12, s19, $0xb8;
	[tilespmem:$0x17980] =	vst v63  }
0x307: {  	s22 =	simm.s32 $0x4500;
	s23 =	simm.s32 $0xE000  }
0x308: {  	[tilespmem:s23], [sflag:$0x1] =	stream.indirect.gather [hbm4b:s4+s19], $0x8, s22, s19, $0xb8;
	[tilespmem:$0x17980] =	vst v63  }
0x309: {  	s24 =	simm.s32 $0x4580;
	s25 =	simm.s32 $0xE400  }
0x30a: {  	[tilespmem:s25], [sflag:$0x1] =	stream.indirect.gather [hbm4b:s4+s19], $0x8, s24, s19, $0xb8;
	[tilespmem:$0x17980] =	vst v63  }
0x30b: {  	s26 =	simm.s32 $0x4600  }
0x30c: {  	[tilespmem:s28], [sflag:$0x1] =	stream.indirect.gather [hbm4b:s4+s19], $0x8, s26, s19, $0xb8;
	[tilespmem:$0x17980] =	vst v63  }
0x30d: {  	_ = 	snop  }
0x30e: {  	[tilespmem:s30], [sflag:$0x1] =	stream.indirect.gather [hbm4b:s4+s19], $0x8, s29, s19, $0xb8;
	[tilespmem:$0x17980] =	vst v63  }
0x30f: {  	_ = 	snop  }
0x310: {  	[tilespmem:s1], [sflag:$0x1] =	stream.indirect.gather [hbm4b:s4+s19], $0x8, s31, s19, $0xb8;
	[tilespmem:$0x17980] =	vst v63  }
0x311: {  	_ = 	snop  }
0x312: {  	[tilespmem:s13], [sflag:$0x1] =	stream.indirect.gather [hbm4b:s4+s19], $0x8, s0, s19, $0xb8;
	[tilespmem:$0x17980] =	vst v63  }
.LBB2_22:
0x313: {  	_ =	swait.ge [sflag:s6], $0x400  }
0x314: {  	[sflag:s6] =	ssyncset.done $0x0  }
0x315: {  	[sflag:s6] =	ssyncadd.s32 $0xFFFFFC00  }
0x316: {  	_ =	swait.ge [sflag:s6], $0x400  }
0x317: {  	[sflag:s6] =	ssyncset.done $0x0  }
0x318: {  	[sflag:s6] =	ssyncadd.s32 $0xFFFFFC00  }
0x319: {  	_ =	swait.ge [sflag:s6], $0x400  }
0x31a: {  	[sflag:s6] =	ssyncset.done $0x0  }
0x31b: {  	[sflag:s6] =	ssyncadd.s32 $0xFFFFFC00  }
0x31c: {  	_ =	swait.ge [sflag:s6], $0x400  }
0x31d: {  	[sflag:s6] =	ssyncset.done $0x0  }
0x31e: {  	[sflag:s6] =	ssyncadd.s32 $0xFFFFFC00  }
0x31f: {  	_ =	swait.ge [sflag:s6], $0x400  }
0x320: {  	[sflag:s6] =	ssyncset.done $0x0  }
0x321: {  	[sflag:s6] =	ssyncadd.s32 $0xFFFFFC00  }
0x322: {  	_ =	swait.ge [sflag:s6], $0x400  }
0x323: {  	[sflag:s6] =	ssyncset.done $0x0  }
0x324: {  	[sflag:s6] =	ssyncadd.s32 $0xFFFFFC00  }
0x325: {  	_ =	swait.ge [sflag:s6], $0x400  }
0x326: {  	[sflag:s6] =	ssyncset.done $0x0  }
0x327: {  	[sflag:s6] =	ssyncadd.s32 $0xFFFFFC00  }
0x328: {  	_ =	swait.ge [sflag:s6], $0x400  }
0x329: {  	[sflag:s6] =	ssyncset.done $0x0  }
0x32a: {  	[sflag:s6] =	ssyncadd.s32 $0xFFFFFC00  }
0x32b: {  	_ =	swait.ge [sflag:s6], $0x400  }
0x32c: {  	[sflag:s6] =	ssyncset.done $0x0  }
0x32d: {  	[sflag:s6] =	ssyncadd.s32 $0xFFFFFC00  }
0x32e: {  	_ =	swait.ge [sflag:s6], $0x400  }
0x32f: {  	[sflag:s6] =	ssyncset.done $0x0  }
0x330: {  	[sflag:s6] =	ssyncadd.s32 $0xFFFFFC00  }
0x331: {  	_ =	swait.ge [sflag:s6], $0x400  }
0x332: {  	[sflag:s6] =	ssyncset.done $0x0  }
0x333: {  	[sflag:s6] =	ssyncadd.s32 $0xFFFFFC00  }
0x334: {  	_ =	swait.ge [sflag:s6], $0x400  }
0x335: {  	[sflag:s6] =	ssyncset.done $0x0  }
0x336: {  	[sflag:s6] =	ssyncadd.s32 $0xFFFFFC00  }
0x337: {  	_ =	swait.ge [sflag:s6], $0x400  }
0x338: {  	[sflag:s6] =	ssyncset.done $0x0  }
0x339: {  	[sflag:s6] =	ssyncadd.s32 $0xFFFFFC00  }
0x33a: {  	_ =	swait.ge [sflag:s6], $0x400  }
0x33b: {  	[sflag:s6] =	ssyncset.done $0x0  }
0x33c: {  	[sflag:s6] =	ssyncadd.s32 $0xFFFFFC00  }
0x33d: {  	_ =	swait.ge [sflag:s6], $0x400  }
0x33e: {  	[sflag:s6] =	ssyncset.done $0x0  }
0x33f: {  	[sflag:s6] =	ssyncadd.s32 $0xFFFFFC00  }
0x340: {  	_ =	swait.ge [sflag:s6], $0x400  }
0x341: {  	[sflag:s6] =	ssyncset.done $0x0  }
0x342: {  	[sflag:s6] =	ssyncadd.s32 $0xFFFFFC00  }
0x343: {  	_ =	swait.ge [sflag:s6], $0x400  }
0x344: {  	[sflag:s6] =	ssyncset.done $0x0  }
0x345: {  	[sflag:s6] =	ssyncadd.s32 $0xFFFFFC00  }
0x346: {  	_ =	swait.ge [sflag:s6], $0x400  }
0x347: {  	[sflag:s6] =	ssyncset.done $0x0  }
0x348: {  	[sflag:s6] =	ssyncadd.s32 $0xFFFFFC00  }
0x349: {  	_ =	swait.ge [sflag:s6], $0x400  }
0x34a: {  	[sflag:s6] =	ssyncset.done $0x0  }
0x34b: {  	[sflag:s6] =	ssyncadd.s32 $0xFFFFFC00  }
0x34c: {  	_ =	swait.ge [sflag:s6], $0x400  }
0x34d: {  	[sflag:s6] =	ssyncset.done $0x0  }
0x34e: {  	[sflag:s6] =	ssyncadd.s32 $0xFFFFFC00  }
0x34f: {  	_ =	swait.ge [sflag:s6], $0x400  }
0x350: {  	[sflag:s6] =	ssyncset.done $0x0  }
0x351: {  	[sflag:s6] =	ssyncadd.s32 $0xFFFFFC00  }
0x352: {  	_ =	swait.ge [sflag:s6], $0x400  }
0x353: {  	[sflag:s6] =	ssyncset.done $0x0  }
0x354: {  	[sflag:s6] =	ssyncadd.s32 $0xFFFFFC00  }
0x355: {  	_ =	swait.ge [sflag:s6], $0x400  }
0x356: {  	[sflag:s6] =	ssyncset.done $0x0  }
0x357: {  	[sflag:s6] =	ssyncadd.s32 $0xFFFFFC00  }
0x358: {  	_ =	swait.ge [sflag:s6], $0x400  }
0x359: {  	[sflag:s6] =	ssyncset.done $0x0  }
0x35a: {  	[sflag:s6] =	ssyncadd.s32 $0xFFFFFC00  }
0x35b: {  	_ =	swait.ge [sflag:s6], $0x400  }
0x35c: {  	[sflag:s6] =	ssyncset.done $0x0  }
0x35d: {  	[sflag:s6] =	ssyncadd.s32 $0xFFFFFC00  }
0x35e: {  	_ =	swait.ge [sflag:s6], $0x400  }
0x35f: {  	[sflag:s6] =	ssyncset.done $0x0  }
0x360: {  	[sflag:s6] =	ssyncadd.s32 $0xFFFFFC00  }
0x361: {  	_ =	swait.ge [sflag:s6], $0x400  }
0x362: {  	[sflag:s6] =	ssyncset.done $0x0  }
0x363: {  	[sflag:s6] =	ssyncadd.s32 $0xFFFFFC00  }
0x364: {  	_ =	swait.ge [sflag:s6], $0x400  }
0x365: {  	[sflag:s6] =	ssyncset.done $0x0  }
0x366: {  	[sflag:s6] =	ssyncadd.s32 $0xFFFFFC00  }
0x367: {  	_ =	swait.ge [sflag:s6], $0x400  }
0x368: {  	[sflag:s6] =	ssyncset.done $0x0  }
0x369: {  	[sflag:s6] =	ssyncadd.s32 $0xFFFFFC00  }
0x36a: {  	_ =	swait.ge [sflag:s6], $0x400  }
0x36b: {  	[sflag:s6] =	ssyncset.done $0x0  }
0x36c: {  	[sflag:s6] =	ssyncadd.s32 $0xFFFFFC00  }
0x36d: {  	_ =	swait.ge [sflag:s6], $0x400  }
0x36e: {  	[sflag:s6] =	ssyncset.done $0x0  }
0x36f: {  	[sflag:s6] =	ssyncadd.s32 $0xFFFFFC00  }
0x370: {  	_ =	swait.ge [sflag:s6], $0x400  }
0x371: {  	[sflag:s6] =	ssyncset.done $0x0  }
0x372: {  	s2 =	simm.s32 @!p0 $0x5;
	[sflag:s6] =	ssyncadd.s32 $0xFFFFFC00  }
0x373: {  	_ =	swait.ge @!p0 [sflag:s2], $0xC0  }
0x374: {  	s11 =	sadd.s32 $0x3000, s9;
	[sflag:s2] =	ssyncset.done @!p0 $0x0  }
0x375: {  	s10 =	simm.s32 $0x0;
	v1 =	vmov s11;
	[sflag:s2] =	ssyncadd.s32 @!p0 $0xFFFFFF40;
	s2 =	simm.s32 $0x68C0  }
.LBB2_23:
0x376: {  	s11 =	sshll.u32 s10, $0x4;
	v3 =	vld [tilespmem:s2+$0xFFFFFF40]  }
0x377: {  	v7 =	vld [tilespmem:s2+$0x0];
	s12 =	sor.u32 $0x1000, s11  }
0x378: {  	s20 =	simm.s32 $0x40;
	v10 =	vld [tilespmem:s2+$0xFFFFFF80];
	v2 =	vor.u32 s12, v0  }
0x379: {  	s25 =	simm.s32 $0xC0;
	s22 =	simm.s32 $0x0;
	s26 =	simm.s32 $0x80;
	v13 =	vld [tilespmem:s2+$0xFFFFFFC0];
	v4 =	vor.u32 s20, v2  }
0x37a: {  	v5 =	vor.u32 s25, v2;
	v6 =	vor.u32 s22, v2;
	v8 =	vor.u32 s26, v2  }
0x37b: {  	v4 =	vshll.u32 v4, $0x3;
	v5 =	vshll.u32 v5, $0x3;
	v6 =	vshll.u32 v6, $0x3  }
0x37c: {  	v8 =	vshll.u32 v8, $0x3;
	v9 =	vadd.s32 $0x1, v3;
	v11 =	vadd.s32 $0x2, v3  }
0x37d: {  	v14 =	vadd.s32 $0x3, v3;
	v17 =	vand.u32 $0xFFFFFFF8, v7;
	v18 =	vand.u32 $0x7, v10  }
0x37e: {  	v19 =	vand.u32 $0xFFFFFFF8, v13;
	v20 =	vadd.s32 $0x2, v13;
	v21 =	vadd.s32 $0x2, v7  }
0x37f: {  	v12 =	vand.u32 $0xFFFFFFF8, v9;
	v9 =	vand.u32 $0x7, v9;
	v15 =	vand.u32 $0xFFFFFFF8, v11  }
0x380: {  	v16 =	vand.u32 $0xFFFFFFF8, v14;
	v14 =	vand.u32 $0x7, v14;
	v12 =	vadd.s32 v6, v12  }
0x381: {  	v9 =	vor.u32 v9, v12;
	v12 =	vadd.s32 v6, v15;
	v15 =	vadd.s32 v6, v16  }
0x382: {  	v22 =	vadd.s32 $0x3, v10;
	v25 =	vand.u32 $0x7, v13;
	v14 =	vor.u32 v14, v15  }
0x383: {  	v54 =	vadd.s32 $0x2, v10;
	v11 =	vand.u32 $0x7, v11;
	v19 =	vadd.s32 v8, v19  }
0x384: {  	v26 =	vand.u32 $0x7, v20;
	v17 =	vadd.s32 v5, v17;
	v16 =	vand.u32 $0x7, v3  }
0x385: {  	v15 =	vand.u32 $0xFFFFFFF8, v3;
	v3 =	vand.u32 $0xFFFFFFF8, v10;
	v11 =	vor.u32 v11, v12  }
0x386: {  	v12 =	vand.u32 $0xFFFFFFF8, v22;
	v3 =	vadd.s32 v4, v3;
	v6 =	vadd.s32 v6, v15  }
0x387: {  	v15 =	vand.u32 $0x7, v7;
	v18 =	vor.u32 v18, v3;
	v3 =	vadd.s32 $0x3, v13;
	v14 =	vld.idx.msk [tilespmem:v14+s21+$0x0], $0xffff  }
0x388: {  	v6 =	vor.u32 v16, v6;
	v23 =	vand.u32 $0xFFFFFFF8, v3;
	v24 =	vand.u32 $0x7, v3;
	v3 =	vld.idx.msk [tilespmem:v1+s11+$0x0 ss:$0x1], $0xffff  }
0x389: {  	v22 =	vand.u32 $0x7, v22;
	v12 =	vadd.s32 v4, v12;
	v15 =	vor.u32 v15, v17;
	v9 =	vld.idx.msk [tilespmem:v9+s21+$0x0], $0xffff  }
0x38a: {  	v55 =	vand.u32 $0xFFFFFFF8, v21;
	v56 =	vand.u32 $0xFFFFFFF8, v54;
	v12 =	vor.u32 v22, v12  }
0x38b: {  	v21 =	vand.u32 $0x7, v21;
	v58 =	vor.u32 v25, v19;
	v10 =	vadd.s32 $0x1, v10;
	v11 =	vld.idx.msk [tilespmem:v11+s21+$0x0], $0xffff  }
0x38c: {  	v57 =	vand.u32 $0xFFFFFFF8, v10;
	v10 =	vand.u32 $0x7, v10;
	v18 =	vld.idx.msk [tilespmem:v18+s21+$0x0], $0xffff;
	v14 =	vmax.f32 v14, $0.0e+00  }
0x38d: {  	v13 =	vadd.s32 $0x1, v13;
	v22 =	vand.u32 $0x7, v54;
	v6 =	vld.idx.msk [tilespmem:v6+s21+$0x0], $0xffff;
	v14 =	vmul.f32 v14, v3  }
0x38e: {  	v27 =	vand.u32 $0x7, v13;
	v16 =	vadd.s32 v8, v23;
	v15 =	vld.idx.msk [tilespmem:v15+s21+$0x0], $0xffff;
	v9 =	vsub.f32 $0.0e+00, v9  }
0x38f: {  	v23 =	vadd.s32 v5, v55;
	v16 =	vor.u32 v24, v16;
	v12 =	vld.idx.msk [tilespmem:v12+s21+$0x0], $0xffff;
	v14 =	vsub.f32 $0.0e+00, v14  }
0x390: {  	v13 =	vand.u32 $0xFFFFFFF8, v13;
	v17 =	vor.u32 v21, v23;
	v9 =	vmul.f32 $1.442695020e+00, v9  }
0x391: {  	v13 =	vadd.s32 v8, v13;
	v11 =	vsub.f32 $0.0e+00, v11;
	v14 =	vmul.f32 $1.442695020e+00, v14  }
0x392: {  	v18 =	vsub.f32 $0.0e+00, v18;
	v6 =	vsub.f32 $0.0e+00, v6;
	(erf) = vpow2.f32 v9  }
0x393: {  	v15 =	vsub.f32 $0.0e+00, v15;
	v9 =	vmul.f32 $1.442695020e+00, v11;
	(erf) = vpow2.f32 v14  }
0x394: {  	v16 =	vld.idx.msk [tilespmem:v16+s21+$0x0], $0xffff;
	v11 =	vmax.f32 v12, $0.0e+00;
	v12 =	vadd.s32 $0x3, v7;
	v14 =	vand.u32 $0xFFFFFFF8, v20  }
0x395: {  	v17 =	vld.idx.msk [tilespmem:v17+s21+$0x0], $0xffff;
	v8 =	vadd.s32 v8, v14;
	(erf) = vpow2.f32 v9;
	v9 =	vmul.f32 $1.442695020e+00, v18  }
0x396: {  	v7 =	vadd.s32 $0x1, v7;
	v11 =	vmul.f32 v11, v3;
	v8 =	vor.u32 v26, v8  }
0x397: {  	v59 =	vand.u32 $0xFFFFFFF8, v7;
	(erf) = vpow2.f32 v9;
	v9 =	vor.u32 v27, v13  }
0x398: {  	v6 =	vmul.f32 $1.442695020e+00, v6;
	v7 =	vand.u32 $0x7, v7;
	v15 =	vmul.f32 $1.442695020e+00, v15  }
0x399: {  	v16 =	vmax.f32 v16, $0.0e+00;
	v19 =	vadd.s32 v5, v59;
	v11 =	vsub.f32 $0.0e+00, v11  }
0x39a: {  	v17 =	vsub.f32 $0.0e+00, v17;
	v14 =	vand.u32 $0x7, v12;
	v12 =	vand.u32 $0xFFFFFFF8, v12;
	v18 =	vld.idx.msk [tilespmem:v58+s21+$0x0], $0xffff  }
0x39b: {  	v7 =	vor.u32 v7, v19;
	v11 =	vmul.f32 $1.442695020e+00, v11;
	v5 =	vadd.s32 v5, v12;
	v60 =	vpop (erf);
	v8 =	vld.idx.msk [tilespmem:v8+s21+$0x0], $0xffff  }
0x39c: {  	v13 =	vadd.s32 v4, v56;
	v5 =	vor.u32 v14, v5;
	v9 =	vld.idx.msk [tilespmem:v9+s21+$0x0], $0xffff;
	v61 =	vpop (erf);
	(erf) = vpow2.f32 v6  }
0x39d: {  	v6 =	vmul.f32 v16, v3;
	v16 =	vadd.f32 $1.000000000e+00, v60;
	(erf) = vpow2.f32 v11  }
0x39e: {  	v17 =	vmul.f32 $1.442695020e+00, v17;
	v4 =	vadd.s32 v4, v57;
	v13 =	vor.u32 v22, v13  }
0x39f: {  	v4 =	vor.u32 v10, v4;
	v14 =	vsub.f32 $0.0e+00, v18;
	v62 =	vpop (erf);
	(erf) = vrcp.f32 v16  }
0x3a0: {  	v11 =	vadd.f32 $1.000000000e+00, v62;
	(erf) = vpow2.f32 v15;
	v12 =	vpop (erf);
	v8 =	vsub.f32 $0.0e+00, v8  }
0x3a1: {  	v7 =	vld.idx.msk [tilespmem:v7+s21+$0x0], $0xffff;
	(erf) = vpow2.f32 v17;
	v10 =	vadd.f32 $1.000000000e+00, v12;
	v9 =	vsub.f32 $0.0e+00, v9  }
0x3a2: {  	v5 =	vld.idx.msk [tilespmem:v5+s21+$0x0], $0xffff;
	v12 =	vsub.f32 $1.000000000e+00, v61;
	(erf) = vrcp.f32 v11;
	v11 =	vmul.f32 $1.442695020e+00, v14  }
0x3a3: {  	v6 =	vsub.f32 $0.0e+00, v6;
	v8 =	vmul.f32 $1.442695020e+00, v8;
	(erf) = vrcp.f32 v10;
	v10 =	vld.idx.msk [tilespmem:v13+s21+$0x0], $0xffff  }
0x3a4: {  	v9 =	vmul.f32 $1.442695020e+00, v9;
	v13 =	vld.idx.msk [tilespmem:v4+s21+$0x0], $0xffff;
	(erf) = vpow2.f32 v11  }
0x3a5: {  	v6 =	vmul.f32 $1.442695020e+00, v6;
	v11 =	vimm.f32 $1.000000000e+00;
	(erf) = vpow2.f32 v8;
	v4 =	vpop (erf)  }
0x3a6: {  	v7 =	vsub.f32 $0.0e+00, v7;
	v16 =	vmul.f32 v12, v11;
	v12 =	vpop (erf);
	(erf) = vpow2.f32 v9  }
0x3a7: {  	v5 =	vmax.f32 v5, $0.0e+00;
	v8 =	vadd.f32 $1.000000000e+00, v4;
	(erf) = vpow2.f32 v6  }
0x3a8: {  	v9 =	vpop (erf);
	v6 =	vmul.f32 $1.442695020e+00, v7;
	v7 =	vsub.f32 $0.0e+00, v10;
	v10 =	vmul.f32 v61, v11  }
0x3a9: {  	v11 =	vpop (erf);
	(erf) = vrcp.f32 v8;
	v17 =	vmul.f32 v16, v9;
	v9 =	vsub.f32 $0.0e+00, v13  }
0x3aa: {  	v5 =	vmul.f32 v5, v3;
	v14 =	vpop (erf);
	(erf) = vpow2.f32 v6  }
0x3ab: {  	v8 =	vsub.f32 $1.000000000e+00, v12;
	v7 =	vmul.f32 $1.442695020e+00, v7;
	v13 =	vpop (erf);
	v9 =	vmul.f32 $1.442695020e+00, v9  }
0x3ac: {  	v15 =	vsub.f32 $0.0e+00, v5;
	v6 =	vmul.f32 v12, v10;
	v12 =	vpop (erf)  }
0x3ad: {  	v63 =	vadd.f32 $1.000000000e+00, v14;
	v5 =	vmul.f32 v8, v10;
	(erf) = vpow2.f32 v7;
	v14 =	vpop (erf)  }
0x3ae: {  	v10 =	vmul.f32 $1.442695020e+00, v15;
	(erf) = vpow2.f32 v9;
	v8 =	vadd.f32 $1.000000000e+00, v14  }
0x3af: {  	v4 =	vimm.f32 $0.0e+00;
	v9 =	vpop (erf)  }
0x3b0: {  	v13 =	vmul.f32 v16, v13;
	v14 =	vadd.f32 $1.000000000e+00, v11;
	v11 =	vpop (erf);
	(erf) = vrcp.f32 v8  }
0x3b1: {  	v9 =	vadd.f32 $1.000000000e+00, v9;
	v8 =	vadd.f32 $1.000000000e+00, v11;
	v11 =	vpop (erf);
	(erf) = vpow2.f32 v10  }
0x3b2: {  	v12 =	vmul.f32 v5, v12;
	v7 =	vadd.f32 v13, v4;
	v10 =	vpop (erf)  }
0x3b3: {  	v15 =	vsub.f32 $1.000000000e+00, v11;
	(erf) = vrcp.f32 v9;
	v9 =	vmul.f32 v16, v10  }
0x3b4: {  	s12 =	simm.s32 $0x0;
	s20 =	simm.s32 $0x1C0;
	s22 =	sadd.s32 $0x100, s2;
	v13 =	vmul.f32 v11, v6;
	v10 =	vadd.f32 v17, v4;
	v11 =	vpop (erf);
	(erf) = vrcp.f32 v63  }
.LBB2_24:
0x3b5: {  	s23 =	sadd.s32 $0xFFFFFF40, s20;
	v16 =	vld [tilespmem:s22+$0xFFFFFF40];
	s24 =	sadd.s32 $0xFFFFFF80, s20;
	s25 =	sadd.s32 $0xFFFFFFC0, s20;
	v4 =	vadd.f32 v9, v4;
	v17 =	vadd.f32 $1.000000000e+00, v11;
	(erf) = vrcp.f32 v8  }
0x3b6: {  	v20 =	vor.u32 s20, v2;
	s12 =	sadd.s32 $0x4, s12;
	v18 =	vor.u32 s23, v2;
	v8 =	vor.u32 s24, v2;
	v19 =	vld [tilespmem:s22+$0xFFFFFFC0];
	v21 =	vpop (erf)  }
0x3b7: {  	p0 =	slt.u32 s12, $0x3C;
	v9 =	vshll.u32 v8, $0x3;
	v11 =	vld [tilespmem:s22+$0x0];
	v8 =	vshll.u32 v20, $0x3;
	v20 =	vadd.f32 $1.000000000e+00, v21;
	v21 =	vpop (erf)  }
0x3b8: {  	v23 =	vor.u32 s25, v2;
	v4 =	vadd.f32 v12, v4;
	(erf) = vrcp.f32 v14  }
0x3b9: {  	v15 =	vmul.f32 v15, v6;
	v12 =	vshll.u32 v23, $0x3;
	v14 =	vshll.u32 v18, $0x3;
	v18 =	vld [tilespmem:s22+$0xFFFFFF80];
	v22 =	vpop (erf)  }
0x3ba: {  	v23 =	vadd.s32 $0x1, v16;
	v24 =	vadd.s32 $0x2, v16;
	(erf) = vrcp.f32 v20;
	v6 =	vpop (erf)  }
0x3bb: {  	v20 =	vand.u32 $0xFFFFFFF8, v23;
	v25 =	vand.u32 $0xFFFFFFF8, v24;
	v26 =	vsub.f32 $1.000000000e+00, v6  }
0x3bc: {  	v6 =	vmul.f32 v6, v13;
	v20 =	vadd.s32 v14, v20;
	v25 =	vadd.s32 v14, v25;
	v27 =	vpop (erf)  }
0x3bd: {  	v22 =	vmul.f32 v15, v22;
	v23 =	vand.u32 $0x7, v23;
	v24 =	vand.u32 $0x7, v24;
	v28 =	vpop (erf)  }
0x3be: {  	v29 =	vand.u32 $0x7, v16;
	v30 =	vadd.s32 $0x3, v16;
	v31 =	vpop (erf)  }
0x3bf: {  	v33 =	vand.u32 $0xFFFFFFF8, v30;
	v30 =	vand.u32 $0x7, v30;
	v31 =	vmul.f32 v15, v31  }
0x3c0: {  	v21 =	vadd.f32 $1.000000000e+00, v21;
	v20 =	vor.u32 v23, v20;
	v23 =	vadd.s32 v14, v33  }
0x3c1: {  	v16 =	vand.u32 $0xFFFFFFF8, v16;
	v23 =	vor.u32 v30, v23;
	v30 =	vand.u32 $0xFFFFFFF8, v11;
	v32 =	vpop (erf)  }
0x3c2: {  	v33 =	vand.u32 $0xFFFFFFF8, v18;
	v34 =	vand.u32 $0x7, v18;
	v15 =	vmul.f32 v15, v27  }
0x3c3: {  	v27 =	vadd.s32 v9, v33;
	v33 =	vand.u32 $0xFFFFFFF8, v19;
	v35 =	vpop (erf);
	(erf) = vrcp.f32 v17  }
0x3c4: {  	v17 =	vor.u32 v34, v27;
	v27 =	vadd.s32 $0x2, v19;
	v34 =	vadd.s32 $0x2, v11  }
0x3c5: {  	v37 =	vadd.s32 $0x3, v19;
	v13 =	vmul.f32 v26, v13;
	v36 =	vadd.s32 $0x3, v18;
	v20 =	vld.idx.msk [tilespmem:v20+s21+$0x0], $0xffff  }
0x3c6: {  	v26 =	vand.u32 $0xFFFFFFF8, v37;
	v37 =	vand.u32 $0x7, v37;
	v23 =	vld.idx.msk [tilespmem:v23+s21+$0x0], $0xffff;
	(erf) = vrcp.f32 v21  }
0x3c7: {  	v21 =	vor.u32 v24, v25;
	v24 =	vand.u32 $0x7, v36;
	v25 =	vmul.f32 v5, v35  }
0x3c8: {  	v28 =	vmul.f32 v13, v28;
	v33 =	vadd.s32 v12, v33;
	v35 =	vand.u32 $0xFFFFFFF8, v36  }
0x3c9: {  	v38 =	vand.u32 $0x7, v27;
	v36 =	vand.u32 $0x7, v19;
	v35 =	vadd.s32 v9, v35  }
0x3ca: {  	v4 =	vadd.f32 v22, v4;
	v39 =	vadd.s32 $0x2, v18;
	v24 =	vor.u32 v24, v35  }
0x3cb: {  	v18 =	vadd.s32 $0x1, v18;
	v22 =	vmul.f32 v13, v32;
	v20 =	vsub.f32 $0.0e+00, v20;
	v17 =	vld.idx.msk [tilespmem:v17+s21+$0x0], $0xffff  }
0x3cc: {  	v14 =	vadd.s32 v14, v16;
	v19 =	vadd.s32 $0x1, v19;
	v16 =	vld.idx.msk [tilespmem:v21+s21+$0x0], $0xffff;
	v21 =	vand.u32 $0x7, v11;
	v32 =	vpop (erf)  }
0x3cd: {  	v35 =	vand.u32 $0x7, v19;
	v23 =	vmax.f32 v23, $0.0e+00;
	v20 =	vmul.f32 $1.442695020e+00, v20  }
0x3ce: {  	v14 =	vor.u32 v29, v14;
	v29 =	vand.u32 $0xFFFFFFF8, v34;
	v7 =	vadd.f32 v25, v7  }
0x3cf: {  	v19 =	vand.u32 $0xFFFFFFF8, v19;
	v25 =	vadd.s32 v12, v26;
	v23 =	vmul.f32 v23, v3;
	v26 =	vpop (erf)  }
0x3d0: {  	v29 =	vadd.s32 v8, v29;
	v25 =	vor.u32 v37, v25;
	v24 =	vld.idx.msk [tilespmem:v24+s21+$0x0], $0xffff;
	v5 =	vmul.f32 v5, v26  }
0x3d1: {  	v19 =	vadd.s32 v12, v19;
	v23 =	vsub.f32 $0.0e+00, v23;
	v26 =	vand.u32 $0xFFFFFFF8, v39  }
0x3d2: {  	v30 =	vadd.s32 v8, v30;
	v34 =	vand.u32 $0x7, v34;
	v7 =	vadd.f32 v15, v7  }
0x3d3: {  	v4 =	vadd.f32 v22, v4;
	v21 =	vor.u32 v21, v30;
	v15 =	vmul.f32 $1.442695020e+00, v23  }
0x3d4: {  	v22 =	vor.u32 v34, v29;
	v16 =	vsub.f32 $0.0e+00, v16;
	v5 =	vadd.f32 v5, v10  }
0x3d5: {  	v23 =	vand.u32 $0xFFFFFFF8, v18;
	v18 =	vand.u32 $0x7, v18;
	(erf) = vpow2.f32 v20  }
0x3d6: {  	v10 =	vmul.f32 $1.442695020e+00, v16;
	v5 =	vadd.f32 v31, v5;
	v16 =	vmax.f32 v24, $0.0e+00  }
0x3d7: {  	v13 =	vmul.f32 v13, v32;
	v20 =	vadd.s32 $0x3, v11;
	v16 =	vmul.f32 v16, v3;
	v14 =	vld.idx.msk [tilespmem:v14+s21+$0x0], $0xffff  }
0x3d8: {  	v7 =	vadd.f32 v28, v7;
	v24 =	vand.u32 $0x7, v39;
	v21 =	vld.idx.msk [tilespmem:v21+s21+$0x0], $0xffff;
	(erf) = vpow2.f32 v15  }
0x3d9: {  	v15 =	vsub.f32 $0.0e+00, v17;
	v17 =	vand.u32 $0xFFFFFFF8, v27;
	v27 =	vand.u32 $0x7, v20  }
0x3da: {  	v12 =	vadd.s32 v12, v17;
	v17 =	vld.idx.msk [tilespmem:v25+s21+$0x0], $0xffff;
	(erf) = vpow2.f32 v10;
	v10 =	vadd.f32 v13, v5  }
0x3db: {  	v20 =	vand.u32 $0xFFFFFFF8, v20;
	v5 =	vor.u32 v36, v33;
	v12 =	vor.u32 v38, v12;
	v13 =	vld.idx.msk [tilespmem:v22+s21+$0x0], $0xffff  }
0x3dc: {  	v19 =	vor.u32 v35, v19;
	v16 =	vsub.f32 $0.0e+00, v16;
	v15 =	vmul.f32 $1.442695020e+00, v15  }
0x3dd: {  	v11 =	vadd.s32 $0x1, v11;
	v22 =	vadd.s32 v9, v26;
	v14 =	vsub.f32 $0.0e+00, v14  }
0x3de: {  	v16 =	vmul.f32 $1.442695020e+00, v16;
	v25 =	vand.u32 $0xFFFFFFF8, v11;
	v26 =	vpop (erf);
	(erf) = vpow2.f32 v15  }
0x3df: {  	v11 =	vand.u32 $0x7, v11;
	v14 =	vmul.f32 $1.442695020e+00, v14;
	v15 =	vsub.f32 $0.0e+00, v21  }
0x3e0: {  	v21 =	vor.u32 v24, v22;
	v22 =	vadd.s32 v8, v25;
	v17 =	vmax.f32 v17, $0.0e+00  }
0x3e1: {  	v15 =	vmul.f32 $1.442695020e+00, v15;
	v13 =	vsub.f32 $0.0e+00, v13;
	v12 =	vld.idx.msk [tilespmem:v12+s21+$0x0], $0xffff;
	v24 =	vpop (erf);
	(erf) = vpow2.f32 v14  }
0x3e2: {  	v9 =	vadd.s32 v9, v23;
	v11 =	vor.u32 v11, v22;
	v14 =	vmul.f32 v17, v3;
	v5 =	vld.idx.msk [tilespmem:v5+s21+$0x0], $0xffff  }
0x3e3: {  	v9 =	vor.u32 v18, v9;
	v17 =	vadd.f32 $1.000000000e+00, v26;
	v13 =	vmul.f32 $1.442695020e+00, v13;
	v18 =	vld.idx.msk [tilespmem:v19+s21+$0x0], $0xffff;
	v19 =	vpop (erf)  }
0x3e4: {  	v22 =	vsub.f32 $1.000000000e+00, v24;
	v19 =	vadd.f32 $1.000000000e+00, v19;
	(erf) = vpow2.f32 v16  }
0x3e5: {  	v8 =	vadd.s32 v8, v20;
	(erf) = vrcp.f32 v17  }
0x3e6: {  	v14 =	vsub.f32 $0.0e+00, v14;
	v16 =	vmul.f32 v22, v6;
	v17 =	vld.idx.msk [tilespmem:v21+s21+$0x0], $0xffff;
	(erf) = vpow2.f32 v15  }
0x3e7: {  	v8 =	vor.u32 v27, v8;
	v12 =	vsub.f32 $0.0e+00, v12;
	v15 =	vpop (erf);
	(erf) = vpow2.f32 v13  }
0x3e8: {  	v5 =	vsub.f32 $0.0e+00, v5;
	(erf) = vrcp.f32 v19  }
0x3e9: {  	v13 =	vadd.f32 $1.000000000e+00, v15;
	v12 =	vmul.f32 $1.442695020e+00, v12;
	v11 =	vld.idx.msk [tilespmem:v11+s21+$0x0], $0xffff  }
0x3ea: {  	v15 =	vsub.f32 $0.0e+00, v18;
	v5 =	vmul.f32 $1.442695020e+00, v5;
	v9 =	vld.idx.msk [tilespmem:v9+s21+$0x0], $0xffff;
	v18 =	vpop (erf)  }
0x3eb: {  	v18 =	vadd.f32 $1.000000000e+00, v18;
	(erf) = vrcp.f32 v13  }
0x3ec: {  	v20 =	vmul.f32 $1.442695020e+00, v15;
	v13 =	vsub.f32 $0.0e+00, v17;
	v8 =	vld.idx.msk [tilespmem:v8+s21+$0x0], $0xffff;
	(erf) = vpow2.f32 v5  }
0x3ed: {  	v21 =	vmul.f32 $1.442695020e+00, v14;
	v14 =	vpop (erf);
	(erf) = vpow2.f32 v12  }
0x3ee: {  	v12 =	vmul.f32 v24, v6;
	v17 =	vsub.f32 $1.000000000e+00, v14;
	v6 =	vpop (erf);
	(erf) = vpow2.f32 v20  }
0x3ef: {  	v11 =	vsub.f32 $0.0e+00, v11;
	v19 =	vmul.f32 v16, v6;
	(erf) = vpow2.f32 v21;
	v15 =	vpop (erf)  }
0x3f0: {  	v13 =	vmul.f32 $1.442695020e+00, v13;
	v9 =	vsub.f32 $0.0e+00, v9;
	v6 =	vmul.f32 v14, v12;
	v5 =	vpop (erf)  }
0x3f1: {  	v21 =	vmul.f32 $1.442695020e+00, v11;
	v20 =	vadd.f32 $1.000000000e+00, v5;
	(erf) = vrcp.f32 v18;
	v5 =	vpop (erf)  }
0x3f2: {  	v8 =	vmax.f32 v8, $0.0e+00;
	v18 =	vmul.f32 v16, v5;
	v5 =	vmul.f32 v17, v12  }
0x3f3: {  	v14 =	vadd.f32 $1.000000000e+00, v15;
	v8 =	vmul.f32 v8, v3;
	(erf) = vpow2.f32 v21  }
0x3f4: {  	v15 =	vmul.f32 $1.442695020e+00, v9;
	v7 =	vadd.f32 v18, v7;
	v11 =	vpop (erf)  }
0x3f5: {  	v18 =	vsub.f32 $0.0e+00, v8;
	v12 =	vmul.f32 v5, v11;
	(erf) = vpow2.f32 v13;
	v11 =	vpop (erf)  }
0x3f6: {  	v11 =	vadd.f32 $1.000000000e+00, v11;
	(erf) = vpow2.f32 v15;
	v9 =	vpop (erf)  }
0x3f7: {  	v18 =	vmul.f32 $1.442695020e+00, v18;
	v17 =	vadd.f32 $1.000000000e+00, v9;
	v8 =	vpop (erf)  }
.Ltmp10:
0x3f8: {  	v8 =	vadd.f32 $1.000000000e+00, v8;
	v13 =	vpop (erf);
	(erf) = vrcp.f32 v11;
	(pc) =	sbr.rel @p0 .LBB2_24-.Ltmp10, $4  }
0x3f9: {  	v15 =	vsub.f32 $1.000000000e+00, v13;
	v13 =	vmul.f32 v13, v6;
	(erf) = vpow2.f32 v18  }
0x3fa: {  	v9 =	vpop (erf)  }
0x3fb: {  	v9 =	vmul.f32 v16, v9;
	(erf) = vrcp.f32 v17  }
0x3fc: {  	s20 =	sadd.s32 $0x100, s20;
	s22 =	sadd.s32 $0x100, s22;
	v10 =	vadd.f32 v19, v10;
	v11 =	vpop (erf);
	(erf) = vrcp.f32 v20  }
0x3fd: {  	_ = 	snop  }
0x3fe: {  	v2 =	vpop (erf)  }
0x3ff: {  	(erf) = vrcp.f32 v8;
	v2 =	vadd.f32 $1.000000000e+00, v2  }
0x400: {  	v52 =	vpop (erf);
	(erf) = vrcp.f32 v14  }
0x401: {  	v3 =	vadd.f32 $1.000000000e+00, v11;
	(erf) = vrcp.f32 v2;
	v2 =	vadd.f32 $1.000000000e+00, v52;
	_ =	sdelay $0x1  }
0x402: {  	(erf) = vrcp.f32 v3  }
0x403: {  	(erf) = vrcp.f32 v2  }
0x404: {  	v2 =	vpop (erf)  }
0x405: {  	v3 =	vpop (erf)  }
0x406: {  	v53 =	vpop (erf)  }
0x407: {  	v54 =	vpop (erf)  }
0x408: {  	v55 =	vpop (erf)  }
0x409: {  	v4 =	vadd.f32 v9, v4;
	v6 =	vmul.f32 v15, v6;
	v16 =	vpop (erf)  }
0x40a: {  	v56 =	vsub.f32 $1.000000000e+00, v3;
	v17 =	vpop (erf)  }
0x40b: {  	v4 =	vadd.f32 v12, v4;
	v2 =	vmul.f32 v6, v2;
	v18 =	vpop (erf)  }
0x40c: {  	v9 =	vmul.f32 v56, v13;
	v17 =	vmul.f32 v5, v17;
	v57 =	vpop (erf)  }
0x40d: {  	v2 =	vadd.f32 v2, v4;
	v59 =	vmul.f32 v6, v55;
	v58 =	vmul.f32 v5, v57  }
0x40e: {  	v6 =	vmul.f32 v6, v53;
	v60 =	vmul.f32 v9, v16;
	v7 =	vadd.f32 v17, v7  }
0x40f: {  	v3 =	vmul.f32 v3, v13;
	v61 =	vmul.f32 v9, v18;
	v5 =	vadd.f32 v58, v10  }
0x410: {  	v9 =	vmul.f32 v9, v54;
	v2 =	vadd.f32 v60, v2;
	v6 =	vadd.f32 v6, v7  }
0x411: {  	s10 =	sadd.s32 $0x1, s10;
	v5 =	vadd.f32 v59, v5  }
0x412: {  	p0 =	sne.s32 s10, $0x4;
	v2 =	vadd.f32 v2, v3;
	v63 =	vadd.f32 v9, v6  }
.Ltmp11:
0x413: {  	v62 =	vadd.f32 v61, v5;
	(pc) =	sbr.rel @p0 .LBB2_23-.Ltmp11, $4  }
0x414: {  	[tilespmem:s11+$0x178C0] =	vst v2;
	v2 =	vadd.f32 v63, v3  }
0x415: {  	v4 =	vadd.f32 v62, v3  }
0x416: {  	[tilespmem:s11+$0x17940] =	vst v2  }
0x417: {  	s2 =	sadd.s32 $0x10, s2;
	[tilespmem:s11+$0x17900] =	vst v4  }
0x418: {  	s8 =	sadd.s32 $0x1, s8  }
0x419: {  	p0 =	sne.s32 s8, $0x10  }
.Ltmp12:
0x41a: {  	_ = 	snop;
	(pc) =	sbr.rel @p0 .LBB2_6-.Ltmp12, $4  }
0x41b: {  	s2 =	sor.u32 s3, s9  }
0x41c: {  	s2 =	sshrl.u32 s2, $0x3  }
0x41d: {  	s2 =	sadd.s32 s5, s2  }
0x41e: {  	[hbm4b:s2+s15] =	stream.strided.scatter [tilespmem:s7], [sflag:$0x5], $0xC0, s16, s15, $0x38;
	[tilespmem:$0x17980] =	vst v63  }
0x41f: {  	s2 =	simm.s32 $0x4  }
0x420: {  	_ =	swait.ge [sflag:s2], $0xC0  }
0x421: {  	[sflag:s2] =	ssyncset.done $0x0  }
0x422: {  	s8 =	simm.s32 $0x5;
	[sflag:s2] =	ssyncadd.s32 $0xFFFFFF40  }
0x423: {  	_ =	swait.ge [sflag:s8], $0xC0  }
0x424: {  	s9 =	rddreg [dreg:$0xa]  }
0x425: {  	s26 =	rddreg [dreg:$0x9];
	s9 =	sadd.s32 $0x1, s9  }
0x426: {  	p0 =	sne.s32 s9, s26  }
.Ltmp13:
0x427: {  	_ = 	snop;
	(pc) =	sbr.rel @p0 .LBB2_1-.Ltmp13, $3  }
0x428: {  	_ =	sdelay $0x1  }
0x429: {  	[sflag:s8] =	ssyncset.done $0x0  }
0x42a: {  	[sflag:s8] =	ssyncadd.s32 $0xFFFFFF40  }
0x42b: {  	_ =	sfence.sel $0x180000  }
0x42c: {  	[bflag:$0x0] =	sbarrier.arrive $0xFFFF  }
0x42d: {  	_ =	strace $0x9000004A  }
0x42e: {  	s0 =	stileid.u32;
	[bflag:$0x2] =	sbarrier.arrive $0xFFFF  }
0x42f: {  	p0 =	sne.s32 s0, $0x0;
	s0 =	rddreg [dreg:$0x2]  }
0x430: {  	s0 =	sadd.s32 @!p0 $0x100000, s0  }
0x431: {  	[sflag:s0] =	ssyncadd.tile.s32 @!p0 $0x1;
	_ =	shalt  }
.Lfunc_end2:
_tile_overlayer_lowered:
.L_overlay_start_2:
0x432: {  	(tag) =	ssettag $0x2  }
0x433: {  	s0 =	rddreg [dreg:$0x0];
	s2 =	stileid.u32  }
0x434: {  	s1 =	rddreg [dreg:$0x1];
	p0 =	sne.s32 s2, $0x0  }
0x435: {  	s3 =	rddreg [dreg:$0x2];
	[bflag:$0x3] =	sbarrier.arrive $0xFFFF;
	s2 =	simm.s32 @!p0 $0x1C06  }
0x436: {  	[timem:s3], [sflag:s2] =	dma.local @!p0 [hbm:s0], s1  }
0x437: {  	s0 =	simm.s32 @!p0 $0x6  }
0x438: {  	_ =	swait.ge @!p0 [sflag:s0], s1  }
0x439: {  	s1 =	ssub.s32 @!p0 $0x0, s1;
	[sflag:s0] =	ssyncset.done @!p0 $0x0  }
0x43a: {  	[sflag:s0] =	ssyncadd.s32 @!p0 s1  }
0x43b: {  	[bflag:$0x3] =	sbarrier.arrive $0xFFFF  }
0x43c: {  	_ =	shalt  }

</sc_bundles>
